<compile_context>
chip_gen: v7x
topology: tpu7x:2x2x1
jax: 0.10.2.dev20260603
libtpu: 0.0.44.dev20260713+nightly
codegen_flags: <defaults>
</compile_context>

<pallas_src>
import functools

import jax
import jax.numpy as jnp
from jax import lax
from jax.experimental import pallas as pl
from jax.experimental.pallas import tpu as pltpu
from jax.experimental.pallas import tpu_sc as plsc

N = 50000
E = 800000
IN_DIM = 10
HID = 64
NQ = 4
QW = HID // NQ
G = 128
OUT_DIM = 2

NC = 2
NS = 16
LW = 125
ER = E // LW
CHUNK_ROWS = 8
KC = CHUNK_ROWS * LW
CW = 16

_sc_mesh = plsc.VectorSubcoreMesh(core_axis_name="c", subcore_axis_name="s")


def _fill_rows(ref, n_rows, width, value):
    def body(i, _):
        for k in range(width // 16):
            ref[i, pl.ds(k * 16, 16)] = jnp.full((16,), value, jnp.float32)
        return 0
    lax.fori_loop(0, n_rows, body, 0)


@functools.partial(
    pl.kernel,
    out_type=jax.ShapeDtypeStruct((NC, N, CW), jnp.float32),
    mesh=_sc_mesh,
    compiler_params=pltpu.CompilerParams(use_tc_tiling_on_sc=False),
    scratch_types=[
        pltpu.VMEM((CHUNK_ROWS, LW), jnp.int32),
        pltpu.VMEM((LW, CW), jnp.float32),
        pltpu.VMEM_SHARED((N, CW), jnp.float32),
    ],
)
def _sc_count(eidx_r, cnt_out, dst_v, ones_v, cnt_sp):
    c = lax.axis_index("c")
    s = lax.axis_index("s")
    wid = s * NC + c

    _fill_rows(ones_v, LW, CW, 0.0)
    nz = N // LW
    for jj in range(nz // NS):
        def _z(j=jj):
            row = (j * NS + s) * LW
            pltpu.sync_copy(ones_v, cnt_sp.at[pl.ds(row, LW)])
        _z()
    _fill_rows(ones_v, LW, CW, 1.0)
    plsc.subcore_barrier()

    rows_per_tile = ER // (NC * NS)
    base = wid * rows_per_tile
    nchunk = rows_per_tile // CHUNK_ROWS

    def body(i, _):
        pltpu.sync_copy(eidx_r.at[1, pl.ds(base + i * CHUNK_ROWS, CHUNK_ROWS)],
                        dst_v)
        for j in range(CHUNK_ROWS):
            pltpu.sync_copy(ones_v, cnt_sp.at[dst_v.at[j]], add=True)
        return 0
    lax.fori_loop(0, nchunk, body, 0)

    plsc.subcore_barrier()

    for jj in range(nz // NS):
        def _o(j=jj):
            row = (j * NS + s) * LW
            pltpu.sync_copy(cnt_sp.at[pl.ds(row, LW)],
                            cnt_out.at[c, pl.ds(row, LW)])
        _o()


@functools.partial(
    pl.kernel,
    out_type=jax.ShapeDtypeStruct((NQ, N, QW), jnp.float32),
    mesh=_sc_mesh,
    compiler_params=pltpu.CompilerParams(use_tc_tiling_on_sc=False),
    scratch_types=[
        pltpu.VMEM((CHUNK_ROWS, LW), jnp.int32),
        pltpu.VMEM((CHUNK_ROWS, LW), jnp.int32),
        pltpu.VMEM((KC, QW), jnp.float32),
        pltpu.VMEM((KC, QW), jnp.float32),
        pltpu.VMEM_SHARED((N, QW), jnp.float32),
        pltpu.SemaphoreType.DMA,
    ],
)
def _sc_scatter(eidx_r, hn4, acc_out, src_v, dst_v, rows_v, zero_v, acc_sp,
                sem):
    c = lax.axis_index("c")
    s = lax.axis_index("s")

    rows_per_tile = ER // NS
    base = s * rows_per_tile
    nchunk = rows_per_tile // CHUNK_ROWS
    nz = N // KC

    _fill_rows(zero_v, KC, QW, 0.0)

    for p in range(NQ // NC):
        q = 2 * c + p

        for jj in range((nz + NS - 1) // NS):
            def _z(j=jj):
                jd = j * NS + s
                @pl.when(jd < nz)
                def _():
                    pltpu.sync_copy(zero_v, acc_sp.at[pl.ds(jd * KC, KC)])
            _z()
        plsc.subcore_barrier()

        def body(i, _):
            off = base + i * CHUNK_ROWS
            pltpu.sync_copy(eidx_r.at[0, pl.ds(off, CHUNK_ROWS)], src_v)
            pltpu.sync_copy(eidx_r.at[1, pl.ds(off, CHUNK_ROWS)], dst_v)
            copies = [
                pltpu.async_copy(hn4.at[q].at[src_v.at[j]],
                                 rows_v.at[pl.ds(j * LW, LW)], sem)
                for j in range(CHUNK_ROWS)
            ]
            for cp in copies:
                cp.wait()
            for j in range(CHUNK_ROWS):
                pltpu.sync_copy(rows_v.at[pl.ds(j * LW, LW)],
                                acc_sp.at[dst_v.at[j]], add=True)
            return 0
        lax.fori_loop(0, nchunk, body, 0)

        plsc.subcore_barrier()

        for jj in range((nz + NS - 1) // NS):
            def _o(j=jj):
                jd = j * NS + s
                @pl.when(jd < nz)
                def _():
                    pltpu.sync_copy(acc_sp.at[pl.ds(jd * KC, KC)],
                                    acc_out.at[q, pl.ds(jd * KC, KC)])
            _o()
        plsc.subcore_barrier()


RB = 2000


def _hn_body(cnt_ref, x_ref, w1_ref, hn_ref):
    deg = cnt_ref[0, :, 0:1] + cnt_ref[1, :, 0:1] + 1.0
    dinv = 1.0 / jnp.sqrt(deg)
    h = jnp.dot(x_ref[...], w1_ref[...], preferred_element_type=jnp.float32)
    hn = h * dinv
    for q in range(NQ):
        hn_ref[q] = hn[:, q * QW:(q + 1) * QW]


def _pool_body(hn_ref, acc_ref, cnt_ref, batch_ref, b1_ref, wl1_ref, bl1_ref,
               wl2_ref, bl2_ref, out_ref, pool_scr):
    i = pl.program_id(0)
    deg = cnt_ref[0, :, 0:1] + cnt_ref[1, :, 0:1] + 1.0
    dinv = 1.0 / jnp.sqrt(deg)
    hcat = jnp.concatenate([hn_ref[q] for q in range(NQ)], axis=1)
    acat = jnp.concatenate([acc_ref[q] for q in range(NQ)], axis=1)
    rows = jnp.maximum((hcat + acat) * dinv + b1_ref[...], 0.0)
    ext = jnp.concatenate([rows, jnp.ones((RB, 1), jnp.float32)], axis=1)
    bid = batch_ref[0]
    gid = lax.broadcasted_iota(jnp.int32, (G, RB), 0)
    onehot_t = (jnp.broadcast_to(bid, (G, RB)) == gid).astype(jnp.float32)
    part = jnp.dot(onehot_t, ext, preferred_element_type=jnp.float32)

    @pl.when(i == 0)
    def _():
        pool_scr[...] = jnp.zeros_like(pool_scr)

    pool_scr[...] += part

    @pl.when(i == (N // RB) - 1)
    def _():
        pe = pool_scr[...]
        pooled = pe[:, :HID] / jnp.maximum(pe[:, HID:HID + 1], 1.0)
        z = jnp.maximum(
            jnp.dot(pooled, wl1_ref[...], preferred_element_type=jnp.float32)
            + bl1_ref[...], 0.0)
        o = (jnp.dot(z, wl2_ref[...], preferred_element_type=jnp.float32)
             + bl2_ref[...])
        m = jnp.max(o, axis=-1, keepdims=True)
        lse = jnp.log(jnp.sum(jnp.exp(o - m), axis=-1, keepdims=True)) + m
        out_ref[...] = o - lse


def kernel(x, edge_index, batch, W1, b1, W_lin1, b_lin1, W_lin2, b_lin2):
    eidx_r = edge_index.reshape(2, ER, LW)

    cnt = _sc_count(eidx_r)

    hn4 = pl.pallas_call(
        _hn_body,
        grid=(N // RB,),
        in_specs=[
            pl.BlockSpec((NC, RB, CW), lambda i: (0, i, 0)),
            pl.BlockSpec((RB, IN_DIM), lambda i: (i, 0)),
            pl.BlockSpec((IN_DIM, HID), lambda i: (0, 0)),
        ],
        out_specs=pl.BlockSpec((NQ, RB, QW), lambda i: (0, i, 0)),
        out_shape=jax.ShapeDtypeStruct((NQ, N, QW), jnp.float32),
    )(cnt, x, W1)

    acc4 = _sc_scatter(eidx_r, hn4)

    batch_r = batch.reshape(N // RB, 1, RB)
    out = pl.pallas_call(
        _pool_body,
        grid=(N // RB,),
        in_specs=[
            pl.BlockSpec((NQ, RB, QW), lambda i: (0, i, 0)),
            pl.BlockSpec((NQ, RB, QW), lambda i: (0, i, 0)),
            pl.BlockSpec((NC, RB, CW), lambda i: (0, i, 0)),
            pl.BlockSpec((1, 1, RB), lambda i: (i, 0, 0)),
            pl.BlockSpec((1, HID), lambda i: (0, 0)),
            pl.BlockSpec((HID, HID), lambda i: (0, 0)),
            pl.BlockSpec((1, HID), lambda i: (0, 0)),
            pl.BlockSpec((HID, OUT_DIM), lambda i: (0, 0)),
            pl.BlockSpec((1, OUT_DIM), lambda i: (0, 0)),
        ],
        out_specs=pl.BlockSpec((G, OUT_DIM), lambda i: (0, 0)),
        out_shape=jax.ShapeDtypeStruct((G, OUT_DIM), jnp.float32),
        scratch_shapes=[pltpu.VMEM((G, HID + 1), jnp.float32)],
    )(hn4, acc4, cnt, batch_r, b1.reshape(1, HID), W_lin1,
      b_lin1.reshape(1, HID), W_lin2, b_lin2.reshape(1, OUT_DIM))
    return out

# --- scband reference (transcript-rebuilt; emitter-appended) ---
"""Pipeline reference for scband-upfdsingle-1219770712147 (READ-ONLY COPY).

The authoritative reference and input builder live on the scoring server;
editing this copy changes nothing except your own understanding.
"""

import jax, jax.numpy as jnp
import numpy as np

N = 50000
E = 800000
IN_DIM = 10
HID = 64
OUT = 2
G = 128


def setup_inputs(seed: int = 0) -> dict:
    key = jax.random.key(seed)
    ks = jax.random.split(key, 9)
    x = jax.random.normal(ks[0], (N, IN_DIM), dtype=jnp.float32)
    edge_index = jax.random.randint(ks[1], (2, E), 0, N, dtype=jnp.int32)
    batch = jnp.sort(jax.random.randint(ks[2], (N,), 0, G, dtype=jnp.int32))
    W1 = jax.random.normal(ks[3], (IN_DIM, HID), dtype=jnp.float32) * (1.0 / np.sqrt(IN_DIM))
    b1 = jnp.zeros((HID,), dtype=jnp.float32)
    W_lin1 = jax.random.normal(ks[4], (HID, HID), dtype=jnp.float32) * (1.0 / np.sqrt(HID))
    b_lin1 = jnp.zeros((HID,), dtype=jnp.float32)
    W_lin2 = jax.random.normal(ks[5], (HID, OUT), dtype=jnp.float32) * (1.0 / np.sqrt(HID))
    b_lin2 = jnp.zeros((OUT,), dtype=jnp.float32)
    return {"x": x, "edge_index": edge_index, "batch": batch, "W1": W1, "b1": b1,
            "W_lin1": W_lin1, "b_lin1": b_lin1, "W_lin2": W_lin2, "b_lin2": b_lin2}


def _gcn_conv(x, edge_index, W, b, num_nodes):
    # PyG GCNConv: add self-loops, symmetric normalization, linear transform, scatter-add aggregation
    loop = jnp.arange(num_nodes, dtype=edge_index.dtype)
    src = jnp.concatenate([edge_index[0], loop])
    dst = jnp.concatenate([edge_index[1], loop])
    h = x @ W
    ones = jnp.ones_like(dst, dtype=jnp.float32)
    deg = jax.ops.segment_sum(ones, dst, num_segments=num_nodes)
    deg_inv_sqrt = jnp.where(deg > 0, 1.0 / jnp.sqrt(deg), 0.0)
    norm = deg_inv_sqrt[src] * deg_inv_sqrt[dst]
    msg = h[src] * norm[:, None]
    out = jax.ops.segment_sum(msg, dst, num_segments=num_nodes)
    return out + b


def _global_mean_pool(x, batch, num_graphs):
    summed = jax.ops.segment_sum(x, batch, num_segments=num_graphs)
    cnt = jax.ops.segment_sum(jnp.ones((x.shape[0],), dtype=jnp.float32), batch, num_segments=num_graphs)
    return summed / jnp.maximum(cnt, 1.0)[:, None]


def reference(x, edge_index, batch, W1, b1, W_lin1, b_lin1, W_lin2, b_lin2):
    num_nodes = x.shape[0]
    out = _gcn_conv(x, edge_index, W1, b1, num_nodes)
    out = jax.nn.relu(out)
    out = jax.nn.relu(out)
    out = _global_mean_pool(out, batch, G)
    out = jax.nn.relu(out @ W_lin1 + b_lin1)
    out = out @ W_lin2 + b_lin2
    return jax.nn.log_softmax(out, axis=-1)

if __name__ == "__main__":
    import jax
    _d = setup_inputs()
    print(jax.jit(kernel)(*tuple(_d.values())))

</pallas_src>

<mosaic_0001>
#map = affine_map<(d0, d1) -> (0, 0, 0)>
module attributes {stable_mosaic.version = 14 : i64} {
  func.func @_sc_scatter(%arg0: i32, %arg1: i32, %arg2: memref<2x6400x125xi32, #tpu.memory_space<hbm>>, %arg3: memref<4x50000x16xf32, #tpu.memory_space<hbm>>, %arg4: memref<4x50000x16xf32, #tpu.memory_space<hbm>>, %arg5: memref<8x125xi32, #tpu.memory_space<vmem>>, %arg6: memref<8x125xi32, #tpu.memory_space<vmem>>, %arg7: memref<1000x16xf32, #tpu.memory_space<vmem>>, %arg8: memref<1000x16xf32, #tpu.memory_space<vmem>>, %arg9: memref<50000x16xf32, #tpu.memory_space<vmem_shared>>, %arg10: memref<!tpu.dma_semaphore, #tpu.memory_space<semaphore_mem>>) attributes {dimension_semantics = [#tpu.dimension_semantics<core_parallel>, #tpu.dimension_semantics<subcore_parallel>], iteration_bounds = array<i64: 2, 16>, scalar_prefetch = 0 : i64, scratch_operands = 6 : i64, tpu.core_type = #tpu.core_type<sc_vector_subcore>, window_params = [{transform_indices = #map}, {transform_indices = #map}, {transform_indices = #map}]} {
    %mul3A = arith.constant 400 : i32
    %mul3A_0 = arith.muli %arg1, %mul3A : i32
    %scan3A = arith.constant 0 : i32
    %scan3A_1 = arith.constant 0 : i32
    %scan3A_2 = arith.constant 1000 : i32
    %scan3A_3 = arith.addi %scan3A_1, %scan3A_2 : i32
    %scan3A_4 = arith.constant 1 : i32
    %scan3A_5 = scf.for %scan3A_142 = %scan3A_1 to %scan3A_3 step %scan3A_4 iter_args(%scan3A_143 = %scan3A) -> (i32)  : i32 {
      %broadcast_in_dim3A = arith.constant 0.000000e+00 : f32
      %broadcast_in_dim3A_144 = vector.broadcast %broadcast_in_dim3A : f32 to vector<16xf32>
      %swap3A = arith.index_cast %scan3A_142 : i32 to index
      %swap3A_145 = arith.constant 0 : index
      %swap3A_146 = tpu.vector_load %arg8[%swap3A, %swap3A_145] {strides = array<i32>} : memref<1000x16xf32, #tpu.memory_space<vmem>>, vector<1x16xf32>,
      %swap3A_147 = vector.shape_cast %swap3A_146 : vector<1x16xf32> to vector<16xf32>
      %swap3A_148 = vector.shape_cast %broadcast_in_dim3A_144 : vector<16xf32> to vector<1x16xf32>
      tpu.vector_store %arg8[%swap3A, %swap3A_145], %swap3A_148 {strides = array<i32>} : memref<1000x16xf32, #tpu.memory_space<vmem>>, vector<1x16xf32>,
      %scan3A_149 = arith.constant 0 : i32
      scf.yield %scan3A_149 : i32
    }
    %scan3A_6 = arith.constant 1000 : i32
    %mul3A_7 = arith.constant 2 : i32
    %mul3A_8 = arith.muli %mul3A_7, %arg0 : i32
    %add3A = arith.constant 0 : i32
    %add3A_9 = arith.addi %mul3A_8, %add3A : i32
    %add3A_10 = arith.constant 0 : i32
    %add3A_11 = arith.addi %add3A_10, %arg1 : i32
    %lt3A = arith.constant 50 : i32
    %lt3A_12 = arith.cmpi slt, %add3A_11, %lt3A : i32
    %convert_element_type3A = arith.extui %lt3A_12 : i1 to i32
    %cond3A = arith.constant 0 : i32
    %cond3A_13 = arith.cmpi ne, %convert_element_type3A, %cond3A : i32
    scf.if %cond3A_13 {
      %mul3A_142 = arith.constant 1000 : i32
      %mul3A_143 = arith.muli %add3A_11, %mul3A_142 : i32
      "tpu.region"() ({
        %run_scoped3A = tpu.sem_alloc : memref<!tpu.dma_semaphore, #tpu.memory_space<semaphore_mem>>
        %dma_start3A = arith.constant 0 : i32
        %dma_start3A_144 = tpu.memref_slice %arg9[%mul3A_143, %dma_start3A] : memref<50000x16xf32, #tpu.memory_space<vmem_shared>> -> memref<1000x16xf32, #tpu.memory_space<vmem_shared>>
        %dma_start3A_145 = arith.constant 0 : i32
        %dma_start3A_146 = tpu.memref_slice %arg9[%mul3A_143, %dma_start3A_145] : memref<50000x16xf32, #tpu.memory_space<vmem_shared>> -> memref<1000x16xf32, #tpu.memory_space<vmem_shared>>
        tpu.enqueue_dma source(%arg8 : memref<1000x16xf32, #tpu.memory_space<vmem>>) target(%dma_start3A_146 : memref<1000x16xf32, #tpu.memory_space<vmem_shared>>) target_semaphore(%run_scoped3A : memref<!tpu.dma_semaphore, #tpu.memory_space<semaphore_mem>>)
        %dma_wait3A = arith.constant 0 : i32
        %dma_wait3A_147 = tpu.memref_slice %arg9[%mul3A_143, %dma_wait3A] : memref<50000x16xf32, #tpu.memory_space<vmem_shared>> -> memref<1000x16xf32, #tpu.memory_space<vmem_shared>>
        %dma_wait3A_148 = arith.constant 0 : i32
        %dma_wait3A_149 = tpu.memref_slice %arg9[%mul3A_143, %dma_wait3A_148] : memref<50000x16xf32, #tpu.memory_space<vmem_shared>> -> memref<1000x16xf32, #tpu.memory_space<vmem_shared>>
        tpu.wait_dma2 semaphore(%run_scoped3A : memref<!tpu.dma_semaphore, #tpu.memory_space<semaphore_mem>>) src(%arg8 : memref<1000x16xf32, #tpu.memory_space<vmem>>) dst(%dma_wait3A_149 : memref<1000x16xf32, #tpu.memory_space<vmem_shared>>)
        tpu.yield
      }) : () -> ()
    } else {
    }
    %add3A_14 = arith.constant 16 : i32
    %add3A_15 = arith.addi %add3A_14, %arg1 : i32
    %lt3A_16 = arith.constant 50 : i32
    %lt3A_17 = arith.cmpi slt, %add3A_15, %lt3A_16 : i32
    %convert_element_type3A_18 = arith.extui %lt3A_17 : i1 to i32
    %cond3A_19 = arith.constant 0 : i32
    %cond3A_20 = arith.cmpi ne, %convert_element_type3A_18, %cond3A_19 : i32
    scf.if %cond3A_20 {
      %mul3A_142 = arith.constant 1000 : i32
      %mul3A_143 = arith.muli %add3A_15, %mul3A_142 : i32
      "tpu.region"() ({
        %run_scoped3A = tpu.sem_alloc : memref<!tpu.dma_semaphore, #tpu.memory_space<semaphore_mem>>
        %dma_start3A = arith.constant 0 : i32
        %dma_start3A_144 = tpu.memref_slice %arg9[%mul3A_143, %dma_start3A] : memref<50000x16xf32, #tpu.memory_space<vmem_shared>> -> memref<1000x16xf32, #tpu.memory_space<vmem_shared>>
        %dma_start3A_145 = arith.constant 0 : i32
        %dma_start3A_146 = tpu.memref_slice %arg9[%mul3A_143, %dma_start3A_145] : memref<50000x16xf32, #tpu.memory_space<vmem_shared>> -> memref<1000x16xf32, #tpu.memory_space<vmem_shared>>
        tpu.enqueue_dma source(%arg8 : memref<1000x16xf32, #tpu.memory_space<vmem>>) target(%dma_start3A_146 : memref<1000x16xf32, #tpu.memory_space<vmem_shared>>) target_semaphore(%run_scoped3A : memref<!tpu.dma_semaphore, #tpu.memory_space<semaphore_mem>>)
        %dma_wait3A = arith.constant 0 : i32
        %dma_wait3A_147 = tpu.memref_slice %arg9[%mul3A_143, %dma_wait3A] : memref<50000x16xf32, #tpu.memory_space<vmem_shared>> -> memref<1000x16xf32, #tpu.memory_space<vmem_shared>>
        %dma_wait3A_148 = arith.constant 0 : i32
        %dma_wait3A_149 = tpu.memref_slice %arg9[%mul3A_143, %dma_wait3A_148] : memref<50000x16xf32, #tpu.memory_space<vmem_shared>> -> memref<1000x16xf32, #tpu.memory_space<vmem_shared>>
        tpu.wait_dma2 semaphore(%run_scoped3A : memref<!tpu.dma_semaphore, #tpu.memory_space<semaphore_mem>>) src(%arg8 : memref<1000x16xf32, #tpu.memory_space<vmem>>) dst(%dma_wait3A_149 : memref<1000x16xf32, #tpu.memory_space<vmem_shared>>)
        tpu.yield
      }) : () -> ()
    } else {
    }
    %add3A_21 = arith.constant 32 : i32
    %add3A_22 = arith.addi %add3A_21, %arg1 : i32
    %lt3A_23 = arith.constant 50 : i32
    %lt3A_24 = arith.cmpi slt, %add3A_22, %lt3A_23 : i32
    %convert_element_type3A_25 = arith.extui %lt3A_24 : i1 to i32
    %cond3A_26 = arith.constant 0 : i32
    %cond3A_27 = arith.cmpi ne, %convert_element_type3A_25, %cond3A_26 : i32
    scf.if %cond3A_27 {
      %mul3A_142 = arith.constant 1000 : i32
      %mul3A_143 = arith.muli %add3A_22, %mul3A_142 : i32
      "tpu.region"() ({
        %run_scoped3A = tpu.sem_alloc : memref<!tpu.dma_semaphore, #tpu.memory_space<semaphore_mem>>
        %dma_start3A = arith.constant 0 : i32
        %dma_start3A_144 = tpu.memref_slice %arg9[%mul3A_143, %dma_start3A] : memref<50000x16xf32, #tpu.memory_space<vmem_shared>> -> memref<1000x16xf32, #tpu.memory_space<vmem_shared>>
        %dma_start3A_145 = arith.constant 0 : i32
        %dma_start3A_146 = tpu.memref_slice %arg9[%mul3A_143, %dma_start3A_145] : memref<50000x16xf32, #tpu.memory_space<vmem_shared>> -> memref<1000x16xf32, #tpu.memory_space<vmem_shared>>
        tpu.enqueue_dma source(%arg8 : memref<1000x16xf32, #tpu.memory_space<vmem>>) target(%dma_start3A_146 : memref<1000x16xf32, #tpu.memory_space<vmem_shared>>) target_semaphore(%run_scoped3A : memref<!tpu.dma_semaphore, #tpu.memory_space<semaphore_mem>>)
        %dma_wait3A = arith.constant 0 : i32
        %dma_wait3A_147 = tpu.memref_slice %arg9[%mul3A_143, %dma_wait3A] : memref<50000x16xf32, #tpu.memory_space<vmem_shared>> -> memref<1000x16xf32, #tpu.memory_space<vmem_shared>>
        %dma_wait3A_148 = arith.constant 0 : i32
        %dma_wait3A_149 = tpu.memref_slice %arg9[%mul3A_143, %dma_wait3A_148] : memref<50000x16xf32, #tpu.memory_space<vmem_shared>> -> memref<1000x16xf32, #tpu.memory_space<vmem_shared>>
        tpu.wait_dma2 semaphore(%run_scoped3A : memref<!tpu.dma_semaphore, #tpu.memory_space<semaphore_mem>>) src(%arg8 : memref<1000x16xf32, #tpu.memory_space<vmem>>) dst(%dma_wait3A_149 : memref<1000x16xf32, #tpu.memory_space<vmem_shared>>)
        tpu.yield
      }) : () -> ()
    } else {
    }
    %add3A_28 = arith.constant 48 : i32
    %add3A_29 = arith.addi %add3A_28, %arg1 : i32
    %lt3A_30 = arith.constant 50 : i32
    %lt3A_31 = arith.cmpi slt, %add3A_29, %lt3A_30 : i32
    %convert_element_type3A_32 = arith.extui %lt3A_31 : i1 to i32
    %cond3A_33 = arith.constant 0 : i32
    %cond3A_34 = arith.cmpi ne, %convert_element_type3A_32, %cond3A_33 : i32
    scf.if %cond3A_34 {
      %mul3A_142 = arith.constant 1000 : i32
      %mul3A_143 = arith.muli %add3A_29, %mul3A_142 : i32
      "tpu.region"() ({
        %run_scoped3A = tpu.sem_alloc : memref<!tpu.dma_semaphore, #tpu.memory_space<semaphore_mem>>
        %dma_start3A = arith.constant 0 : i32
        %dma_start3A_144 = tpu.memref_slice %arg9[%mul3A_143, %dma_start3A] : memref<50000x16xf32, #tpu.memory_space<vmem_shared>> -> memref<1000x16xf32, #tpu.memory_space<vmem_shared>>
        %dma_start3A_145 = arith.constant 0 : i32
        %dma_start3A_146 = tpu.memref_slice %arg9[%mul3A_143, %dma_start3A_145] : memref<50000x16xf32, #tpu.memory_space<vmem_shared>> -> memref<1000x16xf32, #tpu.memory_space<vmem_shared>>
        tpu.enqueue_dma source(%arg8 : memref<1000x16xf32, #tpu.memory_space<vmem>>) target(%dma_start3A_146 : memref<1000x16xf32, #tpu.memory_space<vmem_shared>>) target_semaphore(%run_scoped3A : memref<!tpu.dma_semaphore, #tpu.memory_space<semaphore_mem>>)
        %dma_wait3A = arith.constant 0 : i32
        %dma_wait3A_147 = tpu.memref_slice %arg9[%mul3A_143, %dma_wait3A] : memref<50000x16xf32, #tpu.memory_space<vmem_shared>> -> memref<1000x16xf32, #tpu.memory_space<vmem_shared>>
        %dma_wait3A_148 = arith.constant 0 : i32
        %dma_wait3A_149 = tpu.memref_slice %arg9[%mul3A_143, %dma_wait3A_148] : memref<50000x16xf32, #tpu.memory_space<vmem_shared>> -> memref<1000x16xf32, #tpu.memory_space<vmem_shared>>
        tpu.wait_dma2 semaphore(%run_scoped3A : memref<!tpu.dma_semaphore, #tpu.memory_space<semaphore_mem>>) src(%arg8 : memref<1000x16xf32, #tpu.memory_space<vmem>>) dst(%dma_wait3A_149 : memref<1000x16xf32, #tpu.memory_space<vmem_shared>>)
        tpu.yield
      }) : () -> ()
    } else {
    }
    %barrier3A = arith.constant 0 : index
    tpu.barrier barrier_id(%barrier3A)
    %scan3A_35 = arith.constant 0 : i32
    %scan3A_36 = arith.constant 0 : i32
    %scan3A_37 = arith.constant 50 : i32
    %scan3A_38 = arith.addi %scan3A_36, %scan3A_37 : i32
    %scan3A_39 = arith.constant 1 : i32
    %scan3A_40 = scf.for %scan3A_142 = %scan3A_36 to %scan3A_38 step %scan3A_39 iter_args(%scan3A_143 = %scan3A_35) -> (i32)  : i32 {
      %mul3A_144 = arith.constant 8 : i32
      %mul3A_145 = arith.muli %scan3A_142, %mul3A_144 : i32
      %add3A_146 = arith.addi %mul3A_0, %mul3A_145 : i32
      %run_scoped3A = arith.constant 0 : i32
      "tpu.region"() ({
        %run_scoped3A_379 = tpu.sem_alloc : memref<!tpu.dma_semaphore, #tpu.memory_space<semaphore_mem>>
        %dma_start3A_380 = arith.constant 0 : i32
        %dma_start3A_381 = tpu.memref_slice %arg2[%run_scoped3A, %add3A_146, %dma_start3A_380] : memref<2x6400x125xi32, #tpu.memory_space<hbm>> -> memref<1x8x125xi32, #tpu.memory_space<hbm>>
        %dma_start3A_382 = tpu.memref_squeeze %dma_start3A_381 : memref<1x8x125xi32, #tpu.memory_space<hbm>> -> memref<8x125xi32, #tpu.memory_space<hbm>>
        %dma_start3A_383 = arith.constant 0 : i32
        %dma_start3A_384 = tpu.memref_slice %arg2[%run_scoped3A, %add3A_146, %dma_start3A_383] : memref<2x6400x125xi32, #tpu.memory_space<hbm>> -> memref<1x8x125xi32, #tpu.memory_space<hbm>>
        %dma_start3A_385 = tpu.memref_squeeze %dma_start3A_384 : memref<1x8x125xi32, #tpu.memory_space<hbm>> -> memref<8x125xi32, #tpu.memory_space<hbm>>
        tpu.enqueue_dma source(%dma_start3A_385 : memref<8x125xi32, #tpu.memory_space<hbm>>) target(%arg5 : memref<8x125xi32, #tpu.memory_space<vmem>>) target_semaphore(%run_scoped3A_379 : memref<!tpu.dma_semaphore, #tpu.memory_space<semaphore_mem>>)
        %dma_wait3A_386 = arith.constant 0 : i32
        %dma_wait3A_387 = tpu.memref_slice %arg2[%run_scoped3A, %add3A_146, %dma_wait3A_386] : memref<2x6400x125xi32, #tpu.memory_space<hbm>> -> memref<1x8x125xi32, #tpu.memory_space<hbm>>
        %dma_wait3A_388 = tpu.memref_squeeze %dma_wait3A_387 : memref<1x8x125xi32, #tpu.memory_space<hbm>> -> memref<8x125xi32, #tpu.memory_space<hbm>>
        %dma_wait3A_389 = arith.constant 0 : i32
        %dma_wait3A_390 = tpu.memref_slice %arg2[%run_scoped3A, %add3A_146, %dma_wait3A_389] : memref<2x6400x125xi32, #tpu.memory_space<hbm>> -> memref<1x8x125xi32, #tpu.memory_space<hbm>>
        %dma_wait3A_391 = tpu.memref_squeeze %dma_wait3A_390 : memref<1x8x125xi32, #tpu.memory_space<hbm>> -> memref<8x125xi32, #tpu.memory_space<hbm>>
        tpu.wait_dma2 semaphore(%run_scoped3A_379 : memref<!tpu.dma_semaphore, #tpu.memory_space<semaphore_mem>>) src(%dma_wait3A_391 : memref<8x125xi32, #tpu.memory_space<hbm>>) dst(%arg5 : memref<8x125xi32, #tpu.memory_space<vmem>>)
        tpu.yield
      }) : () -> ()
      %run_scoped3A_147 = arith.constant 1 : i32
      "tpu.region"() ({
        %run_scoped3A_379 = tpu.sem_alloc : memref<!tpu.dma_semaphore, #tpu.memory_space<semaphore_mem>>
        %dma_start3A_380 = arith.constant 0 : i32
        %dma_start3A_381 = tpu.memref_slice %arg2[%run_scoped3A_147, %add3A_146, %dma_start3A_380] : memref<2x6400x125xi32, #tpu.memory_space<hbm>> -> memref<1x8x125xi32, #tpu.memory_space<hbm>>
        %dma_start3A_382 = tpu.memref_squeeze %dma_start3A_381 : memref<1x8x125xi32, #tpu.memory_space<hbm>> -> memref<8x125xi32, #tpu.memory_space<hbm>>
        %dma_start3A_383 = arith.constant 0 : i32
        %dma_start3A_384 = tpu.memref_slice %arg2[%run_scoped3A_147, %add3A_146, %dma_start3A_383] : memref<2x6400x125xi32, #tpu.memory_space<hbm>> -> memref<1x8x125xi32, #tpu.memory_space<hbm>>
        %dma_start3A_385 = tpu.memref_squeeze %dma_start3A_384 : memref<1x8x125xi32, #tpu.memory_space<hbm>> -> memref<8x125xi32, #tpu.memory_space<hbm>>
        tpu.enqueue_dma source(%dma_start3A_385 : memref<8x125xi32, #tpu.memory_space<hbm>>) target(%arg6 : memref<8x125xi32, #tpu.memory_space<vmem>>) target_semaphore(%run_scoped3A_379 : memref<!tpu.dma_semaphore, #tpu.memory_space<semaphore_mem>>)
        %dma_wait3A_386 = arith.constant 0 : i32
        %dma_wait3A_387 = tpu.memref_slice %arg2[%run_scoped3A_147, %add3A_146, %dma_wait3A_386] : memref<2x6400x125xi32, #tpu.memory_space<hbm>> -> memref<1x8x125xi32, #tpu.memory_space<hbm>>
        %dma_wait3A_388 = tpu.memref_squeeze %dma_wait3A_387 : memref<1x8x125xi32, #tpu.memory_space<hbm>> -> memref<8x125xi32, #tpu.memory_space<hbm>>
        %dma_wait3A_389 = arith.constant 0 : i32
        %dma_wait3A_390 = tpu.memref_slice %arg2[%run_scoped3A_147, %add3A_146, %dma_wait3A_389] : memref<2x6400x125xi32, #tpu.memory_space<hbm>> -> memref<1x8x125xi32, #tpu.memory_space<hbm>>
        %dma_wait3A_391 = tpu.memref_squeeze %dma_wait3A_390 : memref<1x8x125xi32, #tpu.memory_space<hbm>> -> memref<8x125xi32, #tpu.memory_space<hbm>>
        tpu.wait_dma2 semaphore(%run_scoped3A_379 : memref<!tpu.dma_semaphore, #tpu.memory_space<semaphore_mem>>) src(%dma_wait3A_391 : memref<8x125xi32, #tpu.memory_space<hbm>>) dst(%arg6 : memref<8x125xi32, #tpu.memory_space<vmem>>)
        tpu.yield
      }) : () -> ()
      %dma_start3A = arith.constant 0 : i32
      %dma_start3A_148 = arith.constant 0 : i32
      %dma_start3A_149 = arith.constant 0 : i32
      %dma_start3A_150 = tpu.memref_slice %arg7[%dma_start3A_148, %dma_start3A_149] : memref<1000x16xf32, #tpu.memory_space<vmem>> -> memref<125x16xf32, #tpu.memory_space<vmem>>
      %dma_start3A_151 = arith.constant 0 : i32
      %dma_start3A_152 = tpu.memref_slice %arg5[%dma_start3A, %dma_start3A_151] : memref<8x125xi32, #tpu.memory_space<vmem>> -> memref<1x125xi32, #tpu.memory_space<vmem>>
      %dma_start3A_153 = tpu.memref_squeeze %dma_start3A_152 : memref<1x125xi32, #tpu.memory_space<vmem>> -> memref<125xi32, #tpu.memory_space<vmem>>
      %dma_start3A_154 = arith.constant 0 : i32
      %dma_start3A_155 = arith.constant 0 : i32
      %dma_start3A_156 = tpu.memref_slice %arg3[%add3A_9, %dma_start3A_154, %dma_start3A_155] : memref<4x50000x16xf32, #tpu.memory_space<hbm>> -> memref<1x50000x16xf32, #tpu.memory_space<hbm>>
      %dma_start3A_157 = tpu.memref_squeeze %dma_start3A_156 : memref<1x50000x16xf32, #tpu.memory_space<hbm>> -> memref<50000x16xf32, #tpu.memory_space<hbm>>
      %dma_start3A_158 = arith.constant 0 : i32
      %dma_start3A_159 = arith.constant 0 : i32
      %dma_start3A_160 = tpu.memref_slice %dma_start3A_157[%dma_start3A_158, %dma_start3A_159] : memref<50000x16xf32, #tpu.memory_space<hbm>> -> memref<50000x16xf32, #tpu.memory_space<hbm>>
      tpu.enqueue_indirect_dma source(%dma_start3A_160 : memref<50000x16xf32, #tpu.memory_space<hbm>>) target(%dma_start3A_150 : memref<125x16xf32, #tpu.memory_space<vmem>>) offsets(%dma_start3A_153 : memref<125xi32, #tpu.memory_space<vmem>>) semaphore(%arg10 : memref<!tpu.dma_semaphore, #tpu.memory_space<semaphore_mem>>)
      %dma_start3A_161 = arith.constant 1 : i32
      %dma_start3A_162 = arith.constant 125 : i32
      %dma_start3A_163 = arith.constant 0 : i32
      %dma_start3A_164 = tpu.memref_slice %arg7[%dma_start3A_162, %dma_start3A_163] : memref<1000x16xf32, #tpu.memory_space<vmem>> -> memref<125x16xf32, #tpu.memory_space<vmem>>
      %dma_start3A_165 = arith.constant 0 : i32
      %dma_start3A_166 = tpu.memref_slice %arg5[%dma_start3A_161, %dma_start3A_165] : memref<8x125xi32, #tpu.memory_space<vmem>> -> memref<1x125xi32, #tpu.memory_space<vmem>>
      %dma_start3A_167 = tpu.memref_squeeze %dma_start3A_166 : memref<1x125xi32, #tpu.memory_space<vmem>> -> memref<125xi32, #tpu.memory_space<vmem>>
      %dma_start3A_168 = arith.constant 0 : i32
      %dma_start3A_169 = arith.constant 0 : i32
      %dma_start3A_170 = tpu.memref_slice %arg3[%add3A_9, %dma_start3A_168, %dma_start3A_169] : memref<4x50000x16xf32, #tpu.memory_space<hbm>> -> memref<1x50000x16xf32, #tpu.memory_space<hbm>>
      %dma_start3A_171 = tpu.memref_squeeze %dma_start3A_170 : memref<1x50000x16xf32, #tpu.memory_space<hbm>> -> memref<50000x16xf32, #tpu.memory_space<hbm>>
      %dma_start3A_172 = arith.constant 0 : i32
      %dma_start3A_173 = arith.constant 0 : i32
      %dma_start3A_174 = tpu.memref_slice %dma_start3A_171[%dma_start3A_172, %dma_start3A_173] : memref<50000x16xf32, #tpu.memory_space<hbm>> -> memref<50000x16xf32, #tpu.memory_space<hbm>>
      tpu.enqueue_indirect_dma source(%dma_start3A_174 : memref<50000x16xf32, #tpu.memory_space<hbm>>) target(%dma_start3A_164 : memref<125x16xf32, #tpu.memory_space<vmem>>) offsets(%dma_start3A_167 : memref<125xi32, #tpu.memory_space<vmem>>) semaphore(%arg10 : memref<!tpu.dma_semaphore, #tpu.memory_space<semaphore_mem>>)
      %dma_start3A_175 = arith.constant 2 : i32
      %dma_start3A_176 = arith.constant 250 : i32
      %dma_start3A_177 = arith.constant 0 : i32
      %dma_start3A_178 = tpu.memref_slice %arg7[%dma_start3A_176, %dma_start3A_177] : memref<1000x16xf32, #tpu.memory_space<vmem>> -> memref<125x16xf32, #tpu.memory_space<vmem>>
      %dma_start3A_179 = arith.constant 0 : i32
      %dma_start3A_180 = tpu.memref_slice %arg5[%dma_start3A_175, %dma_start3A_179] : memref<8x125xi32, #tpu.memory_space<vmem>> -> memref<1x125xi32, #tpu.memory_space<vmem>>
      %dma_start3A_181 = tpu.memref_squeeze %dma_start3A_180 : memref<1x125xi32, #tpu.memory_space<vmem>> -> memref<125xi32, #tpu.memory_space<vmem>>
      %dma_start3A_182 = arith.constant 0 : i32
      %dma_start3A_183 = arith.constant 0 : i32
      %dma_start3A_184 = tpu.memref_slice %arg3[%add3A_9, %dma_start3A_182, %dma_start3A_183] : memref<4x50000x16xf32, #tpu.memory_space<hbm>> -> memref<1x50000x16xf32, #tpu.memory_space<hbm>>
      %dma_start3A_185 = tpu.memref_squeeze %dma_start3A_184 : memref<1x50000x16xf32, #tpu.memory_space<hbm>> -> memref<50000x16xf32, #tpu.memory_space<hbm>>
      %dma_start3A_186 = arith.constant 0 : i32
      %dma_start3A_187 = arith.constant 0 : i32
      %dma_start3A_188 = tpu.memref_slice %dma_start3A_185[%dma_start3A_186, %dma_start3A_187] : memref<50000x16xf32, #tpu.memory_space<hbm>> -> memref<50000x16xf32, #tpu.memory_space<hbm>>
      tpu.enqueue_indirect_dma source(%dma_start3A_188 : memref<50000x16xf32, #tpu.memory_space<hbm>>) target(%dma_start3A_178 : memref<125x16xf32, #tpu.memory_space<vmem>>) offsets(%dma_start3A_181 : memref<125xi32, #tpu.memory_space<vmem>>) semaphore(%arg10 : memref<!tpu.dma_semaphore, #tpu.memory_space<semaphore_mem>>)
      %dma_start3A_189 = arith.constant 3 : i32
      %dma_start3A_190 = arith.constant 375 : i32
      %dma_start3A_191 = arith.constant 0 : i32
      %dma_start3A_192 = tpu.memref_slice %arg7[%dma_start3A_190, %dma_start3A_191] : memref<1000x16xf32, #tpu.memory_space<vmem>> -> memref<125x16xf32, #tpu.memory_space<vmem>>
      %dma_start3A_193 = arith.constant 0 : i32
      %dma_start3A_194 = tpu.memref_slice %arg5[%dma_start3A_189, %dma_start3A_193] : memref<8x125xi32, #tpu.memory_space<vmem>> -> memref<1x125xi32, #tpu.memory_space<vmem>>
      %dma_start3A_195 = tpu.memref_squeeze %dma_start3A_194 : memref<1x125xi32, #tpu.memory_space<vmem>> -> memref<125xi32, #tpu.memory_space<vmem>>
      %dma_start3A_196 = arith.constant 0 : i32
      %dma_start3A_197 = arith.constant 0 : i32
      %dma_start3A_198 = tpu.memref_slice %arg3[%add3A_9, %dma_start3A_196, %dma_start3A_197] : memref<4x50000x16xf32, #tpu.memory_space<hbm>> -> memref<1x50000x16xf32, #tpu.memory_space<hbm>>
      %dma_start3A_199 = tpu.memref_squeeze %dma_start3A_198 : memref<1x50000x16xf32, #tpu.memory_space<hbm>> -> memref<50000x16xf32, #tpu.memory_space<hbm>>
      %dma_start3A_200 = arith.constant 0 : i32
      %dma_start3A_201 = arith.constant 0 : i32
      %dma_start3A_202 = tpu.memref_slice %dma_start3A_199[%dma_start3A_200, %dma_start3A_201] : memref<50000x16xf32, #tpu.memory_space<hbm>> -> memref<50000x16xf32, #tpu.memory_space<hbm>>
      tpu.enqueue_indirect_dma source(%dma_start3A_202 : memref<50000x16xf32, #tpu.memory_space<hbm>>) target(%dma_start3A_192 : memref<125x16xf32, #tpu.memory_space<vmem>>) offsets(%dma_start3A_195 : memref<125xi32, #tpu.memory_space<vmem>>) semaphore(%arg10 : memref<!tpu.dma_semaphore, #tpu.memory_space<semaphore_mem>>)
      %dma_start3A_203 = arith.constant 4 : i32
      %dma_start3A_204 = arith.constant 500 : i32
      %dma_start3A_205 = arith.constant 0 : i32
      %dma_start3A_206 = tpu.memref_slice %arg7[%dma_start3A_204, %dma_start3A_205] : memref<1000x16xf32, #tpu.memory_space<vmem>> -> memref<125x16xf32, #tpu.memory_space<vmem>>
      %dma_start3A_207 = arith.constant 0 : i32
      %dma_start3A_208 = tpu.memref_slice %arg5[%dma_start3A_203, %dma_start3A_207] : memref<8x125xi32, #tpu.memory_space<vmem>> -> memref<1x125xi32, #tpu.memory_space<vmem>>
      %dma_start3A_209 = tpu.memref_squeeze %dma_start3A_208 : memref<1x125xi32, #tpu.memory_space<vmem>> -> memref<125xi32, #tpu.memory_space<vmem>>
      %dma_start3A_210 = arith.constant 0 : i32
      %dma_start3A_211 = arith.constant 0 : i32
      %dma_start3A_212 = tpu.memref_slice %arg3[%add3A_9, %dma_start3A_210, %dma_start3A_211] : memref<4x50000x16xf32, #tpu.memory_space<hbm>> -> memref<1x50000x16xf32, #tpu.memory_space<hbm>>
      %dma_start3A_213 = tpu.memref_squeeze %dma_start3A_212 : memref<1x50000x16xf32, #tpu.memory_space<hbm>> -> memref<50000x16xf32, #tpu.memory_space<hbm>>
      %dma_start3A_214 = arith.constant 0 : i32
      %dma_start3A_215 = arith.constant 0 : i32
      %dma_start3A_216 = tpu.memref_slice %dma_start3A_213[%dma_start3A_214, %dma_start3A_215] : memref<50000x16xf32, #tpu.memory_space<hbm>> -> memref<50000x16xf32, #tpu.memory_space<hbm>>
      tpu.enqueue_indirect_dma source(%dma_start3A_216 : memref<50000x16xf32, #tpu.memory_space<hbm>>) target(%dma_start3A_206 : memref<125x16xf32, #tpu.memory_space<vmem>>) offsets(%dma_start3A_209 : memref<125xi32, #tpu.memory_space<vmem>>) semaphore(%arg10 : memref<!tpu.dma_semaphore, #tpu.memory_space<semaphore_mem>>)
      %dma_start3A_217 = arith.constant 5 : i32
      %dma_start3A_218 = arith.constant 625 : i32
      %dma_start3A_219 = arith.constant 0 : i32
      %dma_start3A_220 = tpu.memref_slice %arg7[%dma_start3A_218, %dma_start3A_219] : memref<1000x16xf32, #tpu.memory_space<vmem>> -> memref<125x16xf32, #tpu.memory_space<vmem>>
      %dma_start3A_221 = arith.constant 0 : i32
      %dma_start3A_222 = tpu.memref_slice %arg5[%dma_start3A_217, %dma_start3A_221] : memref<8x125xi32, #tpu.memory_space<vmem>> -> memref<1x125xi32, #tpu.memory_space<vmem>>
      %dma_start3A_223 = tpu.memref_squeeze %dma_start3A_222 : memref<1x125xi32, #tpu.memory_space<vmem>> -> memref<125xi32, #tpu.memory_space<vmem>>
      %dma_start3A_224 = arith.constant 0 : i32
      %dma_start3A_225 = arith.constant 0 : i32
      %dma_start3A_226 = tpu.memref_slice %arg3[%add3A_9, %dma_start3A_224, %dma_start3A_225] : memref<4x50000x16xf32, #tpu.memory_space<hbm>> -> memref<1x50000x16xf32, #tpu.memory_space<hbm>>
      %dma_start3A_227 = tpu.memref_squeeze %dma_start3A_226 : memref<1x50000x16xf32, #tpu.memory_space<hbm>> -> memref<50000x16xf32, #tpu.memory_space<hbm>>
      %dma_start3A_228 = arith.constant 0 : i32
      %dma_start3A_229 = arith.constant 0 : i32
      %dma_start3A_230 = tpu.memref_slice %dma_start3A_227[%dma_start3A_228, %dma_start3A_229] : memref<50000x16xf32, #tpu.memory_space<hbm>> -> memref<50000x16xf32, #tpu.memory_space<hbm>>
      tpu.enqueue_indirect_dma source(%dma_start3A_230 : memref<50000x16xf32, #tpu.memory_space<hbm>>) target(%dma_start3A_220 : memref<125x16xf32, #tpu.memory_space<vmem>>) offsets(%dma_start3A_223 : memref<125xi32, #tpu.memory_space<vmem>>) semaphore(%arg10 : memref<!tpu.dma_semaphore, #tpu.memory_space<semaphore_mem>>)
      %dma_start3A_231 = arith.constant 6 : i32
      %dma_start3A_232 = arith.constant 750 : i32
      %dma_start3A_233 = arith.constant 0 : i32
      %dma_start3A_234 = tpu.memref_slice %arg7[%dma_start3A_232, %dma_start3A_233] : memref<1000x16xf32, #tpu.memory_space<vmem>> -> memref<125x16xf32, #tpu.memory_space<vmem>>
      %dma_start3A_235 = arith.constant 0 : i32
      %dma_start3A_236 = tpu.memref_slice %arg5[%dma_start3A_231, %dma_start3A_235] : memref<8x125xi32, #tpu.memory_space<vmem>> -> memref<1x125xi32, #tpu.memory_space<vmem>>
      %dma_start3A_237 = tpu.memref_squeeze %dma_start3A_236 : memref<1x125xi32, #tpu.memory_space<vmem>> -> memref<125xi32, #tpu.memory_space<vmem>>
      %dma_start3A_238 = arith.constant 0 : i32
      %dma_start3A_239 = arith.constant 0 : i32
      %dma_start3A_240 = tpu.memref_slice %arg3[%add3A_9, %dma_start3A_238, %dma_start3A_239] : memref<4x50000x16xf32, #tpu.memory_space<hbm>> -> memref<1x50000x16xf32, #tpu.memory_space<hbm>>
      %dma_start3A_241 = tpu.memref_squeeze %dma_start3A_240 : memref<1x50000x16xf32, #tpu.memory_space<hbm>> -> memref<50000x16xf32, #tpu.memory_space<hbm>>
      %dma_start3A_242 = arith.constant 0 : i32
      %dma_start3A_243 = arith.constant 0 : i32
      %dma_start3A_244 = tpu.memref_slice %dma_start3A_241[%dma_start3A_242, %dma_start3A_243] : memref<50000x16xf32, #tpu.memory_space<hbm>> -> memref<50000x16xf32, #tpu.memory_space<hbm>>
      tpu.enqueue_indirect_dma source(%dma_start3A_244 : memref<50000x16xf32, #tpu.memory_space<hbm>>) target(%dma_start3A_234 : memref<125x16xf32, #tpu.memory_space<vmem>>) offsets(%dma_start3A_237 : memref<125xi32, #tpu.memory_space<vmem>>) semaphore(%arg10 : memref<!tpu.dma_semaphore, #tpu.memory_space<semaphore_mem>>)
      %dma_start3A_245 = arith.constant 7 : i32
      %dma_start3A_246 = arith.constant 875 : i32
      %dma_start3A_247 = arith.constant 0 : i32
      %dma_start3A_248 = tpu.memref_slice %arg7[%dma_start3A_246, %dma_start3A_247] : memref<1000x16xf32, #tpu.memory_space<vmem>> -> memref<125x16xf32, #tpu.memory_space<vmem>>
      %dma_start3A_249 = arith.constant 0 : i32
      %dma_start3A_250 = tpu.memref_slice %arg5[%dma_start3A_245, %dma_start3A_249] : memref<8x125xi32, #tpu.memory_space<vmem>> -> memref<1x125xi32, #tpu.memory_space<vmem>>
      %dma_start3A_251 = tpu.memref_squeeze %dma_start3A_250 : memref<1x125xi32, #tpu.memory_space<vmem>> -> memref<125xi32, #tpu.memory_space<vmem>>
      %dma_start3A_252 = arith.constant 0 : i32
      %dma_start3A_253 = arith.constant 0 : i32
      %dma_start3A_254 = tpu.memref_slice %arg3[%add3A_9, %dma_start3A_252, %dma_start3A_253] : memref<4x50000x16xf32, #tpu.memory_space<hbm>> -> memref<1x50000x16xf32, #tpu.memory_space<hbm>>
      %dma_start3A_255 = tpu.memref_squeeze %dma_start3A_254 : memref<1x50000x16xf32, #tpu.memory_space<hbm>> -> memref<50000x16xf32, #tpu.memory_space<hbm>>
      %dma_start3A_256 = arith.constant 0 : i32
      %dma_start3A_257 = arith.constant 0 : i32
      %dma_start3A_258 = tpu.memref_slice %dma_start3A_255[%dma_start3A_256, %dma_start3A_257] : memref<50000x16xf32, #tpu.memory_space<hbm>> -> memref<50000x16xf32, #tpu.memory_space<hbm>>
      tpu.enqueue_indirect_dma source(%dma_start3A_258 : memref<50000x16xf32, #tpu.memory_space<hbm>>) target(%dma_start3A_248 : memref<125x16xf32, #tpu.memory_space<vmem>>) offsets(%dma_start3A_251 : memref<125xi32, #tpu.memory_space<vmem>>) semaphore(%arg10 : memref<!tpu.dma_semaphore, #tpu.memory_space<semaphore_mem>>)
      %dma_wait3A = arith.constant 0 : i32
      %dma_wait3A_259 = arith.constant 0 : i32
      %dma_wait3A_260 = arith.constant 0 : i32
      %dma_wait3A_261 = tpu.memref_slice %arg7[%dma_wait3A_259, %dma_wait3A_260] : memref<1000x16xf32, #tpu.memory_space<vmem>> -> memref<125x16xf32, #tpu.memory_space<vmem>>
      %dma_wait3A_262 = arith.constant 0 : i32
      %dma_wait3A_263 = tpu.memref_slice %arg5[%dma_wait3A, %dma_wait3A_262] : memref<8x125xi32, #tpu.memory_space<vmem>> -> memref<1x125xi32, #tpu.memory_space<vmem>>
      %dma_wait3A_264 = tpu.memref_squeeze %dma_wait3A_263 : memref<1x125xi32, #tpu.memory_space<vmem>> -> memref<125xi32, #tpu.memory_space<vmem>>
      %dma_wait3A_265 = arith.constant 0 : i32
      %dma_wait3A_266 = arith.constant 0 : i32
      %dma_wait3A_267 = tpu.memref_slice %arg3[%add3A_9, %dma_wait3A_265, %dma_wait3A_266] : memref<4x50000x16xf32, #tpu.memory_space<hbm>> -> memref<1x50000x16xf32, #tpu.memory_space<hbm>>
      %dma_wait3A_268 = tpu.memref_squeeze %dma_wait3A_267 : memref<1x50000x16xf32, #tpu.memory_space<hbm>> -> memref<50000x16xf32, #tpu.memory_space<hbm>>
      %dma_wait3A_269 = arith.constant 0 : i32
      %dma_wait3A_270 = arith.constant 0 : i32
      %dma_wait3A_271 = tpu.memref_slice %dma_wait3A_268[%dma_wait3A_269, %dma_wait3A_270] : memref<50000x16xf32, #tpu.memory_space<hbm>> -> memref<50000x16xf32, #tpu.memory_space<hbm>>
      tpu.wait_indirect_dma semaphore(%arg10 : memref<!tpu.dma_semaphore, #tpu.memory_space<semaphore_mem>>) src(%dma_wait3A_271 : memref<50000x16xf32, #tpu.memory_space<hbm>>) dst(%dma_wait3A_261 : memref<125x16xf32, #tpu.memory_space<vmem>>)
      %dma_wait3A_272 = arith.constant 1 : i32
      %dma_wait3A_273 = arith.constant 125 : i32
      %dma_wait3A_274 = arith.constant 0 : i32
      %dma_wait3A_275 = tpu.memref_slice %arg7[%dma_wait3A_273, %dma_wait3A_274] : memref<1000x16xf32, #tpu.memory_space<vmem>> -> memref<125x16xf32, #tpu.memory_space<vmem>>
      %dma_wait3A_276 = arith.constant 0 : i32
      %dma_wait3A_277 = tpu.memref_slice %arg5[%dma_wait3A_272, %dma_wait3A_276] : memref<8x125xi32, #tpu.memory_space<vmem>> -> memref<1x125xi32, #tpu.memory_space<vmem>>
      %dma_wait3A_278 = tpu.memref_squeeze %dma_wait3A_277 : memref<1x125xi32, #tpu.memory_space<vmem>> -> memref<125xi32, #tpu.memory_space<vmem>>
      %dma_wait3A_279 = arith.constant 0 : i32
      %dma_wait3A_280 = arith.constant 0 : i32
      %dma_wait3A_281 = tpu.memref_slice %arg3[%add3A_9, %dma_wait3A_279, %dma_wait3A_280] : memref<4x50000x16xf32, #tpu.memory_space<hbm>> -> memref<1x50000x16xf32, #tpu.memory_space<hbm>>
      %dma_wait3A_282 = tpu.memref_squeeze %dma_wait3A_281 : memref<1x50000x16xf32, #tpu.memory_space<hbm>> -> memref<50000x16xf32, #tpu.memory_space<hbm>>
      %dma_wait3A_283 = arith.constant 0 : i32
      %dma_wait3A_284 = arith.constant 0 : i32
      %dma_wait3A_285 = tpu.memref_slice %dma_wait3A_282[%dma_wait3A_283, %dma_wait3A_284] : memref<50000x16xf32, #tpu.memory_space<hbm>> -> memref<50000x16xf32, #tpu.memory_space<hbm>>
      tpu.wait_indirect_dma semaphore(%arg10 : memref<!tpu.dma_semaphore, #tpu.memory_space<semaphore_mem>>) src(%dma_wait3A_285 : memref<50000x16xf32, #tpu.memory_space<hbm>>) dst(%dma_wait3A_275 : memref<125x16xf32, #tpu.memory_space<vmem>>)
      %dma_wait3A_286 = arith.constant 2 : i32
      %dma_wait3A_287 = arith.constant 250 : i32
      %dma_wait3A_288 = arith.constant 0 : i32
      %dma_wait3A_289 = tpu.memref_slice %arg7[%dma_wait3A_287, %dma_wait3A_288] : memref<1000x16xf32, #tpu.memory_space<vmem>> -> memref<125x16xf32, #tpu.memory_space<vmem>>
      %dma_wait3A_290 = arith.constant 0 : i32
      %dma_wait3A_291 = tpu.memref_slice %arg5[%dma_wait3A_286, %dma_wait3A_290] : memref<8x125xi32, #tpu.memory_space<vmem>> -> memref<1x125xi32, #tpu.memory_space<vmem>>
      %dma_wait3A_292 = tpu.memref_squeeze %dma_wait3A_291 : memref<1x125xi32, #tpu.memory_space<vmem>> -> memref<125xi32, #tpu.memory_space<vmem>>
      %dma_wait3A_293 = arith.constant 0 : i32
      %dma_wait3A_294 = arith.constant 0 : i32
      %dma_wait3A_295 = tpu.memref_slice %arg3[%add3A_9, %dma_wait3A_293, %dma_wait3A_294] : memref<4x50000x16xf32, #tpu.memory_space<hbm>> -> memref<1x50000x16xf32, #tpu.memory_space<hbm>>
      %dma_wait3A_296 = tpu.memref_squeeze %dma_wait3A_295 : memref<1x50000x16xf32, #tpu.memory_space<hbm>> -> memref<50000x16xf32, #tpu.memory_space<hbm>>
      %dma_wait3A_297 = arith.constant 0 : i32
      %dma_wait3A_298 = arith.constant 0 : i32
      %dma_wait3A_299 = tpu.memref_slice %dma_wait3A_296[%dma_wait3A_297, %dma_wait3A_298] : memref<50000x16xf32, #tpu.memory_space<hbm>> -> memref<50000x16xf32, #tpu.memory_space<hbm>>
      tpu.wait_indirect_dma semaphore(%arg10 : memref<!tpu.dma_semaphore, #tpu.memory_space<semaphore_mem>>) src(%dma_wait3A_299 : memref<50000x16xf32, #tpu.memory_space<hbm>>) dst(%dma_wait3A_289 : memref<125x16xf32, #tpu.memory_space<vmem>>)
      %dma_wait3A_300 = arith.constant 3 : i32
      %dma_wait3A_301 = arith.constant 375 : i32
      %dma_wait3A_302 = arith.constant 0 : i32
      %dma_wait3A_303 = tpu.memref_slice %arg7[%dma_wait3A_301, %dma_wait3A_302] : memref<1000x16xf32, #tpu.memory_space<vmem>> -> memref<125x16xf32, #tpu.memory_space<vmem>>
      %dma_wait3A_304 = arith.constant 0 : i32
      %dma_wait3A_305 = tpu.memref_slice %arg5[%dma_wait3A_300, %dma_wait3A_304] : memref<8x125xi32, #tpu.memory_space<vmem>> -> memref<1x125xi32, #tpu.memory_space<vmem>>
      %dma_wait3A_306 = tpu.memref_squeeze %dma_wait3A_305 : memref<1x125xi32, #tpu.memory_space<vmem>> -> memref<125xi32, #tpu.memory_space<vmem>>
      %dma_wait3A_307 = arith.constant 0 : i32
      %dma_wait3A_308 = arith.constant 0 : i32
      %dma_wait3A_309 = tpu.memref_slice %arg3[%add3A_9, %dma_wait3A_307, %dma_wait3A_308] : memref<4x50000x16xf32, #tpu.memory_space<hbm>> -> memref<1x50000x16xf32, #tpu.memory_space<hbm>>
      %dma_wait3A_310 = tpu.memref_squeeze %dma_wait3A_309 : memref<1x50000x16xf32, #tpu.memory_space<hbm>> -> memref<50000x16xf32, #tpu.memory_space<hbm>>
      %dma_wait3A_311 = arith.constant 0 : i32
      %dma_wait3A_312 = arith.constant 0 : i32
      %dma_wait3A_313 = tpu.memref_slice %dma_wait3A_310[%dma_wait3A_311, %dma_wait3A_312] : memref<50000x16xf32, #tpu.memory_space<hbm>> -> memref<50000x16xf32, #tpu.memory_space<hbm>>
      tpu.wait_indirect_dma semaphore(%arg10 : memref<!tpu.dma_semaphore, #tpu.memory_space<semaphore_mem>>) src(%dma_wait3A_313 : memref<50000x16xf32, #tpu.memory_space<hbm>>) dst(%dma_wait3A_303 : memref<125x16xf32, #tpu.memory_space<vmem>>)
      %dma_wait3A_314 = arith.constant 4 : i32
      %dma_wait3A_315 = arith.constant 500 : i32
      %dma_wait3A_316 = arith.constant 0 : i32
      %dma_wait3A_317 = tpu.memref_slice %arg7[%dma_wait3A_315, %dma_wait3A_316] : memref<1000x16xf32, #tpu.memory_space<vmem>> -> memref<125x16xf32, #tpu.memory_space<vmem>>
      %dma_wait3A_318 = arith.constant 0 : i32
      %dma_wait3A_319 = tpu.memref_slice %arg5[%dma_wait3A_314, %dma_wait3A_318] : memref<8x125xi32, #tpu.memory_space<vmem>> -> memref<1x125xi32, #tpu.memory_space<vmem>>
      %dma_wait3A_320 = tpu.memref_squeeze %dma_wait3A_319 : memref<1x125xi32, #tpu.memory_space<vmem>> -> memref<125xi32, #tpu.memory_space<vmem>>
      %dma_wait3A_321 = arith.constant 0 : i32
      %dma_wait3A_322 = arith.constant 0 : i32
      %dma_wait3A_323 = tpu.memref_slice %arg3[%add3A_9, %dma_wait3A_321, %dma_wait3A_322] : memref<4x50000x16xf32, #tpu.memory_space<hbm>> -> memref<1x50000x16xf32, #tpu.memory_space<hbm>>
      %dma_wait3A_324 = tpu.memref_squeeze %dma_wait3A_323 : memref<1x50000x16xf32, #tpu.memory_space<hbm>> -> memref<50000x16xf32, #tpu.memory_space<hbm>>
      %dma_wait3A_325 = arith.constant 0 : i32
      %dma_wait3A_326 = arith.constant 0 : i32
      %dma_wait3A_327 = tpu.memref_slice %dma_wait3A_324[%dma_wait3A_325, %dma_wait3A_326] : memref<50000x16xf32, #tpu.memory_space<hbm>> -> memref<50000x16xf32, #tpu.memory_space<hbm>>
      tpu.wait_indirect_dma semaphore(%arg10 : memref<!tpu.dma_semaphore, #tpu.memory_space<semaphore_mem>>) src(%dma_wait3A_327 : memref<50000x16xf32, #tpu.memory_space<hbm>>) dst(%dma_wait3A_317 : memref<125x16xf32, #tpu.memory_space<vmem>>)
      %dma_wait3A_328 = arith.constant 5 : i32
      %dma_wait3A_329 = arith.constant 625 : i32
      %dma_wait3A_330 = arith.constant 0 : i32
      %dma_wait3A_331 = tpu.memref_slice %arg7[%dma_wait3A_329, %dma_wait3A_330] : memref<1000x16xf32, #tpu.memory_space<vmem>> -> memref<125x16xf32, #tpu.memory_space<vmem>>
      %dma_wait3A_332 = arith.constant 0 : i32
      %dma_wait3A_333 = tpu.memref_slice %arg5[%dma_wait3A_328, %dma_wait3A_332] : memref<8x125xi32, #tpu.memory_space<vmem>> -> memref<1x125xi32, #tpu.memory_space<vmem>>
      %dma_wait3A_334 = tpu.memref_squeeze %dma_wait3A_333 : memref<1x125xi32, #tpu.memory_space<vmem>> -> memref<125xi32, #tpu.memory_space<vmem>>
      %dma_wait3A_335 = arith.constant 0 : i32
      %dma_wait3A_336 = arith.constant 0 : i32
      %dma_wait3A_337 = tpu.memref_slice %arg3[%add3A_9, %dma_wait3A_335, %dma_wait3A_336] : memref<4x50000x16xf32, #tpu.memory_space<hbm>> -> memref<1x50000x16xf32, #tpu.memory_space<hbm>>
      %dma_wait3A_338 = tpu.memref_squeeze %dma_wait3A_337 : memref<1x50000x16xf32, #tpu.memory_space<hbm>> -> memref<50000x16xf32, #tpu.memory_space<hbm>>
      %dma_wait3A_339 = arith.constant 0 : i32
      %dma_wait3A_340 = arith.constant 0 : i32
      %dma_wait3A_341 = tpu.memref_slice %dma_wait3A_338[%dma_wait3A_339, %dma_wait3A_340] : memref<50000x16xf32, #tpu.memory_space<hbm>> -> memref<50000x16xf32, #tpu.memory_space<hbm>>
      tpu.wait_indirect_dma semaphore(%arg10 : memref<!tpu.dma_semaphore, #tpu.memory_space<semaphore_mem>>) src(%dma_wait3A_341 : memref<50000x16xf32, #tpu.memory_space<hbm>>) dst(%dma_wait3A_331 : memref<125x16xf32, #tpu.memory_space<vmem>>)
      %dma_wait3A_342 = arith.constant 6 : i32
      %dma_wait3A_343 = arith.constant 750 : i32
      %dma_wait3A_344 = arith.constant 0 : i32
      %dma_wait3A_345 = tpu.memref_slice %arg7[%dma_wait3A_343, %dma_wait3A_344] : memref<1000x16xf32, #tpu.memory_space<vmem>> -> memref<125x16xf32, #tpu.memory_space<vmem>>
      %dma_wait3A_346 = arith.constant 0 : i32
      %dma_wait3A_347 = tpu.memref_slice %arg5[%dma_wait3A_342, %dma_wait3A_346] : memref<8x125xi32, #tpu.memory_space<vmem>> -> memref<1x125xi32, #tpu.memory_space<vmem>>
      %dma_wait3A_348 = tpu.memref_squeeze %dma_wait3A_347 : memref<1x125xi32, #tpu.memory_space<vmem>> -> memref<125xi32, #tpu.memory_space<vmem>>
      %dma_wait3A_349 = arith.constant 0 : i32
      %dma_wait3A_350 = arith.constant 0 : i32
      %dma_wait3A_351 = tpu.memref_slice %arg3[%add3A_9, %dma_wait3A_349, %dma_wait3A_350] : memref<4x50000x16xf32, #tpu.memory_space<hbm>> -> memref<1x50000x16xf32, #tpu.memory_space<hbm>>
      %dma_wait3A_352 = tpu.memref_squeeze %dma_wait3A_351 : memref<1x50000x16xf32, #tpu.memory_space<hbm>> -> memref<50000x16xf32, #tpu.memory_space<hbm>>
      %dma_wait3A_353 = arith.constant 0 : i32
      %dma_wait3A_354 = arith.constant 0 : i32
      %dma_wait3A_355 = tpu.memref_slice %dma_wait3A_352[%dma_wait3A_353, %dma_wait3A_354] : memref<50000x16xf32, #tpu.memory_space<hbm>> -> memref<50000x16xf32, #tpu.memory_space<hbm>>
      tpu.wait_indirect_dma semaphore(%arg10 : memref<!tpu.dma_semaphore, #tpu.memory_space<semaphore_mem>>) src(%dma_wait3A_355 : memref<50000x16xf32, #tpu.memory_space<hbm>>) dst(%dma_wait3A_345 : memref<125x16xf32, #tpu.memory_space<vmem>>)
      %dma_wait3A_356 = arith.constant 7 : i32
      %dma_wait3A_357 = arith.constant 875 : i32
      %dma_wait3A_358 = arith.constant 0 : i32
      %dma_wait3A_359 = tpu.memref_slice %arg7[%dma_wait3A_357, %dma_wait3A_358] : memref<1000x16xf32, #tpu.memory_space<vmem>> -> memref<125x16xf32, #tpu.memory_space<vmem>>
      %dma_wait3A_360 = arith.constant 0 : i32
      %dma_wait3A_361 = tpu.memref_slice %arg5[%dma_wait3A_356, %dma_wait3A_360] : memref<8x125xi32, #tpu.memory_space<vmem>> -> memref<1x125xi32, #tpu.memory_space<vmem>>
      %dma_wait3A_362 = tpu.memref_squeeze %dma_wait3A_361 : memref<1x125xi32, #tpu.memory_space<vmem>> -> memref<125xi32, #tpu.memory_space<vmem>>
      %dma_wait3A_363 = arith.constant 0 : i32
      %dma_wait3A_364 = arith.constant 0 : i32
      %dma_wait3A_365 = tpu.memref_slice %arg3[%add3A_9, %dma_wait3A_363, %dma_wait3A_364] : memref<4x50000x16xf32, #tpu.memory_space<hbm>> -> memref<1x50000x16xf32, #tpu.memory_space<hbm>>
      %dma_wait3A_366 = tpu.memref_squeeze %dma_wait3A_365 : memref<1x50000x16xf32, #tpu.memory_space<hbm>> -> memref<50000x16xf32, #tpu.memory_space<hbm>>
      %dma_wait3A_367 = arith.constant 0 : i32
      %dma_wait3A_368 = arith.constant 0 : i32
      %dma_wait3A_369 = tpu.memref_slice %dma_wait3A_366[%dma_wait3A_367, %dma_wait3A_368] : memref<50000x16xf32, #tpu.memory_space<hbm>> -> memref<50000x16xf32, #tpu.memory_space<hbm>>
      tpu.wait_indirect_dma semaphore(%arg10 : memref<!tpu.dma_semaphore, #tpu.memory_space<semaphore_mem>>) src(%dma_wait3A_369 : memref<50000x16xf32, #tpu.memory_space<hbm>>) dst(%dma_wait3A_359 : memref<125x16xf32, #tpu.memory_space<vmem>>)
      %run_scoped3A_370 = arith.constant 0 : i32
      "tpu.region"() ({
        %run_scoped3A_379 = tpu.sem_alloc : memref<!tpu.dma_semaphore, #tpu.memory_space<semaphore_mem>>
        %dma_start3A_380 = arith.constant 0 : i32
        %dma_start3A_381 = arith.constant 0 : i32
        %dma_start3A_382 = tpu.memref_slice %arg7[%dma_start3A_380, %dma_start3A_381] : memref<1000x16xf32, #tpu.memory_space<vmem>> -> memref<125x16xf32, #tpu.memory_space<vmem>>
        %dma_start3A_383 = arith.constant 0 : i32
        %dma_start3A_384 = tpu.memref_slice %arg6[%run_scoped3A_370, %dma_start3A_383] : memref<8x125xi32, #tpu.memory_space<vmem>> -> memref<1x125xi32, #tpu.memory_space<vmem>>
        %dma_start3A_385 = tpu.memref_squeeze %dma_start3A_384 : memref<1x125xi32, #tpu.memory_space<vmem>> -> memref<125xi32, #tpu.memory_space<vmem>>
        %dma_start3A_386 = arith.constant 0 : i32
        %dma_start3A_387 = arith.constant 0 : i32
        %dma_start3A_388 = tpu.memref_slice %arg9[%dma_start3A_386, %dma_start3A_387] : memref<50000x16xf32, #tpu.memory_space<vmem_shared>> -> memref<50000x16xf32, #tpu.memory_space<vmem_shared>>
        tpu.enqueue_indirect_dma source(%dma_start3A_382 : memref<125x16xf32, #tpu.memory_space<vmem>>) target(%dma_start3A_388 : memref<50000x16xf32, #tpu.memory_space<vmem_shared>>) offsets(%dma_start3A_385 : memref<125xi32, #tpu.memory_space<vmem>>) semaphore(%run_scoped3A_379 : memref<!tpu.dma_semaphore, #tpu.memory_space<semaphore_mem>>) {add = true}
        %dma_wait3A_389 = arith.constant 0 : i32
        %dma_wait3A_390 = arith.constant 0 : i32
        %dma_wait3A_391 = tpu.memref_slice %arg7[%dma_wait3A_389, %dma_wait3A_390] : memref<1000x16xf32, #tpu.memory_space<vmem>> -> memref<125x16xf32, #tpu.memory_space<vmem>>
        %dma_wait3A_392 = arith.constant 0 : i32
        %dma_wait3A_393 = tpu.memref_slice %arg6[%run_scoped3A_370, %dma_wait3A_392] : memref<8x125xi32, #tpu.memory_space<vmem>> -> memref<1x125xi32, #tpu.memory_space<vmem>>
        %dma_wait3A_394 = tpu.memref_squeeze %dma_wait3A_393 : memref<1x125xi32, #tpu.memory_space<vmem>> -> memref<125xi32, #tpu.memory_space<vmem>>
        %dma_wait3A_395 = arith.constant 0 : i32
        %dma_wait3A_396 = arith.constant 0 : i32
        %dma_wait3A_397 = tpu.memref_slice %arg9[%dma_wait3A_395, %dma_wait3A_396] : memref<50000x16xf32, #tpu.memory_space<vmem_shared>> -> memref<50000x16xf32, #tpu.memory_space<vmem_shared>>
        tpu.wait_indirect_dma semaphore(%run_scoped3A_379 : memref<!tpu.dma_semaphore, #tpu.memory_space<semaphore_mem>>) src(%dma_wait3A_391 : memref<125x16xf32, #tpu.memory_space<vmem>>) dst(%dma_wait3A_397 : memref<50000x16xf32, #tpu.memory_space<vmem_shared>>)
        tpu.yield
      }) : () -> ()
      %run_scoped3A_371 = arith.constant 1 : i32
      "tpu.region"() ({
        %run_scoped3A_379 = tpu.sem_alloc : memref<!tpu.dma_semaphore, #tpu.memory_space<semaphore_mem>>
        %dma_start3A_380 = arith.constant 125 : i32
        %dma_start3A_381 = arith.constant 0 : i32
        %dma_start3A_382 = tpu.memref_slice %arg7[%dma_start3A_380, %dma_start3A_381] : memref<1000x16xf32, #tpu.memory_space<vmem>> -> memref<125x16xf32, #tpu.memory_space<vmem>>
        %dma_start3A_383 = arith.constant 0 : i32
        %dma_start3A_384 = tpu.memref_slice %arg6[%run_scoped3A_371, %dma_start3A_383] : memref<8x125xi32, #tpu.memory_space<vmem>> -> memref<1x125xi32, #tpu.memory_space<vmem>>
        %dma_start3A_385 = tpu.memref_squeeze %dma_start3A_384 : memref<1x125xi32, #tpu.memory_space<vmem>> -> memref<125xi32, #tpu.memory_space<vmem>>
        %dma_start3A_386 = arith.constant 0 : i32
        %dma_start3A_387 = arith.constant 0 : i32
        %dma_start3A_388 = tpu.memref_slice %arg9[%dma_start3A_386, %dma_start3A_387] : memref<50000x16xf32, #tpu.memory_space<vmem_shared>> -> memref<50000x16xf32, #tpu.memory_space<vmem_shared>>
        tpu.enqueue_indirect_dma source(%dma_start3A_382 : memref<125x16xf32, #tpu.memory_space<vmem>>) target(%dma_start3A_388 : memref<50000x16xf32, #tpu.memory_space<vmem_shared>>) offsets(%dma_start3A_385 : memref<125xi32, #tpu.memory_space<vmem>>) semaphore(%run_scoped3A_379 : memref<!tpu.dma_semaphore, #tpu.memory_space<semaphore_mem>>) {add = true}
        %dma_wait3A_389 = arith.constant 125 : i32
        %dma_wait3A_390 = arith.constant 0 : i32
        %dma_wait3A_391 = tpu.memref_slice %arg7[%dma_wait3A_389, %dma_wait3A_390] : memref<1000x16xf32, #tpu.memory_space<vmem>> -> memref<125x16xf32, #tpu.memory_space<vmem>>
        %dma_wait3A_392 = arith.constant 0 : i32
        %dma_wait3A_393 = tpu.memref_slice %arg6[%run_scoped3A_371, %dma_wait3A_392] : memref<8x125xi32, #tpu.memory_space<vmem>> -> memref<1x125xi32, #tpu.memory_space<vmem>>
        %dma_wait3A_394 = tpu.memref_squeeze %dma_wait3A_393 : memref<1x125xi32, #tpu.memory_space<vmem>> -> memref<125xi32, #tpu.memory_space<vmem>>
        %dma_wait3A_395 = arith.constant 0 : i32
        %dma_wait3A_396 = arith.constant 0 : i32
        %dma_wait3A_397 = tpu.memref_slice %arg9[%dma_wait3A_395, %dma_wait3A_396] : memref<50000x16xf32, #tpu.memory_space<vmem_shared>> -> memref<50000x16xf32, #tpu.memory_space<vmem_shared>>
        tpu.wait_indirect_dma semaphore(%run_scoped3A_379 : memref<!tpu.dma_semaphore, #tpu.memory_space<semaphore_mem>>) src(%dma_wait3A_391 : memref<125x16xf32, #tpu.memory_space<vmem>>) dst(%dma_wait3A_397 : memref<50000x16xf32, #tpu.memory_space<vmem_shared>>)
        tpu.yield
      }) : () -> ()
      %run_scoped3A_372 = arith.constant 2 : i32
      "tpu.region"() ({
        %run_scoped3A_379 = tpu.sem_alloc : memref<!tpu.dma_semaphore, #tpu.memory_space<semaphore_mem>>
        %dma_start3A_380 = arith.constant 250 : i32
        %dma_start3A_381 = arith.constant 0 : i32
        %dma_start3A_382 = tpu.memref_slice %arg7[%dma_start3A_380, %dma_start3A_381] : memref<1000x16xf32, #tpu.memory_space<vmem>> -> memref<125x16xf32, #tpu.memory_space<vmem>>
        %dma_start3A_383 = arith.constant 0 : i32
        %dma_start3A_384 = tpu.memref_slice %arg6[%run_scoped3A_372, %dma_start3A_383] : memref<8x125xi32, #tpu.memory_space<vmem>> -> memref<1x125xi32, #tpu.memory_space<vmem>>
        %dma_start3A_385 = tpu.memref_squeeze %dma_start3A_384 : memref<1x125xi32, #tpu.memory_space<vmem>> -> memref<125xi32, #tpu.memory_space<vmem>>
        %dma_start3A_386 = arith.constant 0 : i32
        %dma_start3A_387 = arith.constant 0 : i32
        %dma_start3A_388 = tpu.memref_slice %arg9[%dma_start3A_386, %dma_start3A_387] : memref<50000x16xf32, #tpu.memory_space<vmem_shared>> -> memref<50000x16xf32, #tpu.memory_space<vmem_shared>>
        tpu.enqueue_indirect_dma source(%dma_start3A_382 : memref<125x16xf32, #tpu.memory_space<vmem>>) target(%dma_start3A_388 : memref<50000x16xf32, #tpu.memory_space<vmem_shared>>) offsets(%dma_start3A_385 : memref<125xi32, #tpu.memory_space<vmem>>) semaphore(%run_scoped3A_379 : memref<!tpu.dma_semaphore, #tpu.memory_space<semaphore_mem>>) {add = true}
        %dma_wait3A_389 = arith.constant 250 : i32
        %dma_wait3A_390 = arith.constant 0 : i32
        %dma_wait3A_391 = tpu.memref_slice %arg7[%dma_wait3A_389, %dma_wait3A_390] : memref<1000x16xf32, #tpu.memory_space<vmem>> -> memref<125x16xf32, #tpu.memory_space<vmem>>
        %dma_wait3A_392 = arith.constant 0 : i32
        %dma_wait3A_393 = tpu.memref_slice %arg6[%run_scoped3A_372, %dma_wait3A_392] : memref<8x125xi32, #tpu.memory_space<vmem>> -> memref<1x125xi32, #tpu.memory_space<vmem>>
        %dma_wait3A_394 = tpu.memref_squeeze %dma_wait3A_393 : memref<1x125xi32, #tpu.memory_space<vmem>> -> memref<125xi32, #tpu.memory_space<vmem>>
        %dma_wait3A_395 = arith.constant 0 : i32
        %dma_wait3A_396 = arith.constant 0 : i32
        %dma_wait3A_397 = tpu.memref_slice %arg9[%dma_wait3A_395, %dma_wait3A_396] : memref<50000x16xf32, #tpu.memory_space<vmem_shared>> -> memref<50000x16xf32, #tpu.memory_space<vmem_shared>>
        tpu.wait_indirect_dma semaphore(%run_scoped3A_379 : memref<!tpu.dma_semaphore, #tpu.memory_space<semaphore_mem>>) src(%dma_wait3A_391 : memref<125x16xf32, #tpu.memory_space<vmem>>) dst(%dma_wait3A_397 : memref<50000x16xf32, #tpu.memory_space<vmem_shared>>)
        tpu.yield
      }) : () -> ()
      %run_scoped3A_373 = arith.constant 3 : i32
      "tpu.region"() ({
        %run_scoped3A_379 = tpu.sem_alloc : memref<!tpu.dma_semaphore, #tpu.memory_space<semaphore_mem>>
        %dma_start3A_380 = arith.constant 375 : i32
        %dma_start3A_381 = arith.constant 0 : i32
        %dma_start3A_382 = tpu.memref_slice %arg7[%dma_start3A_380, %dma_start3A_381] : memref<1000x16xf32, #tpu.memory_space<vmem>> -> memref<125x16xf32, #tpu.memory_space<vmem>>
        %dma_start3A_383 = arith.constant 0 : i32
        %dma_start3A_384 = tpu.memref_slice %arg6[%run_scoped3A_373, %dma_start3A_383] : memref<8x125xi32, #tpu.memory_space<vmem>> -> memref<1x125xi32, #tpu.memory_space<vmem>>
        %dma_start3A_385 = tpu.memref_squeeze %dma_start3A_384 : memref<1x125xi32, #tpu.memory_space<vmem>> -> memref<125xi32, #tpu.memory_space<vmem>>
        %dma_start3A_386 = arith.constant 0 : i32
        %dma_start3A_387 = arith.constant 0 : i32
        %dma_start3A_388 = tpu.memref_slice %arg9[%dma_start3A_386, %dma_start3A_387] : memref<50000x16xf32, #tpu.memory_space<vmem_shared>> -> memref<50000x16xf32, #tpu.memory_space<vmem_shared>>
        tpu.enqueue_indirect_dma source(%dma_start3A_382 : memref<125x16xf32, #tpu.memory_space<vmem>>) target(%dma_start3A_388 : memref<50000x16xf32, #tpu.memory_space<vmem_shared>>) offsets(%dma_start3A_385 : memref<125xi32, #tpu.memory_space<vmem>>) semaphore(%run_scoped3A_379 : memref<!tpu.dma_semaphore, #tpu.memory_space<semaphore_mem>>) {add = true}
        %dma_wait3A_389 = arith.constant 375 : i32
        %dma_wait3A_390 = arith.constant 0 : i32
        %dma_wait3A_391 = tpu.memref_slice %arg7[%dma_wait3A_389, %dma_wait3A_390] : memref<1000x16xf32, #tpu.memory_space<vmem>> -> memref<125x16xf32, #tpu.memory_space<vmem>>
        %dma_wait3A_392 = arith.constant 0 : i32
        %dma_wait3A_393 = tpu.memref_slice %arg6[%run_scoped3A_373, %dma_wait3A_392] : memref<8x125xi32, #tpu.memory_space<vmem>> -> memref<1x125xi32, #tpu.memory_space<vmem>>
        %dma_wait3A_394 = tpu.memref_squeeze %dma_wait3A_393 : memref<1x125xi32, #tpu.memory_space<vmem>> -> memref<125xi32, #tpu.memory_space<vmem>>
        %dma_wait3A_395 = arith.constant 0 : i32
        %dma_wait3A_396 = arith.constant 0 : i32
        %dma_wait3A_397 = tpu.memref_slice %arg9[%dma_wait3A_395, %dma_wait3A_396] : memref<50000x16xf32, #tpu.memory_space<vmem_shared>> -> memref<50000x16xf32, #tpu.memory_space<vmem_shared>>
        tpu.wait_indirect_dma semaphore(%run_scoped3A_379 : memref<!tpu.dma_semaphore, #tpu.memory_space<semaphore_mem>>) src(%dma_wait3A_391 : memref<125x16xf32, #tpu.memory_space<vmem>>) dst(%dma_wait3A_397 : memref<50000x16xf32, #tpu.memory_space<vmem_shared>>)
        tpu.yield
      }) : () -> ()
      %run_scoped3A_374 = arith.constant 4 : i32
      "tpu.region"() ({
        %run_scoped3A_379 = tpu.sem_alloc : memref<!tpu.dma_semaphore, #tpu.memory_space<semaphore_mem>>
        %dma_start3A_380 = arith.constant 500 : i32
        %dma_start3A_381 = arith.constant 0 : i32
        %dma_start3A_382 = tpu.memref_slice %arg7[%dma_start3A_380, %dma_start3A_381] : memref<1000x16xf32, #tpu.memory_space<vmem>> -> memref<125x16xf32, #tpu.memory_space<vmem>>
        %dma_start3A_383 = arith.constant 0 : i32
        %dma_start3A_384 = tpu.memref_slice %arg6[%run_scoped3A_374, %dma_start3A_383] : memref<8x125xi32, #tpu.memory_space<vmem>> -> memref<1x125xi32, #tpu.memory_space<vmem>>
        %dma_start3A_385 = tpu.memref_squeeze %dma_start3A_384 : memref<1x125xi32, #tpu.memory_space<vmem>> -> memref<125xi32, #tpu.memory_space<vmem>>
        %dma_start3A_386 = arith.constant 0 : i32
        %dma_start3A_387 = arith.constant 0 : i32
        %dma_start3A_388 = tpu.memref_slice %arg9[%dma_start3A_386, %dma_start3A_387] : memref<50000x16xf32, #tpu.memory_space<vmem_shared>> -> memref<50000x16xf32, #tpu.memory_space<vmem_shared>>
        tpu.enqueue_indirect_dma source(%dma_start3A_382 : memref<125x16xf32, #tpu.memory_space<vmem>>) target(%dma_start3A_388 : memref<50000x16xf32, #tpu.memory_space<vmem_shared>>) offsets(%dma_start3A_385 : memref<125xi32, #tpu.memory_space<vmem>>) semaphore(%run_scoped3A_379 : memref<!tpu.dma_semaphore, #tpu.memory_space<semaphore_mem>>) {add = true}
        %dma_wait3A_389 = arith.constant 500 : i32
        %dma_wait3A_390 = arith.constant 0 : i32
        %dma_wait3A_391 = tpu.memref_slice %arg7[%dma_wait3A_389, %dma_wait3A_390] : memref<1000x16xf32, #tpu.memory_space<vmem>> -> memref<125x16xf32, #tpu.memory_space<vmem>>
        %dma_wait3A_392 = arith.constant 0 : i32
        %dma_wait3A_393 = tpu.memref_slice %arg6[%run_scoped3A_374, %dma_wait3A_392] : memref<8x125xi32, #tpu.memory_space<vmem>> -> memref<1x125xi32, #tpu.memory_space<vmem>>
        %dma_wait3A_394 = tpu.memref_squeeze %dma_wait3A_393 : memref<1x125xi32, #tpu.memory_space<vmem>> -> memref<125xi32, #tpu.memory_space<vmem>>
        %dma_wait3A_395 = arith.constant 0 : i32
        %dma_wait3A_396 = arith.constant 0 : i32
        %dma_wait3A_397 = tpu.memref_slice %arg9[%dma_wait3A_395, %dma_wait3A_396] : memref<50000x16xf32, #tpu.memory_space<vmem_shared>> -> memref<50000x16xf32, #tpu.memory_space<vmem_shared>>
        tpu.wait_indirect_dma semaphore(%run_scoped3A_379 : memref<!tpu.dma_semaphore, #tpu.memory_space<semaphore_mem>>) src(%dma_wait3A_391 : memref<125x16xf32, #tpu.memory_space<vmem>>) dst(%dma_wait3A_397 : memref<50000x16xf32, #tpu.memory_space<vmem_shared>>)
        tpu.yield
      }) : () -> ()
      %run_scoped3A_375 = arith.constant 5 : i32
      "tpu.region"() ({
        %run_scoped3A_379 = tpu.sem_alloc : memref<!tpu.dma_semaphore, #tpu.memory_space<semaphore_mem>>
        %dma_start3A_380 = arith.constant 625 : i32
        %dma_start3A_381 = arith.constant 0 : i32
        %dma_start3A_382 = tpu.memref_slice %arg7[%dma_start3A_380, %dma_start3A_381] : memref<1000x16xf32, #tpu.memory_space<vmem>> -> memref<125x16xf32, #tpu.memory_space<vmem>>
        %dma_start3A_383 = arith.constant 0 : i32
        %dma_start3A_384 = tpu.memref_slice %arg6[%run_scoped3A_375, %dma_start3A_383] : memref<8x125xi32, #tpu.memory_space<vmem>> -> memref<1x125xi32, #tpu.memory_space<vmem>>
        %dma_start3A_385 = tpu.memref_squeeze %dma_start3A_384 : memref<1x125xi32, #tpu.memory_space<vmem>> -> memref<125xi32, #tpu.memory_space<vmem>>
        %dma_start3A_386 = arith.constant 0 : i32
        %dma_start3A_387 = arith.constant 0 : i32
        %dma_start3A_388 = tpu.memref_slice %arg9[%dma_start3A_386, %dma_start3A_387] : memref<50000x16xf32, #tpu.memory_space<vmem_shared>> -> memref<50000x16xf32, #tpu.memory_space<vmem_shared>>
        tpu.enqueue_indirect_dma source(%dma_start3A_382 : memref<125x16xf32, #tpu.memory_space<vmem>>) target(%dma_start3A_388 : memref<50000x16xf32, #tpu.memory_space<vmem_shared>>) offsets(%dma_start3A_385 : memref<125xi32, #tpu.memory_space<vmem>>) semaphore(%run_scoped3A_379 : memref<!tpu.dma_semaphore, #tpu.memory_space<semaphore_mem>>) {add = true}
        %dma_wait3A_389 = arith.constant 625 : i32
        %dma_wait3A_390 = arith.constant 0 : i32
        %dma_wait3A_391 = tpu.memref_slice %arg7[%dma_wait3A_389, %dma_wait3A_390] : memref<1000x16xf32, #tpu.memory_space<vmem>> -> memref<125x16xf32, #tpu.memory_space<vmem>>
        %dma_wait3A_392 = arith.constant 0 : i32
        %dma_wait3A_393 = tpu.memref_slice %arg6[%run_scoped3A_375, %dma_wait3A_392] : memref<8x125xi32, #tpu.memory_space<vmem>> -> memref<1x125xi32, #tpu.memory_space<vmem>>
        %dma_wait3A_394 = tpu.memref_squeeze %dma_wait3A_393 : memref<1x125xi32, #tpu.memory_space<vmem>> -> memref<125xi32, #tpu.memory_space<vmem>>
        %dma_wait3A_395 = arith.constant 0 : i32
        %dma_wait3A_396 = arith.constant 0 : i32
        %dma_wait3A_397 = tpu.memref_slice %arg9[%dma_wait3A_395, %dma_wait3A_396] : memref<50000x16xf32, #tpu.memory_space<vmem_shared>> -> memref<50000x16xf32, #tpu.memory_space<vmem_shared>>
        tpu.wait_indirect_dma semaphore(%run_scoped3A_379 : memref<!tpu.dma_semaphore, #tpu.memory_space<semaphore_mem>>) src(%dma_wait3A_391 : memref<125x16xf32, #tpu.memory_space<vmem>>) dst(%dma_wait3A_397 : memref<50000x16xf32, #tpu.memory_space<vmem_shared>>)
        tpu.yield
      }) : () -> ()
      %run_scoped3A_376 = arith.constant 6 : i32
      "tpu.region"() ({
        %run_scoped3A_379 = tpu.sem_alloc : memref<!tpu.dma_semaphore, #tpu.memory_space<semaphore_mem>>
        %dma_start3A_380 = arith.constant 750 : i32
        %dma_start3A_381 = arith.constant 0 : i32
        %dma_start3A_382 = tpu.memref_slice %arg7[%dma_start3A_380, %dma_start3A_381] : memref<1000x16xf32, #tpu.memory_space<vmem>> -> memref<125x16xf32, #tpu.memory_space<vmem>>
        %dma_start3A_383 = arith.constant 0 : i32
        %dma_start3A_384 = tpu.memref_slice %arg6[%run_scoped3A_376, %dma_start3A_383] : memref<8x125xi32, #tpu.memory_space<vmem>> -> memref<1x125xi32, #tpu.memory_space<vmem>>
        %dma_start3A_385 = tpu.memref_squeeze %dma_start3A_384 : memref<1x125xi32, #tpu.memory_space<vmem>> -> memref<125xi32, #tpu.memory_space<vmem>>
        %dma_start3A_386 = arith.constant 0 : i32
        %dma_start3A_387 = arith.constant 0 : i32
        %dma_start3A_388 = tpu.memref_slice %arg9[%dma_start3A_386, %dma_start3A_387] : memref<50000x16xf32, #tpu.memory_space<vmem_shared>> -> memref<50000x16xf32, #tpu.memory_space<vmem_shared>>
        tpu.enqueue_indirect_dma source(%dma_start3A_382 : memref<125x16xf32, #tpu.memory_space<vmem>>) target(%dma_start3A_388 : memref<50000x16xf32, #tpu.memory_space<vmem_shared>>) offsets(%dma_start3A_385 : memref<125xi32, #tpu.memory_space<vmem>>) semaphore(%run_scoped3A_379 : memref<!tpu.dma_semaphore, #tpu.memory_space<semaphore_mem>>) {add = true}
        %dma_wait3A_389 = arith.constant 750 : i32
        %dma_wait3A_390 = arith.constant 0 : i32
        %dma_wait3A_391 = tpu.memref_slice %arg7[%dma_wait3A_389, %dma_wait3A_390] : memref<1000x16xf32, #tpu.memory_space<vmem>> -> memref<125x16xf32, #tpu.memory_space<vmem>>
        %dma_wait3A_392 = arith.constant 0 : i32
        %dma_wait3A_393 = tpu.memref_slice %arg6[%run_scoped3A_376, %dma_wait3A_392] : memref<8x125xi32, #tpu.memory_space<vmem>> -> memref<1x125xi32, #tpu.memory_space<vmem>>
        %dma_wait3A_394 = tpu.memref_squeeze %dma_wait3A_393 : memref<1x125xi32, #tpu.memory_space<vmem>> -> memref<125xi32, #tpu.memory_space<vmem>>
        %dma_wait3A_395 = arith.constant 0 : i32
        %dma_wait3A_396 = arith.constant 0 : i32
        %dma_wait3A_397 = tpu.memref_slice %arg9[%dma_wait3A_395, %dma_wait3A_396] : memref<50000x16xf32, #tpu.memory_space<vmem_shared>> -> memref<50000x16xf32, #tpu.memory_space<vmem_shared>>
        tpu.wait_indirect_dma semaphore(%run_scoped3A_379 : memref<!tpu.dma_semaphore, #tpu.memory_space<semaphore_mem>>) src(%dma_wait3A_391 : memref<125x16xf32, #tpu.memory_space<vmem>>) dst(%dma_wait3A_397 : memref<50000x16xf32, #tpu.memory_space<vmem_shared>>)
        tpu.yield
      }) : () -> ()
      %run_scoped3A_377 = arith.constant 7 : i32
      "tpu.region"() ({
        %run_scoped3A_379 = tpu.sem_alloc : memref<!tpu.dma_semaphore, #tpu.memory_space<semaphore_mem>>
        %dma_start3A_380 = arith.constant 875 : i32
        %dma_start3A_381 = arith.constant 0 : i32
        %dma_start3A_382 = tpu.memref_slice %arg7[%dma_start3A_380, %dma_start3A_381] : memref<1000x16xf32, #tpu.memory_space<vmem>> -> memref<125x16xf32, #tpu.memory_space<vmem>>
        %dma_start3A_383 = arith.constant 0 : i32
        %dma_start3A_384 = tpu.memref_slice %arg6[%run_scoped3A_377, %dma_start3A_383] : memref<8x125xi32, #tpu.memory_space<vmem>> -> memref<1x125xi32, #tpu.memory_space<vmem>>
        %dma_start3A_385 = tpu.memref_squeeze %dma_start3A_384 : memref<1x125xi32, #tpu.memory_space<vmem>> -> memref<125xi32, #tpu.memory_space<vmem>>
        %dma_start3A_386 = arith.constant 0 : i32
        %dma_start3A_387 = arith.constant 0 : i32
        %dma_start3A_388 = tpu.memref_slice %arg9[%dma_start3A_386, %dma_start3A_387] : memref<50000x16xf32, #tpu.memory_space<vmem_shared>> -> memref<50000x16xf32, #tpu.memory_space<vmem_shared>>
        tpu.enqueue_indirect_dma source(%dma_start3A_382 : memref<125x16xf32, #tpu.memory_space<vmem>>) target(%dma_start3A_388 : memref<50000x16xf32, #tpu.memory_space<vmem_shared>>) offsets(%dma_start3A_385 : memref<125xi32, #tpu.memory_space<vmem>>) semaphore(%run_scoped3A_379 : memref<!tpu.dma_semaphore, #tpu.memory_space<semaphore_mem>>) {add = true}
        %dma_wait3A_389 = arith.constant 875 : i32
        %dma_wait3A_390 = arith.constant 0 : i32
        %dma_wait3A_391 = tpu.memref_slice %arg7[%dma_wait3A_389, %dma_wait3A_390] : memref<1000x16xf32, #tpu.memory_space<vmem>> -> memref<125x16xf32, #tpu.memory_space<vmem>>
        %dma_wait3A_392 = arith.constant 0 : i32
        %dma_wait3A_393 = tpu.memref_slice %arg6[%run_scoped3A_377, %dma_wait3A_392] : memref<8x125xi32, #tpu.memory_space<vmem>> -> memref<1x125xi32, #tpu.memory_space<vmem>>
        %dma_wait3A_394 = tpu.memref_squeeze %dma_wait3A_393 : memref<1x125xi32, #tpu.memory_space<vmem>> -> memref<125xi32, #tpu.memory_space<vmem>>
        %dma_wait3A_395 = arith.constant 0 : i32
        %dma_wait3A_396 = arith.constant 0 : i32
        %dma_wait3A_397 = tpu.memref_slice %arg9[%dma_wait3A_395, %dma_wait3A_396] : memref<50000x16xf32, #tpu.memory_space<vmem_shared>> -> memref<50000x16xf32, #tpu.memory_space<vmem_shared>>
        tpu.wait_indirect_dma semaphore(%run_scoped3A_379 : memref<!tpu.dma_semaphore, #tpu.memory_space<semaphore_mem>>) src(%dma_wait3A_391 : memref<125x16xf32, #tpu.memory_space<vmem>>) dst(%dma_wait3A_397 : memref<50000x16xf32, #tpu.memory_space<vmem_shared>>)
        tpu.yield
      }) : () -> ()
      %scan3A_378 = arith.constant 0 : i32
      scf.yield %scan3A_378 : i32
    }
    %scan3A_41 = arith.constant 50 : i32
    %barrier3A_42 = arith.constant 0 : index
    tpu.barrier barrier_id(%barrier3A_42)
    %add3A_43 = arith.constant 0 : i32
    %add3A_44 = arith.addi %add3A_43, %arg1 : i32
    %lt3A_45 = arith.constant 50 : i32
    %lt3A_46 = arith.cmpi slt, %add3A_44, %lt3A_45 : i32
    %convert_element_type3A_47 = arith.extui %lt3A_46 : i1 to i32
    %cond3A_48 = arith.constant 0 : i32
    %cond3A_49 = arith.cmpi ne, %convert_element_type3A_47, %cond3A_48 : i32
    scf.if %cond3A_49 {
      %mul3A_142 = arith.constant 1000 : i32
      %mul3A_143 = arith.muli %add3A_44, %mul3A_142 : i32
      %mul3A_144 = arith.constant 1000 : i32
      %mul3A_145 = arith.muli %add3A_44, %mul3A_144 : i32
      "tpu.region"() ({
        %run_scoped3A = tpu.sem_alloc : memref<!tpu.dma_semaphore, #tpu.memory_space<semaphore_mem>>
        %dma_start3A = arith.constant 0 : i32
        %dma_start3A_146 = tpu.memref_slice %arg4[%add3A_9, %mul3A_145, %dma_start3A] : memref<4x50000x16xf32, #tpu.memory_space<hbm>> -> memref<1x1000x16xf32, #tpu.memory_space<hbm>>
        %dma_start3A_147 = tpu.memref_squeeze %dma_start3A_146 : memref<1x1000x16xf32, #tpu.memory_space<hbm>> -> memref<1000x16xf32, #tpu.memory_space<hbm>>
        %dma_start3A_148 = arith.constant 0 : i32
        %dma_start3A_149 = tpu.memref_slice %arg9[%mul3A_143, %dma_start3A_148] : memref<50000x16xf32, #tpu.memory_space<vmem_shared>> -> memref<1000x16xf32, #tpu.memory_space<vmem_shared>>
        tpu.enqueue_dma source(%dma_start3A_149 : memref<1000x16xf32, #tpu.memory_space<vmem_shared>>) target(%dma_start3A_147 : memref<1000x16xf32, #tpu.memory_space<hbm>>) target_semaphore(%run_scoped3A : memref<!tpu.dma_semaphore, #tpu.memory_space<semaphore_mem>>)
        %dma_wait3A = arith.constant 0 : i32
        %dma_wait3A_150 = tpu.memref_slice %arg4[%add3A_9, %mul3A_145, %dma_wait3A] : memref<4x50000x16xf32, #tpu.memory_space<hbm>> -> memref<1x1000x16xf32, #tpu.memory_space<hbm>>
        %dma_wait3A_151 = tpu.memref_squeeze %dma_wait3A_150 : memref<1x1000x16xf32, #tpu.memory_space<hbm>> -> memref<1000x16xf32, #tpu.memory_space<hbm>>
        %dma_wait3A_152 = arith.constant 0 : i32
        %dma_wait3A_153 = tpu.memref_slice %arg9[%mul3A_143, %dma_wait3A_152] : memref<50000x16xf32, #tpu.memory_space<vmem_shared>> -> memref<1000x16xf32, #tpu.memory_space<vmem_shared>>
        tpu.wait_dma2 semaphore(%run_scoped3A : memref<!tpu.dma_semaphore, #tpu.memory_space<semaphore_mem>>) src(%dma_wait3A_153 : memref<1000x16xf32, #tpu.memory_space<vmem_shared>>) dst(%dma_wait3A_151 : memref<1000x16xf32, #tpu.memory_space<hbm>>)
        tpu.yield
      }) : () -> ()
    } else {
    }
    %add3A_50 = arith.constant 16 : i32
    %add3A_51 = arith.addi %add3A_50, %arg1 : i32
    %lt3A_52 = arith.constant 50 : i32
    %lt3A_53 = arith.cmpi slt, %add3A_51, %lt3A_52 : i32
    %convert_element_type3A_54 = arith.extui %lt3A_53 : i1 to i32
    %cond3A_55 = arith.constant 0 : i32
    %cond3A_56 = arith.cmpi ne, %convert_element_type3A_54, %cond3A_55 : i32
    scf.if %cond3A_56 {
      %mul3A_142 = arith.constant 1000 : i32
      %mul3A_143 = arith.muli %add3A_51, %mul3A_142 : i32
      %mul3A_144 = arith.constant 1000 : i32
      %mul3A_145 = arith.muli %add3A_51, %mul3A_144 : i32
      "tpu.region"() ({
        %run_scoped3A = tpu.sem_alloc : memref<!tpu.dma_semaphore, #tpu.memory_space<semaphore_mem>>
        %dma_start3A = arith.constant 0 : i32
        %dma_start3A_146 = tpu.memref_slice %arg4[%add3A_9, %mul3A_145, %dma_start3A] : memref<4x50000x16xf32, #tpu.memory_space<hbm>> -> memref<1x1000x16xf32, #tpu.memory_space<hbm>>
        %dma_start3A_147 = tpu.memref_squeeze %dma_start3A_146 : memref<1x1000x16xf32, #tpu.memory_space<hbm>> -> memref<1000x16xf32, #tpu.memory_space<hbm>>
        %dma_start3A_148 = arith.constant 0 : i32
        %dma_start3A_149 = tpu.memref_slice %arg9[%mul3A_143, %dma_start3A_148] : memref<50000x16xf32, #tpu.memory_space<vmem_shared>> -> memref<1000x16xf32, #tpu.memory_space<vmem_shared>>
        tpu.enqueue_dma source(%dma_start3A_149 : memref<1000x16xf32, #tpu.memory_space<vmem_shared>>) target(%dma_start3A_147 : memref<1000x16xf32, #tpu.memory_space<hbm>>) target_semaphore(%run_scoped3A : memref<!tpu.dma_semaphore, #tpu.memory_space<semaphore_mem>>)
        %dma_wait3A = arith.constant 0 : i32
        %dma_wait3A_150 = tpu.memref_slice %arg4[%add3A_9, %mul3A_145, %dma_wait3A] : memref<4x50000x16xf32, #tpu.memory_space<hbm>> -> memref<1x1000x16xf32, #tpu.memory_space<hbm>>
        %dma_wait3A_151 = tpu.memref_squeeze %dma_wait3A_150 : memref<1x1000x16xf32, #tpu.memory_space<hbm>> -> memref<1000x16xf32, #tpu.memory_space<hbm>>
        %dma_wait3A_152 = arith.constant 0 : i32
        %dma_wait3A_153 = tpu.memref_slice %arg9[%mul3A_143, %dma_wait3A_152] : memref<50000x16xf32, #tpu.memory_space<vmem_shared>> -> memref<1000x16xf32, #tpu.memory_space<vmem_shared>>
        tpu.wait_dma2 semaphore(%run_scoped3A : memref<!tpu.dma_semaphore, #tpu.memory_space<semaphore_mem>>) src(%dma_wait3A_153 : memref<1000x16xf32, #tpu.memory_space<vmem_shared>>) dst(%dma_wait3A_151 : memref<1000x16xf32, #tpu.memory_space<hbm>>)
        tpu.yield
      }) : () -> ()
    } else {
    }
    %add3A_57 = arith.constant 32 : i32
    %add3A_58 = arith.addi %add3A_57, %arg1 : i32
    %lt3A_59 = arith.constant 50 : i32
    %lt3A_60 = arith.cmpi slt, %add3A_58, %lt3A_59 : i32
    %convert_element_type3A_61 = arith.extui %lt3A_60 : i1 to i32
    %cond3A_62 = arith.constant 0 : i32
    %cond3A_63 = arith.cmpi ne, %convert_element_type3A_61, %cond3A_62 : i32
    scf.if %cond3A_63 {
      %mul3A_142 = arith.constant 1000 : i32
      %mul3A_143 = arith.muli %add3A_58, %mul3A_142 : i32
      %mul3A_144 = arith.constant 1000 : i32
      %mul3A_145 = arith.muli %add3A_58, %mul3A_144 : i32
      "tpu.region"() ({
        %run_scoped3A = tpu.sem_alloc : memref<!tpu.dma_semaphore, #tpu.memory_space<semaphore_mem>>
        %dma_start3A = arith.constant 0 : i32
        %dma_start3A_146 = tpu.memref_slice %arg4[%add3A_9, %mul3A_145, %dma_start3A] : memref<4x50000x16xf32, #tpu.memory_space<hbm>> -> memref<1x1000x16xf32, #tpu.memory_space<hbm>>
        %dma_start3A_147 = tpu.memref_squeeze %dma_start3A_146 : memref<1x1000x16xf32, #tpu.memory_space<hbm>> -> memref<1000x16xf32, #tpu.memory_space<hbm>>
        %dma_start3A_148 = arith.constant 0 : i32
        %dma_start3A_149 = tpu.memref_slice %arg9[%mul3A_143, %dma_start3A_148] : memref<50000x16xf32, #tpu.memory_space<vmem_shared>> -> memref<1000x16xf32, #tpu.memory_space<vmem_shared>>
        tpu.enqueue_dma source(%dma_start3A_149 : memref<1000x16xf32, #tpu.memory_space<vmem_shared>>) target(%dma_start3A_147 : memref<1000x16xf32, #tpu.memory_space<hbm>>) target_semaphore(%run_scoped3A : memref<!tpu.dma_semaphore, #tpu.memory_space<semaphore_mem>>)
        %dma_wait3A = arith.constant 0 : i32
        %dma_wait3A_150 = tpu.memref_slice %arg4[%add3A_9, %mul3A_145, %dma_wait3A] : memref<4x50000x16xf32, #tpu.memory_space<hbm>> -> memref<1x1000x16xf32, #tpu.memory_space<hbm>>
        %dma_wait3A_151 = tpu.memref_squeeze %dma_wait3A_150 : memref<1x1000x16xf32, #tpu.memory_space<hbm>> -> memref<1000x16xf32, #tpu.memory_space<hbm>>
        %dma_wait3A_152 = arith.constant 0 : i32
        %dma_wait3A_153 = tpu.memref_slice %arg9[%mul3A_143, %dma_wait3A_152] : memref<50000x16xf32, #tpu.memory_space<vmem_shared>> -> memref<1000x16xf32, #tpu.memory_space<vmem_shared>>
        tpu.wait_dma2 semaphore(%run_scoped3A : memref<!tpu.dma_semaphore, #tpu.memory_space<semaphore_mem>>) src(%dma_wait3A_153 : memref<1000x16xf32, #tpu.memory_space<vmem_shared>>) dst(%dma_wait3A_151 : memref<1000x16xf32, #tpu.memory_space<hbm>>)
        tpu.yield
      }) : () -> ()
    } else {
    }
    %add3A_64 = arith.constant 48 : i32
    %add3A_65 = arith.addi %add3A_64, %arg1 : i32
    %lt3A_66 = arith.constant 50 : i32
    %lt3A_67 = arith.cmpi slt, %add3A_65, %lt3A_66 : i32
    %convert_element_type3A_68 = arith.extui %lt3A_67 : i1 to i32
    %cond3A_69 = arith.constant 0 : i32
    %cond3A_70 = arith.cmpi ne, %convert_element_type3A_68, %cond3A_69 : i32
    scf.if %cond3A_70 {
      %mul3A_142 = arith.constant 1000 : i32
      %mul3A_143 = arith.muli %add3A_65, %mul3A_142 : i32
      %mul3A_144 = arith.constant 1000 : i32
      %mul3A_145 = arith.muli %add3A_65, %mul3A_144 : i32
      "tpu.region"() ({
        %run_scoped3A = tpu.sem_alloc : memref<!tpu.dma_semaphore, #tpu.memory_space<semaphore_mem>>
        %dma_start3A = arith.constant 0 : i32
        %dma_start3A_146 = tpu.memref_slice %arg4[%add3A_9, %mul3A_145, %dma_start3A] : memref<4x50000x16xf32, #tpu.memory_space<hbm>> -> memref<1x1000x16xf32, #tpu.memory_space<hbm>>
        %dma_start3A_147 = tpu.memref_squeeze %dma_start3A_146 : memref<1x1000x16xf32, #tpu.memory_space<hbm>> -> memref<1000x16xf32, #tpu.memory_space<hbm>>
        %dma_start3A_148 = arith.constant 0 : i32
        %dma_start3A_149 = tpu.memref_slice %arg9[%mul3A_143, %dma_start3A_148] : memref<50000x16xf32, #tpu.memory_space<vmem_shared>> -> memref<1000x16xf32, #tpu.memory_space<vmem_shared>>
        tpu.enqueue_dma source(%dma_start3A_149 : memref<1000x16xf32, #tpu.memory_space<vmem_shared>>) target(%dma_start3A_147 : memref<1000x16xf32, #tpu.memory_space<hbm>>) target_semaphore(%run_scoped3A : memref<!tpu.dma_semaphore, #tpu.memory_space<semaphore_mem>>)
        %dma_wait3A = arith.constant 0 : i32
        %dma_wait3A_150 = tpu.memref_slice %arg4[%add3A_9, %mul3A_145, %dma_wait3A] : memref<4x50000x16xf32, #tpu.memory_space<hbm>> -> memref<1x1000x16xf32, #tpu.memory_space<hbm>>
        %dma_wait3A_151 = tpu.memref_squeeze %dma_wait3A_150 : memref<1x1000x16xf32, #tpu.memory_space<hbm>> -> memref<1000x16xf32, #tpu.memory_space<hbm>>
        %dma_wait3A_152 = arith.constant 0 : i32
        %dma_wait3A_153 = tpu.memref_slice %arg9[%mul3A_143, %dma_wait3A_152] : memref<50000x16xf32, #tpu.memory_space<vmem_shared>> -> memref<1000x16xf32, #tpu.memory_space<vmem_shared>>
        tpu.wait_dma2 semaphore(%run_scoped3A : memref<!tpu.dma_semaphore, #tpu.memory_space<semaphore_mem>>) src(%dma_wait3A_153 : memref<1000x16xf32, #tpu.memory_space<vmem_shared>>) dst(%dma_wait3A_151 : memref<1000x16xf32, #tpu.memory_space<hbm>>)
        tpu.yield
      }) : () -> ()
    } else {
    }
    %barrier3A_71 = arith.constant 0 : index
    tpu.barrier barrier_id(%barrier3A_71)
    %mul3A_72 = arith.constant 2 : i32
    %mul3A_73 = arith.muli %mul3A_72, %arg0 : i32
    %add3A_74 = arith.constant 1 : i32
    %add3A_75 = arith.addi %mul3A_73, %add3A_74 : i32
    %add3A_76 = arith.constant 0 : i32
    %add3A_77 = arith.addi %add3A_76, %arg1 : i32
    %lt3A_78 = arith.constant 50 : i32
    %lt3A_79 = arith.cmpi slt, %add3A_77, %lt3A_78 : i32
    %convert_element_type3A_80 = arith.extui %lt3A_79 : i1 to i32
    %cond3A_81 = arith.constant 0 : i32
    %cond3A_82 = arith.cmpi ne, %convert_element_type3A_80, %cond3A_81 : i32
    scf.if %cond3A_82 {
      %mul3A_142 = arith.constant 1000 : i32
      %mul3A_143 = arith.muli %add3A_77, %mul3A_142 : i32
      "tpu.region"() ({
        %run_scoped3A = tpu.sem_alloc : memref<!tpu.dma_semaphore, #tpu.memory_space<semaphore_mem>>
        %dma_start3A = arith.constant 0 : i32
        %dma_start3A_144 = tpu.memref_slice %arg9[%mul3A_143, %dma_start3A] : memref<50000x16xf32, #tpu.memory_space<vmem_shared>> -> memref<1000x16xf32, #tpu.memory_space<vmem_shared>>
        %dma_start3A_145 = arith.constant 0 : i32
        %dma_start3A_146 = tpu.memref_slice %arg9[%mul3A_143, %dma_start3A_145] : memref<50000x16xf32, #tpu.memory_space<vmem_shared>> -> memref<1000x16xf32, #tpu.memory_space<vmem_shared>>
        tpu.enqueue_dma source(%arg8 : memref<1000x16xf32, #tpu.memory_space<vmem>>) target(%dma_start3A_146 : memref<1000x16xf32, #tpu.memory_space<vmem_shared>>) target_semaphore(%run_scoped3A : memref<!tpu.dma_semaphore, #tpu.memory_space<semaphore_mem>>)
        %dma_wait3A = arith.constant 0 : i32
        %dma_wait3A_147 = tpu.memref_slice %arg9[%mul3A_143, %dma_wait3A] : memref<50000x16xf32, #tpu.memory_space<vmem_shared>> -> memref<1000x16xf32, #tpu.memory_space<vmem_shared>>
        %dma_wait3A_148 = arith.constant 0 : i32
        %dma_wait3A_149 = tpu.memref_slice %arg9[%mul3A_143, %dma_wait3A_148] : memref<50000x16xf32, #tpu.memory_space<vmem_shared>> -> memref<1000x16xf32, #tpu.memory_space<vmem_shared>>
        tpu.wait_dma2 semaphore(%run_scoped3A : memref<!tpu.dma_semaphore, #tpu.memory_space<semaphore_mem>>) src(%arg8 : memref<1000x16xf32, #tpu.memory_space<vmem>>) dst(%dma_wait3A_149 : memref<1000x16xf32, #tpu.memory_space<vmem_shared>>)
        tpu.yield
      }) : () -> ()
    } else {
    }
    %add3A_83 = arith.constant 16 : i32
    %add3A_84 = arith.addi %add3A_83, %arg1 : i32
    %lt3A_85 = arith.constant 50 : i32
    %lt3A_86 = arith.cmpi slt, %add3A_84, %lt3A_85 : i32
    %convert_element_type3A_87 = arith.extui %lt3A_86 : i1 to i32
    %cond3A_88 = arith.constant 0 : i32
    %cond3A_89 = arith.cmpi ne, %convert_element_type3A_87, %cond3A_88 : i32
    scf.if %cond3A_89 {
      %mul3A_142 = arith.constant 1000 : i32
      %mul3A_143 = arith.muli %add3A_84, %mul3A_142 : i32
      "tpu.region"() ({
        %run_scoped3A = tpu.sem_alloc : memref<!tpu.dma_semaphore, #tpu.memory_space<semaphore_mem>>
        %dma_start3A = arith.constant 0 : i32
        %dma_start3A_144 = tpu.memref_slice %arg9[%mul3A_143, %dma_start3A] : memref<50000x16xf32, #tpu.memory_space<vmem_shared>> -> memref<1000x16xf32, #tpu.memory_space<vmem_shared>>
        %dma_start3A_145 = arith.constant 0 : i32
        %dma_start3A_146 = tpu.memref_slice %arg9[%mul3A_143, %dma_start3A_145] : memref<50000x16xf32, #tpu.memory_space<vmem_shared>> -> memref<1000x16xf32, #tpu.memory_space<vmem_shared>>
        tpu.enqueue_dma source(%arg8 : memref<1000x16xf32, #tpu.memory_space<vmem>>) target(%dma_start3A_146 : memref<1000x16xf32, #tpu.memory_space<vmem_shared>>) target_semaphore(%run_scoped3A : memref<!tpu.dma_semaphore, #tpu.memory_space<semaphore_mem>>)
        %dma_wait3A = arith.constant 0 : i32
        %dma_wait3A_147 = tpu.memref_slice %arg9[%mul3A_143, %dma_wait3A] : memref<50000x16xf32, #tpu.memory_space<vmem_shared>> -> memref<1000x16xf32, #tpu.memory_space<vmem_shared>>
        %dma_wait3A_148 = arith.constant 0 : i32
        %dma_wait3A_149 = tpu.memref_slice %arg9[%mul3A_143, %dma_wait3A_148] : memref<50000x16xf32, #tpu.memory_space<vmem_shared>> -> memref<1000x16xf32, #tpu.memory_space<vmem_shared>>
        tpu.wait_dma2 semaphore(%run_scoped3A : memref<!tpu.dma_semaphore, #tpu.memory_space<semaphore_mem>>) src(%arg8 : memref<1000x16xf32, #tpu.memory_space<vmem>>) dst(%dma_wait3A_149 : memref<1000x16xf32, #tpu.memory_space<vmem_shared>>)
        tpu.yield
      }) : () -> ()
    } else {
    }
    %add3A_90 = arith.constant 32 : i32
    %add3A_91 = arith.addi %add3A_90, %arg1 : i32
    %lt3A_92 = arith.constant 50 : i32
    %lt3A_93 = arith.cmpi slt, %add3A_91, %lt3A_92 : i32
    %convert_element_type3A_94 = arith.extui %lt3A_93 : i1 to i32
    %cond3A_95 = arith.constant 0 : i32
    %cond3A_96 = arith.cmpi ne, %convert_element_type3A_94, %cond3A_95 : i32
    scf.if %cond3A_96 {
      %mul3A_142 = arith.constant 1000 : i32
      %mul3A_143 = arith.muli %add3A_91, %mul3A_142 : i32
      "tpu.region"() ({
        %run_scoped3A = tpu.sem_alloc : memref<!tpu.dma_semaphore, #tpu.memory_space<semaphore_mem>>
        %dma_start3A = arith.constant 0 : i32
        %dma_start3A_144 = tpu.memref_slice %arg9[%mul3A_143, %dma_start3A] : memref<50000x16xf32, #tpu.memory_space<vmem_shared>> -> memref<1000x16xf32, #tpu.memory_space<vmem_shared>>
        %dma_start3A_145 = arith.constant 0 : i32
        %dma_start3A_146 = tpu.memref_slice %arg9[%mul3A_143, %dma_start3A_145] : memref<50000x16xf32, #tpu.memory_space<vmem_shared>> -> memref<1000x16xf32, #tpu.memory_space<vmem_shared>>
        tpu.enqueue_dma source(%arg8 : memref<1000x16xf32, #tpu.memory_space<vmem>>) target(%dma_start3A_146 : memref<1000x16xf32, #tpu.memory_space<vmem_shared>>) target_semaphore(%run_scoped3A : memref<!tpu.dma_semaphore, #tpu.memory_space<semaphore_mem>>)
        %dma_wait3A = arith.constant 0 : i32
        %dma_wait3A_147 = tpu.memref_slice %arg9[%mul3A_143, %dma_wait3A] : memref<50000x16xf32, #tpu.memory_space<vmem_shared>> -> memref<1000x16xf32, #tpu.memory_space<vmem_shared>>
        %dma_wait3A_148 = arith.constant 0 : i32
        %dma_wait3A_149 = tpu.memref_slice %arg9[%mul3A_143, %dma_wait3A_148] : memref<50000x16xf32, #tpu.memory_space<vmem_shared>> -> memref<1000x16xf32, #tpu.memory_space<vmem_shared>>
        tpu.wait_dma2 semaphore(%run_scoped3A : memref<!tpu.dma_semaphore, #tpu.memory_space<semaphore_mem>>) src(%arg8 : memref<1000x16xf32, #tpu.memory_space<vmem>>) dst(%dma_wait3A_149 : memref<1000x16xf32, #tpu.memory_space<vmem_shared>>)
        tpu.yield
      }) : () -> ()
    } else {
    }
    %add3A_97 = arith.constant 48 : i32
    %add3A_98 = arith.addi %add3A_97, %arg1 : i32
    %lt3A_99 = arith.constant 50 : i32
    %lt3A_100 = arith.cmpi slt, %add3A_98, %lt3A_99 : i32
    %convert_element_type3A_101 = arith.extui %lt3A_100 : i1 to i32
    %cond3A_102 = arith.constant 0 : i32
    %cond3A_103 = arith.cmpi ne, %convert_element_type3A_101, %cond3A_102 : i32
    scf.if %cond3A_103 {
      %mul3A_142 = arith.constant 1000 : i32
      %mul3A_143 = arith.muli %add3A_98, %mul3A_142 : i32
      "tpu.region"() ({
        %run_scoped3A = tpu.sem_alloc : memref<!tpu.dma_semaphore, #tpu.memory_space<semaphore_mem>>
        %dma_start3A = arith.constant 0 : i32
        %dma_start3A_144 = tpu.memref_slice %arg9[%mul3A_143, %dma_start3A] : memref<50000x16xf32, #tpu.memory_space<vmem_shared>> -> memref<1000x16xf32, #tpu.memory_space<vmem_shared>>
        %dma_start3A_145 = arith.constant 0 : i32
        %dma_start3A_146 = tpu.memref_slice %arg9[%mul3A_143, %dma_start3A_145] : memref<50000x16xf32, #tpu.memory_space<vmem_shared>> -> memref<1000x16xf32, #tpu.memory_space<vmem_shared>>
        tpu.enqueue_dma source(%arg8 : memref<1000x16xf32, #tpu.memory_space<vmem>>) target(%dma_start3A_146 : memref<1000x16xf32, #tpu.memory_space<vmem_shared>>) target_semaphore(%run_scoped3A : memref<!tpu.dma_semaphore, #tpu.memory_space<semaphore_mem>>)
        %dma_wait3A = arith.constant 0 : i32
        %dma_wait3A_147 = tpu.memref_slice %arg9[%mul3A_143, %dma_wait3A] : memref<50000x16xf32, #tpu.memory_space<vmem_shared>> -> memref<1000x16xf32, #tpu.memory_space<vmem_shared>>
        %dma_wait3A_148 = arith.constant 0 : i32
        %dma_wait3A_149 = tpu.memref_slice %arg9[%mul3A_143, %dma_wait3A_148] : memref<50000x16xf32, #tpu.memory_space<vmem_shared>> -> memref<1000x16xf32, #tpu.memory_space<vmem_shared>>
        tpu.wait_dma2 semaphore(%run_scoped3A : memref<!tpu.dma_semaphore, #tpu.memory_space<semaphore_mem>>) src(%arg8 : memref<1000x16xf32, #tpu.memory_space<vmem>>) dst(%dma_wait3A_149 : memref<1000x16xf32, #tpu.memory_space<vmem_shared>>)
        tpu.yield
      }) : () -> ()
    } else {
    }
    %barrier3A_104 = arith.constant 0 : index
    tpu.barrier barrier_id(%barrier3A_104)
    %scan3A_105 = arith.constant 0 : i32
    %scan3A_106 = arith.constant 0 : i32
    %scan3A_107 = arith.constant 50 : i32
    %scan3A_108 = arith.addi %scan3A_106, %scan3A_107 : i32
    %scan3A_109 = arith.constant 1 : i32
    %scan3A_110 = scf.for %scan3A_142 = %scan3A_106 to %scan3A_108 step %scan3A_109 iter_args(%scan3A_143 = %scan3A_105) -> (i32)  : i32 {
      %mul3A_144 = arith.constant 8 : i32
      %mul3A_145 = arith.muli %scan3A_142, %mul3A_144 : i32
      %add3A_146 = arith.addi %mul3A_0, %mul3A_145 : i32
      %run_scoped3A = arith.constant 0 : i32
      "tpu.region"() ({
        %run_scoped3A_379 = tpu.sem_alloc : memref<!tpu.dma_semaphore, #tpu.memory_space<semaphore_mem>>
        %dma_start3A_380 = arith.constant 0 : i32
        %dma_start3A_381 = tpu.memref_slice %arg2[%run_scoped3A, %add3A_146, %dma_start3A_380] : memref<2x6400x125xi32, #tpu.memory_space<hbm>> -> memref<1x8x125xi32, #tpu.memory_space<hbm>>
        %dma_start3A_382 = tpu.memref_squeeze %dma_start3A_381 : memref<1x8x125xi32, #tpu.memory_space<hbm>> -> memref<8x125xi32, #tpu.memory_space<hbm>>
        %dma_start3A_383 = arith.constant 0 : i32
        %dma_start3A_384 = tpu.memref_slice %arg2[%run_scoped3A, %add3A_146, %dma_start3A_383] : memref<2x6400x125xi32, #tpu.memory_space<hbm>> -> memref<1x8x125xi32, #tpu.memory_space<hbm>>
        %dma_start3A_385 = tpu.memref_squeeze %dma_start3A_384 : memref<1x8x125xi32, #tpu.memory_space<hbm>> -> memref<8x125xi32, #tpu.memory_space<hbm>>
        tpu.enqueue_dma source(%dma_start3A_385 : memref<8x125xi32, #tpu.memory_space<hbm>>) target(%arg5 : memref<8x125xi32, #tpu.memory_space<vmem>>) target_semaphore(%run_scoped3A_379 : memref<!tpu.dma_semaphore, #tpu.memory_space<semaphore_mem>>)
        %dma_wait3A_386 = arith.constant 0 : i32
        %dma_wait3A_387 = tpu.memref_slice %arg2[%run_scoped3A, %add3A_146, %dma_wait3A_386] : memref<2x6400x125xi32, #tpu.memory_space<hbm>> -> memref<1x8x125xi32, #tpu.memory_space<hbm>>
        %dma_wait3A_388 = tpu.memref_squeeze %dma_wait3A_387 : memref<1x8x125xi32, #tpu.memory_space<hbm>> -> memref<8x125xi32, #tpu.memory_space<hbm>>
        %dma_wait3A_389 = arith.constant 0 : i32
        %dma_wait3A_390 = tpu.memref_slice %arg2[%run_scoped3A, %add3A_146, %dma_wait3A_389] : memref<2x6400x125xi32, #tpu.memory_space<hbm>> -> memref<1x8x125xi32, #tpu.memory_space<hbm>>
        %dma_wait3A_391 = tpu.memref_squeeze %dma_wait3A_390 : memref<1x8x125xi32, #tpu.memory_space<hbm>> -> memref<8x125xi32, #tpu.memory_space<hbm>>
        tpu.wait_dma2 semaphore(%run_scoped3A_379 : memref<!tpu.dma_semaphore, #tpu.memory_space<semaphore_mem>>) src(%dma_wait3A_391 : memref<8x125xi32, #tpu.memory_space<hbm>>) dst(%arg5 : memref<8x125xi32, #tpu.memory_space<vmem>>)
        tpu.yield
      }) : () -> ()
      %run_scoped3A_147 = arith.constant 1 : i32
      "tpu.region"() ({
        %run_scoped3A_379 = tpu.sem_alloc : memref<!tpu.dma_semaphore, #tpu.memory_space<semaphore_mem>>
        %dma_start3A_380 = arith.constant 0 : i32
        %dma_start3A_381 = tpu.memref_slice %arg2[%run_scoped3A_147, %add3A_146, %dma_start3A_380] : memref<2x6400x125xi32, #tpu.memory_space<hbm>> -> memref<1x8x125xi32, #tpu.memory_space<hbm>>
        %dma_start3A_382 = tpu.memref_squeeze %dma_start3A_381 : memref<1x8x125xi32, #tpu.memory_space<hbm>> -> memref<8x125xi32, #tpu.memory_space<hbm>>
        %dma_start3A_383 = arith.constant 0 : i32
        %dma_start3A_384 = tpu.memref_slice %arg2[%run_scoped3A_147, %add3A_146, %dma_start3A_383] : memref<2x6400x125xi32, #tpu.memory_space<hbm>> -> memref<1x8x125xi32, #tpu.memory_space<hbm>>
        %dma_start3A_385 = tpu.memref_squeeze %dma_start3A_384 : memref<1x8x125xi32, #tpu.memory_space<hbm>> -> memref<8x125xi32, #tpu.memory_space<hbm>>
        tpu.enqueue_dma source(%dma_start3A_385 : memref<8x125xi32, #tpu.memory_space<hbm>>) target(%arg6 : memref<8x125xi32, #tpu.memory_space<vmem>>) target_semaphore(%run_scoped3A_379 : memref<!tpu.dma_semaphore, #tpu.memory_space<semaphore_mem>>)
        %dma_wait3A_386 = arith.constant 0 : i32
        %dma_wait3A_387 = tpu.memref_slice %arg2[%run_scoped3A_147, %add3A_146, %dma_wait3A_386] : memref<2x6400x125xi32, #tpu.memory_space<hbm>> -> memref<1x8x125xi32, #tpu.memory_space<hbm>>
        %dma_wait3A_388 = tpu.memref_squeeze %dma_wait3A_387 : memref<1x8x125xi32, #tpu.memory_space<hbm>> -> memref<8x125xi32, #tpu.memory_space<hbm>>
        %dma_wait3A_389 = arith.constant 0 : i32
        %dma_wait3A_390 = tpu.memref_slice %arg2[%run_scoped3A_147, %add3A_146, %dma_wait3A_389] : memref<2x6400x125xi32, #tpu.memory_space<hbm>> -> memref<1x8x125xi32, #tpu.memory_space<hbm>>
        %dma_wait3A_391 = tpu.memref_squeeze %dma_wait3A_390 : memref<1x8x125xi32, #tpu.memory_space<hbm>> -> memref<8x125xi32, #tpu.memory_space<hbm>>
        tpu.wait_dma2 semaphore(%run_scoped3A_379 : memref<!tpu.dma_semaphore, #tpu.memory_space<semaphore_mem>>) src(%dma_wait3A_391 : memref<8x125xi32, #tpu.memory_space<hbm>>) dst(%arg6 : memref<8x125xi32, #tpu.memory_space<vmem>>)
        tpu.yield
      }) : () -> ()
      %dma_start3A = arith.constant 0 : i32
      %dma_start3A_148 = arith.constant 0 : i32
      %dma_start3A_149 = arith.constant 0 : i32
      %dma_start3A_150 = tpu.memref_slice %arg7[%dma_start3A_148, %dma_start3A_149] : memref<1000x16xf32, #tpu.memory_space<vmem>> -> memref<125x16xf32, #tpu.memory_space<vmem>>
      %dma_start3A_151 = arith.constant 0 : i32
      %dma_start3A_152 = tpu.memref_slice %arg5[%dma_start3A, %dma_start3A_151] : memref<8x125xi32, #tpu.memory_space<vmem>> -> memref<1x125xi32, #tpu.memory_space<vmem>>
      %dma_start3A_153 = tpu.memref_squeeze %dma_start3A_152 : memref<1x125xi32, #tpu.memory_space<vmem>> -> memref<125xi32, #tpu.memory_space<vmem>>
      %dma_start3A_154 = arith.constant 0 : i32
      %dma_start3A_155 = arith.constant 0 : i32
      %dma_start3A_156 = tpu.memref_slice %arg3[%add3A_75, %dma_start3A_154, %dma_start3A_155] : memref<4x50000x16xf32, #tpu.memory_space<hbm>> -> memref<1x50000x16xf32, #tpu.memory_space<hbm>>
      %dma_start3A_157 = tpu.memref_squeeze %dma_start3A_156 : memref<1x50000x16xf32, #tpu.memory_space<hbm>> -> memref<50000x16xf32, #tpu.memory_space<hbm>>
      %dma_start3A_158 = arith.constant 0 : i32
      %dma_start3A_159 = arith.constant 0 : i32
      %dma_start3A_160 = tpu.memref_slice %dma_start3A_157[%dma_start3A_158, %dma_start3A_159] : memref<50000x16xf32, #tpu.memory_space<hbm>> -> memref<50000x16xf32, #tpu.memory_space<hbm>>
      tpu.enqueue_indirect_dma source(%dma_start3A_160 : memref<50000x16xf32, #tpu.memory_space<hbm>>) target(%dma_start3A_150 : memref<125x16xf32, #tpu.memory_space<vmem>>) offsets(%dma_start3A_153 : memref<125xi32, #tpu.memory_space<vmem>>) semaphore(%arg10 : memref<!tpu.dma_semaphore, #tpu.memory_space<semaphore_mem>>)
      %dma_start3A_161 = arith.constant 1 : i32
      %dma_start3A_162 = arith.constant 125 : i32
      %dma_start3A_163 = arith.constant 0 : i32
      %dma_start3A_164 = tpu.memref_slice %arg7[%dma_start3A_162, %dma_start3A_163] : memref<1000x16xf32, #tpu.memory_space<vmem>> -> memref<125x16xf32, #tpu.memory_space<vmem>>
      %dma_start3A_165 = arith.constant 0 : i32
      %dma_start3A_166 = tpu.memref_slice %arg5[%dma_start3A_161, %dma_start3A_165] : memref<8x125xi32, #tpu.memory_space<vmem>> -> memref<1x125xi32, #tpu.memory_space<vmem>>
      %dma_start3A_167 = tpu.memref_squeeze %dma_start3A_166 : memref<1x125xi32, #tpu.memory_space<vmem>> -> memref<125xi32, #tpu.memory_space<vmem>>
      %dma_start3A_168 = arith.constant 0 : i32
      %dma_start3A_169 = arith.constant 0 : i32
      %dma_start3A_170 = tpu.memref_slice %arg3[%add3A_75, %dma_start3A_168, %dma_start3A_169] : memref<4x50000x16xf32, #tpu.memory_space<hbm>> -> memref<1x50000x16xf32, #tpu.memory_space<hbm>>
      %dma_start3A_171 = tpu.memref_squeeze %dma_start3A_170 : memref<1x50000x16xf32, #tpu.memory_space<hbm>> -> memref<50000x16xf32, #tpu.memory_space<hbm>>
      %dma_start3A_172 = arith.constant 0 : i32
      %dma_start3A_173 = arith.constant 0 : i32
      %dma_start3A_174 = tpu.memref_slice %dma_start3A_171[%dma_start3A_172, %dma_start3A_173] : memref<50000x16xf32, #tpu.memory_space<hbm>> -> memref<50000x16xf32, #tpu.memory_space<hbm>>
      tpu.enqueue_indirect_dma source(%dma_start3A_174 : memref<50000x16xf32, #tpu.memory_space<hbm>>) target(%dma_start3A_164 : memref<125x16xf32, #tpu.memory_space<vmem>>) offsets(%dma_start3A_167 : memref<125xi32, #tpu.memory_space<vmem>>) semaphore(%arg10 : memref<!tpu.dma_semaphore, #tpu.memory_space<semaphore_mem>>)
      %dma_start3A_175 = arith.constant 2 : i32
      %dma_start3A_176 = arith.constant 250 : i32
      %dma_start3A_177 = arith.constant 0 : i32
      %dma_start3A_178 = tpu.memref_slice %arg7[%dma_start3A_176, %dma_start3A_177] : memref<1000x16xf32, #tpu.memory_space<vmem>> -> memref<125x16xf32, #tpu.memory_space<vmem>>
      %dma_start3A_179 = arith.constant 0 : i32
      %dma_start3A_180 = tpu.memref_slice %arg5[%dma_start3A_175, %dma_start3A_179] : memref<8x125xi32, #tpu.memory_space<vmem>> -> memref<1x125xi32, #tpu.memory_space<vmem>>
      %dma_start3A_181 = tpu.memref_squeeze %dma_start3A_180 : memref<1x125xi32, #tpu.memory_space<vmem>> -> memref<125xi32, #tpu.memory_space<vmem>>
      %dma_start3A_182 = arith.constant 0 : i32
      %dma_start3A_183 = arith.constant 0 : i32
      %dma_start3A_184 = tpu.memref_slice %arg3[%add3A_75, %dma_start3A_182, %dma_start3A_183] : memref<4x50000x16xf32, #tpu.memory_space<hbm>> -> memref<1x50000x16xf32, #tpu.memory_space<hbm>>
      %dma_start3A_185 = tpu.memref_squeeze %dma_start3A_184 : memref<1x50000x16xf32, #tpu.memory_space<hbm>> -> memref<50000x16xf32, #tpu.memory_space<hbm>>
      %dma_start3A_186 = arith.constant 0 : i32
      %dma_start3A_187 = arith.constant 0 : i32
      %dma_start3A_188 = tpu.memref_slice %dma_start3A_185[%dma_start3A_186, %dma_start3A_187] : memref<50000x16xf32, #tpu.memory_space<hbm>> -> memref<50000x16xf32, #tpu.memory_space<hbm>>
      tpu.enqueue_indirect_dma source(%dma_start3A_188 : memref<50000x16xf32, #tpu.memory_space<hbm>>) target(%dma_start3A_178 : memref<125x16xf32, #tpu.memory_space<vmem>>) offsets(%dma_start3A_181 : memref<125xi32, #tpu.memory_space<vmem>>) semaphore(%arg10 : memref<!tpu.dma_semaphore, #tpu.memory_space<semaphore_mem>>)
      %dma_start3A_189 = arith.constant 3 : i32
      %dma_start3A_190 = arith.constant 375 : i32
      %dma_start3A_191 = arith.constant 0 : i32
      %dma_start3A_192 = tpu.memref_slice %arg7[%dma_start3A_190, %dma_start3A_191] : memref<1000x16xf32, #tpu.memory_space<vmem>> -> memref<125x16xf32, #tpu.memory_space<vmem>>
      %dma_start3A_193 = arith.constant 0 : i32
      %dma_start3A_194 = tpu.memref_slice %arg5[%dma_start3A_189, %dma_start3A_193] : memref<8x125xi32, #tpu.memory_space<vmem>> -> memref<1x125xi32, #tpu.memory_space<vmem>>
      %dma_start3A_195 = tpu.memref_squeeze %dma_start3A_194 : memref<1x125xi32, #tpu.memory_space<vmem>> -> memref<125xi32, #tpu.memory_space<vmem>>
      %dma_start3A_196 = arith.constant 0 : i32
      %dma_start3A_197 = arith.constant 0 : i32
      %dma_start3A_198 = tpu.memref_slice %arg3[%add3A_75, %dma_start3A_196, %dma_start3A_197] : memref<4x50000x16xf32, #tpu.memory_space<hbm>> -> memref<1x50000x16xf32, #tpu.memory_space<hbm>>
      %dma_start3A_199 = tpu.memref_squeeze %dma_start3A_198 : memref<1x50000x16xf32, #tpu.memory_space<hbm>> -> memref<50000x16xf32, #tpu.memory_space<hbm>>
      %dma_start3A_200 = arith.constant 0 : i32
      %dma_start3A_201 = arith.constant 0 : i32
      %dma_start3A_202 = tpu.memref_slice %dma_start3A_199[%dma_start3A_200, %dma_start3A_201] : memref<50000x16xf32, #tpu.memory_space<hbm>> -> memref<50000x16xf32, #tpu.memory_space<hbm>>
      tpu.enqueue_indirect_dma source(%dma_start3A_202 : memref<50000x16xf32, #tpu.memory_space<hbm>>) target(%dma_start3A_192 : memref<125x16xf32, #tpu.memory_space<vmem>>) offsets(%dma_start3A_195 : memref<125xi32, #tpu.memory_space<vmem>>) semaphore(%arg10 : memref<!tpu.dma_semaphore, #tpu.memory_space<semaphore_mem>>)
      %dma_start3A_203 = arith.constant 4 : i32
      %dma_start3A_204 = arith.constant 500 : i32
      %dma_start3A_205 = arith.constant 0 : i32
      %dma_start3A_206 = tpu.memref_slice %arg7[%dma_start3A_204, %dma_start3A_205] : memref<1000x16xf32, #tpu.memory_space<vmem>> -> memref<125x16xf32, #tpu.memory_space<vmem>>
      %dma_start3A_207 = arith.constant 0 : i32
      %dma_start3A_208 = tpu.memref_slice %arg5[%dma_start3A_203, %dma_start3A_207] : memref<8x125xi32, #tpu.memory_space<vmem>> -> memref<1x125xi32, #tpu.memory_space<vmem>>
      %dma_start3A_209 = tpu.memref_squeeze %dma_start3A_208 : memref<1x125xi32, #tpu.memory_space<vmem>> -> memref<125xi32, #tpu.memory_space<vmem>>
      %dma_start3A_210 = arith.constant 0 : i32
      %dma_start3A_211 = arith.constant 0 : i32
      %dma_start3A_212 = tpu.memref_slice %arg3[%add3A_75, %dma_start3A_210, %dma_start3A_211] : memref<4x50000x16xf32, #tpu.memory_space<hbm>> -> memref<1x50000x16xf32, #tpu.memory_space<hbm>>
      %dma_start3A_213 = tpu.memref_squeeze %dma_start3A_212 : memref<1x50000x16xf32, #tpu.memory_space<hbm>> -> memref<50000x16xf32, #tpu.memory_space<hbm>>
      %dma_start3A_214 = arith.constant 0 : i32
      %dma_start3A_215 = arith.constant 0 : i32
      %dma_start3A_216 = tpu.memref_slice %dma_start3A_213[%dma_start3A_214, %dma_start3A_215] : memref<50000x16xf32, #tpu.memory_space<hbm>> -> memref<50000x16xf32, #tpu.memory_space<hbm>>
      tpu.enqueue_indirect_dma source(%dma_start3A_216 : memref<50000x16xf32, #tpu.memory_space<hbm>>) target(%dma_start3A_206 : memref<125x16xf32, #tpu.memory_space<vmem>>) offsets(%dma_start3A_209 : memref<125xi32, #tpu.memory_space<vmem>>) semaphore(%arg10 : memref<!tpu.dma_semaphore, #tpu.memory_space<semaphore_mem>>)
      %dma_start3A_217 = arith.constant 5 : i32
      %dma_start3A_218 = arith.constant 625 : i32
      %dma_start3A_219 = arith.constant 0 : i32
      %dma_start3A_220 = tpu.memref_slice %arg7[%dma_start3A_218, %dma_start3A_219] : memref<1000x16xf32, #tpu.memory_space<vmem>> -> memref<125x16xf32, #tpu.memory_space<vmem>>
      %dma_start3A_221 = arith.constant 0 : i32
      %dma_start3A_222 = tpu.memref_slice %arg5[%dma_start3A_217, %dma_start3A_221] : memref<8x125xi32, #tpu.memory_space<vmem>> -> memref<1x125xi32, #tpu.memory_space<vmem>>
      %dma_start3A_223 = tpu.memref_squeeze %dma_start3A_222 : memref<1x125xi32, #tpu.memory_space<vmem>> -> memref<125xi32, #tpu.memory_space<vmem>>
      %dma_start3A_224 = arith.constant 0 : i32
      %dma_start3A_225 = arith.constant 0 : i32
      %dma_start3A_226 = tpu.memref_slice %arg3[%add3A_75, %dma_start3A_224, %dma_start3A_225] : memref<4x50000x16xf32, #tpu.memory_space<hbm>> -> memref<1x50000x16xf32, #tpu.memory_space<hbm>>
      %dma_start3A_227 = tpu.memref_squeeze %dma_start3A_226 : memref<1x50000x16xf32, #tpu.memory_space<hbm>> -> memref<50000x16xf32, #tpu.memory_space<hbm>>
      %dma_start3A_228 = arith.constant 0 : i32
      %dma_start3A_229 = arith.constant 0 : i32
      %dma_start3A_230 = tpu.memref_slice %dma_start3A_227[%dma_start3A_228, %dma_start3A_229] : memref<50000x16xf32, #tpu.memory_space<hbm>> -> memref<50000x16xf32, #tpu.memory_space<hbm>>
      tpu.enqueue_indirect_dma source(%dma_start3A_230 : memref<50000x16xf32, #tpu.memory_space<hbm>>) target(%dma_start3A_220 : memref<125x16xf32, #tpu.memory_space<vmem>>) offsets(%dma_start3A_223 : memref<125xi32, #tpu.memory_space<vmem>>) semaphore(%arg10 : memref<!tpu.dma_semaphore, #tpu.memory_space<semaphore_mem>>)
      %dma_start3A_231 = arith.constant 6 : i32
      %dma_start3A_232 = arith.constant 750 : i32
      %dma_start3A_233 = arith.constant 0 : i32
      %dma_start3A_234 = tpu.memref_slice %arg7[%dma_start3A_232, %dma_start3A_233] : memref<1000x16xf32, #tpu.memory_space<vmem>> -> memref<125x16xf32, #tpu.memory_space<vmem>>
      %dma_start3A_235 = arith.constant 0 : i32
      %dma_start3A_236 = tpu.memref_slice %arg5[%dma_start3A_231, %dma_start3A_235] : memref<8x125xi32, #tpu.memory_space<vmem>> -> memref<1x125xi32, #tpu.memory_space<vmem>>
      %dma_start3A_237 = tpu.memref_squeeze %dma_start3A_236 : memref<1x125xi32, #tpu.memory_space<vmem>> -> memref<125xi32, #tpu.memory_space<vmem>>
      %dma_start3A_238 = arith.constant 0 : i32
      %dma_start3A_239 = arith.constant 0 : i32
      %dma_start3A_240 = tpu.memref_slice %arg3[%add3A_75, %dma_start3A_238, %dma_start3A_239] : memref<4x50000x16xf32, #tpu.memory_space<hbm>> -> memref<1x50000x16xf32, #tpu.memory_space<hbm>>
      %dma_start3A_241 = tpu.memref_squeeze %dma_start3A_240 : memref<1x50000x16xf32, #tpu.memory_space<hbm>> -> memref<50000x16xf32, #tpu.memory_space<hbm>>
      %dma_start3A_242 = arith.constant 0 : i32
      %dma_start3A_243 = arith.constant 0 : i32
      %dma_start3A_244 = tpu.memref_slice %dma_start3A_241[%dma_start3A_242, %dma_start3A_243] : memref<50000x16xf32, #tpu.memory_space<hbm>> -> memref<50000x16xf32, #tpu.memory_space<hbm>>
      tpu.enqueue_indirect_dma source(%dma_start3A_244 : memref<50000x16xf32, #tpu.memory_space<hbm>>) target(%dma_start3A_234 : memref<125x16xf32, #tpu.memory_space<vmem>>) offsets(%dma_start3A_237 : memref<125xi32, #tpu.memory_space<vmem>>) semaphore(%arg10 : memref<!tpu.dma_semaphore, #tpu.memory_space<semaphore_mem>>)
      %dma_start3A_245 = arith.constant 7 : i32
      %dma_start3A_246 = arith.constant 875 : i32
      %dma_start3A_247 = arith.constant 0 : i32
      %dma_start3A_248 = tpu.memref_slice %arg7[%dma_start3A_246, %dma_start3A_247] : memref<1000x16xf32, #tpu.memory_space<vmem>> -> memref<125x16xf32, #tpu.memory_space<vmem>>
      %dma_start3A_249 = arith.constant 0 : i32
      %dma_start3A_250 = tpu.memref_slice %arg5[%dma_start3A_245, %dma_start3A_249] : memref<8x125xi32, #tpu.memory_space<vmem>> -> memref<1x125xi32, #tpu.memory_space<vmem>>
      %dma_start3A_251 = tpu.memref_squeeze %dma_start3A_250 : memref<1x125xi32, #tpu.memory_space<vmem>> -> memref<125xi32, #tpu.memory_space<vmem>>
      %dma_start3A_252 = arith.constant 0 : i32
      %dma_start3A_253 = arith.constant 0 : i32
      %dma_start3A_254 = tpu.memref_slice %arg3[%add3A_75, %dma_start3A_252, %dma_start3A_253] : memref<4x50000x16xf32, #tpu.memory_space<hbm>> -> memref<1x50000x16xf32, #tpu.memory_space<hbm>>
      %dma_start3A_255 = tpu.memref_squeeze %dma_start3A_254 : memref<1x50000x16xf32, #tpu.memory_space<hbm>> -> memref<50000x16xf32, #tpu.memory_space<hbm>>
      %dma_start3A_256 = arith.constant 0 : i32
      %dma_start3A_257 = arith.constant 0 : i32
      %dma_start3A_258 = tpu.memref_slice %dma_start3A_255[%dma_start3A_256, %dma_start3A_257] : memref<50000x16xf32, #tpu.memory_space<hbm>> -> memref<50000x16xf32, #tpu.memory_space<hbm>>
      tpu.enqueue_indirect_dma source(%dma_start3A_258 : memref<50000x16xf32, #tpu.memory_space<hbm>>) target(%dma_start3A_248 : memref<125x16xf32, #tpu.memory_space<vmem>>) offsets(%dma_start3A_251 : memref<125xi32, #tpu.memory_space<vmem>>) semaphore(%arg10 : memref<!tpu.dma_semaphore, #tpu.memory_space<semaphore_mem>>)
      %dma_wait3A = arith.constant 0 : i32
      %dma_wait3A_259 = arith.constant 0 : i32
      %dma_wait3A_260 = arith.constant 0 : i32
      %dma_wait3A_261 = tpu.memref_slice %arg7[%dma_wait3A_259, %dma_wait3A_260] : memref<1000x16xf32, #tpu.memory_space<vmem>> -> memref<125x16xf32, #tpu.memory_space<vmem>>
      %dma_wait3A_262 = arith.constant 0 : i32
      %dma_wait3A_263 = tpu.memref_slice %arg5[%dma_wait3A, %dma_wait3A_262] : memref<8x125xi32, #tpu.memory_space<vmem>> -> memref<1x125xi32, #tpu.memory_space<vmem>>
      %dma_wait3A_264 = tpu.memref_squeeze %dma_wait3A_263 : memref<1x125xi32, #tpu.memory_space<vmem>> -> memref<125xi32, #tpu.memory_space<vmem>>
      %dma_wait3A_265 = arith.constant 0 : i32
      %dma_wait3A_266 = arith.constant 0 : i32
      %dma_wait3A_267 = tpu.memref_slice %arg3[%add3A_75, %dma_wait3A_265, %dma_wait3A_266] : memref<4x50000x16xf32, #tpu.memory_space<hbm>> -> memref<1x50000x16xf32, #tpu.memory_space<hbm>>
      %dma_wait3A_268 = tpu.memref_squeeze %dma_wait3A_267 : memref<1x50000x16xf32, #tpu.memory_space<hbm>> -> memref<50000x16xf32, #tpu.memory_space<hbm>>
      %dma_wait3A_269 = arith.constant 0 : i32
      %dma_wait3A_270 = arith.constant 0 : i32
      %dma_wait3A_271 = tpu.memref_slice %dma_wait3A_268[%dma_wait3A_269, %dma_wait3A_270] : memref<50000x16xf32, #tpu.memory_space<hbm>> -> memref<50000x16xf32, #tpu.memory_space<hbm>>
      tpu.wait_indirect_dma semaphore(%arg10 : memref<!tpu.dma_semaphore, #tpu.memory_space<semaphore_mem>>) src(%dma_wait3A_271 : memref<50000x16xf32, #tpu.memory_space<hbm>>) dst(%dma_wait3A_261 : memref<125x16xf32, #tpu.memory_space<vmem>>)
      %dma_wait3A_272 = arith.constant 1 : i32
      %dma_wait3A_273 = arith.constant 125 : i32
      %dma_wait3A_274 = arith.constant 0 : i32
      %dma_wait3A_275 = tpu.memref_slice %arg7[%dma_wait3A_273, %dma_wait3A_274] : memref<1000x16xf32, #tpu.memory_space<vmem>> -> memref<125x16xf32, #tpu.memory_space<vmem>>
      %dma_wait3A_276 = arith.constant 0 : i32
      %dma_wait3A_277 = tpu.memref_slice %arg5[%dma_wait3A_272, %dma_wait3A_276] : memref<8x125xi32, #tpu.memory_space<vmem>> -> memref<1x125xi32, #tpu.memory_space<vmem>>
      %dma_wait3A_278 = tpu.memref_squeeze %dma_wait3A_277 : memref<1x125xi32, #tpu.memory_space<vmem>> -> memref<125xi32, #tpu.memory_space<vmem>>
      %dma_wait3A_279 = arith.constant 0 : i32
      %dma_wait3A_280 = arith.constant 0 : i32
      %dma_wait3A_281 = tpu.memref_slice %arg3[%add3A_75, %dma_wait3A_279, %dma_wait3A_280] : memref<4x50000x16xf32, #tpu.memory_space<hbm>> -> memref<1x50000x16xf32, #tpu.memory_space<hbm>>
      %dma_wait3A_282 = tpu.memref_squeeze %dma_wait3A_281 : memref<1x50000x16xf32, #tpu.memory_space<hbm>> -> memref<50000x16xf32, #tpu.memory_space<hbm>>
      %dma_wait3A_283 = arith.constant 0 : i32
      %dma_wait3A_284 = arith.constant 0 : i32
      %dma_wait3A_285 = tpu.memref_slice %dma_wait3A_282[%dma_wait3A_283, %dma_wait3A_284] : memref<50000x16xf32, #tpu.memory_space<hbm>> -> memref<50000x16xf32, #tpu.memory_space<hbm>>
      tpu.wait_indirect_dma semaphore(%arg10 : memref<!tpu.dma_semaphore, #tpu.memory_space<semaphore_mem>>) src(%dma_wait3A_285 : memref<50000x16xf32, #tpu.memory_space<hbm>>) dst(%dma_wait3A_275 : memref<125x16xf32, #tpu.memory_space<vmem>>)
      %dma_wait3A_286 = arith.constant 2 : i32
      %dma_wait3A_287 = arith.constant 250 : i32
      %dma_wait3A_288 = arith.constant 0 : i32
      %dma_wait3A_289 = tpu.memref_slice %arg7[%dma_wait3A_287, %dma_wait3A_288] : memref<1000x16xf32, #tpu.memory_space<vmem>> -> memref<125x16xf32, #tpu.memory_space<vmem>>
      %dma_wait3A_290 = arith.constant 0 : i32
      %dma_wait3A_291 = tpu.memref_slice %arg5[%dma_wait3A_286, %dma_wait3A_290] : memref<8x125xi32, #tpu.memory_space<vmem>> -> memref<1x125xi32, #tpu.memory_space<vmem>>
      %dma_wait3A_292 = tpu.memref_squeeze %dma_wait3A_291 : memref<1x125xi32, #tpu.memory_space<vmem>> -> memref<125xi32, #tpu.memory_space<vmem>>
      %dma_wait3A_293 = arith.constant 0 : i32
      %dma_wait3A_294 = arith.constant 0 : i32
      %dma_wait3A_295 = tpu.memref_slice %arg3[%add3A_75, %dma_wait3A_293, %dma_wait3A_294] : memref<4x50000x16xf32, #tpu.memory_space<hbm>> -> memref<1x50000x16xf32, #tpu.memory_space<hbm>>
      %dma_wait3A_296 = tpu.memref_squeeze %dma_wait3A_295 : memref<1x50000x16xf32, #tpu.memory_space<hbm>> -> memref<50000x16xf32, #tpu.memory_space<hbm>>
      %dma_wait3A_297 = arith.constant 0 : i32
      %dma_wait3A_298 = arith.constant 0 : i32
      %dma_wait3A_299 = tpu.memref_slice %dma_wait3A_296[%dma_wait3A_297, %dma_wait3A_298] : memref<50000x16xf32, #tpu.memory_space<hbm>> -> memref<50000x16xf32, #tpu.memory_space<hbm>>
      tpu.wait_indirect_dma semaphore(%arg10 : memref<!tpu.dma_semaphore, #tpu.memory_space<semaphore_mem>>) src(%dma_wait3A_299 : memref<50000x16xf32, #tpu.memory_space<hbm>>) dst(%dma_wait3A_289 : memref<125x16xf32, #tpu.memory_space<vmem>>)
      %dma_wait3A_300 = arith.constant 3 : i32
      %dma_wait3A_301 = arith.constant 375 : i32
      %dma_wait3A_302 = arith.constant 0 : i32
      %dma_wait3A_303 = tpu.memref_slice %arg7[%dma_wait3A_301, %dma_wait3A_302] : memref<1000x16xf32, #tpu.memory_space<vmem>> -> memref<125x16xf32, #tpu.memory_space<vmem>>
      %dma_wait3A_304 = arith.constant 0 : i32
      %dma_wait3A_305 = tpu.memref_slice %arg5[%dma_wait3A_300, %dma_wait3A_304] : memref<8x125xi32, #tpu.memory_space<vmem>> -> memref<1x125xi32, #tpu.memory_space<vmem>>
      %dma_wait3A_306 = tpu.memref_squeeze %dma_wait3A_305 : memref<1x125xi32, #tpu.memory_space<vmem>> -> memref<125xi32, #tpu.memory_space<vmem>>
      %dma_wait3A_307 = arith.constant 0 : i32
      %dma_wait3A_308 = arith.constant 0 : i32
      %dma_wait3A_309 = tpu.memref_slice %arg3[%add3A_75, %dma_wait3A_307, %dma_wait3A_308] : memref<4x50000x16xf32, #tpu.memory_space<hbm>> -> memref<1x50000x16xf32, #tpu.memory_space<hbm>>
      %dma_wait3A_310 = tpu.memref_squeeze %dma_wait3A_309 : memref<1x50000x16xf32, #tpu.memory_space<hbm>> -> memref<50000x16xf32, #tpu.memory_space<hbm>>
      %dma_wait3A_311 = arith.constant 0 : i32
      %dma_wait3A_312 = arith.constant 0 : i32
      %dma_wait3A_313 = tpu.memref_slice %dma_wait3A_310[%dma_wait3A_311, %dma_wait3A_312] : memref<50000x16xf32, #tpu.memory_space<hbm>> -> memref<50000x16xf32, #tpu.memory_space<hbm>>
      tpu.wait_indirect_dma semaphore(%arg10 : memref<!tpu.dma_semaphore, #tpu.memory_space<semaphore_mem>>) src(%dma_wait3A_313 : memref<50000x16xf32, #tpu.memory_space<hbm>>) dst(%dma_wait3A_303 : memref<125x16xf32, #tpu.memory_space<vmem>>)
      %dma_wait3A_314 = arith.constant 4 : i32
      %dma_wait3A_315 = arith.constant 500 : i32
      %dma_wait3A_316 = arith.constant 0 : i32
      %dma_wait3A_317 = tpu.memref_slice %arg7[%dma_wait3A_315, %dma_wait3A_316] : memref<1000x16xf32, #tpu.memory_space<vmem>> -> memref<125x16xf32, #tpu.memory_space<vmem>>
      %dma_wait3A_318 = arith.constant 0 : i32
      %dma_wait3A_319 = tpu.memref_slice %arg5[%dma_wait3A_314, %dma_wait3A_318] : memref<8x125xi32, #tpu.memory_space<vmem>> -> memref<1x125xi32, #tpu.memory_space<vmem>>
      %dma_wait3A_320 = tpu.memref_squeeze %dma_wait3A_319 : memref<1x125xi32, #tpu.memory_space<vmem>> -> memref<125xi32, #tpu.memory_space<vmem>>
      %dma_wait3A_321 = arith.constant 0 : i32
      %dma_wait3A_322 = arith.constant 0 : i32
      %dma_wait3A_323 = tpu.memref_slice %arg3[%add3A_75, %dma_wait3A_321, %dma_wait3A_322] : memref<4x50000x16xf32, #tpu.memory_space<hbm>> -> memref<1x50000x16xf32, #tpu.memory_space<hbm>>
      %dma_wait3A_324 = tpu.memref_squeeze %dma_wait3A_323 : memref<1x50000x16xf32, #tpu.memory_space<hbm>> -> memref<50000x16xf32, #tpu.memory_space<hbm>>
      %dma_wait3A_325 = arith.constant 0 : i32
      %dma_wait3A_326 = arith.constant 0 : i32
      %dma_wait3A_327 = tpu.memref_slice %dma_wait3A_324[%dma_wait3A_325, %dma_wait3A_326] : memref<50000x16xf32, #tpu.memory_space<hbm>> -> memref<50000x16xf32, #tpu.memory_space<hbm>>
      tpu.wait_indirect_dma semaphore(%arg10 : memref<!tpu.dma_semaphore, #tpu.memory_space<semaphore_mem>>) src(%dma_wait3A_327 : memref<50000x16xf32, #tpu.memory_space<hbm>>) dst(%dma_wait3A_317 : memref<125x16xf32, #tpu.memory_space<vmem>>)
      %dma_wait3A_328 = arith.constant 5 : i32
      %dma_wait3A_329 = arith.constant 625 : i32
      %dma_wait3A_330 = arith.constant 0 : i32
      %dma_wait3A_331 = tpu.memref_slice %arg7[%dma_wait3A_329, %dma_wait3A_330] : memref<1000x16xf32, #tpu.memory_space<vmem>> -> memref<125x16xf32, #tpu.memory_space<vmem>>
      %dma_wait3A_332 = arith.constant 0 : i32
      %dma_wait3A_333 = tpu.memref_slice %arg5[%dma_wait3A_328, %dma_wait3A_332] : memref<8x125xi32, #tpu.memory_space<vmem>> -> memref<1x125xi32, #tpu.memory_space<vmem>>
      %dma_wait3A_334 = tpu.memref_squeeze %dma_wait3A_333 : memref<1x125xi32, #tpu.memory_space<vmem>> -> memref<125xi32, #tpu.memory_space<vmem>>
      %dma_wait3A_335 = arith.constant 0 : i32
      %dma_wait3A_336 = arith.constant 0 : i32
      %dma_wait3A_337 = tpu.memref_slice %arg3[%add3A_75, %dma_wait3A_335, %dma_wait3A_336] : memref<4x50000x16xf32, #tpu.memory_space<hbm>> -> memref<1x50000x16xf32, #tpu.memory_space<hbm>>
      %dma_wait3A_338 = tpu.memref_squeeze %dma_wait3A_337 : memref<1x50000x16xf32, #tpu.memory_space<hbm>> -> memref<50000x16xf32, #tpu.memory_space<hbm>>
      %dma_wait3A_339 = arith.constant 0 : i32
      %dma_wait3A_340 = arith.constant 0 : i32
      %dma_wait3A_341 = tpu.memref_slice %dma_wait3A_338[%dma_wait3A_339, %dma_wait3A_340] : memref<50000x16xf32, #tpu.memory_space<hbm>> -> memref<50000x16xf32, #tpu.memory_space<hbm>>
      tpu.wait_indirect_dma semaphore(%arg10 : memref<!tpu.dma_semaphore, #tpu.memory_space<semaphore_mem>>) src(%dma_wait3A_341 : memref<50000x16xf32, #tpu.memory_space<hbm>>) dst(%dma_wait3A_331 : memref<125x16xf32, #tpu.memory_space<vmem>>)
      %dma_wait3A_342 = arith.constant 6 : i32
      %dma_wait3A_343 = arith.constant 750 : i32
      %dma_wait3A_344 = arith.constant 0 : i32
      %dma_wait3A_345 = tpu.memref_slice %arg7[%dma_wait3A_343, %dma_wait3A_344] : memref<1000x16xf32, #tpu.memory_space<vmem>> -> memref<125x16xf32, #tpu.memory_space<vmem>>
      %dma_wait3A_346 = arith.constant 0 : i32
      %dma_wait3A_347 = tpu.memref_slice %arg5[%dma_wait3A_342, %dma_wait3A_346] : memref<8x125xi32, #tpu.memory_space<vmem>> -> memref<1x125xi32, #tpu.memory_space<vmem>>
      %dma_wait3A_348 = tpu.memref_squeeze %dma_wait3A_347 : memref<1x125xi32, #tpu.memory_space<vmem>> -> memref<125xi32, #tpu.memory_space<vmem>>
      %dma_wait3A_349 = arith.constant 0 : i32
      %dma_wait3A_350 = arith.constant 0 : i32
      %dma_wait3A_351 = tpu.memref_slice %arg3[%add3A_75, %dma_wait3A_349, %dma_wait3A_350] : memref<4x50000x16xf32, #tpu.memory_space<hbm>> -> memref<1x50000x16xf32, #tpu.memory_space<hbm>>
      %dma_wait3A_352 = tpu.memref_squeeze %dma_wait3A_351 : memref<1x50000x16xf32, #tpu.memory_space<hbm>> -> memref<50000x16xf32, #tpu.memory_space<hbm>>
      %dma_wait3A_353 = arith.constant 0 : i32
      %dma_wait3A_354 = arith.constant 0 : i32
      %dma_wait3A_355 = tpu.memref_slice %dma_wait3A_352[%dma_wait3A_353, %dma_wait3A_354] : memref<50000x16xf32, #tpu.memory_space<hbm>> -> memref<50000x16xf32, #tpu.memory_space<hbm>>
      tpu.wait_indirect_dma semaphore(%arg10 : memref<!tpu.dma_semaphore, #tpu.memory_space<semaphore_mem>>) src(%dma_wait3A_355 : memref<50000x16xf32, #tpu.memory_space<hbm>>) dst(%dma_wait3A_345 : memref<125x16xf32, #tpu.memory_space<vmem>>)
      %dma_wait3A_356 = arith.constant 7 : i32
      %dma_wait3A_357 = arith.constant 875 : i32
      %dma_wait3A_358 = arith.constant 0 : i32
      %dma_wait3A_359 = tpu.memref_slice %arg7[%dma_wait3A_357, %dma_wait3A_358] : memref<1000x16xf32, #tpu.memory_space<vmem>> -> memref<125x16xf32, #tpu.memory_space<vmem>>
      %dma_wait3A_360 = arith.constant 0 : i32
      %dma_wait3A_361 = tpu.memref_slice %arg5[%dma_wait3A_356, %dma_wait3A_360] : memref<8x125xi32, #tpu.memory_space<vmem>> -> memref<1x125xi32, #tpu.memory_space<vmem>>
      %dma_wait3A_362 = tpu.memref_squeeze %dma_wait3A_361 : memref<1x125xi32, #tpu.memory_space<vmem>> -> memref<125xi32, #tpu.memory_space<vmem>>
      %dma_wait3A_363 = arith.constant 0 : i32
      %dma_wait3A_364 = arith.constant 0 : i32
      %dma_wait3A_365 = tpu.memref_slice %arg3[%add3A_75, %dma_wait3A_363, %dma_wait3A_364] : memref<4x50000x16xf32, #tpu.memory_space<hbm>> -> memref<1x50000x16xf32, #tpu.memory_space<hbm>>
      %dma_wait3A_366 = tpu.memref_squeeze %dma_wait3A_365 : memref<1x50000x16xf32, #tpu.memory_space<hbm>> -> memref<50000x16xf32, #tpu.memory_space<hbm>>
      %dma_wait3A_367 = arith.constant 0 : i32
      %dma_wait3A_368 = arith.constant 0 : i32
      %dma_wait3A_369 = tpu.memref_slice %dma_wait3A_366[%dma_wait3A_367, %dma_wait3A_368] : memref<50000x16xf32, #tpu.memory_space<hbm>> -> memref<50000x16xf32, #tpu.memory_space<hbm>>
      tpu.wait_indirect_dma semaphore(%arg10 : memref<!tpu.dma_semaphore, #tpu.memory_space<semaphore_mem>>) src(%dma_wait3A_369 : memref<50000x16xf32, #tpu.memory_space<hbm>>) dst(%dma_wait3A_359 : memref<125x16xf32, #tpu.memory_space<vmem>>)
      %run_scoped3A_370 = arith.constant 0 : i32
      "tpu.region"() ({
        %run_scoped3A_379 = tpu.sem_alloc : memref<!tpu.dma_semaphore, #tpu.memory_space<semaphore_mem>>
        %dma_start3A_380 = arith.constant 0 : i32
        %dma_start3A_381 = arith.constant 0 : i32
        %dma_start3A_382 = tpu.memref_slice %arg7[%dma_start3A_380, %dma_start3A_381] : memref<1000x16xf32, #tpu.memory_space<vmem>> -> memref<125x16xf32, #tpu.memory_space<vmem>>
        %dma_start3A_383 = arith.constant 0 : i32
        %dma_start3A_384 = tpu.memref_slice %arg6[%run_scoped3A_370, %dma_start3A_383] : memref<8x125xi32, #tpu.memory_space<vmem>> -> memref<1x125xi32, #tpu.memory_space<vmem>>
        %dma_start3A_385 = tpu.memref_squeeze %dma_start3A_384 : memref<1x125xi32, #tpu.memory_space<vmem>> -> memref<125xi32, #tpu.memory_space<vmem>>
        %dma_start3A_386 = arith.constant 0 : i32
        %dma_start3A_387 = arith.constant 0 : i32
        %dma_start3A_388 = tpu.memref_slice %arg9[%dma_start3A_386, %dma_start3A_387] : memref<50000x16xf32, #tpu.memory_space<vmem_shared>> -> memref<50000x16xf32, #tpu.memory_space<vmem_shared>>
        tpu.enqueue_indirect_dma source(%dma_start3A_382 : memref<125x16xf32, #tpu.memory_space<vmem>>) target(%dma_start3A_388 : memref<50000x16xf32, #tpu.memory_space<vmem_shared>>) offsets(%dma_start3A_385 : memref<125xi32, #tpu.memory_space<vmem>>) semaphore(%run_scoped3A_379 : memref<!tpu.dma_semaphore, #tpu.memory_space<semaphore_mem>>) {add = true}
        %dma_wait3A_389 = arith.constant 0 : i32
        %dma_wait3A_390 = arith.constant 0 : i32
        %dma_wait3A_391 = tpu.memref_slice %arg7[%dma_wait3A_389, %dma_wait3A_390] : memref<1000x16xf32, #tpu.memory_space<vmem>> -> memref<125x16xf32, #tpu.memory_space<vmem>>
        %dma_wait3A_392 = arith.constant 0 : i32
        %dma_wait3A_393 = tpu.memref_slice %arg6[%run_scoped3A_370, %dma_wait3A_392] : memref<8x125xi32, #tpu.memory_space<vmem>> -> memref<1x125xi32, #tpu.memory_space<vmem>>
        %dma_wait3A_394 = tpu.memref_squeeze %dma_wait3A_393 : memref<1x125xi32, #tpu.memory_space<vmem>> -> memref<125xi32, #tpu.memory_space<vmem>>
        %dma_wait3A_395 = arith.constant 0 : i32
        %dma_wait3A_396 = arith.constant 0 : i32
        %dma_wait3A_397 = tpu.memref_slice %arg9[%dma_wait3A_395, %dma_wait3A_396] : memref<50000x16xf32, #tpu.memory_space<vmem_shared>> -> memref<50000x16xf32, #tpu.memory_space<vmem_shared>>
        tpu.wait_indirect_dma semaphore(%run_scoped3A_379 : memref<!tpu.dma_semaphore, #tpu.memory_space<semaphore_mem>>) src(%dma_wait3A_391 : memref<125x16xf32, #tpu.memory_space<vmem>>) dst(%dma_wait3A_397 : memref<50000x16xf32, #tpu.memory_space<vmem_shared>>)
        tpu.yield
      }) : () -> ()
      %run_scoped3A_371 = arith.constant 1 : i32
      "tpu.region"() ({
        %run_scoped3A_379 = tpu.sem_alloc : memref<!tpu.dma_semaphore, #tpu.memory_space<semaphore_mem>>
        %dma_start3A_380 = arith.constant 125 : i32
        %dma_start3A_381 = arith.constant 0 : i32
        %dma_start3A_382 = tpu.memref_slice %arg7[%dma_start3A_380, %dma_start3A_381] : memref<1000x16xf32, #tpu.memory_space<vmem>> -> memref<125x16xf32, #tpu.memory_space<vmem>>
        %dma_start3A_383 = arith.constant 0 : i32
        %dma_start3A_384 = tpu.memref_slice %arg6[%run_scoped3A_371, %dma_start3A_383] : memref<8x125xi32, #tpu.memory_space<vmem>> -> memref<1x125xi32, #tpu.memory_space<vmem>>
        %dma_start3A_385 = tpu.memref_squeeze %dma_start3A_384 : memref<1x125xi32, #tpu.memory_space<vmem>> -> memref<125xi32, #tpu.memory_space<vmem>>
        %dma_start3A_386 = arith.constant 0 : i32
        %dma_start3A_387 = arith.constant 0 : i32
        %dma_start3A_388 = tpu.memref_slice %arg9[%dma_start3A_386, %dma_start3A_387] : memref<50000x16xf32, #tpu.memory_space<vmem_shared>> -> memref<50000x16xf32, #tpu.memory_space<vmem_shared>>
        tpu.enqueue_indirect_dma source(%dma_start3A_382 : memref<125x16xf32, #tpu.memory_space<vmem>>) target(%dma_start3A_388 : memref<50000x16xf32, #tpu.memory_space<vmem_shared>>) offsets(%dma_start3A_385 : memref<125xi32, #tpu.memory_space<vmem>>) semaphore(%run_scoped3A_379 : memref<!tpu.dma_semaphore, #tpu.memory_space<semaphore_mem>>) {add = true}
        %dma_wait3A_389 = arith.constant 125 : i32
        %dma_wait3A_390 = arith.constant 0 : i32
        %dma_wait3A_391 = tpu.memref_slice %arg7[%dma_wait3A_389, %dma_wait3A_390] : memref<1000x16xf32, #tpu.memory_space<vmem>> -> memref<125x16xf32, #tpu.memory_space<vmem>>
        %dma_wait3A_392 = arith.constant 0 : i32
        %dma_wait3A_393 = tpu.memref_slice %arg6[%run_scoped3A_371, %dma_wait3A_392] : memref<8x125xi32, #tpu.memory_space<vmem>> -> memref<1x125xi32, #tpu.memory_space<vmem>>
        %dma_wait3A_394 = tpu.memref_squeeze %dma_wait3A_393 : memref<1x125xi32, #tpu.memory_space<vmem>> -> memref<125xi32, #tpu.memory_space<vmem>>
        %dma_wait3A_395 = arith.constant 0 : i32
        %dma_wait3A_396 = arith.constant 0 : i32
        %dma_wait3A_397 = tpu.memref_slice %arg9[%dma_wait3A_395, %dma_wait3A_396] : memref<50000x16xf32, #tpu.memory_space<vmem_shared>> -> memref<50000x16xf32, #tpu.memory_space<vmem_shared>>
        tpu.wait_indirect_dma semaphore(%run_scoped3A_379 : memref<!tpu.dma_semaphore, #tpu.memory_space<semaphore_mem>>) src(%dma_wait3A_391 : memref<125x16xf32, #tpu.memory_space<vmem>>) dst(%dma_wait3A_397 : memref<50000x16xf32, #tpu.memory_space<vmem_shared>>)
        tpu.yield
      }) : () -> ()
      %run_scoped3A_372 = arith.constant 2 : i32
      "tpu.region"() ({
        %run_scoped3A_379 = tpu.sem_alloc : memref<!tpu.dma_semaphore, #tpu.memory_space<semaphore_mem>>
        %dma_start3A_380 = arith.constant 250 : i32
        %dma_start3A_381 = arith.constant 0 : i32
        %dma_start3A_382 = tpu.memref_slice %arg7[%dma_start3A_380, %dma_start3A_381] : memref<1000x16xf32, #tpu.memory_space<vmem>> -> memref<125x16xf32, #tpu.memory_space<vmem>>
        %dma_start3A_383 = arith.constant 0 : i32
        %dma_start3A_384 = tpu.memref_slice %arg6[%run_scoped3A_372, %dma_start3A_383] : memref<8x125xi32, #tpu.memory_space<vmem>> -> memref<1x125xi32, #tpu.memory_space<vmem>>
        %dma_start3A_385 = tpu.memref_squeeze %dma_start3A_384 : memref<1x125xi32, #tpu.memory_space<vmem>> -> memref<125xi32, #tpu.memory_space<vmem>>
        %dma_start3A_386 = arith.constant 0 : i32
        %dma_start3A_387 = arith.constant 0 : i32
        %dma_start3A_388 = tpu.memref_slice %arg9[%dma_start3A_386, %dma_start3A_387] : memref<50000x16xf32, #tpu.memory_space<vmem_shared>> -> memref<50000x16xf32, #tpu.memory_space<vmem_shared>>
        tpu.enqueue_indirect_dma source(%dma_start3A_382 : memref<125x16xf32, #tpu.memory_space<vmem>>) target(%dma_start3A_388 : memref<50000x16xf32, #tpu.memory_space<vmem_shared>>) offsets(%dma_start3A_385 : memref<125xi32, #tpu.memory_space<vmem>>) semaphore(%run_scoped3A_379 : memref<!tpu.dma_semaphore, #tpu.memory_space<semaphore_mem>>) {add = true}
        %dma_wait3A_389 = arith.constant 250 : i32
        %dma_wait3A_390 = arith.constant 0 : i32
        %dma_wait3A_391 = tpu.memref_slice %arg7[%dma_wait3A_389, %dma_wait3A_390] : memref<1000x16xf32, #tpu.memory_space<vmem>> -> memref<125x16xf32, #tpu.memory_space<vmem>>
        %dma_wait3A_392 = arith.constant 0 : i32
        %dma_wait3A_393 = tpu.memref_slice %arg6[%run_scoped3A_372, %dma_wait3A_392] : memref<8x125xi32, #tpu.memory_space<vmem>> -> memref<1x125xi32, #tpu.memory_space<vmem>>
        %dma_wait3A_394 = tpu.memref_squeeze %dma_wait3A_393 : memref<1x125xi32, #tpu.memory_space<vmem>> -> memref<125xi32, #tpu.memory_space<vmem>>
        %dma_wait3A_395 = arith.constant 0 : i32
        %dma_wait3A_396 = arith.constant 0 : i32
        %dma_wait3A_397 = tpu.memref_slice %arg9[%dma_wait3A_395, %dma_wait3A_396] : memref<50000x16xf32, #tpu.memory_space<vmem_shared>> -> memref<50000x16xf32, #tpu.memory_space<vmem_shared>>
        tpu.wait_indirect_dma semaphore(%run_scoped3A_379 : memref<!tpu.dma_semaphore, #tpu.memory_space<semaphore_mem>>) src(%dma_wait3A_391 : memref<125x16xf32, #tpu.memory_space<vmem>>) dst(%dma_wait3A_397 : memref<50000x16xf32, #tpu.memory_space<vmem_shared>>)
        tpu.yield
      }) : () -> ()
      %run_scoped3A_373 = arith.constant 3 : i32
      "tpu.region"() ({
        %run_scoped3A_379 = tpu.sem_alloc : memref<!tpu.dma_semaphore, #tpu.memory_space<semaphore_mem>>
        %dma_start3A_380 = arith.constant 375 : i32
        %dma_start3A_381 = arith.constant 0 : i32
        %dma_start3A_382 = tpu.memref_slice %arg7[%dma_start3A_380, %dma_start3A_381] : memref<1000x16xf32, #tpu.memory_space<vmem>> -> memref<125x16xf32, #tpu.memory_space<vmem>>
        %dma_start3A_383 = arith.constant 0 : i32
        %dma_start3A_384 = tpu.memref_slice %arg6[%run_scoped3A_373, %dma_start3A_383] : memref<8x125xi32, #tpu.memory_space<vmem>> -> memref<1x125xi32, #tpu.memory_space<vmem>>
        %dma_start3A_385 = tpu.memref_squeeze %dma_start3A_384 : memref<1x125xi32, #tpu.memory_space<vmem>> -> memref<125xi32, #tpu.memory_space<vmem>>
        %dma_start3A_386 = arith.constant 0 : i32
        %dma_start3A_387 = arith.constant 0 : i32
        %dma_start3A_388 = tpu.memref_slice %arg9[%dma_start3A_386, %dma_start3A_387] : memref<50000x16xf32, #tpu.memory_space<vmem_shared>> -> memref<50000x16xf32, #tpu.memory_space<vmem_shared>>
        tpu.enqueue_indirect_dma source(%dma_start3A_382 : memref<125x16xf32, #tpu.memory_space<vmem>>) target(%dma_start3A_388 : memref<50000x16xf32, #tpu.memory_space<vmem_shared>>) offsets(%dma_start3A_385 : memref<125xi32, #tpu.memory_space<vmem>>) semaphore(%run_scoped3A_379 : memref<!tpu.dma_semaphore, #tpu.memory_space<semaphore_mem>>) {add = true}
        %dma_wait3A_389 = arith.constant 375 : i32
        %dma_wait3A_390 = arith.constant 0 : i32
        %dma_wait3A_391 = tpu.memref_slice %arg7[%dma_wait3A_389, %dma_wait3A_390] : memref<1000x16xf32, #tpu.memory_space<vmem>> -> memref<125x16xf32, #tpu.memory_space<vmem>>
        %dma_wait3A_392 = arith.constant 0 : i32
        %dma_wait3A_393 = tpu.memref_slice %arg6[%run_scoped3A_373, %dma_wait3A_392] : memref<8x125xi32, #tpu.memory_space<vmem>> -> memref<1x125xi32, #tpu.memory_space<vmem>>
        %dma_wait3A_394 = tpu.memref_squeeze %dma_wait3A_393 : memref<1x125xi32, #tpu.memory_space<vmem>> -> memref<125xi32, #tpu.memory_space<vmem>>
        %dma_wait3A_395 = arith.constant 0 : i32
        %dma_wait3A_396 = arith.constant 0 : i32
        %dma_wait3A_397 = tpu.memref_slice %arg9[%dma_wait3A_395, %dma_wait3A_396] : memref<50000x16xf32, #tpu.memory_space<vmem_shared>> -> memref<50000x16xf32, #tpu.memory_space<vmem_shared>>
        tpu.wait_indirect_dma semaphore(%run_scoped3A_379 : memref<!tpu.dma_semaphore, #tpu.memory_space<semaphore_mem>>) src(%dma_wait3A_391 : memref<125x16xf32, #tpu.memory_space<vmem>>) dst(%dma_wait3A_397 : memref<50000x16xf32, #tpu.memory_space<vmem_shared>>)
        tpu.yield
      }) : () -> ()
      %run_scoped3A_374 = arith.constant 4 : i32
      "tpu.region"() ({
        %run_scoped3A_379 = tpu.sem_alloc : memref<!tpu.dma_semaphore, #tpu.memory_space<semaphore_mem>>
        %dma_start3A_380 = arith.constant 500 : i32
        %dma_start3A_381 = arith.constant 0 : i32
        %dma_start3A_382 = tpu.memref_slice %arg7[%dma_start3A_380, %dma_start3A_381] : memref<1000x16xf32, #tpu.memory_space<vmem>> -> memref<125x16xf32, #tpu.memory_space<vmem>>
        %dma_start3A_383 = arith.constant 0 : i32
        %dma_start3A_384 = tpu.memref_slice %arg6[%run_scoped3A_374, %dma_start3A_383] : memref<8x125xi32, #tpu.memory_space<vmem>> -> memref<1x125xi32, #tpu.memory_space<vmem>>
        %dma_start3A_385 = tpu.memref_squeeze %dma_start3A_384 : memref<1x125xi32, #tpu.memory_space<vmem>> -> memref<125xi32, #tpu.memory_space<vmem>>
        %dma_start3A_386 = arith.constant 0 : i32
        %dma_start3A_387 = arith.constant 0 : i32
        %dma_start3A_388 = tpu.memref_slice %arg9[%dma_start3A_386, %dma_start3A_387] : memref<50000x16xf32, #tpu.memory_space<vmem_shared>> -> memref<50000x16xf32, #tpu.memory_space<vmem_shared>>
        tpu.enqueue_indirect_dma source(%dma_start3A_382 : memref<125x16xf32, #tpu.memory_space<vmem>>) target(%dma_start3A_388 : memref<50000x16xf32, #tpu.memory_space<vmem_shared>>) offsets(%dma_start3A_385 : memref<125xi32, #tpu.memory_space<vmem>>) semaphore(%run_scoped3A_379 : memref<!tpu.dma_semaphore, #tpu.memory_space<semaphore_mem>>) {add = true}
        %dma_wait3A_389 = arith.constant 500 : i32
        %dma_wait3A_390 = arith.constant 0 : i32
        %dma_wait3A_391 = tpu.memref_slice %arg7[%dma_wait3A_389, %dma_wait3A_390] : memref<1000x16xf32, #tpu.memory_space<vmem>> -> memref<125x16xf32, #tpu.memory_space<vmem>>
        %dma_wait3A_392 = arith.constant 0 : i32
        %dma_wait3A_393 = tpu.memref_slice %arg6[%run_scoped3A_374, %dma_wait3A_392] : memref<8x125xi32, #tpu.memory_space<vmem>> -> memref<1x125xi32, #tpu.memory_space<vmem>>
        %dma_wait3A_394 = tpu.memref_squeeze %dma_wait3A_393 : memref<1x125xi32, #tpu.memory_space<vmem>> -> memref<125xi32, #tpu.memory_space<vmem>>
        %dma_wait3A_395 = arith.constant 0 : i32
        %dma_wait3A_396 = arith.constant 0 : i32
        %dma_wait3A_397 = tpu.memref_slice %arg9[%dma_wait3A_395, %dma_wait3A_396] : memref<50000x16xf32, #tpu.memory_space<vmem_shared>> -> memref<50000x16xf32, #tpu.memory_space<vmem_shared>>
        tpu.wait_indirect_dma semaphore(%run_scoped3A_379 : memref<!tpu.dma_semaphore, #tpu.memory_space<semaphore_mem>>) src(%dma_wait3A_391 : memref<125x16xf32, #tpu.memory_space<vmem>>) dst(%dma_wait3A_397 : memref<50000x16xf32, #tpu.memory_space<vmem_shared>>)
        tpu.yield
      }) : () -> ()
      %run_scoped3A_375 = arith.constant 5 : i32
      "tpu.region"() ({
        %run_scoped3A_379 = tpu.sem_alloc : memref<!tpu.dma_semaphore, #tpu.memory_space<semaphore_mem>>
        %dma_start3A_380 = arith.constant 625 : i32
        %dma_start3A_381 = arith.constant 0 : i32
        %dma_start3A_382 = tpu.memref_slice %arg7[%dma_start3A_380, %dma_start3A_381] : memref<1000x16xf32, #tpu.memory_space<vmem>> -> memref<125x16xf32, #tpu.memory_space<vmem>>
        %dma_start3A_383 = arith.constant 0 : i32
        %dma_start3A_384 = tpu.memref_slice %arg6[%run_scoped3A_375, %dma_start3A_383] : memref<8x125xi32, #tpu.memory_space<vmem>> -> memref<1x125xi32, #tpu.memory_space<vmem>>
        %dma_start3A_385 = tpu.memref_squeeze %dma_start3A_384 : memref<1x125xi32, #tpu.memory_space<vmem>> -> memref<125xi32, #tpu.memory_space<vmem>>
        %dma_start3A_386 = arith.constant 0 : i32
        %dma_start3A_387 = arith.constant 0 : i32
        %dma_start3A_388 = tpu.memref_slice %arg9[%dma_start3A_386, %dma_start3A_387] : memref<50000x16xf32, #tpu.memory_space<vmem_shared>> -> memref<50000x16xf32, #tpu.memory_space<vmem_shared>>
        tpu.enqueue_indirect_dma source(%dma_start3A_382 : memref<125x16xf32, #tpu.memory_space<vmem>>) target(%dma_start3A_388 : memref<50000x16xf32, #tpu.memory_space<vmem_shared>>) offsets(%dma_start3A_385 : memref<125xi32, #tpu.memory_space<vmem>>) semaphore(%run_scoped3A_379 : memref<!tpu.dma_semaphore, #tpu.memory_space<semaphore_mem>>) {add = true}
        %dma_wait3A_389 = arith.constant 625 : i32
        %dma_wait3A_390 = arith.constant 0 : i32
        %dma_wait3A_391 = tpu.memref_slice %arg7[%dma_wait3A_389, %dma_wait3A_390] : memref<1000x16xf32, #tpu.memory_space<vmem>> -> memref<125x16xf32, #tpu.memory_space<vmem>>
        %dma_wait3A_392 = arith.constant 0 : i32
        %dma_wait3A_393 = tpu.memref_slice %arg6[%run_scoped3A_375, %dma_wait3A_392] : memref<8x125xi32, #tpu.memory_space<vmem>> -> memref<1x125xi32, #tpu.memory_space<vmem>>
        %dma_wait3A_394 = tpu.memref_squeeze %dma_wait3A_393 : memref<1x125xi32, #tpu.memory_space<vmem>> -> memref<125xi32, #tpu.memory_space<vmem>>
        %dma_wait3A_395 = arith.constant 0 : i32
        %dma_wait3A_396 = arith.constant 0 : i32
        %dma_wait3A_397 = tpu.memref_slice %arg9[%dma_wait3A_395, %dma_wait3A_396] : memref<50000x16xf32, #tpu.memory_space<vmem_shared>> -> memref<50000x16xf32, #tpu.memory_space<vmem_shared>>
        tpu.wait_indirect_dma semaphore(%run_scoped3A_379 : memref<!tpu.dma_semaphore, #tpu.memory_space<semaphore_mem>>) src(%dma_wait3A_391 : memref<125x16xf32, #tpu.memory_space<vmem>>) dst(%dma_wait3A_397 : memref<50000x16xf32, #tpu.memory_space<vmem_shared>>)
        tpu.yield
      }) : () -> ()
      %run_scoped3A_376 = arith.constant 6 : i32
      "tpu.region"() ({
        %run_scoped3A_379 = tpu.sem_alloc : memref<!tpu.dma_semaphore, #tpu.memory_space<semaphore_mem>>
        %dma_start3A_380 = arith.constant 750 : i32
        %dma_start3A_381 = arith.constant 0 : i32
        %dma_start3A_382 = tpu.memref_slice %arg7[%dma_start3A_380, %dma_start3A_381] : memref<1000x16xf32, #tpu.memory_space<vmem>> -> memref<125x16xf32, #tpu.memory_space<vmem>>
        %dma_start3A_383 = arith.constant 0 : i32
        %dma_start3A_384 = tpu.memref_slice %arg6[%run_scoped3A_376, %dma_start3A_383] : memref<8x125xi32, #tpu.memory_space<vmem>> -> memref<1x125xi32, #tpu.memory_space<vmem>>
        %dma_start3A_385 = tpu.memref_squeeze %dma_start3A_384 : memref<1x125xi32, #tpu.memory_space<vmem>> -> memref<125xi32, #tpu.memory_space<vmem>>
        %dma_start3A_386 = arith.constant 0 : i32
        %dma_start3A_387 = arith.constant 0 : i32
        %dma_start3A_388 = tpu.memref_slice %arg9[%dma_start3A_386, %dma_start3A_387] : memref<50000x16xf32, #tpu.memory_space<vmem_shared>> -> memref<50000x16xf32, #tpu.memory_space<vmem_shared>>
        tpu.enqueue_indirect_dma source(%dma_start3A_382 : memref<125x16xf32, #tpu.memory_space<vmem>>) target(%dma_start3A_388 : memref<50000x16xf32, #tpu.memory_space<vmem_shared>>) offsets(%dma_start3A_385 : memref<125xi32, #tpu.memory_space<vmem>>) semaphore(%run_scoped3A_379 : memref<!tpu.dma_semaphore, #tpu.memory_space<semaphore_mem>>) {add = true}
        %dma_wait3A_389 = arith.constant 750 : i32
        %dma_wait3A_390 = arith.constant 0 : i32
        %dma_wait3A_391 = tpu.memref_slice %arg7[%dma_wait3A_389, %dma_wait3A_390] : memref<1000x16xf32, #tpu.memory_space<vmem>> -> memref<125x16xf32, #tpu.memory_space<vmem>>
        %dma_wait3A_392 = arith.constant 0 : i32
        %dma_wait3A_393 = tpu.memref_slice %arg6[%run_scoped3A_376, %dma_wait3A_392] : memref<8x125xi32, #tpu.memory_space<vmem>> -> memref<1x125xi32, #tpu.memory_space<vmem>>
        %dma_wait3A_394 = tpu.memref_squeeze %dma_wait3A_393 : memref<1x125xi32, #tpu.memory_space<vmem>> -> memref<125xi32, #tpu.memory_space<vmem>>
        %dma_wait3A_395 = arith.constant 0 : i32
        %dma_wait3A_396 = arith.constant 0 : i32
        %dma_wait3A_397 = tpu.memref_slice %arg9[%dma_wait3A_395, %dma_wait3A_396] : memref<50000x16xf32, #tpu.memory_space<vmem_shared>> -> memref<50000x16xf32, #tpu.memory_space<vmem_shared>>
        tpu.wait_indirect_dma semaphore(%run_scoped3A_379 : memref<!tpu.dma_semaphore, #tpu.memory_space<semaphore_mem>>) src(%dma_wait3A_391 : memref<125x16xf32, #tpu.memory_space<vmem>>) dst(%dma_wait3A_397 : memref<50000x16xf32, #tpu.memory_space<vmem_shared>>)
        tpu.yield
      }) : () -> ()
      %run_scoped3A_377 = arith.constant 7 : i32
      "tpu.region"() ({
        %run_scoped3A_379 = tpu.sem_alloc : memref<!tpu.dma_semaphore, #tpu.memory_space<semaphore_mem>>
        %dma_start3A_380 = arith.constant 875 : i32
        %dma_start3A_381 = arith.constant 0 : i32
        %dma_start3A_382 = tpu.memref_slice %arg7[%dma_start3A_380, %dma_start3A_381] : memref<1000x16xf32, #tpu.memory_space<vmem>> -> memref<125x16xf32, #tpu.memory_space<vmem>>
        %dma_start3A_383 = arith.constant 0 : i32
        %dma_start3A_384 = tpu.memref_slice %arg6[%run_scoped3A_377, %dma_start3A_383] : memref<8x125xi32, #tpu.memory_space<vmem>> -> memref<1x125xi32, #tpu.memory_space<vmem>>
        %dma_start3A_385 = tpu.memref_squeeze %dma_start3A_384 : memref<1x125xi32, #tpu.memory_space<vmem>> -> memref<125xi32, #tpu.memory_space<vmem>>
        %dma_start3A_386 = arith.constant 0 : i32
        %dma_start3A_387 = arith.constant 0 : i32
        %dma_start3A_388 = tpu.memref_slice %arg9[%dma_start3A_386, %dma_start3A_387] : memref<50000x16xf32, #tpu.memory_space<vmem_shared>> -> memref<50000x16xf32, #tpu.memory_space<vmem_shared>>
        tpu.enqueue_indirect_dma source(%dma_start3A_382 : memref<125x16xf32, #tpu.memory_space<vmem>>) target(%dma_start3A_388 : memref<50000x16xf32, #tpu.memory_space<vmem_shared>>) offsets(%dma_start3A_385 : memref<125xi32, #tpu.memory_space<vmem>>) semaphore(%run_scoped3A_379 : memref<!tpu.dma_semaphore, #tpu.memory_space<semaphore_mem>>) {add = true}
        %dma_wait3A_389 = arith.constant 875 : i32
        %dma_wait3A_390 = arith.constant 0 : i32
        %dma_wait3A_391 = tpu.memref_slice %arg7[%dma_wait3A_389, %dma_wait3A_390] : memref<1000x16xf32, #tpu.memory_space<vmem>> -> memref<125x16xf32, #tpu.memory_space<vmem>>
        %dma_wait3A_392 = arith.constant 0 : i32
        %dma_wait3A_393 = tpu.memref_slice %arg6[%run_scoped3A_377, %dma_wait3A_392] : memref<8x125xi32, #tpu.memory_space<vmem>> -> memref<1x125xi32, #tpu.memory_space<vmem>>
        %dma_wait3A_394 = tpu.memref_squeeze %dma_wait3A_393 : memref<1x125xi32, #tpu.memory_space<vmem>> -> memref<125xi32, #tpu.memory_space<vmem>>
        %dma_wait3A_395 = arith.constant 0 : i32
        %dma_wait3A_396 = arith.constant 0 : i32
        %dma_wait3A_397 = tpu.memref_slice %arg9[%dma_wait3A_395, %dma_wait3A_396] : memref<50000x16xf32, #tpu.memory_space<vmem_shared>> -> memref<50000x16xf32, #tpu.memory_space<vmem_shared>>
        tpu.wait_indirect_dma semaphore(%run_scoped3A_379 : memref<!tpu.dma_semaphore, #tpu.memory_space<semaphore_mem>>) src(%dma_wait3A_391 : memref<125x16xf32, #tpu.memory_space<vmem>>) dst(%dma_wait3A_397 : memref<50000x16xf32, #tpu.memory_space<vmem_shared>>)
        tpu.yield
      }) : () -> ()
      %scan3A_378 = arith.constant 0 : i32
      scf.yield %scan3A_378 : i32
    }
    %scan3A_111 = arith.constant 50 : i32
    %barrier3A_112 = arith.constant 0 : index
    tpu.barrier barrier_id(%barrier3A_112)
    %add3A_113 = arith.constant 0 : i32
    %add3A_114 = arith.addi %add3A_113, %arg1 : i32
    %lt3A_115 = arith.constant 50 : i32
    %lt3A_116 = arith.cmpi slt, %add3A_114, %lt3A_115 : i32
    %convert_element_type3A_117 = arith.extui %lt3A_116 : i1 to i32
    %cond3A_118 = arith.constant 0 : i32
    %cond3A_119 = arith.cmpi ne, %convert_element_type3A_117, %cond3A_118 : i32
    scf.if %cond3A_119 {
      %mul3A_142 = arith.constant 1000 : i32
      %mul3A_143 = arith.muli %add3A_114, %mul3A_142 : i32
      %mul3A_144 = arith.constant 1000 : i32
      %mul3A_145 = arith.muli %add3A_114, %mul3A_144 : i32
      "tpu.region"() ({
        %run_scoped3A = tpu.sem_alloc : memref<!tpu.dma_semaphore, #tpu.memory_space<semaphore_mem>>
        %dma_start3A = arith.constant 0 : i32
        %dma_start3A_146 = tpu.memref_slice %arg4[%add3A_75, %mul3A_145, %dma_start3A] : memref<4x50000x16xf32, #tpu.memory_space<hbm>> -> memref<1x1000x16xf32, #tpu.memory_space<hbm>>
        %dma_start3A_147 = tpu.memref_squeeze %dma_start3A_146 : memref<1x1000x16xf32, #tpu.memory_space<hbm>> -> memref<1000x16xf32, #tpu.memory_space<hbm>>
        %dma_start3A_148 = arith.constant 0 : i32
        %dma_start3A_149 = tpu.memref_slice %arg9[%mul3A_143, %dma_start3A_148] : memref<50000x16xf32, #tpu.memory_space<vmem_shared>> -> memref<1000x16xf32, #tpu.memory_space<vmem_shared>>
        tpu.enqueue_dma source(%dma_start3A_149 : memref<1000x16xf32, #tpu.memory_space<vmem_shared>>) target(%dma_start3A_147 : memref<1000x16xf32, #tpu.memory_space<hbm>>) target_semaphore(%run_scoped3A : memref<!tpu.dma_semaphore, #tpu.memory_space<semaphore_mem>>)
        %dma_wait3A = arith.constant 0 : i32
        %dma_wait3A_150 = tpu.memref_slice %arg4[%add3A_75, %mul3A_145, %dma_wait3A] : memref<4x50000x16xf32, #tpu.memory_space<hbm>> -> memref<1x1000x16xf32, #tpu.memory_space<hbm>>
        %dma_wait3A_151 = tpu.memref_squeeze %dma_wait3A_150 : memref<1x1000x16xf32, #tpu.memory_space<hbm>> -> memref<1000x16xf32, #tpu.memory_space<hbm>>
        %dma_wait3A_152 = arith.constant 0 : i32
        %dma_wait3A_153 = tpu.memref_slice %arg9[%mul3A_143, %dma_wait3A_152] : memref<50000x16xf32, #tpu.memory_space<vmem_shared>> -> memref<1000x16xf32, #tpu.memory_space<vmem_shared>>
        tpu.wait_dma2 semaphore(%run_scoped3A : memref<!tpu.dma_semaphore, #tpu.memory_space<semaphore_mem>>) src(%dma_wait3A_153 : memref<1000x16xf32, #tpu.memory_space<vmem_shared>>) dst(%dma_wait3A_151 : memref<1000x16xf32, #tpu.memory_space<hbm>>)
        tpu.yield
      }) : () -> ()
    } else {
    }
    %add3A_120 = arith.constant 16 : i32
    %add3A_121 = arith.addi %add3A_120, %arg1 : i32
    %lt3A_122 = arith.constant 50 : i32
    %lt3A_123 = arith.cmpi slt, %add3A_121, %lt3A_122 : i32
    %convert_element_type3A_124 = arith.extui %lt3A_123 : i1 to i32
    %cond3A_125 = arith.constant 0 : i32
    %cond3A_126 = arith.cmpi ne, %convert_element_type3A_124, %cond3A_125 : i32
    scf.if %cond3A_126 {
      %mul3A_142 = arith.constant 1000 : i32
      %mul3A_143 = arith.muli %add3A_121, %mul3A_142 : i32
      %mul3A_144 = arith.constant 1000 : i32
      %mul3A_145 = arith.muli %add3A_121, %mul3A_144 : i32
      "tpu.region"() ({
        %run_scoped3A = tpu.sem_alloc : memref<!tpu.dma_semaphore, #tpu.memory_space<semaphore_mem>>
        %dma_start3A = arith.constant 0 : i32
        %dma_start3A_146 = tpu.memref_slice %arg4[%add3A_75, %mul3A_145, %dma_start3A] : memref<4x50000x16xf32, #tpu.memory_space<hbm>> -> memref<1x1000x16xf32, #tpu.memory_space<hbm>>
        %dma_start3A_147 = tpu.memref_squeeze %dma_start3A_146 : memref<1x1000x16xf32, #tpu.memory_space<hbm>> -> memref<1000x16xf32, #tpu.memory_space<hbm>>
        %dma_start3A_148 = arith.constant 0 : i32
        %dma_start3A_149 = tpu.memref_slice %arg9[%mul3A_143, %dma_start3A_148] : memref<50000x16xf32, #tpu.memory_space<vmem_shared>> -> memref<1000x16xf32, #tpu.memory_space<vmem_shared>>
        tpu.enqueue_dma source(%dma_start3A_149 : memref<1000x16xf32, #tpu.memory_space<vmem_shared>>) target(%dma_start3A_147 : memref<1000x16xf32, #tpu.memory_space<hbm>>) target_semaphore(%run_scoped3A : memref<!tpu.dma_semaphore, #tpu.memory_space<semaphore_mem>>)
        %dma_wait3A = arith.constant 0 : i32
        %dma_wait3A_150 = tpu.memref_slice %arg4[%add3A_75, %mul3A_145, %dma_wait3A] : memref<4x50000x16xf32, #tpu.memory_space<hbm>> -> memref<1x1000x16xf32, #tpu.memory_space<hbm>>
        %dma_wait3A_151 = tpu.memref_squeeze %dma_wait3A_150 : memref<1x1000x16xf32, #tpu.memory_space<hbm>> -> memref<1000x16xf32, #tpu.memory_space<hbm>>
        %dma_wait3A_152 = arith.constant 0 : i32
        %dma_wait3A_153 = tpu.memref_slice %arg9[%mul3A_143, %dma_wait3A_152] : memref<50000x16xf32, #tpu.memory_space<vmem_shared>> -> memref<1000x16xf32, #tpu.memory_space<vmem_shared>>
        tpu.wait_dma2 semaphore(%run_scoped3A : memref<!tpu.dma_semaphore, #tpu.memory_space<semaphore_mem>>) src(%dma_wait3A_153 : memref<1000x16xf32, #tpu.memory_space<vmem_shared>>) dst(%dma_wait3A_151 : memref<1000x16xf32, #tpu.memory_space<hbm>>)
        tpu.yield
      }) : () -> ()
    } else {
    }
    %add3A_127 = arith.constant 32 : i32
    %add3A_128 = arith.addi %add3A_127, %arg1 : i32
    %lt3A_129 = arith.constant 50 : i32
    %lt3A_130 = arith.cmpi slt, %add3A_128, %lt3A_129 : i32
    %convert_element_type3A_131 = arith.extui %lt3A_130 : i1 to i32
    %cond3A_132 = arith.constant 0 : i32
    %cond3A_133 = arith.cmpi ne, %convert_element_type3A_131, %cond3A_132 : i32
    scf.if %cond3A_133 {
      %mul3A_142 = arith.constant 1000 : i32
      %mul3A_143 = arith.muli %add3A_128, %mul3A_142 : i32
      %mul3A_144 = arith.constant 1000 : i32
      %mul3A_145 = arith.muli %add3A_128, %mul3A_144 : i32
      "tpu.region"() ({
        %run_scoped3A = tpu.sem_alloc : memref<!tpu.dma_semaphore, #tpu.memory_space<semaphore_mem>>
        %dma_start3A = arith.constant 0 : i32
        %dma_start3A_146 = tpu.memref_slice %arg4[%add3A_75, %mul3A_145, %dma_start3A] : memref<4x50000x16xf32, #tpu.memory_space<hbm>> -> memref<1x1000x16xf32, #tpu.memory_space<hbm>>
        %dma_start3A_147 = tpu.memref_squeeze %dma_start3A_146 : memref<1x1000x16xf32, #tpu.memory_space<hbm>> -> memref<1000x16xf32, #tpu.memory_space<hbm>>
        %dma_start3A_148 = arith.constant 0 : i32
        %dma_start3A_149 = tpu.memref_slice %arg9[%mul3A_143, %dma_start3A_148] : memref<50000x16xf32, #tpu.memory_space<vmem_shared>> -> memref<1000x16xf32, #tpu.memory_space<vmem_shared>>
        tpu.enqueue_dma source(%dma_start3A_149 : memref<1000x16xf32, #tpu.memory_space<vmem_shared>>) target(%dma_start3A_147 : memref<1000x16xf32, #tpu.memory_space<hbm>>) target_semaphore(%run_scoped3A : memref<!tpu.dma_semaphore, #tpu.memory_space<semaphore_mem>>)
        %dma_wait3A = arith.constant 0 : i32
        %dma_wait3A_150 = tpu.memref_slice %arg4[%add3A_75, %mul3A_145, %dma_wait3A] : memref<4x50000x16xf32, #tpu.memory_space<hbm>> -> memref<1x1000x16xf32, #tpu.memory_space<hbm>>
        %dma_wait3A_151 = tpu.memref_squeeze %dma_wait3A_150 : memref<1x1000x16xf32, #tpu.memory_space<hbm>> -> memref<1000x16xf32, #tpu.memory_space<hbm>>
        %dma_wait3A_152 = arith.constant 0 : i32
        %dma_wait3A_153 = tpu.memref_slice %arg9[%mul3A_143, %dma_wait3A_152] : memref<50000x16xf32, #tpu.memory_space<vmem_shared>> -> memref<1000x16xf32, #tpu.memory_space<vmem_shared>>
        tpu.wait_dma2 semaphore(%run_scoped3A : memref<!tpu.dma_semaphore, #tpu.memory_space<semaphore_mem>>) src(%dma_wait3A_153 : memref<1000x16xf32, #tpu.memory_space<vmem_shared>>) dst(%dma_wait3A_151 : memref<1000x16xf32, #tpu.memory_space<hbm>>)
        tpu.yield
      }) : () -> ()
    } else {
    }
    %add3A_134 = arith.constant 48 : i32
    %add3A_135 = arith.addi %add3A_134, %arg1 : i32
    %lt3A_136 = arith.constant 50 : i32
    %lt3A_137 = arith.cmpi slt, %add3A_135, %lt3A_136 : i32
    %convert_element_type3A_138 = arith.extui %lt3A_137 : i1 to i32
    %cond3A_139 = arith.constant 0 : i32
    %cond3A_140 = arith.cmpi ne, %convert_element_type3A_138, %cond3A_139 : i32
    scf.if %cond3A_140 {
      %mul3A_142 = arith.constant 1000 : i32
      %mul3A_143 = arith.muli %add3A_135, %mul3A_142 : i32
      %mul3A_144 = arith.constant 1000 : i32
      %mul3A_145 = arith.muli %add3A_135, %mul3A_144 : i32
      "tpu.region"() ({
        %run_scoped3A = tpu.sem_alloc : memref<!tpu.dma_semaphore, #tpu.memory_space<semaphore_mem>>
        %dma_start3A = arith.constant 0 : i32
        %dma_start3A_146 = tpu.memref_slice %arg4[%add3A_75, %mul3A_145, %dma_start3A] : memref<4x50000x16xf32, #tpu.memory_space<hbm>> -> memref<1x1000x16xf32, #tpu.memory_space<hbm>>
        %dma_start3A_147 = tpu.memref_squeeze %dma_start3A_146 : memref<1x1000x16xf32, #tpu.memory_space<hbm>> -> memref<1000x16xf32, #tpu.memory_space<hbm>>
        %dma_start3A_148 = arith.constant 0 : i32
        %dma_start3A_149 = tpu.memref_slice %arg9[%mul3A_143, %dma_start3A_148] : memref<50000x16xf32, #tpu.memory_space<vmem_shared>> -> memref<1000x16xf32, #tpu.memory_space<vmem_shared>>
        tpu.enqueue_dma source(%dma_start3A_149 : memref<1000x16xf32, #tpu.memory_space<vmem_shared>>) target(%dma_start3A_147 : memref<1000x16xf32, #tpu.memory_space<hbm>>) target_semaphore(%run_scoped3A : memref<!tpu.dma_semaphore, #tpu.memory_space<semaphore_mem>>)
        %dma_wait3A = arith.constant 0 : i32
        %dma_wait3A_150 = tpu.memref_slice %arg4[%add3A_75, %mul3A_145, %dma_wait3A] : memref<4x50000x16xf32, #tpu.memory_space<hbm>> -> memref<1x1000x16xf32, #tpu.memory_space<hbm>>
        %dma_wait3A_151 = tpu.memref_squeeze %dma_wait3A_150 : memref<1x1000x16xf32, #tpu.memory_space<hbm>> -> memref<1000x16xf32, #tpu.memory_space<hbm>>
        %dma_wait3A_152 = arith.constant 0 : i32
        %dma_wait3A_153 = tpu.memref_slice %arg9[%mul3A_143, %dma_wait3A_152] : memref<50000x16xf32, #tpu.memory_space<vmem_shared>> -> memref<1000x16xf32, #tpu.memory_space<vmem_shared>>
        tpu.wait_dma2 semaphore(%run_scoped3A : memref<!tpu.dma_semaphore, #tpu.memory_space<semaphore_mem>>) src(%dma_wait3A_153 : memref<1000x16xf32, #tpu.memory_space<vmem_shared>>) dst(%dma_wait3A_151 : memref<1000x16xf32, #tpu.memory_space<hbm>>)
        tpu.yield
      }) : () -> ()
    } else {
    }
    %barrier3A_141 = arith.constant 0 : index
    tpu.barrier barrier_id(%barrier3A_141)
    return
  }
}

#map = affine_map<(d0, d1) -> (0, 0, 0)>
module attributes {stable_mosaic.version = 14 : i64} {
  func.func @_sc_count(%arg0: i32, %arg1: i32, %arg2: memref<2x6400x125xi32, #tpu.memory_space<hbm>>, %arg3: memref<2x50000x16xf32, #tpu.memory_space<hbm>>, %arg4: memref<8x125xi32, #tpu.memory_space<vmem>>, %arg5: memref<125x16xf32, #tpu.memory_space<vmem>>, %arg6: memref<50000x16xf32, #tpu.memory_space<vmem_shared>>) attributes {dimension_semantics = [#tpu.dimension_semantics<core_parallel>, #tpu.dimension_semantics<subcore_parallel>], iteration_bounds = array<i64: 2, 16>, scalar_prefetch = 0 : i64, scratch_operands = 3 : i64, tpu.core_type = #tpu.core_type<sc_vector_subcore>, window_params = [{transform_indices = #map}, {transform_indices = #map}]} {
    %mul3A = arith.constant 2 : i32
    %mul3A_0 = arith.muli %arg1, %mul3A : i32
    %add3A = arith.addi %mul3A_0, %arg0 : i32
    %scan3A = arith.constant 0 : i32
    %scan3A_1 = arith.constant 0 : i32
    %scan3A_2 = arith.constant 125 : i32
    %scan3A_3 = arith.addi %scan3A_1, %scan3A_2 : i32
    %scan3A_4 = arith.constant 1 : i32
    %scan3A_5 = scf.for %scan3A_224 = %scan3A_1 to %scan3A_3 step %scan3A_4 iter_args(%scan3A_225 = %scan3A) -> (i32)  : i32 {
      %broadcast_in_dim3A = arith.constant 0.000000e+00 : f32
      %broadcast_in_dim3A_226 = vector.broadcast %broadcast_in_dim3A : f32 to vector<16xf32>
      %swap3A = arith.index_cast %scan3A_224 : i32 to index
      %swap3A_227 = arith.constant 0 : index
      %swap3A_228 = tpu.vector_load %arg5[%swap3A, %swap3A_227] {strides = array<i32>} : memref<125x16xf32, #tpu.memory_space<vmem>>, vector<1x16xf32>,
      %swap3A_229 = vector.shape_cast %swap3A_228 : vector<1x16xf32> to vector<16xf32>
      %swap3A_230 = vector.shape_cast %broadcast_in_dim3A_226 : vector<16xf32> to vector<1x16xf32>
      tpu.vector_store %arg5[%swap3A, %swap3A_227], %swap3A_230 {strides = array<i32>} : memref<125x16xf32, #tpu.memory_space<vmem>>, vector<1x16xf32>,
      %scan3A_231 = arith.constant 0 : i32
      scf.yield %scan3A_231 : i32
    }
    %scan3A_6 = arith.constant 125 : i32
    %add3A_7 = arith.constant 0 : i32
    %add3A_8 = arith.addi %add3A_7, %arg1 : i32
    %mul3A_9 = arith.constant 125 : i32
    %mul3A_10 = arith.muli %add3A_8, %mul3A_9 : i32
    "tpu.region"() ({
      %run_scoped3A = tpu.sem_alloc : memref<!tpu.dma_semaphore, #tpu.memory_space<semaphore_mem>>
      %dma_start3A = arith.constant 0 : i32
      %dma_start3A_224 = tpu.memref_slice %arg6[%mul3A_10, %dma_start3A] : memref<50000x16xf32, #tpu.memory_space<vmem_shared>> -> memref<125x16xf32, #tpu.memory_space<vmem_shared>>
      %dma_start3A_225 = arith.constant 0 : i32
      %dma_start3A_226 = tpu.memref_slice %arg6[%mul3A_10, %dma_start3A_225] : memref<50000x16xf32, #tpu.memory_space<vmem_shared>> -> memref<125x16xf32, #tpu.memory_space<vmem_shared>>
      tpu.enqueue_dma source(%arg5 : memref<125x16xf32, #tpu.memory_space<vmem>>) target(%dma_start3A_226 : memref<125x16xf32, #tpu.memory_space<vmem_shared>>) target_semaphore(%run_scoped3A : memref<!tpu.dma_semaphore, #tpu.memory_space<semaphore_mem>>)
      %dma_wait3A = arith.constant 0 : i32
      %dma_wait3A_227 = tpu.memref_slice %arg6[%mul3A_10, %dma_wait3A] : memref<50000x16xf32, #tpu.memory_space<vmem_shared>> -> memref<125x16xf32, #tpu.memory_space<vmem_shared>>
      %dma_wait3A_228 = arith.constant 0 : i32
      %dma_wait3A_229 = tpu.memref_slice %arg6[%mul3A_10, %dma_wait3A_228] : memref<50000x16xf32, #tpu.memory_space<vmem_shared>> -> memref<125x16xf32, #tpu.memory_space<vmem_shared>>
      tpu.wait_dma2 semaphore(%run_scoped3A : memref<!tpu.dma_semaphore, #tpu.memory_space<semaphore_mem>>) src(%arg5 : memref<125x16xf32, #tpu.memory_space<vmem>>) dst(%dma_wait3A_229 : memref<125x16xf32, #tpu.memory_space<vmem_shared>>)
      tpu.yield
    }) : () -> ()
    %add3A_11 = arith.constant 16 : i32
    %add3A_12 = arith.addi %add3A_11, %arg1 : i32
    %mul3A_13 = arith.constant 125 : i32
    %mul3A_14 = arith.muli %add3A_12, %mul3A_13 : i32
    "tpu.region"() ({
      %run_scoped3A = tpu.sem_alloc : memref<!tpu.dma_semaphore, #tpu.memory_space<semaphore_mem>>
      %dma_start3A = arith.constant 0 : i32
      %dma_start3A_224 = tpu.memref_slice %arg6[%mul3A_14, %dma_start3A] : memref<50000x16xf32, #tpu.memory_space<vmem_shared>> -> memref<125x16xf32, #tpu.memory_space<vmem_shared>>
      %dma_start3A_225 = arith.constant 0 : i32
      %dma_start3A_226 = tpu.memref_slice %arg6[%mul3A_14, %dma_start3A_225] : memref<50000x16xf32, #tpu.memory_space<vmem_shared>> -> memref<125x16xf32, #tpu.memory_space<vmem_shared>>
      tpu.enqueue_dma source(%arg5 : memref<125x16xf32, #tpu.memory_space<vmem>>) target(%dma_start3A_226 : memref<125x16xf32, #tpu.memory_space<vmem_shared>>) target_semaphore(%run_scoped3A : memref<!tpu.dma_semaphore, #tpu.memory_space<semaphore_mem>>)
      %dma_wait3A = arith.constant 0 : i32
      %dma_wait3A_227 = tpu.memref_slice %arg6[%mul3A_14, %dma_wait3A] : memref<50000x16xf32, #tpu.memory_space<vmem_shared>> -> memref<125x16xf32, #tpu.memory_space<vmem_shared>>
      %dma_wait3A_228 = arith.constant 0 : i32
      %dma_wait3A_229 = tpu.memref_slice %arg6[%mul3A_14, %dma_wait3A_228] : memref<50000x16xf32, #tpu.memory_space<vmem_shared>> -> memref<125x16xf32, #tpu.memory_space<vmem_shared>>
      tpu.wait_dma2 semaphore(%run_scoped3A : memref<!tpu.dma_semaphore, #tpu.memory_space<semaphore_mem>>) src(%arg5 : memref<125x16xf32, #tpu.memory_space<vmem>>) dst(%dma_wait3A_229 : memref<125x16xf32, #tpu.memory_space<vmem_shared>>)
      tpu.yield
    }) : () -> ()
    %add3A_15 = arith.constant 32 : i32
    %add3A_16 = arith.addi %add3A_15, %arg1 : i32
    %mul3A_17 = arith.constant 125 : i32
    %mul3A_18 = arith.muli %add3A_16, %mul3A_17 : i32
    "tpu.region"() ({
      %run_scoped3A = tpu.sem_alloc : memref<!tpu.dma_semaphore, #tpu.memory_space<semaphore_mem>>
      %dma_start3A = arith.constant 0 : i32
      %dma_start3A_224 = tpu.memref_slice %arg6[%mul3A_18, %dma_start3A] : memref<50000x16xf32, #tpu.memory_space<vmem_shared>> -> memref<125x16xf32, #tpu.memory_space<vmem_shared>>
      %dma_start3A_225 = arith.constant 0 : i32
      %dma_start3A_226 = tpu.memref_slice %arg6[%mul3A_18, %dma_start3A_225] : memref<50000x16xf32, #tpu.memory_space<vmem_shared>> -> memref<125x16xf32, #tpu.memory_space<vmem_shared>>
      tpu.enqueue_dma source(%arg5 : memref<125x16xf32, #tpu.memory_space<vmem>>) target(%dma_start3A_226 : memref<125x16xf32, #tpu.memory_space<vmem_shared>>) target_semaphore(%run_scoped3A : memref<!tpu.dma_semaphore, #tpu.memory_space<semaphore_mem>>)
      %dma_wait3A = arith.constant 0 : i32
      %dma_wait3A_227 = tpu.memref_slice %arg6[%mul3A_18, %dma_wait3A] : memref<50000x16xf32, #tpu.memory_space<vmem_shared>> -> memref<125x16xf32, #tpu.memory_space<vmem_shared>>
      %dma_wait3A_228 = arith.constant 0 : i32
      %dma_wait3A_229 = tpu.memref_slice %arg6[%mul3A_18, %dma_wait3A_228] : memref<50000x16xf32, #tpu.memory_space<vmem_shared>> -> memref<125x16xf32, #tpu.memory_space<vmem_shared>>
      tpu.wait_dma2 semaphore(%run_scoped3A : memref<!tpu.dma_semaphore, #tpu.memory_space<semaphore_mem>>) src(%arg5 : memref<125x16xf32, #tpu.memory_space<vmem>>) dst(%dma_wait3A_229 : memref<125x16xf32, #tpu.memory_space<vmem_shared>>)
      tpu.yield
    }) : () -> ()
    %add3A_19 = arith.constant 48 : i32
    %add3A_20 = arith.addi %add3A_19, %arg1 : i32
    %mul3A_21 = arith.constant 125 : i32
    %mul3A_22 = arith.muli %add3A_20, %mul3A_21 : i32
    "tpu.region"() ({
      %run_scoped3A = tpu.sem_alloc : memref<!tpu.dma_semaphore, #tpu.memory_space<semaphore_mem>>
      %dma_start3A = arith.constant 0 : i32
      %dma_start3A_224 = tpu.memref_slice %arg6[%mul3A_22, %dma_start3A] : memref<50000x16xf32, #tpu.memory_space<vmem_shared>> -> memref<125x16xf32, #tpu.memory_space<vmem_shared>>
      %dma_start3A_225 = arith.constant 0 : i32
      %dma_start3A_226 = tpu.memref_slice %arg6[%mul3A_22, %dma_start3A_225] : memref<50000x16xf32, #tpu.memory_space<vmem_shared>> -> memref<125x16xf32, #tpu.memory_space<vmem_shared>>
      tpu.enqueue_dma source(%arg5 : memref<125x16xf32, #tpu.memory_space<vmem>>) target(%dma_start3A_226 : memref<125x16xf32, #tpu.memory_space<vmem_shared>>) target_semaphore(%run_scoped3A : memref<!tpu.dma_semaphore, #tpu.memory_space<semaphore_mem>>)
      %dma_wait3A = arith.constant 0 : i32
      %dma_wait3A_227 = tpu.memref_slice %arg6[%mul3A_22, %dma_wait3A] : memref<50000x16xf32, #tpu.memory_space<vmem_shared>> -> memref<125x16xf32, #tpu.memory_space<vmem_shared>>
      %dma_wait3A_228 = arith.constant 0 : i32
      %dma_wait3A_229 = tpu.memref_slice %arg6[%mul3A_22, %dma_wait3A_228] : memref<50000x16xf32, #tpu.memory_space<vmem_shared>> -> memref<125x16xf32, #tpu.memory_space<vmem_shared>>
      tpu.wait_dma2 semaphore(%run_scoped3A : memref<!tpu.dma_semaphore, #tpu.memory_space<semaphore_mem>>) src(%arg5 : memref<125x16xf32, #tpu.memory_space<vmem>>) dst(%dma_wait3A_229 : memref<125x16xf32, #tpu.memory_space<vmem_shared>>)
      tpu.yield
    }) : () -> ()
    %add3A_23 = arith.constant 64 : i32
    %add3A_24 = arith.addi %add3A_23, %arg1 : i32
    %mul3A_25 = arith.constant 125 : i32
    %mul3A_26 = arith.muli %add3A_24, %mul3A_25 : i32
    "tpu.region"() ({
      %run_scoped3A = tpu.sem_alloc : memref<!tpu.dma_semaphore, #tpu.memory_space<semaphore_mem>>
      %dma_start3A = arith.constant 0 : i32
      %dma_start3A_224 = tpu.memref_slice %arg6[%mul3A_26, %dma_start3A] : memref<50000x16xf32, #tpu.memory_space<vmem_shared>> -> memref<125x16xf32, #tpu.memory_space<vmem_shared>>
      %dma_start3A_225 = arith.constant 0 : i32
      %dma_start3A_226 = tpu.memref_slice %arg6[%mul3A_26, %dma_start3A_225] : memref<50000x16xf32, #tpu.memory_space<vmem_shared>> -> memref<125x16xf32, #tpu.memory_space<vmem_shared>>
      tpu.enqueue_dma source(%arg5 : memref<125x16xf32, #tpu.memory_space<vmem>>) target(%dma_start3A_226 : memref<125x16xf32, #tpu.memory_space<vmem_shared>>) target_semaphore(%run_scoped3A : memref<!tpu.dma_semaphore, #tpu.memory_space<semaphore_mem>>)
      %dma_wait3A = arith.constant 0 : i32
      %dma_wait3A_227 = tpu.memref_slice %arg6[%mul3A_26, %dma_wait3A] : memref<50000x16xf32, #tpu.memory_space<vmem_shared>> -> memref<125x16xf32, #tpu.memory_space<vmem_shared>>
      %dma_wait3A_228 = arith.constant 0 : i32
      %dma_wait3A_229 = tpu.memref_slice %arg6[%mul3A_26, %dma_wait3A_228] : memref<50000x16xf32, #tpu.memory_space<vmem_shared>> -> memref<125x16xf32, #tpu.memory_space<vmem_shared>>
      tpu.wait_dma2 semaphore(%run_scoped3A : memref<!tpu.dma_semaphore, #tpu.memory_space<semaphore_mem>>) src(%arg5 : memref<125x16xf32, #tpu.memory_space<vmem>>) dst(%dma_wait3A_229 : memref<125x16xf32, #tpu.memory_space<vmem_shared>>)
      tpu.yield
    }) : () -> ()
    %add3A_27 = arith.constant 80 : i32
    %add3A_28 = arith.addi %add3A_27, %arg1 : i32
    %mul3A_29 = arith.constant 125 : i32
    %mul3A_30 = arith.muli %add3A_28, %mul3A_29 : i32
    "tpu.region"() ({
      %run_scoped3A = tpu.sem_alloc : memref<!tpu.dma_semaphore, #tpu.memory_space<semaphore_mem>>
      %dma_start3A = arith.constant 0 : i32
      %dma_start3A_224 = tpu.memref_slice %arg6[%mul3A_30, %dma_start3A] : memref<50000x16xf32, #tpu.memory_space<vmem_shared>> -> memref<125x16xf32, #tpu.memory_space<vmem_shared>>
      %dma_start3A_225 = arith.constant 0 : i32
      %dma_start3A_226 = tpu.memref_slice %arg6[%mul3A_30, %dma_start3A_225] : memref<50000x16xf32, #tpu.memory_space<vmem_shared>> -> memref<125x16xf32, #tpu.memory_space<vmem_shared>>
      tpu.enqueue_dma source(%arg5 : memref<125x16xf32, #tpu.memory_space<vmem>>) target(%dma_start3A_226 : memref<125x16xf32, #tpu.memory_space<vmem_shared>>) target_semaphore(%run_scoped3A : memref<!tpu.dma_semaphore, #tpu.memory_space<semaphore_mem>>)
      %dma_wait3A = arith.constant 0 : i32
      %dma_wait3A_227 = tpu.memref_slice %arg6[%mul3A_30, %dma_wait3A] : memref<50000x16xf32, #tpu.memory_space<vmem_shared>> -> memref<125x16xf32, #tpu.memory_space<vmem_shared>>
      %dma_wait3A_228 = arith.constant 0 : i32
      %dma_wait3A_229 = tpu.memref_slice %arg6[%mul3A_30, %dma_wait3A_228] : memref<50000x16xf32, #tpu.memory_space<vmem_shared>> -> memref<125x16xf32, #tpu.memory_space<vmem_shared>>
      tpu.wait_dma2 semaphore(%run_scoped3A : memref<!tpu.dma_semaphore, #tpu.memory_space<semaphore_mem>>) src(%arg5 : memref<125x16xf32, #tpu.memory_space<vmem>>) dst(%dma_wait3A_229 : memref<125x16xf32, #tpu.memory_space<vmem_shared>>)
      tpu.yield
    }) : () -> ()
    %add3A_31 = arith.constant 96 : i32
    %add3A_32 = arith.addi %add3A_31, %arg1 : i32
    %mul3A_33 = arith.constant 125 : i32
    %mul3A_34 = arith.muli %add3A_32, %mul3A_33 : i32
    "tpu.region"() ({
      %run_scoped3A = tpu.sem_alloc : memref<!tpu.dma_semaphore, #tpu.memory_space<semaphore_mem>>
      %dma_start3A = arith.constant 0 : i32
      %dma_start3A_224 = tpu.memref_slice %arg6[%mul3A_34, %dma_start3A] : memref<50000x16xf32, #tpu.memory_space<vmem_shared>> -> memref<125x16xf32, #tpu.memory_space<vmem_shared>>
      %dma_start3A_225 = arith.constant 0 : i32
      %dma_start3A_226 = tpu.memref_slice %arg6[%mul3A_34, %dma_start3A_225] : memref<50000x16xf32, #tpu.memory_space<vmem_shared>> -> memref<125x16xf32, #tpu.memory_space<vmem_shared>>
      tpu.enqueue_dma source(%arg5 : memref<125x16xf32, #tpu.memory_space<vmem>>) target(%dma_start3A_226 : memref<125x16xf32, #tpu.memory_space<vmem_shared>>) target_semaphore(%run_scoped3A : memref<!tpu.dma_semaphore, #tpu.memory_space<semaphore_mem>>)
      %dma_wait3A = arith.constant 0 : i32
      %dma_wait3A_227 = tpu.memref_slice %arg6[%mul3A_34, %dma_wait3A] : memref<50000x16xf32, #tpu.memory_space<vmem_shared>> -> memref<125x16xf32, #tpu.memory_space<vmem_shared>>
      %dma_wait3A_228 = arith.constant 0 : i32
      %dma_wait3A_229 = tpu.memref_slice %arg6[%mul3A_34, %dma_wait3A_228] : memref<50000x16xf32, #tpu.memory_space<vmem_shared>> -> memref<125x16xf32, #tpu.memory_space<vmem_shared>>
      tpu.wait_dma2 semaphore(%run_scoped3A : memref<!tpu.dma_semaphore, #tpu.memory_space<semaphore_mem>>) src(%arg5 : memref<125x16xf32, #tpu.memory_space<vmem>>) dst(%dma_wait3A_229 : memref<125x16xf32, #tpu.memory_space<vmem_shared>>)
      tpu.yield
    }) : () -> ()
    %add3A_35 = arith.constant 112 : i32
    %add3A_36 = arith.addi %add3A_35, %arg1 : i32
    %mul3A_37 = arith.constant 125 : i32
    %mul3A_38 = arith.muli %add3A_36, %mul3A_37 : i32
    "tpu.region"() ({
      %run_scoped3A = tpu.sem_alloc : memref<!tpu.dma_semaphore, #tpu.memory_space<semaphore_mem>>
      %dma_start3A = arith.constant 0 : i32
      %dma_start3A_224 = tpu.memref_slice %arg6[%mul3A_38, %dma_start3A] : memref<50000x16xf32, #tpu.memory_space<vmem_shared>> -> memref<125x16xf32, #tpu.memory_space<vmem_shared>>
      %dma_start3A_225 = arith.constant 0 : i32
      %dma_start3A_226 = tpu.memref_slice %arg6[%mul3A_38, %dma_start3A_225] : memref<50000x16xf32, #tpu.memory_space<vmem_shared>> -> memref<125x16xf32, #tpu.memory_space<vmem_shared>>
      tpu.enqueue_dma source(%arg5 : memref<125x16xf32, #tpu.memory_space<vmem>>) target(%dma_start3A_226 : memref<125x16xf32, #tpu.memory_space<vmem_shared>>) target_semaphore(%run_scoped3A : memref<!tpu.dma_semaphore, #tpu.memory_space<semaphore_mem>>)
      %dma_wait3A = arith.constant 0 : i32
      %dma_wait3A_227 = tpu.memref_slice %arg6[%mul3A_38, %dma_wait3A] : memref<50000x16xf32, #tpu.memory_space<vmem_shared>> -> memref<125x16xf32, #tpu.memory_space<vmem_shared>>
      %dma_wait3A_228 = arith.constant 0 : i32
      %dma_wait3A_229 = tpu.memref_slice %arg6[%mul3A_38, %dma_wait3A_228] : memref<50000x16xf32, #tpu.memory_space<vmem_shared>> -> memref<125x16xf32, #tpu.memory_space<vmem_shared>>
      tpu.wait_dma2 semaphore(%run_scoped3A : memref<!tpu.dma_semaphore, #tpu.memory_space<semaphore_mem>>) src(%arg5 : memref<125x16xf32, #tpu.memory_space<vmem>>) dst(%dma_wait3A_229 : memref<125x16xf32, #tpu.memory_space<vmem_shared>>)
      tpu.yield
    }) : () -> ()
    %add3A_39 = arith.constant 128 : i32
    %add3A_40 = arith.addi %add3A_39, %arg1 : i32
    %mul3A_41 = arith.constant 125 : i32
    %mul3A_42 = arith.muli %add3A_40, %mul3A_41 : i32
    "tpu.region"() ({
      %run_scoped3A = tpu.sem_alloc : memref<!tpu.dma_semaphore, #tpu.memory_space<semaphore_mem>>
      %dma_start3A = arith.constant 0 : i32
      %dma_start3A_224 = tpu.memref_slice %arg6[%mul3A_42, %dma_start3A] : memref<50000x16xf32, #tpu.memory_space<vmem_shared>> -> memref<125x16xf32, #tpu.memory_space<vmem_shared>>
      %dma_start3A_225 = arith.constant 0 : i32
      %dma_start3A_226 = tpu.memref_slice %arg6[%mul3A_42, %dma_start3A_225] : memref<50000x16xf32, #tpu.memory_space<vmem_shared>> -> memref<125x16xf32, #tpu.memory_space<vmem_shared>>
      tpu.enqueue_dma source(%arg5 : memref<125x16xf32, #tpu.memory_space<vmem>>) target(%dma_start3A_226 : memref<125x16xf32, #tpu.memory_space<vmem_shared>>) target_semaphore(%run_scoped3A : memref<!tpu.dma_semaphore, #tpu.memory_space<semaphore_mem>>)
      %dma_wait3A = arith.constant 0 : i32
      %dma_wait3A_227 = tpu.memref_slice %arg6[%mul3A_42, %dma_wait3A] : memref<50000x16xf32, #tpu.memory_space<vmem_shared>> -> memref<125x16xf32, #tpu.memory_space<vmem_shared>>
      %dma_wait3A_228 = arith.constant 0 : i32
      %dma_wait3A_229 = tpu.memref_slice %arg6[%mul3A_42, %dma_wait3A_228] : memref<50000x16xf32, #tpu.memory_space<vmem_shared>> -> memref<125x16xf32, #tpu.memory_space<vmem_shared>>
      tpu.wait_dma2 semaphore(%run_scoped3A : memref<!tpu.dma_semaphore, #tpu.memory_space<semaphore_mem>>) src(%arg5 : memref<125x16xf32, #tpu.memory_space<vmem>>) dst(%dma_wait3A_229 : memref<125x16xf32, #tpu.memory_space<vmem_shared>>)
      tpu.yield
    }) : () -> ()
    %add3A_43 = arith.constant 144 : i32
    %add3A_44 = arith.addi %add3A_43, %arg1 : i32
    %mul3A_45 = arith.constant 125 : i32
    %mul3A_46 = arith.muli %add3A_44, %mul3A_45 : i32
    "tpu.region"() ({
      %run_scoped3A = tpu.sem_alloc : memref<!tpu.dma_semaphore, #tpu.memory_space<semaphore_mem>>
      %dma_start3A = arith.constant 0 : i32
      %dma_start3A_224 = tpu.memref_slice %arg6[%mul3A_46, %dma_start3A] : memref<50000x16xf32, #tpu.memory_space<vmem_shared>> -> memref<125x16xf32, #tpu.memory_space<vmem_shared>>
      %dma_start3A_225 = arith.constant 0 : i32
      %dma_start3A_226 = tpu.memref_slice %arg6[%mul3A_46, %dma_start3A_225] : memref<50000x16xf32, #tpu.memory_space<vmem_shared>> -> memref<125x16xf32, #tpu.memory_space<vmem_shared>>
      tpu.enqueue_dma source(%arg5 : memref<125x16xf32, #tpu.memory_space<vmem>>) target(%dma_start3A_226 : memref<125x16xf32, #tpu.memory_space<vmem_shared>>) target_semaphore(%run_scoped3A : memref<!tpu.dma_semaphore, #tpu.memory_space<semaphore_mem>>)
      %dma_wait3A = arith.constant 0 : i32
      %dma_wait3A_227 = tpu.memref_slice %arg6[%mul3A_46, %dma_wait3A] : memref<50000x16xf32, #tpu.memory_space<vmem_shared>> -> memref<125x16xf32, #tpu.memory_space<vmem_shared>>
      %dma_wait3A_228 = arith.constant 0 : i32
      %dma_wait3A_229 = tpu.memref_slice %arg6[%mul3A_46, %dma_wait3A_228] : memref<50000x16xf32, #tpu.memory_space<vmem_shared>> -> memref<125x16xf32, #tpu.memory_space<vmem_shared>>
      tpu.wait_dma2 semaphore(%run_scoped3A : memref<!tpu.dma_semaphore, #tpu.memory_space<semaphore_mem>>) src(%arg5 : memref<125x16xf32, #tpu.memory_space<vmem>>) dst(%dma_wait3A_229 : memref<125x16xf32, #tpu.memory_space<vmem_shared>>)
      tpu.yield
    }) : () -> ()
    %add3A_47 = arith.constant 160 : i32
    %add3A_48 = arith.addi %add3A_47, %arg1 : i32
    %mul3A_49 = arith.constant 125 : i32
    %mul3A_50 = arith.muli %add3A_48, %mul3A_49 : i32
    "tpu.region"() ({
      %run_scoped3A = tpu.sem_alloc : memref<!tpu.dma_semaphore, #tpu.memory_space<semaphore_mem>>
      %dma_start3A = arith.constant 0 : i32
      %dma_start3A_224 = tpu.memref_slice %arg6[%mul3A_50, %dma_start3A] : memref<50000x16xf32, #tpu.memory_space<vmem_shared>> -> memref<125x16xf32, #tpu.memory_space<vmem_shared>>
      %dma_start3A_225 = arith.constant 0 : i32
      %dma_start3A_226 = tpu.memref_slice %arg6[%mul3A_50, %dma_start3A_225] : memref<50000x16xf32, #tpu.memory_space<vmem_shared>> -> memref<125x16xf32, #tpu.memory_space<vmem_shared>>
      tpu.enqueue_dma source(%arg5 : memref<125x16xf32, #tpu.memory_space<vmem>>) target(%dma_start3A_226 : memref<125x16xf32, #tpu.memory_space<vmem_shared>>) target_semaphore(%run_scoped3A : memref<!tpu.dma_semaphore, #tpu.memory_space<semaphore_mem>>)
      %dma_wait3A = arith.constant 0 : i32
      %dma_wait3A_227 = tpu.memref_slice %arg6[%mul3A_50, %dma_wait3A] : memref<50000x16xf32, #tpu.memory_space<vmem_shared>> -> memref<125x16xf32, #tpu.memory_space<vmem_shared>>
      %dma_wait3A_228 = arith.constant 0 : i32
      %dma_wait3A_229 = tpu.memref_slice %arg6[%mul3A_50, %dma_wait3A_228] : memref<50000x16xf32, #tpu.memory_space<vmem_shared>> -> memref<125x16xf32, #tpu.memory_space<vmem_shared>>
      tpu.wait_dma2 semaphore(%run_scoped3A : memref<!tpu.dma_semaphore, #tpu.memory_space<semaphore_mem>>) src(%arg5 : memref<125x16xf32, #tpu.memory_space<vmem>>) dst(%dma_wait3A_229 : memref<125x16xf32, #tpu.memory_space<vmem_shared>>)
      tpu.yield
    }) : () -> ()
    %add3A_51 = arith.constant 176 : i32
    %add3A_52 = arith.addi %add3A_51, %arg1 : i32
    %mul3A_53 = arith.constant 125 : i32
    %mul3A_54 = arith.muli %add3A_52, %mul3A_53 : i32
    "tpu.region"() ({
      %run_scoped3A = tpu.sem_alloc : memref<!tpu.dma_semaphore, #tpu.memory_space<semaphore_mem>>
      %dma_start3A = arith.constant 0 : i32
      %dma_start3A_224 = tpu.memref_slice %arg6[%mul3A_54, %dma_start3A] : memref<50000x16xf32, #tpu.memory_space<vmem_shared>> -> memref<125x16xf32, #tpu.memory_space<vmem_shared>>
      %dma_start3A_225 = arith.constant 0 : i32
      %dma_start3A_226 = tpu.memref_slice %arg6[%mul3A_54, %dma_start3A_225] : memref<50000x16xf32, #tpu.memory_space<vmem_shared>> -> memref<125x16xf32, #tpu.memory_space<vmem_shared>>
      tpu.enqueue_dma source(%arg5 : memref<125x16xf32, #tpu.memory_space<vmem>>) target(%dma_start3A_226 : memref<125x16xf32, #tpu.memory_space<vmem_shared>>) target_semaphore(%run_scoped3A : memref<!tpu.dma_semaphore, #tpu.memory_space<semaphore_mem>>)
      %dma_wait3A = arith.constant 0 : i32
      %dma_wait3A_227 = tpu.memref_slice %arg6[%mul3A_54, %dma_wait3A] : memref<50000x16xf32, #tpu.memory_space<vmem_shared>> -> memref<125x16xf32, #tpu.memory_space<vmem_shared>>
      %dma_wait3A_228 = arith.constant 0 : i32
      %dma_wait3A_229 = tpu.memref_slice %arg6[%mul3A_54, %dma_wait3A_228] : memref<50000x16xf32, #tpu.memory_space<vmem_shared>> -> memref<125x16xf32, #tpu.memory_space<vmem_shared>>
      tpu.wait_dma2 semaphore(%run_scoped3A : memref<!tpu.dma_semaphore, #tpu.memory_space<semaphore_mem>>) src(%arg5 : memref<125x16xf32, #tpu.memory_space<vmem>>) dst(%dma_wait3A_229 : memref<125x16xf32, #tpu.memory_space<vmem_shared>>)
      tpu.yield
    }) : () -> ()
    %add3A_55 = arith.constant 192 : i32
    %add3A_56 = arith.addi %add3A_55, %arg1 : i32
    %mul3A_57 = arith.constant 125 : i32
    %mul3A_58 = arith.muli %add3A_56, %mul3A_57 : i32
    "tpu.region"() ({
      %run_scoped3A = tpu.sem_alloc : memref<!tpu.dma_semaphore, #tpu.memory_space<semaphore_mem>>
      %dma_start3A = arith.constant 0 : i32
      %dma_start3A_224 = tpu.memref_slice %arg6[%mul3A_58, %dma_start3A] : memref<50000x16xf32, #tpu.memory_space<vmem_shared>> -> memref<125x16xf32, #tpu.memory_space<vmem_shared>>
      %dma_start3A_225 = arith.constant 0 : i32
      %dma_start3A_226 = tpu.memref_slice %arg6[%mul3A_58, %dma_start3A_225] : memref<50000x16xf32, #tpu.memory_space<vmem_shared>> -> memref<125x16xf32, #tpu.memory_space<vmem_shared>>
      tpu.enqueue_dma source(%arg5 : memref<125x16xf32, #tpu.memory_space<vmem>>) target(%dma_start3A_226 : memref<125x16xf32, #tpu.memory_space<vmem_shared>>) target_semaphore(%run_scoped3A : memref<!tpu.dma_semaphore, #tpu.memory_space<semaphore_mem>>)
      %dma_wait3A = arith.constant 0 : i32
      %dma_wait3A_227 = tpu.memref_slice %arg6[%mul3A_58, %dma_wait3A] : memref<50000x16xf32, #tpu.memory_space<vmem_shared>> -> memref<125x16xf32, #tpu.memory_space<vmem_shared>>
      %dma_wait3A_228 = arith.constant 0 : i32
      %dma_wait3A_229 = tpu.memref_slice %arg6[%mul3A_58, %dma_wait3A_228] : memref<50000x16xf32, #tpu.memory_space<vmem_shared>> -> memref<125x16xf32, #tpu.memory_space<vmem_shared>>
      tpu.wait_dma2 semaphore(%run_scoped3A : memref<!tpu.dma_semaphore, #tpu.memory_space<semaphore_mem>>) src(%arg5 : memref<125x16xf32, #tpu.memory_space<vmem>>) dst(%dma_wait3A_229 : memref<125x16xf32, #tpu.memory_space<vmem_shared>>)
      tpu.yield
    }) : () -> ()
    %add3A_59 = arith.constant 208 : i32
    %add3A_60 = arith.addi %add3A_59, %arg1 : i32
    %mul3A_61 = arith.constant 125 : i32
    %mul3A_62 = arith.muli %add3A_60, %mul3A_61 : i32
    "tpu.region"() ({
      %run_scoped3A = tpu.sem_alloc : memref<!tpu.dma_semaphore, #tpu.memory_space<semaphore_mem>>
      %dma_start3A = arith.constant 0 : i32
      %dma_start3A_224 = tpu.memref_slice %arg6[%mul3A_62, %dma_start3A] : memref<50000x16xf32, #tpu.memory_space<vmem_shared>> -> memref<125x16xf32, #tpu.memory_space<vmem_shared>>
      %dma_start3A_225 = arith.constant 0 : i32
      %dma_start3A_226 = tpu.memref_slice %arg6[%mul3A_62, %dma_start3A_225] : memref<50000x16xf32, #tpu.memory_space<vmem_shared>> -> memref<125x16xf32, #tpu.memory_space<vmem_shared>>
      tpu.enqueue_dma source(%arg5 : memref<125x16xf32, #tpu.memory_space<vmem>>) target(%dma_start3A_226 : memref<125x16xf32, #tpu.memory_space<vmem_shared>>) target_semaphore(%run_scoped3A : memref<!tpu.dma_semaphore, #tpu.memory_space<semaphore_mem>>)
      %dma_wait3A = arith.constant 0 : i32
      %dma_wait3A_227 = tpu.memref_slice %arg6[%mul3A_62, %dma_wait3A] : memref<50000x16xf32, #tpu.memory_space<vmem_shared>> -> memref<125x16xf32, #tpu.memory_space<vmem_shared>>
      %dma_wait3A_228 = arith.constant 0 : i32
      %dma_wait3A_229 = tpu.memref_slice %arg6[%mul3A_62, %dma_wait3A_228] : memref<50000x16xf32, #tpu.memory_space<vmem_shared>> -> memref<125x16xf32, #tpu.memory_space<vmem_shared>>
      tpu.wait_dma2 semaphore(%run_scoped3A : memref<!tpu.dma_semaphore, #tpu.memory_space<semaphore_mem>>) src(%arg5 : memref<125x16xf32, #tpu.memory_space<vmem>>) dst(%dma_wait3A_229 : memref<125x16xf32, #tpu.memory_space<vmem_shared>>)
      tpu.yield
    }) : () -> ()
    %add3A_63 = arith.constant 224 : i32
    %add3A_64 = arith.addi %add3A_63, %arg1 : i32
    %mul3A_65 = arith.constant 125 : i32
    %mul3A_66 = arith.muli %add3A_64, %mul3A_65 : i32
    "tpu.region"() ({
      %run_scoped3A = tpu.sem_alloc : memref<!tpu.dma_semaphore, #tpu.memory_space<semaphore_mem>>
      %dma_start3A = arith.constant 0 : i32
      %dma_start3A_224 = tpu.memref_slice %arg6[%mul3A_66, %dma_start3A] : memref<50000x16xf32, #tpu.memory_space<vmem_shared>> -> memref<125x16xf32, #tpu.memory_space<vmem_shared>>
      %dma_start3A_225 = arith.constant 0 : i32
      %dma_start3A_226 = tpu.memref_slice %arg6[%mul3A_66, %dma_start3A_225] : memref<50000x16xf32, #tpu.memory_space<vmem_shared>> -> memref<125x16xf32, #tpu.memory_space<vmem_shared>>
      tpu.enqueue_dma source(%arg5 : memref<125x16xf32, #tpu.memory_space<vmem>>) target(%dma_start3A_226 : memref<125x16xf32, #tpu.memory_space<vmem_shared>>) target_semaphore(%run_scoped3A : memref<!tpu.dma_semaphore, #tpu.memory_space<semaphore_mem>>)
      %dma_wait3A = arith.constant 0 : i32
      %dma_wait3A_227 = tpu.memref_slice %arg6[%mul3A_66, %dma_wait3A] : memref<50000x16xf32, #tpu.memory_space<vmem_shared>> -> memref<125x16xf32, #tpu.memory_space<vmem_shared>>
      %dma_wait3A_228 = arith.constant 0 : i32
      %dma_wait3A_229 = tpu.memref_slice %arg6[%mul3A_66, %dma_wait3A_228] : memref<50000x16xf32, #tpu.memory_space<vmem_shared>> -> memref<125x16xf32, #tpu.memory_space<vmem_shared>>
      tpu.wait_dma2 semaphore(%run_scoped3A : memref<!tpu.dma_semaphore, #tpu.memory_space<semaphore_mem>>) src(%arg5 : memref<125x16xf32, #tpu.memory_space<vmem>>) dst(%dma_wait3A_229 : memref<125x16xf32, #tpu.memory_space<vmem_shared>>)
      tpu.yield
    }) : () -> ()
    %add3A_67 = arith.constant 240 : i32
    %add3A_68 = arith.addi %add3A_67, %arg1 : i32
    %mul3A_69 = arith.constant 125 : i32
    %mul3A_70 = arith.muli %add3A_68, %mul3A_69 : i32
    "tpu.region"() ({
      %run_scoped3A = tpu.sem_alloc : memref<!tpu.dma_semaphore, #tpu.memory_space<semaphore_mem>>
      %dma_start3A = arith.constant 0 : i32
      %dma_start3A_224 = tpu.memref_slice %arg6[%mul3A_70, %dma_start3A] : memref<50000x16xf32, #tpu.memory_space<vmem_shared>> -> memref<125x16xf32, #tpu.memory_space<vmem_shared>>
      %dma_start3A_225 = arith.constant 0 : i32
      %dma_start3A_226 = tpu.memref_slice %arg6[%mul3A_70, %dma_start3A_225] : memref<50000x16xf32, #tpu.memory_space<vmem_shared>> -> memref<125x16xf32, #tpu.memory_space<vmem_shared>>
      tpu.enqueue_dma source(%arg5 : memref<125x16xf32, #tpu.memory_space<vmem>>) target(%dma_start3A_226 : memref<125x16xf32, #tpu.memory_space<vmem_shared>>) target_semaphore(%run_scoped3A : memref<!tpu.dma_semaphore, #tpu.memory_space<semaphore_mem>>)
      %dma_wait3A = arith.constant 0 : i32
      %dma_wait3A_227 = tpu.memref_slice %arg6[%mul3A_70, %dma_wait3A] : memref<50000x16xf32, #tpu.memory_space<vmem_shared>> -> memref<125x16xf32, #tpu.memory_space<vmem_shared>>
      %dma_wait3A_228 = arith.constant 0 : i32
      %dma_wait3A_229 = tpu.memref_slice %arg6[%mul3A_70, %dma_wait3A_228] : memref<50000x16xf32, #tpu.memory_space<vmem_shared>> -> memref<125x16xf32, #tpu.memory_space<vmem_shared>>
      tpu.wait_dma2 semaphore(%run_scoped3A : memref<!tpu.dma_semaphore, #tpu.memory_space<semaphore_mem>>) src(%arg5 : memref<125x16xf32, #tpu.memory_space<vmem>>) dst(%dma_wait3A_229 : memref<125x16xf32, #tpu.memory_space<vmem_shared>>)
      tpu.yield
    }) : () -> ()
    %add3A_71 = arith.constant 256 : i32
    %add3A_72 = arith.addi %add3A_71, %arg1 : i32
    %mul3A_73 = arith.constant 125 : i32
    %mul3A_74 = arith.muli %add3A_72, %mul3A_73 : i32
    "tpu.region"() ({
      %run_scoped3A = tpu.sem_alloc : memref<!tpu.dma_semaphore, #tpu.memory_space<semaphore_mem>>
      %dma_start3A = arith.constant 0 : i32
      %dma_start3A_224 = tpu.memref_slice %arg6[%mul3A_74, %dma_start3A] : memref<50000x16xf32, #tpu.memory_space<vmem_shared>> -> memref<125x16xf32, #tpu.memory_space<vmem_shared>>
      %dma_start3A_225 = arith.constant 0 : i32
      %dma_start3A_226 = tpu.memref_slice %arg6[%mul3A_74, %dma_start3A_225] : memref<50000x16xf32, #tpu.memory_space<vmem_shared>> -> memref<125x16xf32, #tpu.memory_space<vmem_shared>>
      tpu.enqueue_dma source(%arg5 : memref<125x16xf32, #tpu.memory_space<vmem>>) target(%dma_start3A_226 : memref<125x16xf32, #tpu.memory_space<vmem_shared>>) target_semaphore(%run_scoped3A : memref<!tpu.dma_semaphore, #tpu.memory_space<semaphore_mem>>)
      %dma_wait3A = arith.constant 0 : i32
      %dma_wait3A_227 = tpu.memref_slice %arg6[%mul3A_74, %dma_wait3A] : memref<50000x16xf32, #tpu.memory_space<vmem_shared>> -> memref<125x16xf32, #tpu.memory_space<vmem_shared>>
      %dma_wait3A_228 = arith.constant 0 : i32
      %dma_wait3A_229 = tpu.memref_slice %arg6[%mul3A_74, %dma_wait3A_228] : memref<50000x16xf32, #tpu.memory_space<vmem_shared>> -> memref<125x16xf32, #tpu.memory_space<vmem_shared>>
      tpu.wait_dma2 semaphore(%run_scoped3A : memref<!tpu.dma_semaphore, #tpu.memory_space<semaphore_mem>>) src(%arg5 : memref<125x16xf32, #tpu.memory_space<vmem>>) dst(%dma_wait3A_229 : memref<125x16xf32, #tpu.memory_space<vmem_shared>>)
      tpu.yield
    }) : () -> ()
    %add3A_75 = arith.constant 272 : i32
    %add3A_76 = arith.addi %add3A_75, %arg1 : i32
    %mul3A_77 = arith.constant 125 : i32
    %mul3A_78 = arith.muli %add3A_76, %mul3A_77 : i32
    "tpu.region"() ({
      %run_scoped3A = tpu.sem_alloc : memref<!tpu.dma_semaphore, #tpu.memory_space<semaphore_mem>>
      %dma_start3A = arith.constant 0 : i32
      %dma_start3A_224 = tpu.memref_slice %arg6[%mul3A_78, %dma_start3A] : memref<50000x16xf32, #tpu.memory_space<vmem_shared>> -> memref<125x16xf32, #tpu.memory_space<vmem_shared>>
      %dma_start3A_225 = arith.constant 0 : i32
      %dma_start3A_226 = tpu.memref_slice %arg6[%mul3A_78, %dma_start3A_225] : memref<50000x16xf32, #tpu.memory_space<vmem_shared>> -> memref<125x16xf32, #tpu.memory_space<vmem_shared>>
      tpu.enqueue_dma source(%arg5 : memref<125x16xf32, #tpu.memory_space<vmem>>) target(%dma_start3A_226 : memref<125x16xf32, #tpu.memory_space<vmem_shared>>) target_semaphore(%run_scoped3A : memref<!tpu.dma_semaphore, #tpu.memory_space<semaphore_mem>>)
      %dma_wait3A = arith.constant 0 : i32
      %dma_wait3A_227 = tpu.memref_slice %arg6[%mul3A_78, %dma_wait3A] : memref<50000x16xf32, #tpu.memory_space<vmem_shared>> -> memref<125x16xf32, #tpu.memory_space<vmem_shared>>
      %dma_wait3A_228 = arith.constant 0 : i32
      %dma_wait3A_229 = tpu.memref_slice %arg6[%mul3A_78, %dma_wait3A_228] : memref<50000x16xf32, #tpu.memory_space<vmem_shared>> -> memref<125x16xf32, #tpu.memory_space<vmem_shared>>
      tpu.wait_dma2 semaphore(%run_scoped3A : memref<!tpu.dma_semaphore, #tpu.memory_space<semaphore_mem>>) src(%arg5 : memref<125x16xf32, #tpu.memory_space<vmem>>) dst(%dma_wait3A_229 : memref<125x16xf32, #tpu.memory_space<vmem_shared>>)
      tpu.yield
    }) : () -> ()
    %add3A_79 = arith.constant 288 : i32
    %add3A_80 = arith.addi %add3A_79, %arg1 : i32
    %mul3A_81 = arith.constant 125 : i32
    %mul3A_82 = arith.muli %add3A_80, %mul3A_81 : i32
    "tpu.region"() ({
      %run_scoped3A = tpu.sem_alloc : memref<!tpu.dma_semaphore, #tpu.memory_space<semaphore_mem>>
      %dma_start3A = arith.constant 0 : i32
      %dma_start3A_224 = tpu.memref_slice %arg6[%mul3A_82, %dma_start3A] : memref<50000x16xf32, #tpu.memory_space<vmem_shared>> -> memref<125x16xf32, #tpu.memory_space<vmem_shared>>
      %dma_start3A_225 = arith.constant 0 : i32
      %dma_start3A_226 = tpu.memref_slice %arg6[%mul3A_82, %dma_start3A_225] : memref<50000x16xf32, #tpu.memory_space<vmem_shared>> -> memref<125x16xf32, #tpu.memory_space<vmem_shared>>
      tpu.enqueue_dma source(%arg5 : memref<125x16xf32, #tpu.memory_space<vmem>>) target(%dma_start3A_226 : memref<125x16xf32, #tpu.memory_space<vmem_shared>>) target_semaphore(%run_scoped3A : memref<!tpu.dma_semaphore, #tpu.memory_space<semaphore_mem>>)
      %dma_wait3A = arith.constant 0 : i32
      %dma_wait3A_227 = tpu.memref_slice %arg6[%mul3A_82, %dma_wait3A] : memref<50000x16xf32, #tpu.memory_space<vmem_shared>> -> memref<125x16xf32, #tpu.memory_space<vmem_shared>>
      %dma_wait3A_228 = arith.constant 0 : i32
      %dma_wait3A_229 = tpu.memref_slice %arg6[%mul3A_82, %dma_wait3A_228] : memref<50000x16xf32, #tpu.memory_space<vmem_shared>> -> memref<125x16xf32, #tpu.memory_space<vmem_shared>>
      tpu.wait_dma2 semaphore(%run_scoped3A : memref<!tpu.dma_semaphore, #tpu.memory_space<semaphore_mem>>) src(%arg5 : memref<125x16xf32, #tpu.memory_space<vmem>>) dst(%dma_wait3A_229 : memref<125x16xf32, #tpu.memory_space<vmem_shared>>)
      tpu.yield
    }) : () -> ()
    %add3A_83 = arith.constant 304 : i32
    %add3A_84 = arith.addi %add3A_83, %arg1 : i32
    %mul3A_85 = arith.constant 125 : i32
    %mul3A_86 = arith.muli %add3A_84, %mul3A_85 : i32
    "tpu.region"() ({
      %run_scoped3A = tpu.sem_alloc : memref<!tpu.dma_semaphore, #tpu.memory_space<semaphore_mem>>
      %dma_start3A = arith.constant 0 : i32
      %dma_start3A_224 = tpu.memref_slice %arg6[%mul3A_86, %dma_start3A] : memref<50000x16xf32, #tpu.memory_space<vmem_shared>> -> memref<125x16xf32, #tpu.memory_space<vmem_shared>>
      %dma_start3A_225 = arith.constant 0 : i32
      %dma_start3A_226 = tpu.memref_slice %arg6[%mul3A_86, %dma_start3A_225] : memref<50000x16xf32, #tpu.memory_space<vmem_shared>> -> memref<125x16xf32, #tpu.memory_space<vmem_shared>>
      tpu.enqueue_dma source(%arg5 : memref<125x16xf32, #tpu.memory_space<vmem>>) target(%dma_start3A_226 : memref<125x16xf32, #tpu.memory_space<vmem_shared>>) target_semaphore(%run_scoped3A : memref<!tpu.dma_semaphore, #tpu.memory_space<semaphore_mem>>)
      %dma_wait3A = arith.constant 0 : i32
      %dma_wait3A_227 = tpu.memref_slice %arg6[%mul3A_86, %dma_wait3A] : memref<50000x16xf32, #tpu.memory_space<vmem_shared>> -> memref<125x16xf32, #tpu.memory_space<vmem_shared>>
      %dma_wait3A_228 = arith.constant 0 : i32
      %dma_wait3A_229 = tpu.memref_slice %arg6[%mul3A_86, %dma_wait3A_228] : memref<50000x16xf32, #tpu.memory_space<vmem_shared>> -> memref<125x16xf32, #tpu.memory_space<vmem_shared>>
      tpu.wait_dma2 semaphore(%run_scoped3A : memref<!tpu.dma_semaphore, #tpu.memory_space<semaphore_mem>>) src(%arg5 : memref<125x16xf32, #tpu.memory_space<vmem>>) dst(%dma_wait3A_229 : memref<125x16xf32, #tpu.memory_space<vmem_shared>>)
      tpu.yield
    }) : () -> ()
    %add3A_87 = arith.constant 320 : i32
    %add3A_88 = arith.addi %add3A_87, %arg1 : i32
    %mul3A_89 = arith.constant 125 : i32
    %mul3A_90 = arith.muli %add3A_88, %mul3A_89 : i32
    "tpu.region"() ({
      %run_scoped3A = tpu.sem_alloc : memref<!tpu.dma_semaphore, #tpu.memory_space<semaphore_mem>>
      %dma_start3A = arith.constant 0 : i32
      %dma_start3A_224 = tpu.memref_slice %arg6[%mul3A_90, %dma_start3A] : memref<50000x16xf32, #tpu.memory_space<vmem_shared>> -> memref<125x16xf32, #tpu.memory_space<vmem_shared>>
      %dma_start3A_225 = arith.constant 0 : i32
      %dma_start3A_226 = tpu.memref_slice %arg6[%mul3A_90, %dma_start3A_225] : memref<50000x16xf32, #tpu.memory_space<vmem_shared>> -> memref<125x16xf32, #tpu.memory_space<vmem_shared>>
      tpu.enqueue_dma source(%arg5 : memref<125x16xf32, #tpu.memory_space<vmem>>) target(%dma_start3A_226 : memref<125x16xf32, #tpu.memory_space<vmem_shared>>) target_semaphore(%run_scoped3A : memref<!tpu.dma_semaphore, #tpu.memory_space<semaphore_mem>>)
      %dma_wait3A = arith.constant 0 : i32
      %dma_wait3A_227 = tpu.memref_slice %arg6[%mul3A_90, %dma_wait3A] : memref<50000x16xf32, #tpu.memory_space<vmem_shared>> -> memref<125x16xf32, #tpu.memory_space<vmem_shared>>
      %dma_wait3A_228 = arith.constant 0 : i32
      %dma_wait3A_229 = tpu.memref_slice %arg6[%mul3A_90, %dma_wait3A_228] : memref<50000x16xf32, #tpu.memory_space<vmem_shared>> -> memref<125x16xf32, #tpu.memory_space<vmem_shared>>
      tpu.wait_dma2 semaphore(%run_scoped3A : memref<!tpu.dma_semaphore, #tpu.memory_space<semaphore_mem>>) src(%arg5 : memref<125x16xf32, #tpu.memory_space<vmem>>) dst(%dma_wait3A_229 : memref<125x16xf32, #tpu.memory_space<vmem_shared>>)
      tpu.yield
    }) : () -> ()
    %add3A_91 = arith.constant 336 : i32
    %add3A_92 = arith.addi %add3A_91, %arg1 : i32
    %mul3A_93 = arith.constant 125 : i32
    %mul3A_94 = arith.muli %add3A_92, %mul3A_93 : i32
    "tpu.region"() ({
      %run_scoped3A = tpu.sem_alloc : memref<!tpu.dma_semaphore, #tpu.memory_space<semaphore_mem>>
      %dma_start3A = arith.constant 0 : i32
      %dma_start3A_224 = tpu.memref_slice %arg6[%mul3A_94, %dma_start3A] : memref<50000x16xf32, #tpu.memory_space<vmem_shared>> -> memref<125x16xf32, #tpu.memory_space<vmem_shared>>
      %dma_start3A_225 = arith.constant 0 : i32
      %dma_start3A_226 = tpu.memref_slice %arg6[%mul3A_94, %dma_start3A_225] : memref<50000x16xf32, #tpu.memory_space<vmem_shared>> -> memref<125x16xf32, #tpu.memory_space<vmem_shared>>
      tpu.enqueue_dma source(%arg5 : memref<125x16xf32, #tpu.memory_space<vmem>>) target(%dma_start3A_226 : memref<125x16xf32, #tpu.memory_space<vmem_shared>>) target_semaphore(%run_scoped3A : memref<!tpu.dma_semaphore, #tpu.memory_space<semaphore_mem>>)
      %dma_wait3A = arith.constant 0 : i32
      %dma_wait3A_227 = tpu.memref_slice %arg6[%mul3A_94, %dma_wait3A] : memref<50000x16xf32, #tpu.memory_space<vmem_shared>> -> memref<125x16xf32, #tpu.memory_space<vmem_shared>>
      %dma_wait3A_228 = arith.constant 0 : i32
      %dma_wait3A_229 = tpu.memref_slice %arg6[%mul3A_94, %dma_wait3A_228] : memref<50000x16xf32, #tpu.memory_space<vmem_shared>> -> memref<125x16xf32, #tpu.memory_space<vmem_shared>>
      tpu.wait_dma2 semaphore(%run_scoped3A : memref<!tpu.dma_semaphore, #tpu.memory_space<semaphore_mem>>) src(%arg5 : memref<125x16xf32, #tpu.memory_space<vmem>>) dst(%dma_wait3A_229 : memref<125x16xf32, #tpu.memory_space<vmem_shared>>)
      tpu.yield
    }) : () -> ()
    %add3A_95 = arith.constant 352 : i32
    %add3A_96 = arith.addi %add3A_95, %arg1 : i32
    %mul3A_97 = arith.constant 125 : i32
    %mul3A_98 = arith.muli %add3A_96, %mul3A_97 : i32
    "tpu.region"() ({
      %run_scoped3A = tpu.sem_alloc : memref<!tpu.dma_semaphore, #tpu.memory_space<semaphore_mem>>
      %dma_start3A = arith.constant 0 : i32
      %dma_start3A_224 = tpu.memref_slice %arg6[%mul3A_98, %dma_start3A] : memref<50000x16xf32, #tpu.memory_space<vmem_shared>> -> memref<125x16xf32, #tpu.memory_space<vmem_shared>>
      %dma_start3A_225 = arith.constant 0 : i32
      %dma_start3A_226 = tpu.memref_slice %arg6[%mul3A_98, %dma_start3A_225] : memref<50000x16xf32, #tpu.memory_space<vmem_shared>> -> memref<125x16xf32, #tpu.memory_space<vmem_shared>>
      tpu.enqueue_dma source(%arg5 : memref<125x16xf32, #tpu.memory_space<vmem>>) target(%dma_start3A_226 : memref<125x16xf32, #tpu.memory_space<vmem_shared>>) target_semaphore(%run_scoped3A : memref<!tpu.dma_semaphore, #tpu.memory_space<semaphore_mem>>)
      %dma_wait3A = arith.constant 0 : i32
      %dma_wait3A_227 = tpu.memref_slice %arg6[%mul3A_98, %dma_wait3A] : memref<50000x16xf32, #tpu.memory_space<vmem_shared>> -> memref<125x16xf32, #tpu.memory_space<vmem_shared>>
      %dma_wait3A_228 = arith.constant 0 : i32
      %dma_wait3A_229 = tpu.memref_slice %arg6[%mul3A_98, %dma_wait3A_228] : memref<50000x16xf32, #tpu.memory_space<vmem_shared>> -> memref<125x16xf32, #tpu.memory_space<vmem_shared>>
      tpu.wait_dma2 semaphore(%run_scoped3A : memref<!tpu.dma_semaphore, #tpu.memory_space<semaphore_mem>>) src(%arg5 : memref<125x16xf32, #tpu.memory_space<vmem>>) dst(%dma_wait3A_229 : memref<125x16xf32, #tpu.memory_space<vmem_shared>>)
      tpu.yield
    }) : () -> ()
    %add3A_99 = arith.constant 368 : i32
    %add3A_100 = arith.addi %add3A_99, %arg1 : i32
    %mul3A_101 = arith.constant 125 : i32
    %mul3A_102 = arith.muli %add3A_100, %mul3A_101 : i32
    "tpu.region"() ({
      %run_scoped3A = tpu.sem_alloc : memref<!tpu.dma_semaphore, #tpu.memory_space<semaphore_mem>>
      %dma_start3A = arith.constant 0 : i32
      %dma_start3A_224 = tpu.memref_slice %arg6[%mul3A_102, %dma_start3A] : memref<50000x16xf32, #tpu.memory_space<vmem_shared>> -> memref<125x16xf32, #tpu.memory_space<vmem_shared>>
      %dma_start3A_225 = arith.constant 0 : i32
      %dma_start3A_226 = tpu.memref_slice %arg6[%mul3A_102, %dma_start3A_225] : memref<50000x16xf32, #tpu.memory_space<vmem_shared>> -> memref<125x16xf32, #tpu.memory_space<vmem_shared>>
      tpu.enqueue_dma source(%arg5 : memref<125x16xf32, #tpu.memory_space<vmem>>) target(%dma_start3A_226 : memref<125x16xf32, #tpu.memory_space<vmem_shared>>) target_semaphore(%run_scoped3A : memref<!tpu.dma_semaphore, #tpu.memory_space<semaphore_mem>>)
      %dma_wait3A = arith.constant 0 : i32
      %dma_wait3A_227 = tpu.memref_slice %arg6[%mul3A_102, %dma_wait3A] : memref<50000x16xf32, #tpu.memory_space<vmem_shared>> -> memref<125x16xf32, #tpu.memory_space<vmem_shared>>
      %dma_wait3A_228 = arith.constant 0 : i32
      %dma_wait3A_229 = tpu.memref_slice %arg6[%mul3A_102, %dma_wait3A_228] : memref<50000x16xf32, #tpu.memory_space<vmem_shared>> -> memref<125x16xf32, #tpu.memory_space<vmem_shared>>
      tpu.wait_dma2 semaphore(%run_scoped3A : memref<!tpu.dma_semaphore, #tpu.memory_space<semaphore_mem>>) src(%arg5 : memref<125x16xf32, #tpu.memory_space<vmem>>) dst(%dma_wait3A_229 : memref<125x16xf32, #tpu.memory_space<vmem_shared>>)
      tpu.yield
    }) : () -> ()
    %add3A_103 = arith.constant 384 : i32
    %add3A_104 = arith.addi %add3A_103, %arg1 : i32
    %mul3A_105 = arith.constant 125 : i32
    %mul3A_106 = arith.muli %add3A_104, %mul3A_105 : i32
    "tpu.region"() ({
      %run_scoped3A = tpu.sem_alloc : memref<!tpu.dma_semaphore, #tpu.memory_space<semaphore_mem>>
      %dma_start3A = arith.constant 0 : i32
      %dma_start3A_224 = tpu.memref_slice %arg6[%mul3A_106, %dma_start3A] : memref<50000x16xf32, #tpu.memory_space<vmem_shared>> -> memref<125x16xf32, #tpu.memory_space<vmem_shared>>
      %dma_start3A_225 = arith.constant 0 : i32
      %dma_start3A_226 = tpu.memref_slice %arg6[%mul3A_106, %dma_start3A_225] : memref<50000x16xf32, #tpu.memory_space<vmem_shared>> -> memref<125x16xf32, #tpu.memory_space<vmem_shared>>
      tpu.enqueue_dma source(%arg5 : memref<125x16xf32, #tpu.memory_space<vmem>>) target(%dma_start3A_226 : memref<125x16xf32, #tpu.memory_space<vmem_shared>>) target_semaphore(%run_scoped3A : memref<!tpu.dma_semaphore, #tpu.memory_space<semaphore_mem>>)
      %dma_wait3A = arith.constant 0 : i32
      %dma_wait3A_227 = tpu.memref_slice %arg6[%mul3A_106, %dma_wait3A] : memref<50000x16xf32, #tpu.memory_space<vmem_shared>> -> memref<125x16xf32, #tpu.memory_space<vmem_shared>>
      %dma_wait3A_228 = arith.constant 0 : i32
      %dma_wait3A_229 = tpu.memref_slice %arg6[%mul3A_106, %dma_wait3A_228] : memref<50000x16xf32, #tpu.memory_space<vmem_shared>> -> memref<125x16xf32, #tpu.memory_space<vmem_shared>>
      tpu.wait_dma2 semaphore(%run_scoped3A : memref<!tpu.dma_semaphore, #tpu.memory_space<semaphore_mem>>) src(%arg5 : memref<125x16xf32, #tpu.memory_space<vmem>>) dst(%dma_wait3A_229 : memref<125x16xf32, #tpu.memory_space<vmem_shared>>)
      tpu.yield
    }) : () -> ()
    %scan3A_107 = arith.constant 0 : i32
    %scan3A_108 = arith.constant 0 : i32
    %scan3A_109 = arith.constant 125 : i32
    %scan3A_110 = arith.addi %scan3A_108, %scan3A_109 : i32
    %scan3A_111 = arith.constant 1 : i32
    %scan3A_112 = scf.for %scan3A_224 = %scan3A_108 to %scan3A_110 step %scan3A_111 iter_args(%scan3A_225 = %scan3A_107) -> (i32)  : i32 {
      %broadcast_in_dim3A = arith.constant 1.000000e+00 : f32
      %broadcast_in_dim3A_226 = vector.broadcast %broadcast_in_dim3A : f32 to vector<16xf32>
      %swap3A = arith.index_cast %scan3A_224 : i32 to index
      %swap3A_227 = arith.constant 0 : index
      %swap3A_228 = tpu.vector_load %arg5[%swap3A, %swap3A_227] {strides = array<i32>} : memref<125x16xf32, #tpu.memory_space<vmem>>, vector<1x16xf32>,
      %swap3A_229 = vector.shape_cast %swap3A_228 : vector<1x16xf32> to vector<16xf32>
      %swap3A_230 = vector.shape_cast %broadcast_in_dim3A_226 : vector<16xf32> to vector<1x16xf32>
      tpu.vector_store %arg5[%swap3A, %swap3A_227], %swap3A_230 {strides = array<i32>} : memref<125x16xf32, #tpu.memory_space<vmem>>, vector<1x16xf32>,
      %scan3A_231 = arith.constant 0 : i32
      scf.yield %scan3A_231 : i32
    }
    %scan3A_113 = arith.constant 125 : i32
    %barrier3A = arith.constant 0 : index
    tpu.barrier barrier_id(%barrier3A)
    %mul3A_114 = arith.constant 200 : i32
    %mul3A_115 = arith.muli %add3A, %mul3A_114 : i32
    %scan3A_116 = arith.constant 0 : i32
    %scan3A_117 = arith.constant 0 : i32
    %scan3A_118 = arith.constant 25 : i32
    %scan3A_119 = arith.addi %scan3A_117, %scan3A_118 : i32
    %scan3A_120 = arith.constant 1 : i32
    %scan3A_121 = scf.for %scan3A_224 = %scan3A_117 to %scan3A_119 step %scan3A_120 iter_args(%scan3A_225 = %scan3A_116) -> (i32)  : i32 {
      %mul3A_226 = arith.constant 8 : i32
      %mul3A_227 = arith.muli %scan3A_224, %mul3A_226 : i32
      %add3A_228 = arith.addi %mul3A_115, %mul3A_227 : i32
      %run_scoped3A = arith.constant 1 : i32
      "tpu.region"() ({
        %run_scoped3A_238 = tpu.sem_alloc : memref<!tpu.dma_semaphore, #tpu.memory_space<semaphore_mem>>
        %dma_start3A = arith.constant 0 : i32
        %dma_start3A_239 = tpu.memref_slice %arg2[%run_scoped3A, %add3A_228, %dma_start3A] : memref<2x6400x125xi32, #tpu.memory_space<hbm>> -> memref<1x8x125xi32, #tpu.memory_space<hbm>>
        %dma_start3A_240 = tpu.memref_squeeze %dma_start3A_239 : memref<1x8x125xi32, #tpu.memory_space<hbm>> -> memref<8x125xi32, #tpu.memory_space<hbm>>
        %dma_start3A_241 = arith.constant 0 : i32
        %dma_start3A_242 = tpu.memref_slice %arg2[%run_scoped3A, %add3A_228, %dma_start3A_241] : memref<2x6400x125xi32, #tpu.memory_space<hbm>> -> memref<1x8x125xi32, #tpu.memory_space<hbm>>
        %dma_start3A_243 = tpu.memref_squeeze %dma_start3A_242 : memref<1x8x125xi32, #tpu.memory_space<hbm>> -> memref<8x125xi32, #tpu.memory_space<hbm>>
        tpu.enqueue_dma source(%dma_start3A_243 : memref<8x125xi32, #tpu.memory_space<hbm>>) target(%arg4 : memref<8x125xi32, #tpu.memory_space<vmem>>) target_semaphore(%run_scoped3A_238 : memref<!tpu.dma_semaphore, #tpu.memory_space<semaphore_mem>>)
        %dma_wait3A = arith.constant 0 : i32
        %dma_wait3A_244 = tpu.memref_slice %arg2[%run_scoped3A, %add3A_228, %dma_wait3A] : memref<2x6400x125xi32, #tpu.memory_space<hbm>> -> memref<1x8x125xi32, #tpu.memory_space<hbm>>
        %dma_wait3A_245 = tpu.memref_squeeze %dma_wait3A_244 : memref<1x8x125xi32, #tpu.memory_space<hbm>> -> memref<8x125xi32, #tpu.memory_space<hbm>>
        %dma_wait3A_246 = arith.constant 0 : i32
        %dma_wait3A_247 = tpu.memref_slice %arg2[%run_scoped3A, %add3A_228, %dma_wait3A_246] : memref<2x6400x125xi32, #tpu.memory_space<hbm>> -> memref<1x8x125xi32, #tpu.memory_space<hbm>>
        %dma_wait3A_248 = tpu.memref_squeeze %dma_wait3A_247 : memref<1x8x125xi32, #tpu.memory_space<hbm>> -> memref<8x125xi32, #tpu.memory_space<hbm>>
        tpu.wait_dma2 semaphore(%run_scoped3A_238 : memref<!tpu.dma_semaphore, #tpu.memory_space<semaphore_mem>>) src(%dma_wait3A_248 : memref<8x125xi32, #tpu.memory_space<hbm>>) dst(%arg4 : memref<8x125xi32, #tpu.memory_space<vmem>>)
        tpu.yield
      }) : () -> ()
      %run_scoped3A_229 = arith.constant 0 : i32
      "tpu.region"() ({
        %run_scoped3A_238 = tpu.sem_alloc : memref<!tpu.dma_semaphore, #tpu.memory_space<semaphore_mem>>
        %dma_start3A = arith.constant 0 : i32
        %dma_start3A_239 = tpu.memref_slice %arg4[%run_scoped3A_229, %dma_start3A] : memref<8x125xi32, #tpu.memory_space<vmem>> -> memref<1x125xi32, #tpu.memory_space<vmem>>
        %dma_start3A_240 = tpu.memref_squeeze %dma_start3A_239 : memref<1x125xi32, #tpu.memory_space<vmem>> -> memref<125xi32, #tpu.memory_space<vmem>>
        %dma_start3A_241 = arith.constant 0 : i32
        %dma_start3A_242 = arith.constant 0 : i32
        %dma_start3A_243 = tpu.memref_slice %arg6[%dma_start3A_241, %dma_start3A_242] : memref<50000x16xf32, #tpu.memory_space<vmem_shared>> -> memref<50000x16xf32, #tpu.memory_space<vmem_shared>>
        tpu.enqueue_indirect_dma source(%arg5 : memref<125x16xf32, #tpu.memory_space<vmem>>) target(%dma_start3A_243 : memref<50000x16xf32, #tpu.memory_space<vmem_shared>>) offsets(%dma_start3A_240 : memref<125xi32, #tpu.memory_space<vmem>>) semaphore(%run_scoped3A_238 : memref<!tpu.dma_semaphore, #tpu.memory_space<semaphore_mem>>) {add = true}
        %dma_wait3A = arith.constant 0 : i32
        %dma_wait3A_244 = tpu.memref_slice %arg4[%run_scoped3A_229, %dma_wait3A] : memref<8x125xi32, #tpu.memory_space<vmem>> -> memref<1x125xi32, #tpu.memory_space<vmem>>
        %dma_wait3A_245 = tpu.memref_squeeze %dma_wait3A_244 : memref<1x125xi32, #tpu.memory_space<vmem>> -> memref<125xi32, #tpu.memory_space<vmem>>
        %dma_wait3A_246 = arith.constant 0 : i32
        %dma_wait3A_247 = arith.constant 0 : i32
        %dma_wait3A_248 = tpu.memref_slice %arg6[%dma_wait3A_246, %dma_wait3A_247] : memref<50000x16xf32, #tpu.memory_space<vmem_shared>> -> memref<50000x16xf32, #tpu.memory_space<vmem_shared>>
        tpu.wait_indirect_dma semaphore(%run_scoped3A_238 : memref<!tpu.dma_semaphore, #tpu.memory_space<semaphore_mem>>) src(%arg5 : memref<125x16xf32, #tpu.memory_space<vmem>>) dst(%dma_wait3A_248 : memref<50000x16xf32, #tpu.memory_space<vmem_shared>>)
        tpu.yield
      }) : () -> ()
      %run_scoped3A_230 = arith.constant 1 : i32
      "tpu.region"() ({
        %run_scoped3A_238 = tpu.sem_alloc : memref<!tpu.dma_semaphore, #tpu.memory_space<semaphore_mem>>
        %dma_start3A = arith.constant 0 : i32
        %dma_start3A_239 = tpu.memref_slice %arg4[%run_scoped3A_230, %dma_start3A] : memref<8x125xi32, #tpu.memory_space<vmem>> -> memref<1x125xi32, #tpu.memory_space<vmem>>
        %dma_start3A_240 = tpu.memref_squeeze %dma_start3A_239 : memref<1x125xi32, #tpu.memory_space<vmem>> -> memref<125xi32, #tpu.memory_space<vmem>>
        %dma_start3A_241 = arith.constant 0 : i32
        %dma_start3A_242 = arith.constant 0 : i32
        %dma_start3A_243 = tpu.memref_slice %arg6[%dma_start3A_241, %dma_start3A_242] : memref<50000x16xf32, #tpu.memory_space<vmem_shared>> -> memref<50000x16xf32, #tpu.memory_space<vmem_shared>>
        tpu.enqueue_indirect_dma source(%arg5 : memref<125x16xf32, #tpu.memory_space<vmem>>) target(%dma_start3A_243 : memref<50000x16xf32, #tpu.memory_space<vmem_shared>>) offsets(%dma_start3A_240 : memref<125xi32, #tpu.memory_space<vmem>>) semaphore(%run_scoped3A_238 : memref<!tpu.dma_semaphore, #tpu.memory_space<semaphore_mem>>) {add = true}
        %dma_wait3A = arith.constant 0 : i32
        %dma_wait3A_244 = tpu.memref_slice %arg4[%run_scoped3A_230, %dma_wait3A] : memref<8x125xi32, #tpu.memory_space<vmem>> -> memref<1x125xi32, #tpu.memory_space<vmem>>
        %dma_wait3A_245 = tpu.memref_squeeze %dma_wait3A_244 : memref<1x125xi32, #tpu.memory_space<vmem>> -> memref<125xi32, #tpu.memory_space<vmem>>
        %dma_wait3A_246 = arith.constant 0 : i32
        %dma_wait3A_247 = arith.constant 0 : i32
        %dma_wait3A_248 = tpu.memref_slice %arg6[%dma_wait3A_246, %dma_wait3A_247] : memref<50000x16xf32, #tpu.memory_space<vmem_shared>> -> memref<50000x16xf32, #tpu.memory_space<vmem_shared>>
        tpu.wait_indirect_dma semaphore(%run_scoped3A_238 : memref<!tpu.dma_semaphore, #tpu.memory_space<semaphore_mem>>) src(%arg5 : memref<125x16xf32, #tpu.memory_space<vmem>>) dst(%dma_wait3A_248 : memref<50000x16xf32, #tpu.memory_space<vmem_shared>>)
        tpu.yield
      }) : () -> ()
      %run_scoped3A_231 = arith.constant 2 : i32
      "tpu.region"() ({
        %run_scoped3A_238 = tpu.sem_alloc : memref<!tpu.dma_semaphore, #tpu.memory_space<semaphore_mem>>
        %dma_start3A = arith.constant 0 : i32
        %dma_start3A_239 = tpu.memref_slice %arg4[%run_scoped3A_231, %dma_start3A] : memref<8x125xi32, #tpu.memory_space<vmem>> -> memref<1x125xi32, #tpu.memory_space<vmem>>
        %dma_start3A_240 = tpu.memref_squeeze %dma_start3A_239 : memref<1x125xi32, #tpu.memory_space<vmem>> -> memref<125xi32, #tpu.memory_space<vmem>>
        %dma_start3A_241 = arith.constant 0 : i32
        %dma_start3A_242 = arith.constant 0 : i32
        %dma_start3A_243 = tpu.memref_slice %arg6[%dma_start3A_241, %dma_start3A_242] : memref<50000x16xf32, #tpu.memory_space<vmem_shared>> -> memref<50000x16xf32, #tpu.memory_space<vmem_shared>>
        tpu.enqueue_indirect_dma source(%arg5 : memref<125x16xf32, #tpu.memory_space<vmem>>) target(%dma_start3A_243 : memref<50000x16xf32, #tpu.memory_space<vmem_shared>>) offsets(%dma_start3A_240 : memref<125xi32, #tpu.memory_space<vmem>>) semaphore(%run_scoped3A_238 : memref<!tpu.dma_semaphore, #tpu.memory_space<semaphore_mem>>) {add = true}
        %dma_wait3A = arith.constant 0 : i32
        %dma_wait3A_244 = tpu.memref_slice %arg4[%run_scoped3A_231, %dma_wait3A] : memref<8x125xi32, #tpu.memory_space<vmem>> -> memref<1x125xi32, #tpu.memory_space<vmem>>
        %dma_wait3A_245 = tpu.memref_squeeze %dma_wait3A_244 : memref<1x125xi32, #tpu.memory_space<vmem>> -> memref<125xi32, #tpu.memory_space<vmem>>
        %dma_wait3A_246 = arith.constant 0 : i32
        %dma_wait3A_247 = arith.constant 0 : i32
        %dma_wait3A_248 = tpu.memref_slice %arg6[%dma_wait3A_246, %dma_wait3A_247] : memref<50000x16xf32, #tpu.memory_space<vmem_shared>> -> memref<50000x16xf32, #tpu.memory_space<vmem_shared>>
        tpu.wait_indirect_dma semaphore(%run_scoped3A_238 : memref<!tpu.dma_semaphore, #tpu.memory_space<semaphore_mem>>) src(%arg5 : memref<125x16xf32, #tpu.memory_space<vmem>>) dst(%dma_wait3A_248 : memref<50000x16xf32, #tpu.memory_space<vmem_shared>>)
        tpu.yield
      }) : () -> ()
      %run_scoped3A_232 = arith.constant 3 : i32
      "tpu.region"() ({
        %run_scoped3A_238 = tpu.sem_alloc : memref<!tpu.dma_semaphore, #tpu.memory_space<semaphore_mem>>
        %dma_start3A = arith.constant 0 : i32
        %dma_start3A_239 = tpu.memref_slice %arg4[%run_scoped3A_232, %dma_start3A] : memref<8x125xi32, #tpu.memory_space<vmem>> -> memref<1x125xi32, #tpu.memory_space<vmem>>
        %dma_start3A_240 = tpu.memref_squeeze %dma_start3A_239 : memref<1x125xi32, #tpu.memory_space<vmem>> -> memref<125xi32, #tpu.memory_space<vmem>>
        %dma_start3A_241 = arith.constant 0 : i32
        %dma_start3A_242 = arith.constant 0 : i32
        %dma_start3A_243 = tpu.memref_slice %arg6[%dma_start3A_241, %dma_start3A_242] : memref<50000x16xf32, #tpu.memory_space<vmem_shared>> -> memref<50000x16xf32, #tpu.memory_space<vmem_shared>>
        tpu.enqueue_indirect_dma source(%arg5 : memref<125x16xf32, #tpu.memory_space<vmem>>) target(%dma_start3A_243 : memref<50000x16xf32, #tpu.memory_space<vmem_shared>>) offsets(%dma_start3A_240 : memref<125xi32, #tpu.memory_space<vmem>>) semaphore(%run_scoped3A_238 : memref<!tpu.dma_semaphore, #tpu.memory_space<semaphore_mem>>) {add = true}
        %dma_wait3A = arith.constant 0 : i32
        %dma_wait3A_244 = tpu.memref_slice %arg4[%run_scoped3A_232, %dma_wait3A] : memref<8x125xi32, #tpu.memory_space<vmem>> -> memref<1x125xi32, #tpu.memory_space<vmem>>
        %dma_wait3A_245 = tpu.memref_squeeze %dma_wait3A_244 : memref<1x125xi32, #tpu.memory_space<vmem>> -> memref<125xi32, #tpu.memory_space<vmem>>
        %dma_wait3A_246 = arith.constant 0 : i32
        %dma_wait3A_247 = arith.constant 0 : i32
        %dma_wait3A_248 = tpu.memref_slice %arg6[%dma_wait3A_246, %dma_wait3A_247] : memref<50000x16xf32, #tpu.memory_space<vmem_shared>> -> memref<50000x16xf32, #tpu.memory_space<vmem_shared>>
        tpu.wait_indirect_dma semaphore(%run_scoped3A_238 : memref<!tpu.dma_semaphore, #tpu.memory_space<semaphore_mem>>) src(%arg5 : memref<125x16xf32, #tpu.memory_space<vmem>>) dst(%dma_wait3A_248 : memref<50000x16xf32, #tpu.memory_space<vmem_shared>>)
        tpu.yield
      }) : () -> ()
      %run_scoped3A_233 = arith.constant 4 : i32
      "tpu.region"() ({
        %run_scoped3A_238 = tpu.sem_alloc : memref<!tpu.dma_semaphore, #tpu.memory_space<semaphore_mem>>
        %dma_start3A = arith.constant 0 : i32
        %dma_start3A_239 = tpu.memref_slice %arg4[%run_scoped3A_233, %dma_start3A] : memref<8x125xi32, #tpu.memory_space<vmem>> -> memref<1x125xi32, #tpu.memory_space<vmem>>
        %dma_start3A_240 = tpu.memref_squeeze %dma_start3A_239 : memref<1x125xi32, #tpu.memory_space<vmem>> -> memref<125xi32, #tpu.memory_space<vmem>>
        %dma_start3A_241 = arith.constant 0 : i32
        %dma_start3A_242 = arith.constant 0 : i32
        %dma_start3A_243 = tpu.memref_slice %arg6[%dma_start3A_241, %dma_start3A_242] : memref<50000x16xf32, #tpu.memory_space<vmem_shared>> -> memref<50000x16xf32, #tpu.memory_space<vmem_shared>>
        tpu.enqueue_indirect_dma source(%arg5 : memref<125x16xf32, #tpu.memory_space<vmem>>) target(%dma_start3A_243 : memref<50000x16xf32, #tpu.memory_space<vmem_shared>>) offsets(%dma_start3A_240 : memref<125xi32, #tpu.memory_space<vmem>>) semaphore(%run_scoped3A_238 : memref<!tpu.dma_semaphore, #tpu.memory_space<semaphore_mem>>) {add = true}
        %dma_wait3A = arith.constant 0 : i32
        %dma_wait3A_244 = tpu.memref_slice %arg4[%run_scoped3A_233, %dma_wait3A] : memref<8x125xi32, #tpu.memory_space<vmem>> -> memref<1x125xi32, #tpu.memory_space<vmem>>
        %dma_wait3A_245 = tpu.memref_squeeze %dma_wait3A_244 : memref<1x125xi32, #tpu.memory_space<vmem>> -> memref<125xi32, #tpu.memory_space<vmem>>
        %dma_wait3A_246 = arith.constant 0 : i32
        %dma_wait3A_247 = arith.constant 0 : i32
        %dma_wait3A_248 = tpu.memref_slice %arg6[%dma_wait3A_246, %dma_wait3A_247] : memref<50000x16xf32, #tpu.memory_space<vmem_shared>> -> memref<50000x16xf32, #tpu.memory_space<vmem_shared>>
        tpu.wait_indirect_dma semaphore(%run_scoped3A_238 : memref<!tpu.dma_semaphore, #tpu.memory_space<semaphore_mem>>) src(%arg5 : memref<125x16xf32, #tpu.memory_space<vmem>>) dst(%dma_wait3A_248 : memref<50000x16xf32, #tpu.memory_space<vmem_shared>>)
        tpu.yield
      }) : () -> ()
      %run_scoped3A_234 = arith.constant 5 : i32
      "tpu.region"() ({
        %run_scoped3A_238 = tpu.sem_alloc : memref<!tpu.dma_semaphore, #tpu.memory_space<semaphore_mem>>
        %dma_start3A = arith.constant 0 : i32
        %dma_start3A_239 = tpu.memref_slice %arg4[%run_scoped3A_234, %dma_start3A] : memref<8x125xi32, #tpu.memory_space<vmem>> -> memref<1x125xi32, #tpu.memory_space<vmem>>
        %dma_start3A_240 = tpu.memref_squeeze %dma_start3A_239 : memref<1x125xi32, #tpu.memory_space<vmem>> -> memref<125xi32, #tpu.memory_space<vmem>>
        %dma_start3A_241 = arith.constant 0 : i32
        %dma_start3A_242 = arith.constant 0 : i32
        %dma_start3A_243 = tpu.memref_slice %arg6[%dma_start3A_241, %dma_start3A_242] : memref<50000x16xf32, #tpu.memory_space<vmem_shared>> -> memref<50000x16xf32, #tpu.memory_space<vmem_shared>>
        tpu.enqueue_indirect_dma source(%arg5 : memref<125x16xf32, #tpu.memory_space<vmem>>) target(%dma_start3A_243 : memref<50000x16xf32, #tpu.memory_space<vmem_shared>>) offsets(%dma_start3A_240 : memref<125xi32, #tpu.memory_space<vmem>>) semaphore(%run_scoped3A_238 : memref<!tpu.dma_semaphore, #tpu.memory_space<semaphore_mem>>) {add = true}
        %dma_wait3A = arith.constant 0 : i32
        %dma_wait3A_244 = tpu.memref_slice %arg4[%run_scoped3A_234, %dma_wait3A] : memref<8x125xi32, #tpu.memory_space<vmem>> -> memref<1x125xi32, #tpu.memory_space<vmem>>
        %dma_wait3A_245 = tpu.memref_squeeze %dma_wait3A_244 : memref<1x125xi32, #tpu.memory_space<vmem>> -> memref<125xi32, #tpu.memory_space<vmem>>
        %dma_wait3A_246 = arith.constant 0 : i32
        %dma_wait3A_247 = arith.constant 0 : i32
        %dma_wait3A_248 = tpu.memref_slice %arg6[%dma_wait3A_246, %dma_wait3A_247] : memref<50000x16xf32, #tpu.memory_space<vmem_shared>> -> memref<50000x16xf32, #tpu.memory_space<vmem_shared>>
        tpu.wait_indirect_dma semaphore(%run_scoped3A_238 : memref<!tpu.dma_semaphore, #tpu.memory_space<semaphore_mem>>) src(%arg5 : memref<125x16xf32, #tpu.memory_space<vmem>>) dst(%dma_wait3A_248 : memref<50000x16xf32, #tpu.memory_space<vmem_shared>>)
        tpu.yield
      }) : () -> ()
      %run_scoped3A_235 = arith.constant 6 : i32
      "tpu.region"() ({
        %run_scoped3A_238 = tpu.sem_alloc : memref<!tpu.dma_semaphore, #tpu.memory_space<semaphore_mem>>
        %dma_start3A = arith.constant 0 : i32
        %dma_start3A_239 = tpu.memref_slice %arg4[%run_scoped3A_235, %dma_start3A] : memref<8x125xi32, #tpu.memory_space<vmem>> -> memref<1x125xi32, #tpu.memory_space<vmem>>
        %dma_start3A_240 = tpu.memref_squeeze %dma_start3A_239 : memref<1x125xi32, #tpu.memory_space<vmem>> -> memref<125xi32, #tpu.memory_space<vmem>>
        %dma_start3A_241 = arith.constant 0 : i32
        %dma_start3A_242 = arith.constant 0 : i32
        %dma_start3A_243 = tpu.memref_slice %arg6[%dma_start3A_241, %dma_start3A_242] : memref<50000x16xf32, #tpu.memory_space<vmem_shared>> -> memref<50000x16xf32, #tpu.memory_space<vmem_shared>>
        tpu.enqueue_indirect_dma source(%arg5 : memref<125x16xf32, #tpu.memory_space<vmem>>) target(%dma_start3A_243 : memref<50000x16xf32, #tpu.memory_space<vmem_shared>>) offsets(%dma_start3A_240 : memref<125xi32, #tpu.memory_space<vmem>>) semaphore(%run_scoped3A_238 : memref<!tpu.dma_semaphore, #tpu.memory_space<semaphore_mem>>) {add = true}
        %dma_wait3A = arith.constant 0 : i32
        %dma_wait3A_244 = tpu.memref_slice %arg4[%run_scoped3A_235, %dma_wait3A] : memref<8x125xi32, #tpu.memory_space<vmem>> -> memref<1x125xi32, #tpu.memory_space<vmem>>
        %dma_wait3A_245 = tpu.memref_squeeze %dma_wait3A_244 : memref<1x125xi32, #tpu.memory_space<vmem>> -> memref<125xi32, #tpu.memory_space<vmem>>
        %dma_wait3A_246 = arith.constant 0 : i32
        %dma_wait3A_247 = arith.constant 0 : i32
        %dma_wait3A_248 = tpu.memref_slice %arg6[%dma_wait3A_246, %dma_wait3A_247] : memref<50000x16xf32, #tpu.memory_space<vmem_shared>> -> memref<50000x16xf32, #tpu.memory_space<vmem_shared>>
        tpu.wait_indirect_dma semaphore(%run_scoped3A_238 : memref<!tpu.dma_semaphore, #tpu.memory_space<semaphore_mem>>) src(%arg5 : memref<125x16xf32, #tpu.memory_space<vmem>>) dst(%dma_wait3A_248 : memref<50000x16xf32, #tpu.memory_space<vmem_shared>>)
        tpu.yield
      }) : () -> ()
      %run_scoped3A_236 = arith.constant 7 : i32
      "tpu.region"() ({
        %run_scoped3A_238 = tpu.sem_alloc : memref<!tpu.dma_semaphore, #tpu.memory_space<semaphore_mem>>
        %dma_start3A = arith.constant 0 : i32
        %dma_start3A_239 = tpu.memref_slice %arg4[%run_scoped3A_236, %dma_start3A] : memref<8x125xi32, #tpu.memory_space<vmem>> -> memref<1x125xi32, #tpu.memory_space<vmem>>
        %dma_start3A_240 = tpu.memref_squeeze %dma_start3A_239 : memref<1x125xi32, #tpu.memory_space<vmem>> -> memref<125xi32, #tpu.memory_space<vmem>>
        %dma_start3A_241 = arith.constant 0 : i32
        %dma_start3A_242 = arith.constant 0 : i32
        %dma_start3A_243 = tpu.memref_slice %arg6[%dma_start3A_241, %dma_start3A_242] : memref<50000x16xf32, #tpu.memory_space<vmem_shared>> -> memref<50000x16xf32, #tpu.memory_space<vmem_shared>>
        tpu.enqueue_indirect_dma source(%arg5 : memref<125x16xf32, #tpu.memory_space<vmem>>) target(%dma_start3A_243 : memref<50000x16xf32, #tpu.memory_space<vmem_shared>>) offsets(%dma_start3A_240 : memref<125xi32, #tpu.memory_space<vmem>>) semaphore(%run_scoped3A_238 : memref<!tpu.dma_semaphore, #tpu.memory_space<semaphore_mem>>) {add = true}
        %dma_wait3A = arith.constant 0 : i32
        %dma_wait3A_244 = tpu.memref_slice %arg4[%run_scoped3A_236, %dma_wait3A] : memref<8x125xi32, #tpu.memory_space<vmem>> -> memref<1x125xi32, #tpu.memory_space<vmem>>
        %dma_wait3A_245 = tpu.memref_squeeze %dma_wait3A_244 : memref<1x125xi32, #tpu.memory_space<vmem>> -> memref<125xi32, #tpu.memory_space<vmem>>
        %dma_wait3A_246 = arith.constant 0 : i32
        %dma_wait3A_247 = arith.constant 0 : i32
        %dma_wait3A_248 = tpu.memref_slice %arg6[%dma_wait3A_246, %dma_wait3A_247] : memref<50000x16xf32, #tpu.memory_space<vmem_shared>> -> memref<50000x16xf32, #tpu.memory_space<vmem_shared>>
        tpu.wait_indirect_dma semaphore(%run_scoped3A_238 : memref<!tpu.dma_semaphore, #tpu.memory_space<semaphore_mem>>) src(%arg5 : memref<125x16xf32, #tpu.memory_space<vmem>>) dst(%dma_wait3A_248 : memref<50000x16xf32, #tpu.memory_space<vmem_shared>>)
        tpu.yield
      }) : () -> ()
      %scan3A_237 = arith.constant 0 : i32
      scf.yield %scan3A_237 : i32
    }
    %scan3A_122 = arith.constant 25 : i32
    %barrier3A_123 = arith.constant 0 : index
    tpu.barrier barrier_id(%barrier3A_123)
    %add3A_124 = arith.constant 0 : i32
    %add3A_125 = arith.addi %add3A_124, %arg1 : i32
    %mul3A_126 = arith.constant 125 : i32
    %mul3A_127 = arith.muli %add3A_125, %mul3A_126 : i32
    "tpu.region"() ({
      %run_scoped3A = tpu.sem_alloc : memref<!tpu.dma_semaphore, #tpu.memory_space<semaphore_mem>>
      %dma_start3A = arith.constant 0 : i32
      %dma_start3A_224 = tpu.memref_slice %arg3[%arg0, %mul3A_127, %dma_start3A] : memref<2x50000x16xf32, #tpu.memory_space<hbm>> -> memref<1x125x16xf32, #tpu.memory_space<hbm>>
      %dma_start3A_225 = tpu.memref_squeeze %dma_start3A_224 : memref<1x125x16xf32, #tpu.memory_space<hbm>> -> memref<125x16xf32, #tpu.memory_space<hbm>>
      %dma_start3A_226 = arith.constant 0 : i32
      %dma_start3A_227 = tpu.memref_slice %arg6[%mul3A_127, %dma_start3A_226] : memref<50000x16xf32, #tpu.memory_space<vmem_shared>> -> memref<125x16xf32, #tpu.memory_space<vmem_shared>>
      tpu.enqueue_dma source(%dma_start3A_227 : memref<125x16xf32, #tpu.memory_space<vmem_shared>>) target(%dma_start3A_225 : memref<125x16xf32, #tpu.memory_space<hbm>>) target_semaphore(%run_scoped3A : memref<!tpu.dma_semaphore, #tpu.memory_space<semaphore_mem>>)
      %dma_wait3A = arith.constant 0 : i32
      %dma_wait3A_228 = tpu.memref_slice %arg3[%arg0, %mul3A_127, %dma_wait3A] : memref<2x50000x16xf32, #tpu.memory_space<hbm>> -> memref<1x125x16xf32, #tpu.memory_space<hbm>>
      %dma_wait3A_229 = tpu.memref_squeeze %dma_wait3A_228 : memref<1x125x16xf32, #tpu.memory_space<hbm>> -> memref<125x16xf32, #tpu.memory_space<hbm>>
      %dma_wait3A_230 = arith.constant 0 : i32
      %dma_wait3A_231 = tpu.memref_slice %arg6[%mul3A_127, %dma_wait3A_230] : memref<50000x16xf32, #tpu.memory_space<vmem_shared>> -> memref<125x16xf32, #tpu.memory_space<vmem_shared>>
      tpu.wait_dma2 semaphore(%run_scoped3A : memref<!tpu.dma_semaphore, #tpu.memory_space<semaphore_mem>>) src(%dma_wait3A_231 : memref<125x16xf32, #tpu.memory_space<vmem_shared>>) dst(%dma_wait3A_229 : memref<125x16xf32, #tpu.memory_space<hbm>>)
      tpu.yield
    }) : () -> ()
    %add3A_128 = arith.constant 16 : i32
    %add3A_129 = arith.addi %add3A_128, %arg1 : i32
    %mul3A_130 = arith.constant 125 : i32
    %mul3A_131 = arith.muli %add3A_129, %mul3A_130 : i32
    "tpu.region"() ({
      %run_scoped3A = tpu.sem_alloc : memref<!tpu.dma_semaphore, #tpu.memory_space<semaphore_mem>>
      %dma_start3A = arith.constant 0 : i32
      %dma_start3A_224 = tpu.memref_slice %arg3[%arg0, %mul3A_131, %dma_start3A] : memref<2x50000x16xf32, #tpu.memory_space<hbm>> -> memref<1x125x16xf32, #tpu.memory_space<hbm>>
      %dma_start3A_225 = tpu.memref_squeeze %dma_start3A_224 : memref<1x125x16xf32, #tpu.memory_space<hbm>> -> memref<125x16xf32, #tpu.memory_space<hbm>>
      %dma_start3A_226 = arith.constant 0 : i32
      %dma_start3A_227 = tpu.memref_slice %arg6[%mul3A_131, %dma_start3A_226] : memref<50000x16xf32, #tpu.memory_space<vmem_shared>> -> memref<125x16xf32, #tpu.memory_space<vmem_shared>>
      tpu.enqueue_dma source(%dma_start3A_227 : memref<125x16xf32, #tpu.memory_space<vmem_shared>>) target(%dma_start3A_225 : memref<125x16xf32, #tpu.memory_space<hbm>>) target_semaphore(%run_scoped3A : memref<!tpu.dma_semaphore, #tpu.memory_space<semaphore_mem>>)
      %dma_wait3A = arith.constant 0 : i32
      %dma_wait3A_228 = tpu.memref_slice %arg3[%arg0, %mul3A_131, %dma_wait3A] : memref<2x50000x16xf32, #tpu.memory_space<hbm>> -> memref<1x125x16xf32, #tpu.memory_space<hbm>>
      %dma_wait3A_229 = tpu.memref_squeeze %dma_wait3A_228 : memref<1x125x16xf32, #tpu.memory_space<hbm>> -> memref<125x16xf32, #tpu.memory_space<hbm>>
      %dma_wait3A_230 = arith.constant 0 : i32
      %dma_wait3A_231 = tpu.memref_slice %arg6[%mul3A_131, %dma_wait3A_230] : memref<50000x16xf32, #tpu.memory_space<vmem_shared>> -> memref<125x16xf32, #tpu.memory_space<vmem_shared>>
      tpu.wait_dma2 semaphore(%run_scoped3A : memref<!tpu.dma_semaphore, #tpu.memory_space<semaphore_mem>>) src(%dma_wait3A_231 : memref<125x16xf32, #tpu.memory_space<vmem_shared>>) dst(%dma_wait3A_229 : memref<125x16xf32, #tpu.memory_space<hbm>>)
      tpu.yield
    }) : () -> ()
    %add3A_132 = arith.constant 32 : i32
    %add3A_133 = arith.addi %add3A_132, %arg1 : i32
    %mul3A_134 = arith.constant 125 : i32
    %mul3A_135 = arith.muli %add3A_133, %mul3A_134 : i32
    "tpu.region"() ({
      %run_scoped3A = tpu.sem_alloc : memref<!tpu.dma_semaphore, #tpu.memory_space<semaphore_mem>>
      %dma_start3A = arith.constant 0 : i32
      %dma_start3A_224 = tpu.memref_slice %arg3[%arg0, %mul3A_135, %dma_start3A] : memref<2x50000x16xf32, #tpu.memory_space<hbm>> -> memref<1x125x16xf32, #tpu.memory_space<hbm>>
      %dma_start3A_225 = tpu.memref_squeeze %dma_start3A_224 : memref<1x125x16xf32, #tpu.memory_space<hbm>> -> memref<125x16xf32, #tpu.memory_space<hbm>>
      %dma_start3A_226 = arith.constant 0 : i32
      %dma_start3A_227 = tpu.memref_slice %arg6[%mul3A_135, %dma_start3A_226] : memref<50000x16xf32, #tpu.memory_space<vmem_shared>> -> memref<125x16xf32, #tpu.memory_space<vmem_shared>>
      tpu.enqueue_dma source(%dma_start3A_227 : memref<125x16xf32, #tpu.memory_space<vmem_shared>>) target(%dma_start3A_225 : memref<125x16xf32, #tpu.memory_space<hbm>>) target_semaphore(%run_scoped3A : memref<!tpu.dma_semaphore, #tpu.memory_space<semaphore_mem>>)
      %dma_wait3A = arith.constant 0 : i32
      %dma_wait3A_228 = tpu.memref_slice %arg3[%arg0, %mul3A_135, %dma_wait3A] : memref<2x50000x16xf32, #tpu.memory_space<hbm>> -> memref<1x125x16xf32, #tpu.memory_space<hbm>>
      %dma_wait3A_229 = tpu.memref_squeeze %dma_wait3A_228 : memref<1x125x16xf32, #tpu.memory_space<hbm>> -> memref<125x16xf32, #tpu.memory_space<hbm>>
      %dma_wait3A_230 = arith.constant 0 : i32
      %dma_wait3A_231 = tpu.memref_slice %arg6[%mul3A_135, %dma_wait3A_230] : memref<50000x16xf32, #tpu.memory_space<vmem_shared>> -> memref<125x16xf32, #tpu.memory_space<vmem_shared>>
      tpu.wait_dma2 semaphore(%run_scoped3A : memref<!tpu.dma_semaphore, #tpu.memory_space<semaphore_mem>>) src(%dma_wait3A_231 : memref<125x16xf32, #tpu.memory_space<vmem_shared>>) dst(%dma_wait3A_229 : memref<125x16xf32, #tpu.memory_space<hbm>>)
      tpu.yield
    }) : () -> ()
    %add3A_136 = arith.constant 48 : i32
    %add3A_137 = arith.addi %add3A_136, %arg1 : i32
    %mul3A_138 = arith.constant 125 : i32
    %mul3A_139 = arith.muli %add3A_137, %mul3A_138 : i32
    "tpu.region"() ({
      %run_scoped3A = tpu.sem_alloc : memref<!tpu.dma_semaphore, #tpu.memory_space<semaphore_mem>>
      %dma_start3A = arith.constant 0 : i32
      %dma_start3A_224 = tpu.memref_slice %arg3[%arg0, %mul3A_139, %dma_start3A] : memref<2x50000x16xf32, #tpu.memory_space<hbm>> -> memref<1x125x16xf32, #tpu.memory_space<hbm>>
      %dma_start3A_225 = tpu.memref_squeeze %dma_start3A_224 : memref<1x125x16xf32, #tpu.memory_space<hbm>> -> memref<125x16xf32, #tpu.memory_space<hbm>>
      %dma_start3A_226 = arith.constant 0 : i32
      %dma_start3A_227 = tpu.memref_slice %arg6[%mul3A_139, %dma_start3A_226] : memref<50000x16xf32, #tpu.memory_space<vmem_shared>> -> memref<125x16xf32, #tpu.memory_space<vmem_shared>>
      tpu.enqueue_dma source(%dma_start3A_227 : memref<125x16xf32, #tpu.memory_space<vmem_shared>>) target(%dma_start3A_225 : memref<125x16xf32, #tpu.memory_space<hbm>>) target_semaphore(%run_scoped3A : memref<!tpu.dma_semaphore, #tpu.memory_space<semaphore_mem>>)
      %dma_wait3A = arith.constant 0 : i32
      %dma_wait3A_228 = tpu.memref_slice %arg3[%arg0, %mul3A_139, %dma_wait3A] : memref<2x50000x16xf32, #tpu.memory_space<hbm>> -> memref<1x125x16xf32, #tpu.memory_space<hbm>>
      %dma_wait3A_229 = tpu.memref_squeeze %dma_wait3A_228 : memref<1x125x16xf32, #tpu.memory_space<hbm>> -> memref<125x16xf32, #tpu.memory_space<hbm>>
      %dma_wait3A_230 = arith.constant 0 : i32
      %dma_wait3A_231 = tpu.memref_slice %arg6[%mul3A_139, %dma_wait3A_230] : memref<50000x16xf32, #tpu.memory_space<vmem_shared>> -> memref<125x16xf32, #tpu.memory_space<vmem_shared>>
      tpu.wait_dma2 semaphore(%run_scoped3A : memref<!tpu.dma_semaphore, #tpu.memory_space<semaphore_mem>>) src(%dma_wait3A_231 : memref<125x16xf32, #tpu.memory_space<vmem_shared>>) dst(%dma_wait3A_229 : memref<125x16xf32, #tpu.memory_space<hbm>>)
      tpu.yield
    }) : () -> ()
    %add3A_140 = arith.constant 64 : i32
    %add3A_141 = arith.addi %add3A_140, %arg1 : i32
    %mul3A_142 = arith.constant 125 : i32
    %mul3A_143 = arith.muli %add3A_141, %mul3A_142 : i32
    "tpu.region"() ({
      %run_scoped3A = tpu.sem_alloc : memref<!tpu.dma_semaphore, #tpu.memory_space<semaphore_mem>>
      %dma_start3A = arith.constant 0 : i32
      %dma_start3A_224 = tpu.memref_slice %arg3[%arg0, %mul3A_143, %dma_start3A] : memref<2x50000x16xf32, #tpu.memory_space<hbm>> -> memref<1x125x16xf32, #tpu.memory_space<hbm>>
      %dma_start3A_225 = tpu.memref_squeeze %dma_start3A_224 : memref<1x125x16xf32, #tpu.memory_space<hbm>> -> memref<125x16xf32, #tpu.memory_space<hbm>>
      %dma_start3A_226 = arith.constant 0 : i32
      %dma_start3A_227 = tpu.memref_slice %arg6[%mul3A_143, %dma_start3A_226] : memref<50000x16xf32, #tpu.memory_space<vmem_shared>> -> memref<125x16xf32, #tpu.memory_space<vmem_shared>>
      tpu.enqueue_dma source(%dma_start3A_227 : memref<125x16xf32, #tpu.memory_space<vmem_shared>>) target(%dma_start3A_225 : memref<125x16xf32, #tpu.memory_space<hbm>>) target_semaphore(%run_scoped3A : memref<!tpu.dma_semaphore, #tpu.memory_space<semaphore_mem>>)
      %dma_wait3A = arith.constant 0 : i32
      %dma_wait3A_228 = tpu.memref_slice %arg3[%arg0, %mul3A_143, %dma_wait3A] : memref<2x50000x16xf32, #tpu.memory_space<hbm>> -> memref<1x125x16xf32, #tpu.memory_space<hbm>>
      %dma_wait3A_229 = tpu.memref_squeeze %dma_wait3A_228 : memref<1x125x16xf32, #tpu.memory_space<hbm>> -> memref<125x16xf32, #tpu.memory_space<hbm>>
      %dma_wait3A_230 = arith.constant 0 : i32
      %dma_wait3A_231 = tpu.memref_slice %arg6[%mul3A_143, %dma_wait3A_230] : memref<50000x16xf32, #tpu.memory_space<vmem_shared>> -> memref<125x16xf32, #tpu.memory_space<vmem_shared>>
      tpu.wait_dma2 semaphore(%run_scoped3A : memref<!tpu.dma_semaphore, #tpu.memory_space<semaphore_mem>>) src(%dma_wait3A_231 : memref<125x16xf32, #tpu.memory_space<vmem_shared>>) dst(%dma_wait3A_229 : memref<125x16xf32, #tpu.memory_space<hbm>>)
      tpu.yield
    }) : () -> ()
    %add3A_144 = arith.constant 80 : i32
    %add3A_145 = arith.addi %add3A_144, %arg1 : i32
    %mul3A_146 = arith.constant 125 : i32
    %mul3A_147 = arith.muli %add3A_145, %mul3A_146 : i32
    "tpu.region"() ({
      %run_scoped3A = tpu.sem_alloc : memref<!tpu.dma_semaphore, #tpu.memory_space<semaphore_mem>>
      %dma_start3A = arith.constant 0 : i32
      %dma_start3A_224 = tpu.memref_slice %arg3[%arg0, %mul3A_147, %dma_start3A] : memref<2x50000x16xf32, #tpu.memory_space<hbm>> -> memref<1x125x16xf32, #tpu.memory_space<hbm>>
      %dma_start3A_225 = tpu.memref_squeeze %dma_start3A_224 : memref<1x125x16xf32, #tpu.memory_space<hbm>> -> memref<125x16xf32, #tpu.memory_space<hbm>>
      %dma_start3A_226 = arith.constant 0 : i32
      %dma_start3A_227 = tpu.memref_slice %arg6[%mul3A_147, %dma_start3A_226] : memref<50000x16xf32, #tpu.memory_space<vmem_shared>> -> memref<125x16xf32, #tpu.memory_space<vmem_shared>>
      tpu.enqueue_dma source(%dma_start3A_227 : memref<125x16xf32, #tpu.memory_space<vmem_shared>>) target(%dma_start3A_225 : memref<125x16xf32, #tpu.memory_space<hbm>>) target_semaphore(%run_scoped3A : memref<!tpu.dma_semaphore, #tpu.memory_space<semaphore_mem>>)
      %dma_wait3A = arith.constant 0 : i32
      %dma_wait3A_228 = tpu.memref_slice %arg3[%arg0, %mul3A_147, %dma_wait3A] : memref<2x50000x16xf32, #tpu.memory_space<hbm>> -> memref<1x125x16xf32, #tpu.memory_space<hbm>>
      %dma_wait3A_229 = tpu.memref_squeeze %dma_wait3A_228 : memref<1x125x16xf32, #tpu.memory_space<hbm>> -> memref<125x16xf32, #tpu.memory_space<hbm>>
      %dma_wait3A_230 = arith.constant 0 : i32
      %dma_wait3A_231 = tpu.memref_slice %arg6[%mul3A_147, %dma_wait3A_230] : memref<50000x16xf32, #tpu.memory_space<vmem_shared>> -> memref<125x16xf32, #tpu.memory_space<vmem_shared>>
      tpu.wait_dma2 semaphore(%run_scoped3A : memref<!tpu.dma_semaphore, #tpu.memory_space<semaphore_mem>>) src(%dma_wait3A_231 : memref<125x16xf32, #tpu.memory_space<vmem_shared>>) dst(%dma_wait3A_229 : memref<125x16xf32, #tpu.memory_space<hbm>>)
      tpu.yield
    }) : () -> ()
    %add3A_148 = arith.constant 96 : i32
    %add3A_149 = arith.addi %add3A_148, %arg1 : i32
    %mul3A_150 = arith.constant 125 : i32
    %mul3A_151 = arith.muli %add3A_149, %mul3A_150 : i32
    "tpu.region"() ({
      %run_scoped3A = tpu.sem_alloc : memref<!tpu.dma_semaphore, #tpu.memory_space<semaphore_mem>>
      %dma_start3A = arith.constant 0 : i32
      %dma_start3A_224 = tpu.memref_slice %arg3[%arg0, %mul3A_151, %dma_start3A] : memref<2x50000x16xf32, #tpu.memory_space<hbm>> -> memref<1x125x16xf32, #tpu.memory_space<hbm>>
      %dma_start3A_225 = tpu.memref_squeeze %dma_start3A_224 : memref<1x125x16xf32, #tpu.memory_space<hbm>> -> memref<125x16xf32, #tpu.memory_space<hbm>>
      %dma_start3A_226 = arith.constant 0 : i32
      %dma_start3A_227 = tpu.memref_slice %arg6[%mul3A_151, %dma_start3A_226] : memref<50000x16xf32, #tpu.memory_space<vmem_shared>> -> memref<125x16xf32, #tpu.memory_space<vmem_shared>>
      tpu.enqueue_dma source(%dma_start3A_227 : memref<125x16xf32, #tpu.memory_space<vmem_shared>>) target(%dma_start3A_225 : memref<125x16xf32, #tpu.memory_space<hbm>>) target_semaphore(%run_scoped3A : memref<!tpu.dma_semaphore, #tpu.memory_space<semaphore_mem>>)
      %dma_wait3A = arith.constant 0 : i32
      %dma_wait3A_228 = tpu.memref_slice %arg3[%arg0, %mul3A_151, %dma_wait3A] : memref<2x50000x16xf32, #tpu.memory_space<hbm>> -> memref<1x125x16xf32, #tpu.memory_space<hbm>>
      %dma_wait3A_229 = tpu.memref_squeeze %dma_wait3A_228 : memref<1x125x16xf32, #tpu.memory_space<hbm>> -> memref<125x16xf32, #tpu.memory_space<hbm>>
      %dma_wait3A_230 = arith.constant 0 : i32
      %dma_wait3A_231 = tpu.memref_slice %arg6[%mul3A_151, %dma_wait3A_230] : memref<50000x16xf32, #tpu.memory_space<vmem_shared>> -> memref<125x16xf32, #tpu.memory_space<vmem_shared>>
      tpu.wait_dma2 semaphore(%run_scoped3A : memref<!tpu.dma_semaphore, #tpu.memory_space<semaphore_mem>>) src(%dma_wait3A_231 : memref<125x16xf32, #tpu.memory_space<vmem_shared>>) dst(%dma_wait3A_229 : memref<125x16xf32, #tpu.memory_space<hbm>>)
      tpu.yield
    }) : () -> ()
    %add3A_152 = arith.constant 112 : i32
    %add3A_153 = arith.addi %add3A_152, %arg1 : i32
    %mul3A_154 = arith.constant 125 : i32
    %mul3A_155 = arith.muli %add3A_153, %mul3A_154 : i32
    "tpu.region"() ({
      %run_scoped3A = tpu.sem_alloc : memref<!tpu.dma_semaphore, #tpu.memory_space<semaphore_mem>>
      %dma_start3A = arith.constant 0 : i32
      %dma_start3A_224 = tpu.memref_slice %arg3[%arg0, %mul3A_155, %dma_start3A] : memref<2x50000x16xf32, #tpu.memory_space<hbm>> -> memref<1x125x16xf32, #tpu.memory_space<hbm>>
      %dma_start3A_225 = tpu.memref_squeeze %dma_start3A_224 : memref<1x125x16xf32, #tpu.memory_space<hbm>> -> memref<125x16xf32, #tpu.memory_space<hbm>>
      %dma_start3A_226 = arith.constant 0 : i32
      %dma_start3A_227 = tpu.memref_slice %arg6[%mul3A_155, %dma_start3A_226] : memref<50000x16xf32, #tpu.memory_space<vmem_shared>> -> memref<125x16xf32, #tpu.memory_space<vmem_shared>>
      tpu.enqueue_dma source(%dma_start3A_227 : memref<125x16xf32, #tpu.memory_space<vmem_shared>>) target(%dma_start3A_225 : memref<125x16xf32, #tpu.memory_space<hbm>>) target_semaphore(%run_scoped3A : memref<!tpu.dma_semaphore, #tpu.memory_space<semaphore_mem>>)
      %dma_wait3A = arith.constant 0 : i32
      %dma_wait3A_228 = tpu.memref_slice %arg3[%arg0, %mul3A_155, %dma_wait3A] : memref<2x50000x16xf32, #tpu.memory_space<hbm>> -> memref<1x125x16xf32, #tpu.memory_space<hbm>>
      %dma_wait3A_229 = tpu.memref_squeeze %dma_wait3A_228 : memref<1x125x16xf32, #tpu.memory_space<hbm>> -> memref<125x16xf32, #tpu.memory_space<hbm>>
      %dma_wait3A_230 = arith.constant 0 : i32
      %dma_wait3A_231 = tpu.memref_slice %arg6[%mul3A_155, %dma_wait3A_230] : memref<50000x16xf32, #tpu.memory_space<vmem_shared>> -> memref<125x16xf32, #tpu.memory_space<vmem_shared>>
      tpu.wait_dma2 semaphore(%run_scoped3A : memref<!tpu.dma_semaphore, #tpu.memory_space<semaphore_mem>>) src(%dma_wait3A_231 : memref<125x16xf32, #tpu.memory_space<vmem_shared>>) dst(%dma_wait3A_229 : memref<125x16xf32, #tpu.memory_space<hbm>>)
      tpu.yield
    }) : () -> ()
    %add3A_156 = arith.constant 128 : i32
    %add3A_157 = arith.addi %add3A_156, %arg1 : i32
    %mul3A_158 = arith.constant 125 : i32
    %mul3A_159 = arith.muli %add3A_157, %mul3A_158 : i32
    "tpu.region"() ({
      %run_scoped3A = tpu.sem_alloc : memref<!tpu.dma_semaphore, #tpu.memory_space<semaphore_mem>>
      %dma_start3A = arith.constant 0 : i32
      %dma_start3A_224 = tpu.memref_slice %arg3[%arg0, %mul3A_159, %dma_start3A] : memref<2x50000x16xf32, #tpu.memory_space<hbm>> -> memref<1x125x16xf32, #tpu.memory_space<hbm>>
      %dma_start3A_225 = tpu.memref_squeeze %dma_start3A_224 : memref<1x125x16xf32, #tpu.memory_space<hbm>> -> memref<125x16xf32, #tpu.memory_space<hbm>>
      %dma_start3A_226 = arith.constant 0 : i32
      %dma_start3A_227 = tpu.memref_slice %arg6[%mul3A_159, %dma_start3A_226] : memref<50000x16xf32, #tpu.memory_space<vmem_shared>> -> memref<125x16xf32, #tpu.memory_space<vmem_shared>>
      tpu.enqueue_dma source(%dma_start3A_227 : memref<125x16xf32, #tpu.memory_space<vmem_shared>>) target(%dma_start3A_225 : memref<125x16xf32, #tpu.memory_space<hbm>>) target_semaphore(%run_scoped3A : memref<!tpu.dma_semaphore, #tpu.memory_space<semaphore_mem>>)
      %dma_wait3A = arith.constant 0 : i32
      %dma_wait3A_228 = tpu.memref_slice %arg3[%arg0, %mul3A_159, %dma_wait3A] : memref<2x50000x16xf32, #tpu.memory_space<hbm>> -> memref<1x125x16xf32, #tpu.memory_space<hbm>>
      %dma_wait3A_229 = tpu.memref_squeeze %dma_wait3A_228 : memref<1x125x16xf32, #tpu.memory_space<hbm>> -> memref<125x16xf32, #tpu.memory_space<hbm>>
      %dma_wait3A_230 = arith.constant 0 : i32
      %dma_wait3A_231 = tpu.memref_slice %arg6[%mul3A_159, %dma_wait3A_230] : memref<50000x16xf32, #tpu.memory_space<vmem_shared>> -> memref<125x16xf32, #tpu.memory_space<vmem_shared>>
      tpu.wait_dma2 semaphore(%run_scoped3A : memref<!tpu.dma_semaphore, #tpu.memory_space<semaphore_mem>>) src(%dma_wait3A_231 : memref<125x16xf32, #tpu.memory_space<vmem_shared>>) dst(%dma_wait3A_229 : memref<125x16xf32, #tpu.memory_space<hbm>>)
      tpu.yield
    }) : () -> ()
    %add3A_160 = arith.constant 144 : i32
    %add3A_161 = arith.addi %add3A_160, %arg1 : i32
    %mul3A_162 = arith.constant 125 : i32
    %mul3A_163 = arith.muli %add3A_161, %mul3A_162 : i32
    "tpu.region"() ({
      %run_scoped3A = tpu.sem_alloc : memref<!tpu.dma_semaphore, #tpu.memory_space<semaphore_mem>>
      %dma_start3A = arith.constant 0 : i32
      %dma_start3A_224 = tpu.memref_slice %arg3[%arg0, %mul3A_163, %dma_start3A] : memref<2x50000x16xf32, #tpu.memory_space<hbm>> -> memref<1x125x16xf32, #tpu.memory_space<hbm>>
      %dma_start3A_225 = tpu.memref_squeeze %dma_start3A_224 : memref<1x125x16xf32, #tpu.memory_space<hbm>> -> memref<125x16xf32, #tpu.memory_space<hbm>>
      %dma_start3A_226 = arith.constant 0 : i32
      %dma_start3A_227 = tpu.memref_slice %arg6[%mul3A_163, %dma_start3A_226] : memref<50000x16xf32, #tpu.memory_space<vmem_shared>> -> memref<125x16xf32, #tpu.memory_space<vmem_shared>>
      tpu.enqueue_dma source(%dma_start3A_227 : memref<125x16xf32, #tpu.memory_space<vmem_shared>>) target(%dma_start3A_225 : memref<125x16xf32, #tpu.memory_space<hbm>>) target_semaphore(%run_scoped3A : memref<!tpu.dma_semaphore, #tpu.memory_space<semaphore_mem>>)
      %dma_wait3A = arith.constant 0 : i32
      %dma_wait3A_228 = tpu.memref_slice %arg3[%arg0, %mul3A_163, %dma_wait3A] : memref<2x50000x16xf32, #tpu.memory_space<hbm>> -> memref<1x125x16xf32, #tpu.memory_space<hbm>>
      %dma_wait3A_229 = tpu.memref_squeeze %dma_wait3A_228 : memref<1x125x16xf32, #tpu.memory_space<hbm>> -> memref<125x16xf32, #tpu.memory_space<hbm>>
      %dma_wait3A_230 = arith.constant 0 : i32
      %dma_wait3A_231 = tpu.memref_slice %arg6[%mul3A_163, %dma_wait3A_230] : memref<50000x16xf32, #tpu.memory_space<vmem_shared>> -> memref<125x16xf32, #tpu.memory_space<vmem_shared>>
      tpu.wait_dma2 semaphore(%run_scoped3A : memref<!tpu.dma_semaphore, #tpu.memory_space<semaphore_mem>>) src(%dma_wait3A_231 : memref<125x16xf32, #tpu.memory_space<vmem_shared>>) dst(%dma_wait3A_229 : memref<125x16xf32, #tpu.memory_space<hbm>>)
      tpu.yield
    }) : () -> ()
    %add3A_164 = arith.constant 160 : i32
    %add3A_165 = arith.addi %add3A_164, %arg1 : i32
    %mul3A_166 = arith.constant 125 : i32
    %mul3A_167 = arith.muli %add3A_165, %mul3A_166 : i32
    "tpu.region"() ({
      %run_scoped3A = tpu.sem_alloc : memref<!tpu.dma_semaphore, #tpu.memory_space<semaphore_mem>>
      %dma_start3A = arith.constant 0 : i32
      %dma_start3A_224 = tpu.memref_slice %arg3[%arg0, %mul3A_167, %dma_start3A] : memref<2x50000x16xf32, #tpu.memory_space<hbm>> -> memref<1x125x16xf32, #tpu.memory_space<hbm>>
      %dma_start3A_225 = tpu.memref_squeeze %dma_start3A_224 : memref<1x125x16xf32, #tpu.memory_space<hbm>> -> memref<125x16xf32, #tpu.memory_space<hbm>>
      %dma_start3A_226 = arith.constant 0 : i32
      %dma_start3A_227 = tpu.memref_slice %arg6[%mul3A_167, %dma_start3A_226] : memref<50000x16xf32, #tpu.memory_space<vmem_shared>> -> memref<125x16xf32, #tpu.memory_space<vmem_shared>>
      tpu.enqueue_dma source(%dma_start3A_227 : memref<125x16xf32, #tpu.memory_space<vmem_shared>>) target(%dma_start3A_225 : memref<125x16xf32, #tpu.memory_space<hbm>>) target_semaphore(%run_scoped3A : memref<!tpu.dma_semaphore, #tpu.memory_space<semaphore_mem>>)
      %dma_wait3A = arith.constant 0 : i32
      %dma_wait3A_228 = tpu.memref_slice %arg3[%arg0, %mul3A_167, %dma_wait3A] : memref<2x50000x16xf32, #tpu.memory_space<hbm>> -> memref<1x125x16xf32, #tpu.memory_space<hbm>>
      %dma_wait3A_229 = tpu.memref_squeeze %dma_wait3A_228 : memref<1x125x16xf32, #tpu.memory_space<hbm>> -> memref<125x16xf32, #tpu.memory_space<hbm>>
      %dma_wait3A_230 = arith.constant 0 : i32
      %dma_wait3A_231 = tpu.memref_slice %arg6[%mul3A_167, %dma_wait3A_230] : memref<50000x16xf32, #tpu.memory_space<vmem_shared>> -> memref<125x16xf32, #tpu.memory_space<vmem_shared>>
      tpu.wait_dma2 semaphore(%run_scoped3A : memref<!tpu.dma_semaphore, #tpu.memory_space<semaphore_mem>>) src(%dma_wait3A_231 : memref<125x16xf32, #tpu.memory_space<vmem_shared>>) dst(%dma_wait3A_229 : memref<125x16xf32, #tpu.memory_space<hbm>>)
      tpu.yield
    }) : () -> ()
    %add3A_168 = arith.constant 176 : i32
    %add3A_169 = arith.addi %add3A_168, %arg1 : i32
    %mul3A_170 = arith.constant 125 : i32
    %mul3A_171 = arith.muli %add3A_169, %mul3A_170 : i32
    "tpu.region"() ({
      %run_scoped3A = tpu.sem_alloc : memref<!tpu.dma_semaphore, #tpu.memory_space<semaphore_mem>>
      %dma_start3A = arith.constant 0 : i32
      %dma_start3A_224 = tpu.memref_slice %arg3[%arg0, %mul3A_171, %dma_start3A] : memref<2x50000x16xf32, #tpu.memory_space<hbm>> -> memref<1x125x16xf32, #tpu.memory_space<hbm>>
      %dma_start3A_225 = tpu.memref_squeeze %dma_start3A_224 : memref<1x125x16xf32, #tpu.memory_space<hbm>> -> memref<125x16xf32, #tpu.memory_space<hbm>>
      %dma_start3A_226 = arith.constant 0 : i32
      %dma_start3A_227 = tpu.memref_slice %arg6[%mul3A_171, %dma_start3A_226] : memref<50000x16xf32, #tpu.memory_space<vmem_shared>> -> memref<125x16xf32, #tpu.memory_space<vmem_shared>>
      tpu.enqueue_dma source(%dma_start3A_227 : memref<125x16xf32, #tpu.memory_space<vmem_shared>>) target(%dma_start3A_225 : memref<125x16xf32, #tpu.memory_space<hbm>>) target_semaphore(%run_scoped3A : memref<!tpu.dma_semaphore, #tpu.memory_space<semaphore_mem>>)
      %dma_wait3A = arith.constant 0 : i32
      %dma_wait3A_228 = tpu.memref_slice %arg3[%arg0, %mul3A_171, %dma_wait3A] : memref<2x50000x16xf32, #tpu.memory_space<hbm>> -> memref<1x125x16xf32, #tpu.memory_space<hbm>>
      %dma_wait3A_229 = tpu.memref_squeeze %dma_wait3A_228 : memref<1x125x16xf32, #tpu.memory_space<hbm>> -> memref<125x16xf32, #tpu.memory_space<hbm>>
      %dma_wait3A_230 = arith.constant 0 : i32
      %dma_wait3A_231 = tpu.memref_slice %arg6[%mul3A_171, %dma_wait3A_230] : memref<50000x16xf32, #tpu.memory_space<vmem_shared>> -> memref<125x16xf32, #tpu.memory_space<vmem_shared>>
      tpu.wait_dma2 semaphore(%run_scoped3A : memref<!tpu.dma_semaphore, #tpu.memory_space<semaphore_mem>>) src(%dma_wait3A_231 : memref<125x16xf32, #tpu.memory_space<vmem_shared>>) dst(%dma_wait3A_229 : memref<125x16xf32, #tpu.memory_space<hbm>>)
      tpu.yield
    }) : () -> ()
    %add3A_172 = arith.constant 192 : i32
    %add3A_173 = arith.addi %add3A_172, %arg1 : i32
    %mul3A_174 = arith.constant 125 : i32
    %mul3A_175 = arith.muli %add3A_173, %mul3A_174 : i32
    "tpu.region"() ({
      %run_scoped3A = tpu.sem_alloc : memref<!tpu.dma_semaphore, #tpu.memory_space<semaphore_mem>>
      %dma_start3A = arith.constant 0 : i32
      %dma_start3A_224 = tpu.memref_slice %arg3[%arg0, %mul3A_175, %dma_start3A] : memref<2x50000x16xf32, #tpu.memory_space<hbm>> -> memref<1x125x16xf32, #tpu.memory_space<hbm>>
      %dma_start3A_225 = tpu.memref_squeeze %dma_start3A_224 : memref<1x125x16xf32, #tpu.memory_space<hbm>> -> memref<125x16xf32, #tpu.memory_space<hbm>>
      %dma_start3A_226 = arith.constant 0 : i32
      %dma_start3A_227 = tpu.memref_slice %arg6[%mul3A_175, %dma_start3A_226] : memref<50000x16xf32, #tpu.memory_space<vmem_shared>> -> memref<125x16xf32, #tpu.memory_space<vmem_shared>>
      tpu.enqueue_dma source(%dma_start3A_227 : memref<125x16xf32, #tpu.memory_space<vmem_shared>>) target(%dma_start3A_225 : memref<125x16xf32, #tpu.memory_space<hbm>>) target_semaphore(%run_scoped3A : memref<!tpu.dma_semaphore, #tpu.memory_space<semaphore_mem>>)
      %dma_wait3A = arith.constant 0 : i32
      %dma_wait3A_228 = tpu.memref_slice %arg3[%arg0, %mul3A_175, %dma_wait3A] : memref<2x50000x16xf32, #tpu.memory_space<hbm>> -> memref<1x125x16xf32, #tpu.memory_space<hbm>>
      %dma_wait3A_229 = tpu.memref_squeeze %dma_wait3A_228 : memref<1x125x16xf32, #tpu.memory_space<hbm>> -> memref<125x16xf32, #tpu.memory_space<hbm>>
      %dma_wait3A_230 = arith.constant 0 : i32
      %dma_wait3A_231 = tpu.memref_slice %arg6[%mul3A_175, %dma_wait3A_230] : memref<50000x16xf32, #tpu.memory_space<vmem_shared>> -> memref<125x16xf32, #tpu.memory_space<vmem_shared>>
      tpu.wait_dma2 semaphore(%run_scoped3A : memref<!tpu.dma_semaphore, #tpu.memory_space<semaphore_mem>>) src(%dma_wait3A_231 : memref<125x16xf32, #tpu.memory_space<vmem_shared>>) dst(%dma_wait3A_229 : memref<125x16xf32, #tpu.memory_space<hbm>>)
      tpu.yield
    }) : () -> ()
    %add3A_176 = arith.constant 208 : i32
    %add3A_177 = arith.addi %add3A_176, %arg1 : i32
    %mul3A_178 = arith.constant 125 : i32
    %mul3A_179 = arith.muli %add3A_177, %mul3A_178 : i32
    "tpu.region"() ({
      %run_scoped3A = tpu.sem_alloc : memref<!tpu.dma_semaphore, #tpu.memory_space<semaphore_mem>>
      %dma_start3A = arith.constant 0 : i32
      %dma_start3A_224 = tpu.memref_slice %arg3[%arg0, %mul3A_179, %dma_start3A] : memref<2x50000x16xf32, #tpu.memory_space<hbm>> -> memref<1x125x16xf32, #tpu.memory_space<hbm>>
      %dma_start3A_225 = tpu.memref_squeeze %dma_start3A_224 : memref<1x125x16xf32, #tpu.memory_space<hbm>> -> memref<125x16xf32, #tpu.memory_space<hbm>>
      %dma_start3A_226 = arith.constant 0 : i32
      %dma_start3A_227 = tpu.memref_slice %arg6[%mul3A_179, %dma_start3A_226] : memref<50000x16xf32, #tpu.memory_space<vmem_shared>> -> memref<125x16xf32, #tpu.memory_space<vmem_shared>>
      tpu.enqueue_dma source(%dma_start3A_227 : memref<125x16xf32, #tpu.memory_space<vmem_shared>>) target(%dma_start3A_225 : memref<125x16xf32, #tpu.memory_space<hbm>>) target_semaphore(%run_scoped3A : memref<!tpu.dma_semaphore, #tpu.memory_space<semaphore_mem>>)
      %dma_wait3A = arith.constant 0 : i32
      %dma_wait3A_228 = tpu.memref_slice %arg3[%arg0, %mul3A_179, %dma_wait3A] : memref<2x50000x16xf32, #tpu.memory_space<hbm>> -> memref<1x125x16xf32, #tpu.memory_space<hbm>>
      %dma_wait3A_229 = tpu.memref_squeeze %dma_wait3A_228 : memref<1x125x16xf32, #tpu.memory_space<hbm>> -> memref<125x16xf32, #tpu.memory_space<hbm>>
      %dma_wait3A_230 = arith.constant 0 : i32
      %dma_wait3A_231 = tpu.memref_slice %arg6[%mul3A_179, %dma_wait3A_230] : memref<50000x16xf32, #tpu.memory_space<vmem_shared>> -> memref<125x16xf32, #tpu.memory_space<vmem_shared>>
      tpu.wait_dma2 semaphore(%run_scoped3A : memref<!tpu.dma_semaphore, #tpu.memory_space<semaphore_mem>>) src(%dma_wait3A_231 : memref<125x16xf32, #tpu.memory_space<vmem_shared>>) dst(%dma_wait3A_229 : memref<125x16xf32, #tpu.memory_space<hbm>>)
      tpu.yield
    }) : () -> ()
    %add3A_180 = arith.constant 224 : i32
    %add3A_181 = arith.addi %add3A_180, %arg1 : i32
    %mul3A_182 = arith.constant 125 : i32
    %mul3A_183 = arith.muli %add3A_181, %mul3A_182 : i32
    "tpu.region"() ({
      %run_scoped3A = tpu.sem_alloc : memref<!tpu.dma_semaphore, #tpu.memory_space<semaphore_mem>>
      %dma_start3A = arith.constant 0 : i32
      %dma_start3A_224 = tpu.memref_slice %arg3[%arg0, %mul3A_183, %dma_start3A] : memref<2x50000x16xf32, #tpu.memory_space<hbm>> -> memref<1x125x16xf32, #tpu.memory_space<hbm>>
      %dma_start3A_225 = tpu.memref_squeeze %dma_start3A_224 : memref<1x125x16xf32, #tpu.memory_space<hbm>> -> memref<125x16xf32, #tpu.memory_space<hbm>>
      %dma_start3A_226 = arith.constant 0 : i32
      %dma_start3A_227 = tpu.memref_slice %arg6[%mul3A_183, %dma_start3A_226] : memref<50000x16xf32, #tpu.memory_space<vmem_shared>> -> memref<125x16xf32, #tpu.memory_space<vmem_shared>>
      tpu.enqueue_dma source(%dma_start3A_227 : memref<125x16xf32, #tpu.memory_space<vmem_shared>>) target(%dma_start3A_225 : memref<125x16xf32, #tpu.memory_space<hbm>>) target_semaphore(%run_scoped3A : memref<!tpu.dma_semaphore, #tpu.memory_space<semaphore_mem>>)
      %dma_wait3A = arith.constant 0 : i32
      %dma_wait3A_228 = tpu.memref_slice %arg3[%arg0, %mul3A_183, %dma_wait3A] : memref<2x50000x16xf32, #tpu.memory_space<hbm>> -> memref<1x125x16xf32, #tpu.memory_space<hbm>>
      %dma_wait3A_229 = tpu.memref_squeeze %dma_wait3A_228 : memref<1x125x16xf32, #tpu.memory_space<hbm>> -> memref<125x16xf32, #tpu.memory_space<hbm>>
      %dma_wait3A_230 = arith.constant 0 : i32
      %dma_wait3A_231 = tpu.memref_slice %arg6[%mul3A_183, %dma_wait3A_230] : memref<50000x16xf32, #tpu.memory_space<vmem_shared>> -> memref<125x16xf32, #tpu.memory_space<vmem_shared>>
      tpu.wait_dma2 semaphore(%run_scoped3A : memref<!tpu.dma_semaphore, #tpu.memory_space<semaphore_mem>>) src(%dma_wait3A_231 : memref<125x16xf32, #tpu.memory_space<vmem_shared>>) dst(%dma_wait3A_229 : memref<125x16xf32, #tpu.memory_space<hbm>>)
      tpu.yield
    }) : () -> ()
    %add3A_184 = arith.constant 240 : i32
    %add3A_185 = arith.addi %add3A_184, %arg1 : i32
    %mul3A_186 = arith.constant 125 : i32
    %mul3A_187 = arith.muli %add3A_185, %mul3A_186 : i32
    "tpu.region"() ({
      %run_scoped3A = tpu.sem_alloc : memref<!tpu.dma_semaphore, #tpu.memory_space<semaphore_mem>>
      %dma_start3A = arith.constant 0 : i32
      %dma_start3A_224 = tpu.memref_slice %arg3[%arg0, %mul3A_187, %dma_start3A] : memref<2x50000x16xf32, #tpu.memory_space<hbm>> -> memref<1x125x16xf32, #tpu.memory_space<hbm>>
      %dma_start3A_225 = tpu.memref_squeeze %dma_start3A_224 : memref<1x125x16xf32, #tpu.memory_space<hbm>> -> memref<125x16xf32, #tpu.memory_space<hbm>>
      %dma_start3A_226 = arith.constant 0 : i32
      %dma_start3A_227 = tpu.memref_slice %arg6[%mul3A_187, %dma_start3A_226] : memref<50000x16xf32, #tpu.memory_space<vmem_shared>> -> memref<125x16xf32, #tpu.memory_space<vmem_shared>>
      tpu.enqueue_dma source(%dma_start3A_227 : memref<125x16xf32, #tpu.memory_space<vmem_shared>>) target(%dma_start3A_225 : memref<125x16xf32, #tpu.memory_space<hbm>>) target_semaphore(%run_scoped3A : memref<!tpu.dma_semaphore, #tpu.memory_space<semaphore_mem>>)
      %dma_wait3A = arith.constant 0 : i32
      %dma_wait3A_228 = tpu.memref_slice %arg3[%arg0, %mul3A_187, %dma_wait3A] : memref<2x50000x16xf32, #tpu.memory_space<hbm>> -> memref<1x125x16xf32, #tpu.memory_space<hbm>>
      %dma_wait3A_229 = tpu.memref_squeeze %dma_wait3A_228 : memref<1x125x16xf32, #tpu.memory_space<hbm>> -> memref<125x16xf32, #tpu.memory_space<hbm>>
      %dma_wait3A_230 = arith.constant 0 : i32
      %dma_wait3A_231 = tpu.memref_slice %arg6[%mul3A_187, %dma_wait3A_230] : memref<50000x16xf32, #tpu.memory_space<vmem_shared>> -> memref<125x16xf32, #tpu.memory_space<vmem_shared>>
      tpu.wait_dma2 semaphore(%run_scoped3A : memref<!tpu.dma_semaphore, #tpu.memory_space<semaphore_mem>>) src(%dma_wait3A_231 : memref<125x16xf32, #tpu.memory_space<vmem_shared>>) dst(%dma_wait3A_229 : memref<125x16xf32, #tpu.memory_space<hbm>>)
      tpu.yield
    }) : () -> ()
    %add3A_188 = arith.constant 256 : i32
    %add3A_189 = arith.addi %add3A_188, %arg1 : i32
    %mul3A_190 = arith.constant 125 : i32
    %mul3A_191 = arith.muli %add3A_189, %mul3A_190 : i32
    "tpu.region"() ({
      %run_scoped3A = tpu.sem_alloc : memref<!tpu.dma_semaphore, #tpu.memory_space<semaphore_mem>>
      %dma_start3A = arith.constant 0 : i32
      %dma_start3A_224 = tpu.memref_slice %arg3[%arg0, %mul3A_191, %dma_start3A] : memref<2x50000x16xf32, #tpu.memory_space<hbm>> -> memref<1x125x16xf32, #tpu.memory_space<hbm>>
      %dma_start3A_225 = tpu.memref_squeeze %dma_start3A_224 : memref<1x125x16xf32, #tpu.memory_space<hbm>> -> memref<125x16xf32, #tpu.memory_space<hbm>>
      %dma_start3A_226 = arith.constant 0 : i32
      %dma_start3A_227 = tpu.memref_slice %arg6[%mul3A_191, %dma_start3A_226] : memref<50000x16xf32, #tpu.memory_space<vmem_shared>> -> memref<125x16xf32, #tpu.memory_space<vmem_shared>>
      tpu.enqueue_dma source(%dma_start3A_227 : memref<125x16xf32, #tpu.memory_space<vmem_shared>>) target(%dma_start3A_225 : memref<125x16xf32, #tpu.memory_space<hbm>>) target_semaphore(%run_scoped3A : memref<!tpu.dma_semaphore, #tpu.memory_space<semaphore_mem>>)
      %dma_wait3A = arith.constant 0 : i32
      %dma_wait3A_228 = tpu.memref_slice %arg3[%arg0, %mul3A_191, %dma_wait3A] : memref<2x50000x16xf32, #tpu.memory_space<hbm>> -> memref<1x125x16xf32, #tpu.memory_space<hbm>>
      %dma_wait3A_229 = tpu.memref_squeeze %dma_wait3A_228 : memref<1x125x16xf32, #tpu.memory_space<hbm>> -> memref<125x16xf32, #tpu.memory_space<hbm>>
      %dma_wait3A_230 = arith.constant 0 : i32
      %dma_wait3A_231 = tpu.memref_slice %arg6[%mul3A_191, %dma_wait3A_230] : memref<50000x16xf32, #tpu.memory_space<vmem_shared>> -> memref<125x16xf32, #tpu.memory_space<vmem_shared>>
      tpu.wait_dma2 semaphore(%run_scoped3A : memref<!tpu.dma_semaphore, #tpu.memory_space<semaphore_mem>>) src(%dma_wait3A_231 : memref<125x16xf32, #tpu.memory_space<vmem_shared>>) dst(%dma_wait3A_229 : memref<125x16xf32, #tpu.memory_space<hbm>>)
      tpu.yield
    }) : () -> ()
    %add3A_192 = arith.constant 272 : i32
    %add3A_193 = arith.addi %add3A_192, %arg1 : i32
    %mul3A_194 = arith.constant 125 : i32
    %mul3A_195 = arith.muli %add3A_193, %mul3A_194 : i32
    "tpu.region"() ({
      %run_scoped3A = tpu.sem_alloc : memref<!tpu.dma_semaphore, #tpu.memory_space<semaphore_mem>>
      %dma_start3A = arith.constant 0 : i32
      %dma_start3A_224 = tpu.memref_slice %arg3[%arg0, %mul3A_195, %dma_start3A] : memref<2x50000x16xf32, #tpu.memory_space<hbm>> -> memref<1x125x16xf32, #tpu.memory_space<hbm>>
      %dma_start3A_225 = tpu.memref_squeeze %dma_start3A_224 : memref<1x125x16xf32, #tpu.memory_space<hbm>> -> memref<125x16xf32, #tpu.memory_space<hbm>>
      %dma_start3A_226 = arith.constant 0 : i32
      %dma_start3A_227 = tpu.memref_slice %arg6[%mul3A_195, %dma_start3A_226] : memref<50000x16xf32, #tpu.memory_space<vmem_shared>> -> memref<125x16xf32, #tpu.memory_space<vmem_shared>>
      tpu.enqueue_dma source(%dma_start3A_227 : memref<125x16xf32, #tpu.memory_space<vmem_shared>>) target(%dma_start3A_225 : memref<125x16xf32, #tpu.memory_space<hbm>>) target_semaphore(%run_scoped3A : memref<!tpu.dma_semaphore, #tpu.memory_space<semaphore_mem>>)
      %dma_wait3A = arith.constant 0 : i32
      %dma_wait3A_228 = tpu.memref_slice %arg3[%arg0, %mul3A_195, %dma_wait3A] : memref<2x50000x16xf32, #tpu.memory_space<hbm>> -> memref<1x125x16xf32, #tpu.memory_space<hbm>>
      %dma_wait3A_229 = tpu.memref_squeeze %dma_wait3A_228 : memref<1x125x16xf32, #tpu.memory_space<hbm>> -> memref<125x16xf32, #tpu.memory_space<hbm>>
      %dma_wait3A_230 = arith.constant 0 : i32
      %dma_wait3A_231 = tpu.memref_slice %arg6[%mul3A_195, %dma_wait3A_230] : memref<50000x16xf32, #tpu.memory_space<vmem_shared>> -> memref<125x16xf32, #tpu.memory_space<vmem_shared>>
      tpu.wait_dma2 semaphore(%run_scoped3A : memref<!tpu.dma_semaphore, #tpu.memory_space<semaphore_mem>>) src(%dma_wait3A_231 : memref<125x16xf32, #tpu.memory_space<vmem_shared>>) dst(%dma_wait3A_229 : memref<125x16xf32, #tpu.memory_space<hbm>>)
      tpu.yield
    }) : () -> ()
    %add3A_196 = arith.constant 288 : i32
    %add3A_197 = arith.addi %add3A_196, %arg1 : i32
    %mul3A_198 = arith.constant 125 : i32
    %mul3A_199 = arith.muli %add3A_197, %mul3A_198 : i32
    "tpu.region"() ({
      %run_scoped3A = tpu.sem_alloc : memref<!tpu.dma_semaphore, #tpu.memory_space<semaphore_mem>>
      %dma_start3A = arith.constant 0 : i32
      %dma_start3A_224 = tpu.memref_slice %arg3[%arg0, %mul3A_199, %dma_start3A] : memref<2x50000x16xf32, #tpu.memory_space<hbm>> -> memref<1x125x16xf32, #tpu.memory_space<hbm>>
      %dma_start3A_225 = tpu.memref_squeeze %dma_start3A_224 : memref<1x125x16xf32, #tpu.memory_space<hbm>> -> memref<125x16xf32, #tpu.memory_space<hbm>>
      %dma_start3A_226 = arith.constant 0 : i32
      %dma_start3A_227 = tpu.memref_slice %arg6[%mul3A_199, %dma_start3A_226] : memref<50000x16xf32, #tpu.memory_space<vmem_shared>> -> memref<125x16xf32, #tpu.memory_space<vmem_shared>>
      tpu.enqueue_dma source(%dma_start3A_227 : memref<125x16xf32, #tpu.memory_space<vmem_shared>>) target(%dma_start3A_225 : memref<125x16xf32, #tpu.memory_space<hbm>>) target_semaphore(%run_scoped3A : memref<!tpu.dma_semaphore, #tpu.memory_space<semaphore_mem>>)
      %dma_wait3A = arith.constant 0 : i32
      %dma_wait3A_228 = tpu.memref_slice %arg3[%arg0, %mul3A_199, %dma_wait3A] : memref<2x50000x16xf32, #tpu.memory_space<hbm>> -> memref<1x125x16xf32, #tpu.memory_space<hbm>>
      %dma_wait3A_229 = tpu.memref_squeeze %dma_wait3A_228 : memref<1x125x16xf32, #tpu.memory_space<hbm>> -> memref<125x16xf32, #tpu.memory_space<hbm>>
      %dma_wait3A_230 = arith.constant 0 : i32
      %dma_wait3A_231 = tpu.memref_slice %arg6[%mul3A_199, %dma_wait3A_230] : memref<50000x16xf32, #tpu.memory_space<vmem_shared>> -> memref<125x16xf32, #tpu.memory_space<vmem_shared>>
      tpu.wait_dma2 semaphore(%run_scoped3A : memref<!tpu.dma_semaphore, #tpu.memory_space<semaphore_mem>>) src(%dma_wait3A_231 : memref<125x16xf32, #tpu.memory_space<vmem_shared>>) dst(%dma_wait3A_229 : memref<125x16xf32, #tpu.memory_space<hbm>>)
      tpu.yield
    }) : () -> ()
    %add3A_200 = arith.constant 304 : i32
    %add3A_201 = arith.addi %add3A_200, %arg1 : i32
    %mul3A_202 = arith.constant 125 : i32
    %mul3A_203 = arith.muli %add3A_201, %mul3A_202 : i32
    "tpu.region"() ({
      %run_scoped3A = tpu.sem_alloc : memref<!tpu.dma_semaphore, #tpu.memory_space<semaphore_mem>>
      %dma_start3A = arith.constant 0 : i32
      %dma_start3A_224 = tpu.memref_slice %arg3[%arg0, %mul3A_203, %dma_start3A] : memref<2x50000x16xf32, #tpu.memory_space<hbm>> -> memref<1x125x16xf32, #tpu.memory_space<hbm>>
      %dma_start3A_225 = tpu.memref_squeeze %dma_start3A_224 : memref<1x125x16xf32, #tpu.memory_space<hbm>> -> memref<125x16xf32, #tpu.memory_space<hbm>>
      %dma_start3A_226 = arith.constant 0 : i32
      %dma_start3A_227 = tpu.memref_slice %arg6[%mul3A_203, %dma_start3A_226] : memref<50000x16xf32, #tpu.memory_space<vmem_shared>> -> memref<125x16xf32, #tpu.memory_space<vmem_shared>>
      tpu.enqueue_dma source(%dma_start3A_227 : memref<125x16xf32, #tpu.memory_space<vmem_shared>>) target(%dma_start3A_225 : memref<125x16xf32, #tpu.memory_space<hbm>>) target_semaphore(%run_scoped3A : memref<!tpu.dma_semaphore, #tpu.memory_space<semaphore_mem>>)
      %dma_wait3A = arith.constant 0 : i32
      %dma_wait3A_228 = tpu.memref_slice %arg3[%arg0, %mul3A_203, %dma_wait3A] : memref<2x50000x16xf32, #tpu.memory_space<hbm>> -> memref<1x125x16xf32, #tpu.memory_space<hbm>>
      %dma_wait3A_229 = tpu.memref_squeeze %dma_wait3A_228 : memref<1x125x16xf32, #tpu.memory_space<hbm>> -> memref<125x16xf32, #tpu.memory_space<hbm>>
      %dma_wait3A_230 = arith.constant 0 : i32
      %dma_wait3A_231 = tpu.memref_slice %arg6[%mul3A_203, %dma_wait3A_230] : memref<50000x16xf32, #tpu.memory_space<vmem_shared>> -> memref<125x16xf32, #tpu.memory_space<vmem_shared>>
      tpu.wait_dma2 semaphore(%run_scoped3A : memref<!tpu.dma_semaphore, #tpu.memory_space<semaphore_mem>>) src(%dma_wait3A_231 : memref<125x16xf32, #tpu.memory_space<vmem_shared>>) dst(%dma_wait3A_229 : memref<125x16xf32, #tpu.memory_space<hbm>>)
      tpu.yield
    }) : () -> ()
    %add3A_204 = arith.constant 320 : i32
    %add3A_205 = arith.addi %add3A_204, %arg1 : i32
    %mul3A_206 = arith.constant 125 : i32
    %mul3A_207 = arith.muli %add3A_205, %mul3A_206 : i32
    "tpu.region"() ({
      %run_scoped3A = tpu.sem_alloc : memref<!tpu.dma_semaphore, #tpu.memory_space<semaphore_mem>>
      %dma_start3A = arith.constant 0 : i32
      %dma_start3A_224 = tpu.memref_slice %arg3[%arg0, %mul3A_207, %dma_start3A] : memref<2x50000x16xf32, #tpu.memory_space<hbm>> -> memref<1x125x16xf32, #tpu.memory_space<hbm>>
      %dma_start3A_225 = tpu.memref_squeeze %dma_start3A_224 : memref<1x125x16xf32, #tpu.memory_space<hbm>> -> memref<125x16xf32, #tpu.memory_space<hbm>>
      %dma_start3A_226 = arith.constant 0 : i32
      %dma_start3A_227 = tpu.memref_slice %arg6[%mul3A_207, %dma_start3A_226] : memref<50000x16xf32, #tpu.memory_space<vmem_shared>> -> memref<125x16xf32, #tpu.memory_space<vmem_shared>>
      tpu.enqueue_dma source(%dma_start3A_227 : memref<125x16xf32, #tpu.memory_space<vmem_shared>>) target(%dma_start3A_225 : memref<125x16xf32, #tpu.memory_space<hbm>>) target_semaphore(%run_scoped3A : memref<!tpu.dma_semaphore, #tpu.memory_space<semaphore_mem>>)
      %dma_wait3A = arith.constant 0 : i32
      %dma_wait3A_228 = tpu.memref_slice %arg3[%arg0, %mul3A_207, %dma_wait3A] : memref<2x50000x16xf32, #tpu.memory_space<hbm>> -> memref<1x125x16xf32, #tpu.memory_space<hbm>>
      %dma_wait3A_229 = tpu.memref_squeeze %dma_wait3A_228 : memref<1x125x16xf32, #tpu.memory_space<hbm>> -> memref<125x16xf32, #tpu.memory_space<hbm>>
      %dma_wait3A_230 = arith.constant 0 : i32
      %dma_wait3A_231 = tpu.memref_slice %arg6[%mul3A_207, %dma_wait3A_230] : memref<50000x16xf32, #tpu.memory_space<vmem_shared>> -> memref<125x16xf32, #tpu.memory_space<vmem_shared>>
      tpu.wait_dma2 semaphore(%run_scoped3A : memref<!tpu.dma_semaphore, #tpu.memory_space<semaphore_mem>>) src(%dma_wait3A_231 : memref<125x16xf32, #tpu.memory_space<vmem_shared>>) dst(%dma_wait3A_229 : memref<125x16xf32, #tpu.memory_space<hbm>>)
      tpu.yield
    }) : () -> ()
    %add3A_208 = arith.constant 336 : i32
    %add3A_209 = arith.addi %add3A_208, %arg1 : i32
    %mul3A_210 = arith.constant 125 : i32
    %mul3A_211 = arith.muli %add3A_209, %mul3A_210 : i32
    "tpu.region"() ({
      %run_scoped3A = tpu.sem_alloc : memref<!tpu.dma_semaphore, #tpu.memory_space<semaphore_mem>>
      %dma_start3A = arith.constant 0 : i32
      %dma_start3A_224 = tpu.memref_slice %arg3[%arg0, %mul3A_211, %dma_start3A] : memref<2x50000x16xf32, #tpu.memory_space<hbm>> -> memref<1x125x16xf32, #tpu.memory_space<hbm>>
      %dma_start3A_225 = tpu.memref_squeeze %dma_start3A_224 : memref<1x125x16xf32, #tpu.memory_space<hbm>> -> memref<125x16xf32, #tpu.memory_space<hbm>>
      %dma_start3A_226 = arith.constant 0 : i32
      %dma_start3A_227 = tpu.memref_slice %arg6[%mul3A_211, %dma_start3A_226] : memref<50000x16xf32, #tpu.memory_space<vmem_shared>> -> memref<125x16xf32, #tpu.memory_space<vmem_shared>>
      tpu.enqueue_dma source(%dma_start3A_227 : memref<125x16xf32, #tpu.memory_space<vmem_shared>>) target(%dma_start3A_225 : memref<125x16xf32, #tpu.memory_space<hbm>>) target_semaphore(%run_scoped3A : memref<!tpu.dma_semaphore, #tpu.memory_space<semaphore_mem>>)
      %dma_wait3A = arith.constant 0 : i32
      %dma_wait3A_228 = tpu.memref_slice %arg3[%arg0, %mul3A_211, %dma_wait3A] : memref<2x50000x16xf32, #tpu.memory_space<hbm>> -> memref<1x125x16xf32, #tpu.memory_space<hbm>>
      %dma_wait3A_229 = tpu.memref_squeeze %dma_wait3A_228 : memref<1x125x16xf32, #tpu.memory_space<hbm>> -> memref<125x16xf32, #tpu.memory_space<hbm>>
      %dma_wait3A_230 = arith.constant 0 : i32
      %dma_wait3A_231 = tpu.memref_slice %arg6[%mul3A_211, %dma_wait3A_230] : memref<50000x16xf32, #tpu.memory_space<vmem_shared>> -> memref<125x16xf32, #tpu.memory_space<vmem_shared>>
      tpu.wait_dma2 semaphore(%run_scoped3A : memref<!tpu.dma_semaphore, #tpu.memory_space<semaphore_mem>>) src(%dma_wait3A_231 : memref<125x16xf32, #tpu.memory_space<vmem_shared>>) dst(%dma_wait3A_229 : memref<125x16xf32, #tpu.memory_space<hbm>>)
      tpu.yield
    }) : () -> ()
    %add3A_212 = arith.constant 352 : i32
    %add3A_213 = arith.addi %add3A_212, %arg1 : i32
    %mul3A_214 = arith.constant 125 : i32
    %mul3A_215 = arith.muli %add3A_213, %mul3A_214 : i32
    "tpu.region"() ({
      %run_scoped3A = tpu.sem_alloc : memref<!tpu.dma_semaphore, #tpu.memory_space<semaphore_mem>>
      %dma_start3A = arith.constant 0 : i32
      %dma_start3A_224 = tpu.memref_slice %arg3[%arg0, %mul3A_215, %dma_start3A] : memref<2x50000x16xf32, #tpu.memory_space<hbm>> -> memref<1x125x16xf32, #tpu.memory_space<hbm>>
      %dma_start3A_225 = tpu.memref_squeeze %dma_start3A_224 : memref<1x125x16xf32, #tpu.memory_space<hbm>> -> memref<125x16xf32, #tpu.memory_space<hbm>>
      %dma_start3A_226 = arith.constant 0 : i32
      %dma_start3A_227 = tpu.memref_slice %arg6[%mul3A_215, %dma_start3A_226] : memref<50000x16xf32, #tpu.memory_space<vmem_shared>> -> memref<125x16xf32, #tpu.memory_space<vmem_shared>>
      tpu.enqueue_dma source(%dma_start3A_227 : memref<125x16xf32, #tpu.memory_space<vmem_shared>>) target(%dma_start3A_225 : memref<125x16xf32, #tpu.memory_space<hbm>>) target_semaphore(%run_scoped3A : memref<!tpu.dma_semaphore, #tpu.memory_space<semaphore_mem>>)
      %dma_wait3A = arith.constant 0 : i32
      %dma_wait3A_228 = tpu.memref_slice %arg3[%arg0, %mul3A_215, %dma_wait3A] : memref<2x50000x16xf32, #tpu.memory_space<hbm>> -> memref<1x125x16xf32, #tpu.memory_space<hbm>>
      %dma_wait3A_229 = tpu.memref_squeeze %dma_wait3A_228 : memref<1x125x16xf32, #tpu.memory_space<hbm>> -> memref<125x16xf32, #tpu.memory_space<hbm>>
      %dma_wait3A_230 = arith.constant 0 : i32
      %dma_wait3A_231 = tpu.memref_slice %arg6[%mul3A_215, %dma_wait3A_230] : memref<50000x16xf32, #tpu.memory_space<vmem_shared>> -> memref<125x16xf32, #tpu.memory_space<vmem_shared>>
      tpu.wait_dma2 semaphore(%run_scoped3A : memref<!tpu.dma_semaphore, #tpu.memory_space<semaphore_mem>>) src(%dma_wait3A_231 : memref<125x16xf32, #tpu.memory_space<vmem_shared>>) dst(%dma_wait3A_229 : memref<125x16xf32, #tpu.memory_space<hbm>>)
      tpu.yield
    }) : () -> ()
    %add3A_216 = arith.constant 368 : i32
    %add3A_217 = arith.addi %add3A_216, %arg1 : i32
    %mul3A_218 = arith.constant 125 : i32
    %mul3A_219 = arith.muli %add3A_217, %mul3A_218 : i32
    "tpu.region"() ({
      %run_scoped3A = tpu.sem_alloc : memref<!tpu.dma_semaphore, #tpu.memory_space<semaphore_mem>>
      %dma_start3A = arith.constant 0 : i32
      %dma_start3A_224 = tpu.memref_slice %arg3[%arg0, %mul3A_219, %dma_start3A] : memref<2x50000x16xf32, #tpu.memory_space<hbm>> -> memref<1x125x16xf32, #tpu.memory_space<hbm>>
      %dma_start3A_225 = tpu.memref_squeeze %dma_start3A_224 : memref<1x125x16xf32, #tpu.memory_space<hbm>> -> memref<125x16xf32, #tpu.memory_space<hbm>>
      %dma_start3A_226 = arith.constant 0 : i32
      %dma_start3A_227 = tpu.memref_slice %arg6[%mul3A_219, %dma_start3A_226] : memref<50000x16xf32, #tpu.memory_space<vmem_shared>> -> memref<125x16xf32, #tpu.memory_space<vmem_shared>>
      tpu.enqueue_dma source(%dma_start3A_227 : memref<125x16xf32, #tpu.memory_space<vmem_shared>>) target(%dma_start3A_225 : memref<125x16xf32, #tpu.memory_space<hbm>>) target_semaphore(%run_scoped3A : memref<!tpu.dma_semaphore, #tpu.memory_space<semaphore_mem>>)
      %dma_wait3A = arith.constant 0 : i32
      %dma_wait3A_228 = tpu.memref_slice %arg3[%arg0, %mul3A_219, %dma_wait3A] : memref<2x50000x16xf32, #tpu.memory_space<hbm>> -> memref<1x125x16xf32, #tpu.memory_space<hbm>>
      %dma_wait3A_229 = tpu.memref_squeeze %dma_wait3A_228 : memref<1x125x16xf32, #tpu.memory_space<hbm>> -> memref<125x16xf32, #tpu.memory_space<hbm>>
      %dma_wait3A_230 = arith.constant 0 : i32
      %dma_wait3A_231 = tpu.memref_slice %arg6[%mul3A_219, %dma_wait3A_230] : memref<50000x16xf32, #tpu.memory_space<vmem_shared>> -> memref<125x16xf32, #tpu.memory_space<vmem_shared>>
      tpu.wait_dma2 semaphore(%run_scoped3A : memref<!tpu.dma_semaphore, #tpu.memory_space<semaphore_mem>>) src(%dma_wait3A_231 : memref<125x16xf32, #tpu.memory_space<vmem_shared>>) dst(%dma_wait3A_229 : memref<125x16xf32, #tpu.memory_space<hbm>>)
      tpu.yield
    }) : () -> ()
    %add3A_220 = arith.constant 384 : i32
    %add3A_221 = arith.addi %add3A_220, %arg1 : i32
    %mul3A_222 = arith.constant 125 : i32
    %mul3A_223 = arith.muli %add3A_221, %mul3A_222 : i32
    "tpu.region"() ({
      %run_scoped3A = tpu.sem_alloc : memref<!tpu.dma_semaphore, #tpu.memory_space<semaphore_mem>>
      %dma_start3A = arith.constant 0 : i32
      %dma_start3A_224 = tpu.memref_slice %arg3[%arg0, %mul3A_223, %dma_start3A] : memref<2x50000x16xf32, #tpu.memory_space<hbm>> -> memref<1x125x16xf32, #tpu.memory_space<hbm>>
      %dma_start3A_225 = tpu.memref_squeeze %dma_start3A_224 : memref<1x125x16xf32, #tpu.memory_space<hbm>> -> memref<125x16xf32, #tpu.memory_space<hbm>>
      %dma_start3A_226 = arith.constant 0 : i32
      %dma_start3A_227 = tpu.memref_slice %arg6[%mul3A_223, %dma_start3A_226] : memref<50000x16xf32, #tpu.memory_space<vmem_shared>> -> memref<125x16xf32, #tpu.memory_space<vmem_shared>>
      tpu.enqueue_dma source(%dma_start3A_227 : memref<125x16xf32, #tpu.memory_space<vmem_shared>>) target(%dma_start3A_225 : memref<125x16xf32, #tpu.memory_space<hbm>>) target_semaphore(%run_scoped3A : memref<!tpu.dma_semaphore, #tpu.memory_space<semaphore_mem>>)
      %dma_wait3A = arith.constant 0 : i32
      %dma_wait3A_228 = tpu.memref_slice %arg3[%arg0, %mul3A_223, %dma_wait3A] : memref<2x50000x16xf32, #tpu.memory_space<hbm>> -> memref<1x125x16xf32, #tpu.memory_space<hbm>>
      %dma_wait3A_229 = tpu.memref_squeeze %dma_wait3A_228 : memref<1x125x16xf32, #tpu.memory_space<hbm>> -> memref<125x16xf32, #tpu.memory_space<hbm>>
      %dma_wait3A_230 = arith.constant 0 : i32
      %dma_wait3A_231 = tpu.memref_slice %arg6[%mul3A_223, %dma_wait3A_230] : memref<50000x16xf32, #tpu.memory_space<vmem_shared>> -> memref<125x16xf32, #tpu.memory_space<vmem_shared>>
      tpu.wait_dma2 semaphore(%run_scoped3A : memref<!tpu.dma_semaphore, #tpu.memory_space<semaphore_mem>>) src(%dma_wait3A_231 : memref<125x16xf32, #tpu.memory_space<vmem_shared>>) dst(%dma_wait3A_229 : memref<125x16xf32, #tpu.memory_space<hbm>>)
      tpu.yield
    }) : () -> ()
    return
  }
}

module attributes {stable_mosaic.version = 14 : i64} {
  func.func @_hn_body(%arg0: i32, %arg1: memref<2x2000x16xf32, #tpu.memory_space<vmem>>, %arg2: memref<2000x10xf32, #tpu.memory_space<vmem>>, %arg3: memref<10x64xf32, #tpu.memory_space<vmem>>, %arg4: memref<4x2000x16xf32, #tpu.memory_space<vmem>>) attributes {dimension_semantics = [#tpu.dimension_semantics<arbitrary>], iteration_bounds = array<i64: 25>, scalar_prefetch = 0 : i64, scratch_operands = 0 : i64, tpu.core_type = #tpu.core_type<tc>, window_params = [{transform_indices = @transform_0, window_bounds = array<i64: 2, 2000, 16>}, {transform_indices = @transform_1, window_bounds = array<i64: 2000, 10>}, {pipeline_mode = #tpu.pipeline_mode<synchronous>, transform_indices = @transform_2, window_bounds = array<i64: 10, 64>}, {transform_indices = @transform_3, window_bounds = array<i64: 4, 2000, 16>}]} {
    %get3A = arith.constant 0 : index
    %get3A_0 = arith.constant 0 : index
    %get3A_1 = arith.constant 0 : index
    %get3A_2 = vector.load %arg1[%get3A, %get3A_0, %get3A_1] : memref<2x2000x16xf32, #tpu.memory_space<vmem>>, vector<1x2000x1xf32>
    %get3A_3 = vector.shape_cast %get3A_2 : vector<1x2000x1xf32> to vector<2000x1xf32>
    %get3A_4 = arith.constant 1 : index
    %get3A_5 = arith.constant 0 : index
    %get3A_6 = arith.constant 0 : index
    %get3A_7 = vector.load %arg1[%get3A_4, %get3A_5, %get3A_6] : memref<2x2000x16xf32, #tpu.memory_space<vmem>>, vector<1x2000x1xf32>
    %get3A_8 = vector.shape_cast %get3A_7 : vector<1x2000x1xf32> to vector<2000x1xf32>
    %add3A = arith.addf %get3A_3, %get3A_8 : vector<2000x1xf32>
    %add3A_9 = arith.constant 1.000000e+00 : f32
    %add3A_10 = vector.broadcast %add3A_9 : f32 to vector<2000x1xf32>
    %add3A_11 = arith.addf %add3A, %add3A_10 : vector<2000x1xf32>
    %sqrt3A = math.sqrt %add3A_11 : vector<2000x1xf32>
    %div3A = arith.constant 1.000000e+00 : f32
    %div3A_12 = vector.broadcast %div3A : f32 to vector<2000x1xf32>
    %div3A_13 = arith.divf %div3A_12, %sqrt3A : vector<2000x1xf32>
    %get3A_14 = arith.constant 0 : index
    %get3A_15 = arith.constant 0 : index
    %get3A_16 = vector.load %arg2[%get3A_14, %get3A_15] : memref<2000x10xf32, #tpu.memory_space<vmem>>, vector<2000x10xf32>
    %get3A_17 = arith.constant 0 : index
    %get3A_18 = arith.constant 0 : index
    %get3A_19 = vector.load %arg3[%get3A_17, %get3A_18] : memref<10x64xf32, #tpu.memory_space<vmem>>, vector<10x64xf32>
    %dot_general3A = arith.constant dense<0.000000e+00> : vector<2000x64xf32>
    %dot_general3A_20 = tpu.matmul %get3A_16, %get3A_19, %dot_general3A {dimension_numbers = #tpu.dot_dimension_numbers<[1], [0], [0], [1], [0, 0, 1, 1], [], []>, transpose_lhs_hint = false} : vector<2000x10xf32>, vector<10x64xf32>, vector<2000x64xf32> -> vector<2000x64xf32>
    %mul3A = vector.broadcast %div3A_13 : vector<2000x1xf32> to vector<2000x64xf32>
    %mul3A_21 = arith.mulf %dot_general3A_20, %mul3A : vector<2000x64xf32>
    %slice3A = vector.extract_strided_slice %mul3A_21 {offsets = [0, 0], sizes = [2000, 16], strides = [1, 1]} : vector<2000x64xf32> to vector<2000x16xf32>
    %swap3A = arith.constant 0 : index
    %swap3A_22 = arith.constant 0 : index
    %swap3A_23 = arith.constant 0 : index
    %swap3A_24 = vector.load %arg4[%swap3A, %swap3A_22, %swap3A_23] : memref<4x2000x16xf32, #tpu.memory_space<vmem>>, vector<1x2000x16xf32>
    %swap3A_25 = vector.shape_cast %swap3A_24 : vector<1x2000x16xf32> to vector<2000x16xf32>
    %swap3A_26 = vector.shape_cast %slice3A : vector<2000x16xf32> to vector<1x2000x16xf32>
    tpu.vector_store %arg4[%swap3A, %swap3A_22, %swap3A_23], %swap3A_26 {strides = array<i32>} : memref<4x2000x16xf32, #tpu.memory_space<vmem>>, vector<1x2000x16xf32>,
    %slice3A_27 = vector.extract_strided_slice %mul3A_21 {offsets = [0, 16], sizes = [2000, 16], strides = [1, 1]} : vector<2000x64xf32> to vector<2000x16xf32>
    %swap3A_28 = arith.constant 1 : index
    %swap3A_29 = arith.constant 0 : index
    %swap3A_30 = arith.constant 0 : index
    %swap3A_31 = vector.load %arg4[%swap3A_28, %swap3A_29, %swap3A_30] : memref<4x2000x16xf32, #tpu.memory_space<vmem>>, vector<1x2000x16xf32>
    %swap3A_32 = vector.shape_cast %swap3A_31 : vector<1x2000x16xf32> to vector<2000x16xf32>
    %swap3A_33 = vector.shape_cast %slice3A_27 : vector<2000x16xf32> to vector<1x2000x16xf32>
    tpu.vector_store %arg4[%swap3A_28, %swap3A_29, %swap3A_30], %swap3A_33 {strides = array<i32>} : memref<4x2000x16xf32, #tpu.memory_space<vmem>>, vector<1x2000x16xf32>,
    %slice3A_34 = vector.extract_strided_slice %mul3A_21 {offsets = [0, 32], sizes = [2000, 16], strides = [1, 1]} : vector<2000x64xf32> to vector<2000x16xf32>
    %swap3A_35 = arith.constant 2 : index
    %swap3A_36 = arith.constant 0 : index
    %swap3A_37 = arith.constant 0 : index
    %swap3A_38 = vector.load %arg4[%swap3A_35, %swap3A_36, %swap3A_37] : memref<4x2000x16xf32, #tpu.memory_space<vmem>>, vector<1x2000x16xf32>
    %swap3A_39 = vector.shape_cast %swap3A_38 : vector<1x2000x16xf32> to vector<2000x16xf32>
    %swap3A_40 = vector.shape_cast %slice3A_34 : vector<2000x16xf32> to vector<1x2000x16xf32>
    tpu.vector_store %arg4[%swap3A_35, %swap3A_36, %swap3A_37], %swap3A_40 {strides = array<i32>} : memref<4x2000x16xf32, #tpu.memory_space<vmem>>, vector<1x2000x16xf32>,
    %slice3A_41 = vector.extract_strided_slice %mul3A_21 {offsets = [0, 48], sizes = [2000, 16], strides = [1, 1]} : vector<2000x64xf32> to vector<2000x16xf32>
    %swap3A_42 = arith.constant 3 : index
    %swap3A_43 = arith.constant 0 : index
    %swap3A_44 = arith.constant 0 : index
    %swap3A_45 = vector.load %arg4[%swap3A_42, %swap3A_43, %swap3A_44] : memref<4x2000x16xf32, #tpu.memory_space<vmem>>, vector<1x2000x16xf32>
    %swap3A_46 = vector.shape_cast %swap3A_45 : vector<1x2000x16xf32> to vector<2000x16xf32>
    %swap3A_47 = vector.shape_cast %slice3A_41 : vector<2000x16xf32> to vector<1x2000x16xf32>
    tpu.vector_store %arg4[%swap3A_42, %swap3A_43, %swap3A_44], %swap3A_47 {strides = array<i32>} : memref<4x2000x16xf32, #tpu.memory_space<vmem>>, vector<1x2000x16xf32>,
    return
  }
  func.func @transform_0(%arg0: i32) -> (i32, i32, i32) {
    %c0_i32 = arith.constant 0 : i32
    %c0_i32_0 = arith.constant 0 : i32
    %c0_i32_1 = arith.constant 0 : i32
    return %c0_i32, %arg0, %c0_i32_0 : i32, i32, i32
  }
  func.func @transform_1(%arg0: i32) -> (i32, i32) {
    %c0_i32 = arith.constant 0 : i32
    %c0_i32_0 = arith.constant 0 : i32
    return %arg0, %c0_i32 : i32, i32
  }
  func.func @transform_2(%arg0: i32) -> (i32, i32) {
    %c0_i32 = arith.constant 0 : i32
    %c0_i32_0 = arith.constant 0 : i32
    %c0_i32_1 = arith.constant 0 : i32
    return %c0_i32, %c0_i32_0 : i32, i32
  }
  func.func @transform_3(%arg0: i32) -> (i32, i32, i32) {
    %c0_i32 = arith.constant 0 : i32
    %c0_i32_0 = arith.constant 0 : i32
    %c0_i32_1 = arith.constant 0 : i32
    return %c0_i32, %arg0, %c0_i32_0 : i32, i32, i32
  }
}

module attributes {stable_mosaic.version = 14 : i64} {
  func.func @_pool_body(%arg0: i32, %arg1: memref<4x2000x16xf32, #tpu.memory_space<vmem>>, %arg2: memref<4x2000x16xf32, #tpu.memory_space<vmem>>, %arg3: memref<2x2000x16xf32, #tpu.memory_space<vmem>>, %arg4: memref<1x1x2000xi32, #tpu.memory_space<vmem>>, %arg5: memref<1x64xf32, #tpu.memory_space<vmem>>, %arg6: memref<64x64xf32, #tpu.memory_space<vmem>>, %arg7: memref<1x64xf32, #tpu.memory_space<vmem>>, %arg8: memref<64x2xf32, #tpu.memory_space<vmem>>, %arg9: memref<1x2xf32, #tpu.memory_space<vmem>>, %arg10: memref<128x2xf32, #tpu.memory_space<vmem>>, %arg11: memref<128x65xf32, #tpu.memory_space<vmem>>) attributes {dimension_semantics = [#tpu.dimension_semantics<arbitrary>], iteration_bounds = array<i64: 25>, scalar_prefetch = 0 : i64, scratch_operands = 1 : i64, tpu.core_type = #tpu.core_type<tc>, window_params = [{transform_indices = @transform_0, window_bounds = array<i64: 4, 2000, 16>}, {transform_indices = @transform_1, window_bounds = array<i64: 4, 2000, 16>}, {transform_indices = @transform_2, window_bounds = array<i64: 2, 2000, 16>}, {transform_indices = @transform_3, window_bounds = array<i64: 1, 1, 2000>}, {pipeline_mode = #tpu.pipeline_mode<synchronous>, transform_indices = @transform_4, window_bounds = array<i64: 1, 64>}, {pipeline_mode = #tpu.pipeline_mode<synchronous>, transform_indices = @transform_5, window_bounds = array<i64: 64, 64>}, {pipeline_mode = #tpu.pipeline_mode<synchronous>, transform_indices = @transform_6, window_bounds = array<i64: 1, 64>}, {pipeline_mode = #tpu.pipeline_mode<synchronous>, transform_indices = @transform_7, window_bounds = array<i64: 64, 2>}, {pipeline_mode = #tpu.pipeline_mode<synchronous>, transform_indices = @transform_8, window_bounds = array<i64: 1, 2>}, {pipeline_mode = #tpu.pipeline_mode<synchronous>, transform_indices = @transform_9, window_bounds = array<i64: 128, 2>}]} {
    %get3A = arith.constant 0 : index
    %get3A_0 = arith.constant 0 : index
    %get3A_1 = arith.constant 0 : index
    %get3A_2 = vector.load %arg3[%get3A, %get3A_0, %get3A_1] : memref<2x2000x16xf32, #tpu.memory_space<vmem>>, vector<1x2000x1xf32>
    %get3A_3 = vector.shape_cast %get3A_2 : vector<1x2000x1xf32> to vector<2000x1xf32>
    %get3A_4 = arith.constant 1 : index
    %get3A_5 = arith.constant 0 : index
    %get3A_6 = arith.constant 0 : index
    %get3A_7 = vector.load %arg3[%get3A_4, %get3A_5, %get3A_6] : memref<2x2000x16xf32, #tpu.memory_space<vmem>>, vector<1x2000x1xf32>
    %get3A_8 = vector.shape_cast %get3A_7 : vector<1x2000x1xf32> to vector<2000x1xf32>
    %add3A = arith.addf %get3A_3, %get3A_8 : vector<2000x1xf32>
    %add3A_9 = arith.constant 1.000000e+00 : f32
    %add3A_10 = vector.broadcast %add3A_9 : f32 to vector<2000x1xf32>
    %add3A_11 = arith.addf %add3A, %add3A_10 : vector<2000x1xf32>
    %sqrt3A = math.sqrt %add3A_11 : vector<2000x1xf32>
    %div3A = arith.constant 1.000000e+00 : f32
    %div3A_12 = vector.broadcast %div3A : f32 to vector<2000x1xf32>
    %div3A_13 = arith.divf %div3A_12, %sqrt3A : vector<2000x1xf32>
    %get3A_14 = arith.constant 0 : index
    %get3A_15 = arith.constant 0 : index
    %get3A_16 = arith.constant 0 : index
    %get3A_17 = vector.load %arg1[%get3A_14, %get3A_15, %get3A_16] : memref<4x2000x16xf32, #tpu.memory_space<vmem>>, vector<1x2000x16xf32>
    %get3A_18 = vector.shape_cast %get3A_17 : vector<1x2000x16xf32> to vector<2000x16xf32>
    %get3A_19 = arith.constant 1 : index
    %get3A_20 = arith.constant 0 : index
    %get3A_21 = arith.constant 0 : index
    %get3A_22 = vector.load %arg1[%get3A_19, %get3A_20, %get3A_21] : memref<4x2000x16xf32, #tpu.memory_space<vmem>>, vector<1x2000x16xf32>
    %get3A_23 = vector.shape_cast %get3A_22 : vector<1x2000x16xf32> to vector<2000x16xf32>
    %get3A_24 = arith.constant 2 : index
    %get3A_25 = arith.constant 0 : index
    %get3A_26 = arith.constant 0 : index
    %get3A_27 = vector.load %arg1[%get3A_24, %get3A_25, %get3A_26] : memref<4x2000x16xf32, #tpu.memory_space<vmem>>, vector<1x2000x16xf32>
    %get3A_28 = vector.shape_cast %get3A_27 : vector<1x2000x16xf32> to vector<2000x16xf32>
    %get3A_29 = arith.constant 3 : index
    %get3A_30 = arith.constant 0 : index
    %get3A_31 = arith.constant 0 : index
    %get3A_32 = vector.load %arg1[%get3A_29, %get3A_30, %get3A_31] : memref<4x2000x16xf32, #tpu.memory_space<vmem>>, vector<1x2000x16xf32>
    %get3A_33 = vector.shape_cast %get3A_32 : vector<1x2000x16xf32> to vector<2000x16xf32>
    %concatenate3A = tpu.concatenate %get3A_18, %get3A_23, %get3A_28, %get3A_33 in 1 : vector<2000x16xf32>, vector<2000x16xf32>, vector<2000x16xf32>, vector<2000x16xf32> -> vector<2000x64xf32>
    %get3A_34 = arith.constant 0 : index
    %get3A_35 = arith.constant 0 : index
    %get3A_36 = arith.constant 0 : index
    %get3A_37 = vector.load %arg2[%get3A_34, %get3A_35, %get3A_36] : memref<4x2000x16xf32, #tpu.memory_space<vmem>>, vector<1x2000x16xf32>
    %get3A_38 = vector.shape_cast %get3A_37 : vector<1x2000x16xf32> to vector<2000x16xf32>
    %get3A_39 = arith.constant 1 : index
    %get3A_40 = arith.constant 0 : index
    %get3A_41 = arith.constant 0 : index
    %get3A_42 = vector.load %arg2[%get3A_39, %get3A_40, %get3A_41] : memref<4x2000x16xf32, #tpu.memory_space<vmem>>, vector<1x2000x16xf32>
    %get3A_43 = vector.shape_cast %get3A_42 : vector<1x2000x16xf32> to vector<2000x16xf32>
    %get3A_44 = arith.constant 2 : index
    %get3A_45 = arith.constant 0 : index
    %get3A_46 = arith.constant 0 : index
    %get3A_47 = vector.load %arg2[%get3A_44, %get3A_45, %get3A_46] : memref<4x2000x16xf32, #tpu.memory_space<vmem>>, vector<1x2000x16xf32>
    %get3A_48 = vector.shape_cast %get3A_47 : vector<1x2000x16xf32> to vector<2000x16xf32>
    %get3A_49 = arith.constant 3 : index
    %get3A_50 = arith.constant 0 : index
    %get3A_51 = arith.constant 0 : index
    %get3A_52 = vector.load %arg2[%get3A_49, %get3A_50, %get3A_51] : memref<4x2000x16xf32, #tpu.memory_space<vmem>>, vector<1x2000x16xf32>
    %get3A_53 = vector.shape_cast %get3A_52 : vector<1x2000x16xf32> to vector<2000x16xf32>
    %concatenate3A_54 = tpu.concatenate %get3A_38, %get3A_43, %get3A_48, %get3A_53 in 1 : vector<2000x16xf32>, vector<2000x16xf32>, vector<2000x16xf32>, vector<2000x16xf32> -> vector<2000x64xf32>
    %add3A_55 = arith.addf %concatenate3A, %concatenate3A_54 : vector<2000x64xf32>
    %mul3A = vector.broadcast %div3A_13 : vector<2000x1xf32> to vector<2000x64xf32>
    %mul3A_56 = arith.mulf %add3A_55, %mul3A : vector<2000x64xf32>
    %get3A_57 = arith.constant 0 : index
    %get3A_58 = arith.constant 0 : index
    %get3A_59 = vector.load %arg5[%get3A_57, %get3A_58] : memref<1x64xf32, #tpu.memory_space<vmem>>, vector<1x64xf32>
    %add3A_60 = vector.broadcast %get3A_59 : vector<1x64xf32> to vector<2000x64xf32>
    %add3A_61 = arith.addf %mul3A_56, %add3A_60 : vector<2000x64xf32>
    %max3A = arith.constant 0.000000e+00 : f32
    %max3A_62 = vector.broadcast %max3A : f32 to vector<2000x64xf32>
    %max3A_63 = arith.maximumf %add3A_61, %max3A_62 : vector<2000x64xf32>
    %broadcast_in_dim3A = arith.constant 1.000000e+00 : f32
    %broadcast_in_dim3A_64 = vector.broadcast %broadcast_in_dim3A : f32 to vector<2000x1xf32>
    %concatenate3A_65 = tpu.concatenate %max3A_63, %broadcast_in_dim3A_64 in 1 : vector<2000x64xf32>, vector<2000x1xf32> -> vector<2000x65xf32>
    %get3A_66 = arith.constant 0 : index
    %get3A_67 = arith.constant 0 : index
    %get3A_68 = arith.constant 0 : index
    %get3A_69 = vector.load %arg4[%get3A_66, %get3A_67, %get3A_68] : memref<1x1x2000xi32, #tpu.memory_space<vmem>>, vector<1x1x2000xi32>
    %get3A_70 = vector.shape_cast %get3A_69 : vector<1x1x2000xi32> to vector<1x2000xi32>
    %iota3A = tpu.iota {dimensions = array<i32: 0>} : vector<128x2000xi32>
    %broadcast_in_dim3A_71 = vector.shape_cast %get3A_70 : vector<1x2000xi32> to vector<1x2000xi32>
    %broadcast_in_dim3A_72 = vector.broadcast %broadcast_in_dim3A_71 : vector<1x2000xi32> to vector<128x2000xi32>
    %eq3A = arith.cmpi eq, %broadcast_in_dim3A_72, %iota3A : vector<128x2000xi32>
    %convert_element_type3A = arith.extui %eq3A : vector<128x2000xi1> to vector<128x2000xi32>
    %convert_element_type3A_73 = arith.sitofp %convert_element_type3A : vector<128x2000xi32> to vector<128x2000xf32>
    %dot_general3A = arith.constant dense<0.000000e+00> : vector<128x65xf32>
    %dot_general3A_74 = tpu.matmul %convert_element_type3A_73, %concatenate3A_65, %dot_general3A {dimension_numbers = #tpu.dot_dimension_numbers<[1], [0], [0], [1], [0, 0, 1, 1], [], []>, transpose_lhs_hint = false} : vector<128x2000xf32>, vector<2000x65xf32>, vector<128x65xf32> -> vector<128x65xf32>
    %eq3A_75 = arith.constant 0 : i32
    %eq3A_76 = arith.cmpi eq, %arg0, %eq3A_75 : i32
    %convert_element_type3A_77 = arith.extui %eq3A_76 : i1 to i32
    %cond3A = arith.constant 0 : i32
    %cond3A_78 = arith.cmpi ne, %convert_element_type3A_77, %cond3A : i32
    scf.if %cond3A_78 {
      %broadcast_in_dim3A_90 = arith.constant 0.000000e+00 : f32
      %broadcast_in_dim3A_91 = vector.broadcast %broadcast_in_dim3A_90 : f32 to vector<128x65xf32>
      %swap3A_92 = arith.constant 0 : index
      %swap3A_93 = arith.constant 0 : index
      %swap3A_94 = vector.load %arg11[%swap3A_92, %swap3A_93] : memref<128x65xf32, #tpu.memory_space<vmem>>, vector<128x65xf32>
      tpu.vector_store %arg11[%swap3A_92, %swap3A_93], %broadcast_in_dim3A_91 {strides = array<i32>} : memref<128x65xf32, #tpu.memory_space<vmem>>, vector<128x65xf32>,
    } else {
    }
    %get3A_79 = arith.constant 0 : index
    %get3A_80 = arith.constant 0 : index
    %get3A_81 = vector.load %arg11[%get3A_79, %get3A_80] : memref<128x65xf32, #tpu.memory_space<vmem>>, vector<128x65xf32>
    %add3A_82 = arith.addf %get3A_81, %dot_general3A_74 : vector<128x65xf32>
    %swap3A = arith.constant 0 : index
    %swap3A_83 = arith.constant 0 : index
    %swap3A_84 = vector.load %arg11[%swap3A, %swap3A_83] : memref<128x65xf32, #tpu.memory_space<vmem>>, vector<128x65xf32>
    tpu.vector_store %arg11[%swap3A, %swap3A_83], %add3A_82 {strides = array<i32>} : memref<128x65xf32, #tpu.memory_space<vmem>>, vector<128x65xf32>,
    %eq3A_85 = arith.constant 24 : i32
    %eq3A_86 = arith.cmpi eq, %arg0, %eq3A_85 : i32
    %convert_element_type3A_87 = arith.extui %eq3A_86 : i1 to i32
    %cond3A_88 = arith.constant 0 : i32
    %cond3A_89 = arith.cmpi ne, %convert_element_type3A_87, %cond3A_88 : i32
    scf.if %cond3A_89 {
      %get3A_90 = arith.constant 0 : index
      %get3A_91 = arith.constant 0 : index
      %get3A_92 = vector.load %arg11[%get3A_90, %get3A_91] : memref<128x65xf32, #tpu.memory_space<vmem>>, vector<128x65xf32>
      %slice3A = vector.extract_strided_slice %get3A_92 {offsets = [0, 0], sizes = [128, 64], strides = [1, 1]} : vector<128x65xf32> to vector<128x64xf32>
      %slice3A_93 = vector.extract_strided_slice %get3A_92 {offsets = [0, 64], sizes = [128, 1], strides = [1, 1]} : vector<128x65xf32> to vector<128x1xf32>
      %max3A_94 = arith.constant 1.000000e+00 : f32
      %max3A_95 = vector.broadcast %max3A_94 : f32 to vector<128x1xf32>
      %max3A_96 = arith.maximumf %slice3A_93, %max3A_95 : vector<128x1xf32>
      %div3A_97 = vector.broadcast %max3A_96 : vector<128x1xf32> to vector<128x64xf32>
      %div3A_98 = arith.divf %slice3A, %div3A_97 : vector<128x64xf32>
      %get3A_99 = arith.constant 0 : index
      %get3A_100 = arith.constant 0 : index
      %get3A_101 = vector.load %arg6[%get3A_99, %get3A_100] : memref<64x64xf32, #tpu.memory_space<vmem>>, vector<64x64xf32>
      %dot_general3A_102 = arith.constant dense<0.000000e+00> : vector<128x64xf32>
      %dot_general3A_103 = tpu.matmul %div3A_98, %get3A_101, %dot_general3A_102 {dimension_numbers = #tpu.dot_dimension_numbers<[1], [0], [0], [1], [0, 0, 1, 1], [], []>, transpose_lhs_hint = false} : vector<128x64xf32>, vector<64x64xf32>, vector<128x64xf32> -> vector<128x64xf32>
      %get3A_104 = arith.constant 0 : index
      %get3A_105 = arith.constant 0 : index
      %get3A_106 = vector.load %arg7[%get3A_104, %get3A_105] : memref<1x64xf32, #tpu.memory_space<vmem>>, vector<1x64xf32>
      %add3A_107 = vector.broadcast %get3A_106 : vector<1x64xf32> to vector<128x64xf32>
      %add3A_108 = arith.addf %dot_general3A_103, %add3A_107 : vector<128x64xf32>
      %max3A_109 = arith.constant 0.000000e+00 : f32
      %max3A_110 = vector.broadcast %max3A_109 : f32 to vector<128x64xf32>
      %max3A_111 = arith.maximumf %add3A_108, %max3A_110 : vector<128x64xf32>
      %get3A_112 = arith.constant 0 : index
      %get3A_113 = arith.constant 0 : index
      %get3A_114 = vector.load %arg8[%get3A_112, %get3A_113] : memref<64x2xf32, #tpu.memory_space<vmem>>, vector<64x2xf32>
      %dot_general3A_115 = arith.constant dense<0.000000e+00> : vector<128x2xf32>
      %dot_general3A_116 = tpu.matmul %max3A_111, %get3A_114, %dot_general3A_115 {dimension_numbers = #tpu.dot_dimension_numbers<[1], [0], [0], [1], [0, 0, 1, 1], [], []>, transpose_lhs_hint = false} : vector<128x64xf32>, vector<64x2xf32>, vector<128x2xf32> -> vector<128x2xf32>
      %get3A_117 = arith.constant 0 : index
      %get3A_118 = arith.constant 0 : index
      %get3A_119 = vector.load %arg9[%get3A_117, %get3A_118] : memref<1x2xf32, #tpu.memory_space<vmem>>, vector<1x2xf32>
      %add3A_120 = vector.broadcast %get3A_119 : vector<1x2xf32> to vector<128x2xf32>
      %add3A_121 = arith.addf %dot_general3A_116, %add3A_120 : vector<128x2xf32>
      %reduce_max3A = arith.constant dense<0xFF800000> : vector<128xf32>
      %reduce_max3A_122 = vector.multi_reduction <maximumf>, %add3A_121, %reduce_max3A [1] : vector<128x2xf32> to vector<128xf32>
      %broadcast_in_dim3A_123 = vector.shape_cast %reduce_max3A_122 : vector<128xf32> to vector<128x1xf32>
      %sub3A = vector.broadcast %broadcast_in_dim3A_123 : vector<128x1xf32> to vector<128x2xf32>
      %sub3A_124 = arith.subf %add3A_121, %sub3A : vector<128x2xf32>
      %exp3A = math.exp %sub3A_124 : vector<128x2xf32>
      %reduce_sum3A = arith.constant dense<0.000000e+00> : vector<128xf32>
      %reduce_sum3A_125 = vector.multi_reduction <add>, %exp3A, %reduce_sum3A [1] : vector<128x2xf32> to vector<128xf32>
      %broadcast_in_dim3A_126 = vector.shape_cast %reduce_sum3A_125 : vector<128xf32> to vector<128x1xf32>
      %log3A = math.log %broadcast_in_dim3A_126 : vector<128x1xf32>
      %add3A_127 = arith.addf %log3A, %broadcast_in_dim3A_123 : vector<128x1xf32>
      %sub3A_128 = vector.broadcast %add3A_127 : vector<128x1xf32> to vector<128x2xf32>
      %sub3A_129 = arith.subf %add3A_121, %sub3A_128 : vector<128x2xf32>
      %swap3A_130 = arith.constant 0 : index
      %swap3A_131 = arith.constant 0 : index
      %swap3A_132 = vector.load %arg10[%swap3A_130, %swap3A_131] : memref<128x2xf32, #tpu.memory_space<vmem>>, vector<128x2xf32>
      tpu.vector_store %arg10[%swap3A_130, %swap3A_131], %sub3A_129 {strides = array<i32>} : memref<128x2xf32, #tpu.memory_space<vmem>>, vector<128x2xf32>,
    } else {
    }
    return
  }
  func.func @transform_0(%arg0: i32) -> (i32, i32, i32) {
    %c0_i32 = arith.constant 0 : i32
    %c0_i32_0 = arith.constant 0 : i32
    %c0_i32_1 = arith.constant 0 : i32
    return %c0_i32, %arg0, %c0_i32_0 : i32, i32, i32
  }
  func.func @transform_1(%arg0: i32) -> (i32, i32, i32) {
    %c0_i32 = arith.constant 0 : i32
    %c0_i32_0 = arith.constant 0 : i32
    %c0_i32_1 = arith.constant 0 : i32
    return %c0_i32, %arg0, %c0_i32_0 : i32, i32, i32
  }
  func.func @transform_2(%arg0: i32) -> (i32, i32, i32) {
    %c0_i32 = arith.constant 0 : i32
    %c0_i32_0 = arith.constant 0 : i32
    %c0_i32_1 = arith.constant 0 : i32
    return %c0_i32, %arg0, %c0_i32_0 : i32, i32, i32
  }
  func.func @transform_3(%arg0: i32) -> (i32, i32, i32) {
    %c0_i32 = arith.constant 0 : i32
    %c0_i32_0 = arith.constant 0 : i32
    %c0_i32_1 = arith.constant 0 : i32
    return %arg0, %c0_i32, %c0_i32_0 : i32, i32, i32
  }
  func.func @transform_4(%arg0: i32) -> (i32, i32) {
    %c0_i32 = arith.constant 0 : i32
    %c0_i32_0 = arith.constant 0 : i32
    %c0_i32_1 = arith.constant 0 : i32
    return %c0_i32, %c0_i32_0 : i32, i32
  }
  func.func @transform_5(%arg0: i32) -> (i32, i32) {
    %c0_i32 = arith.constant 0 : i32
    %c0_i32_0 = arith.constant 0 : i32
    %c0_i32_1 = arith.constant 0 : i32
    return %c0_i32, %c0_i32_0 : i32, i32
  }
  func.func @transform_6(%arg0: i32) -> (i32, i32) {
    %c0_i32 = arith.constant 0 : i32
    %c0_i32_0 = arith.constant 0 : i32
    %c0_i32_1 = arith.constant 0 : i32
    return %c0_i32, %c0_i32_0 : i32, i32
  }
  func.func @transform_7(%arg0: i32) -> (i32, i32) {
    %c0_i32 = arith.constant 0 : i32
    %c0_i32_0 = arith.constant 0 : i32
    %c0_i32_1 = arith.constant 0 : i32
    return %c0_i32, %c0_i32_0 : i32, i32
  }
  func.func @transform_8(%arg0: i32) -> (i32, i32) {
    %c0_i32 = arith.constant 0 : i32
    %c0_i32_0 = arith.constant 0 : i32
    %c0_i32_1 = arith.constant 0 : i32
    return %c0_i32, %c0_i32_0 : i32, i32
  }
  func.func @transform_9(%arg0: i32) -> (i32, i32) {
    %c0_i32 = arith.constant 0 : i32
    %c0_i32_0 = arith.constant 0 : i32
    %c0_i32_1 = arith.constant 0 : i32
    return %c0_i32, %c0_i32_0 : i32, i32
  }
}

</mosaic_0001>

<sc_bundles>
// kernel: kernel.6.cloned.1.call-start
scs
__scs_entry_jumppad:
0x0: {  	(pc) =	sbr.rel $0x88, $3  }
0x1: {  	(tag) =	ssettag $0x0;
	lr =	simm.s32 $0x1  }
0x2: {  	[smem:$0x3F98] =	sst lr;
	_ =	strace $0xD0000000  }
0x3: {  	_ = 	snop  }
0x4: {  	_ = 	snop  }
0x5: {  	_ = 	snop  }
0x6: {  	_ = 	snop  }
0x7: {  	_ = 	snop  }
__scs_overlays_trampoline_lowered:
0x8: {  	[smem:$0x3FA7] =	sst s0  }
0x9: {  	[smem:$0x3FA8] =	sst s1  }
0xa: {  	[smem:$0x3FA9] =	sst s2  }
0xb: {  	[smem:$0x3FAA] =	sst s3  }
0xc: {  	[smem:$0x3FAB] =	sst s4  }
0xd: {  	[smem:$0x3FAC] =	sst s5  }
0xe: {  	[smem:$0x3FAD] =	sst s6  }
0xf: {  	[smem:$0x3FAE] =	sst s7  }
0x10: {  	[smem:$0x3FAF] =	sst s8  }
0x11: {  	[smem:$0x3FB0] =	sst s9;
	s0 =	simm.s32 @!p0 $0x0  }
0x12: {  	s1 =	sld [smem:$0x3F96];
	s0 =	simm.s32 @p0 $0x1  }
0x13: {  	[smem:$0x3FB1] =	sst s0;
	s0 =	simm.s32 @!p1 $0x0  }
0x14: {  	s2 =	sld [smem:$0x3F95];
	s0 =	simm.s32 @p1 $0x1  }
0x15: {  	[smem:$0x3FB2] =	sst s0;
	s0 =	simm.s32 @!p2 $0x0  }
0x16: {  	s3 =	sld [smem:$0x3FDB];
	s0 =	simm.s32 @p2 $0x1  }
0x17: {  	s4 =	simm.s32 $0x1BF5;
	[smem:$0x3FB4] =	sst s0  }
0x18: {  	s0 =	sld [smem:$0x3F97];
	_ =	swait.ge [sflag:s4], $0x0  }
0x19: {  	s7 =	sld [smem:$0x3F98]  }
0x1a: {  	s8 =	sadd.s32 $0xFFFFE003, lr  }
0x1b: {  	s9 =	sadd.s32 $0xFFFFFEF7, lr;
	s5 =	simm.s32 $0xFFFFFFFF;
	p2 =	slt.u32 s8, $0xFFFFF086  }
0x1c: {  	p1 =	slt.u32 s9, $0xF7A;
	s5 =	simm.s32 @!p2 $0x0  }
0x1d: {  	s5 =	simm.s32 @p1 $0x1;
	p0 =	seq.s32 s7, s2  }
0x1e: {  	s7 =	smul.u32 @!p0 $0xF7A, s2;
	p2 =	seq.s32 @!p0 s5, $0x0  }
0x1f: {  	s9 =	smul.u32 $0xF7A, s1;
	s8 =	simm.s32 @!p0 $0x1BF5;
	p2 =	por !p2, p0  }
0x20: {  	[sflag:s8] =	ssyncset.s32 @!p0 $0xFFFFF086;
	s6 =	sadd.s32 @!p0 s3, s7;
	s7 =	simm.s32 @!p0 $0x108  }
0x21: {  	s3 =	sadd.s32 s3, s9;
	s6 =	sadd.s32 @!p0 $0x88, s6;
	s7 =	simm.s32 @p2 $0x1082  }
0x22: {  	[simem:s7], [sflag:s8] =	dma.local @!p0 [hbm:s6], $0xF7A  }
0x23: {  	s9 =	sor.u32 $0xD0000000, s2;
	s6 =	simm.s32 $0x108;
	_ =	swait.ge @!p0 [sflag:s8], $0x0  }
0x24: {  	s3 =	sadd.s32 $0x88, s3;
	s6 =	simm.s32 @!p1 $0x1082;
	[sflag:s4] =	ssyncset.s32 $0xFFFFF086  }
0x25: {  	[simem:s6], [sflag:s4] =	dma.local [hbm:s3], $0xF7A  }
0x26: {  	[smem:$0x3F98] =	sst s1;
	(tag) =	ssettag s2;
	_ =	strace s9  }
0x27: {  	s1 =	sld [smem:$0x3FA8]  }
0x28: {  	s2 =	sld [smem:$0x3FA9]  }
0x29: {  	s4 =	sld [smem:$0x3FAB]  }
0x2a: {  	p0 =	seq.s32 s5, $0x0;
	s5 =	sld [smem:$0x3FAC]  }
0x2b: {  	s6 =	sld [smem:$0x3FAD]  }
0x2c: {  	s7 =	sld [smem:$0x3FAE]  }
0x2d: {  	s3 =	simm.s32 $0x108;
	s8 =	sld [smem:$0x3FAF]  }
0x2e: {  	s3 =	simm.s32 @!p0 $0x1082;
	s9 =	sld [smem:$0x3FB0]  }
0x2f: {  	lr =	sadd.s32 s0, s3;
	s0 =	sld [smem:$0x3FA7]  }
0x30: {  	s3 =	sld [smem:$0x3FAA]  }
0x31: {  	[smem:$0x3FB3] =	sst s10  }
0x32: {  	s10 =	sld [smem:$0x3FB1];
	_ =	sdelay $0x3  }
0x33: {  	p0 =	seq.s32 s10, $0x1;
	s10 =	sld [smem:$0x3FB3];
	_ =	sdelay $0x3  }
0x34: {  	[smem:$0x3FB3] =	sst s10  }
0x35: {  	s10 =	sld [smem:$0x3FB2];
	_ =	sdelay $0x3  }
0x36: {  	p1 =	seq.s32 s10, $0x1;
	s10 =	sld [smem:$0x3FB3];
	_ =	sdelay $0x3  }
0x37: {  	[smem:$0x3FB3] =	sst s10  }
0x38: {  	s10 =	sld [smem:$0x3FB4]  }
0x39: {  	_ = 	snop;
	(pc) =	sbr.ind lr, $3  }
0x3a: {  	_ = 	snop  }
0x3b: {  	_ = 	snop  }
0x3c: {  	p2 =	seq.s32 s10, $0x1;
	s10 =	sld [smem:$0x3FB3]  }
0x3d: {  	_ =	shalt  }
0x3e: {  	_ =	shalt  }
0x3f: {  	_ =	shalt  }
0x40: {  	_ =	shalt  }
0x41: {  	_ =	shalt  }
0x42: {  	_ =	shalt  }
0x43: {  	_ =	shalt  }
0x44: {  	_ =	shalt  }
0x45: {  	_ =	shalt  }
0x46: {  	_ =	shalt  }
0x47: {  	_ =	shalt  }
0x48: {  	_ =	shalt  }
0x49: {  	_ =	shalt  }
0x4a: {  	_ =	shalt  }
0x4b: {  	_ =	shalt  }
0x4c: {  	_ =	shalt  }
0x4d: {  	_ =	shalt  }
0x4e: {  	_ =	shalt  }
0x4f: {  	_ =	shalt  }
0x50: {  	_ =	shalt  }
0x51: {  	_ =	shalt  }
0x52: {  	_ =	shalt  }
0x53: {  	_ =	shalt  }
0x54: {  	_ =	shalt  }
0x55: {  	_ =	shalt  }
0x56: {  	_ =	shalt  }
0x57: {  	_ =	shalt  }
0x58: {  	_ =	shalt  }
0x59: {  	_ =	shalt  }
0x5a: {  	_ =	shalt  }
0x5b: {  	_ =	shalt  }
0x5c: {  	_ =	shalt  }
0x5d: {  	_ =	shalt  }
0x5e: {  	_ =	shalt  }
0x5f: {  	_ =	shalt  }
0x60: {  	_ =	shalt  }
0x61: {  	_ =	shalt  }
0x62: {  	_ =	shalt  }
0x63: {  	_ =	shalt  }
0x64: {  	_ =	shalt  }
0x65: {  	_ =	shalt  }
0x66: {  	_ =	shalt  }
0x67: {  	_ =	shalt  }
0x68: {  	_ =	shalt  }
0x69: {  	_ =	shalt  }
0x6a: {  	_ =	shalt  }
0x6b: {  	_ =	shalt  }
0x6c: {  	_ =	shalt  }
0x6d: {  	_ =	shalt  }
0x6e: {  	_ =	shalt  }
0x6f: {  	_ =	shalt  }
0x70: {  	_ =	shalt  }
0x71: {  	_ =	shalt  }
0x72: {  	_ =	shalt  }
0x73: {  	_ =	shalt  }
0x74: {  	_ =	shalt  }
0x75: {  	_ =	shalt  }
0x76: {  	_ =	shalt  }
0x77: {  	_ =	shalt  }
0x78: {  	_ =	shalt  }
0x79: {  	_ =	shalt  }
0x7a: {  	_ =	shalt  }
0x7b: {  	_ =	shalt  }
0x7c: {  	_ =	shalt  }
0x7d: {  	_ =	shalt  }
0x7e: {  	_ =	shalt  }
0x7f: {  	_ =	shalt  }
0x80: {  	_ =	shalt  }
0x81: {  	_ =	shalt  }
0x82: {  	_ =	shalt  }
0x83: {  	_ =	shalt  }
0x84: {  	_ =	shalt  }
0x85: {  	_ =	shalt  }
0x86: {  	_ =	shalt  }
0x87: {  	_ =	shalt  }
.Lfunc_end0:
.L_simem_size_0:
called_computation_lowered:
.L_overlay_start_0:
0x88: {  	s2 =	sld [smem:$0x3FD9]  }
0x89: {  	s3 =	sld [smem:$0x3FFE];
	_ =	sdelay $0x1  }
0x8a: {  	s1 =	srdreg.scid  }
0x8b: {  	s0 =	sand.u32 $0x1, s1  }
0x8c: {  	s16 =	sshll.u32 s0, $0xA;
	s2 =	sadd.s32 s3, s2  }
0x8d: {  	s2 =	sadd.s32 s2, s16  }
0x8e: {  	[smem:$0x3FBF] =	sst s2  }
0x8f: {  	_ = 	snop  }
0x90: {  	(tm) =	ssettm $0x1  }
0x91: {  	s17 =	sld [smem:$0x3FFB];
	_ =	sdelay $0x3  }
0x92: {  	_ =	strace s17  }
0x93: {  	s2 =	sld [smem:$0x3FFC];
	_ =	sdelay $0x3  }
0x94: {  	_ =	strace s2  }
0x95: {  	s2 =	sld [smem:$0x3FFD];
	_ =	sdelay $0x3  }
0x96: {  	_ =	strace s2  }
0x97: {  	_ =	strace $0x8FFFFFFF  }
0x98: {  	s18 =	sld [smem:$0x3FDB];
	_ =	sdelay $0x1  }
0x99: {  	s19 =	simm.s32 $_scs_section_size  }
0x9a: {  	s4 =	simm.s32 $_size__tile_overlayer_lowered;
	s5 =	simm.s32 $_tile_overlayer_lowered  }
0x9b: {  	s22 =	simm.s32 $0x1BFF;
	s21 =	sshll.u32 s5, $0x1;
	s2 =	sadd.s32 s19, s18  }
0x9c: {  	s6 =	simm.s32 $0x0;
	s20 =	sshll.u32 s4, $0x1;
	s4 =	sadd.s32 s21, s2  }
0x9d: {  	[timem:s6], [sflag:s22] =	dma.local [hbm:s4], s20  }
0x9e: {  	_ =	swait.ge [sflag:s22], s20  }
0x9f: {  	s3 =	ssub.s32 $0x0, s20;
	[sflag:s22] =	ssyncset.done $0x0  }
0xa0: {  	[sflag:s22] =	ssyncadd.s32 s3;
	_ =	sdelay $0x1  }
0xa1: {  	s23 =	simm.s32 $0x1B8B  }
0xa2: {  	_ =	swait.ge [sflag:s23], $0x1  }
0xa3: {  	[sflag:s23] =	ssyncset.done $0x0  }
0xa4: {  	s25 =	simm.s32 $0x1B8E;
	s24 =	sld [smem:$0x3FFE];
	[sflag:s23] =	ssyncadd.s32 $0xFFFFFFFF  }
0xa5: {  	s26 =	simm.s32 $execute0_lowered;
	[smem:$0x3FD2] =	sst s25  }
0xa6: {  	s4 =	sshll.u32 s26, $0x1;
	_ =	strace $0x80000046;
	[dreg:$0x1] =	wrdreg $0xFFFFFFFF  }
0xa7: {  	s28 =	simm.s32 $_size_execute0_lowered;
	s2 =	sadd.s32 s2, s4;
	[dreg:$0x0] =	wrdreg $0x0  }
0xa8: {  	s4 =	sshll.u32 s28, $0x1;
	[dreg:$0x2] =	wrdreg s2  }
0xa9: {  	[dreg:$0x3] =	wrdreg s4  }
0xaa: {  	[dreg:$0x4] =	wrdreg $0xC0  }
0xab: {  	_ =	task [dreg:s6], $0x5FFFF  }
0xac: {  	[dreg:$0x1] =	wrdreg $0xFFFFFFFF  }
0xad: {  	[dreg:$0x0] =	wrdreg $0x60  }
0xae: {  	[dreg:$0x2] =	wrdreg s24  }
0xaf: {  	[dreg:$0x3] =	wrdreg $0xBD00  }
0xb0: {  	[dreg:$0x4] =	wrdreg $0x9  }
0xb1: {  	_ =	task.clear_ibuf [dreg:s6], $0x5FFFF;
	_ =	strace $0x90000046  }
0xb2: {  	s29 =	simm.s32 $0x9;
	_ =	strace $0x80000048  }
0xb3: {  	_ =	swait.ge [sflag:s29], $0x1  }
0xb4: {  	[sflag:s29] =	ssyncadd.s32 $0xFFFFFFFF  }
0xb5: {  	_ =	strace $0x90000048  }
0xb6: {  	_ =	sfence  }
0xb7: {  	s30 =	sld [smem:$0x0];
	_ =	sdelay $0x2  }
0xb8: {  	s31 =	sshll.u32 s1, $0xD;
	s1 =	sshrl.u32 s1, $0x2  }
0xb9: {  	s3 =	sand.u32 $0x4000, s31;
	s1 =	sadd.s32 s1, s30  }
0xba: {  	s0 =	sor.u32 s3, s0;
	s1 =	sshll.u32 s1, $0x11  }
0xbb: {  	s0 =	sor.u32 s1, s0  }
0xbc: {  	s0 =	sadd.s32 $0x8F2B, s0  }
0xbd: {  	[sflag:s0] =	ssyncadd.remote.s32 $0x1  }
0xbe: {  	_ =	sfence.sel $0xFFFF  }
0xbf: {  	[dreg:$0x0] =	wrdreg $0xFFFFFFFF;
	(pc) =	sbr.abs _section_cstart, $3  }
0xc0: {  	[dreg:$0x1] =	wrdreg $0xFFFFFFFF  }
0xc1: {  	_ =	task.clear_ibuf [dreg:s6], $0x2FFFF;
	_ =	strace $0x9FFFFFFF  }
0xc2: {  	(tm) =	ssettm $0x7FFFFFFF  }
0xc3: {  	_ =	shalt  }
tec
execute0_lowered:
.L_overlay_start_1:
0x0: {  	(tag) =	ssettag $0x1  }
0x1: {  	s0 =	srdreg.scid;
	s3 =	stileid.u32  }
0x2: {  	s4 =	rddreg [dreg:$0x0];
	s19 =	smul.u32 $0xC800, s3  }
0x3: {  	s1 =	simm.s32 $0x0;
	s6 =	sand.u32 $0x1, s0;
	s3 =	smul.u32 $0x7D0, s3  }
0x4: {  	[smem:$0x7FF] =	sst s1;
	s2 =	smul.u32 $0x6400, s6  }
0x5: {  	s11 =	sadd.s32 $0x33800, s4;
	s20 =	ssub.s32 $0x2, s6;
	s14 =	smul.u32 $0xC3500, s6  }
0x6: {  	s5 =	sshrl.u32 s20, $0x1;
	s6 =	sadd.s32 $0x17700, s3;
	s7 =	sadd.s32 $0x1F400, s3  }
0x7: {  	s8 =	sadd.s32 $0x27100, s3;
	s9 =	sadd.s32 $0x2EE00, s3;
	s10 =	sadd.s32 $0x36B00, s3  }
0x8: {  	s12 =	sadd.s32 $0x3E800, s3;
	s28 =	sadd.s32 $0x94700, s3;
	s29 =	sadd.s32 $0xA4100, s3  }
0x9: {  	s0 =	sadd.s32 s2, s19;
	s2 =	ssub.s32 s20, s5;
	s5 =	sadd.s32 $0xFA00, s3  }
0xa: {  	s13 =	sadd.s32 s3, s14;
	s25 =	sadd.s32 s14, s6;
	s17 =	sadd.s32 s14, s7  }
0xb: {  	s18 =	sadd.s32 s14, s8;
	s19 =	sadd.s32 s14, s9;
	s20 =	sadd.s32 s14, s10  }
0xc: {  	s0 =	sadd.s32 $0xC8000, s0;
	s15 =	sshrl.u32 s13, $0x3;
	s24 =	sadd.s32 s14, s5  }
0xd: {  	s0 =	sshrl.u32 s0, $0x3;
	s21 =	sadd.s32 s11, s15;
	s15 =	sshrl.u32 s24, $0x3  }
0xe: {  	s0 =	sadd.s32 s0, s4;
	s4 =	sadd.s32 $0x7D00, s3;
	[dreg:$0x3] =	wrdreg s21  }
0xf: {  	s26 =	sadd.s32 s11, s15;
	[smem:$0x7FD] =	sst s0;
	s16 =	sadd.s32 s14, s4  }
0x10: {  	s13 =	sadd.s32 $0x46500, s3;
	[dreg:$0x5] =	wrdreg s26;
	s22 =	sshrl.u32 s16, $0x3  }
0x11: {  	s26 =	sadd.s32 s14, s13;
	s16 =	sshrl.u32 s25, $0x3;
	s23 =	sadd.s32 s11, s22  }
0x12: {  	s25 =	sadd.s32 s14, s12;
	s15 =	sadd.s32 s11, s16;
	[dreg:$0x4] =	wrdreg s23  }
0x13: {  	s16 =	sshrl.u32 s17, $0x3;
	s0 =	sshrl.u32 s25, $0x3;
	[dreg:$0x6] =	wrdreg s15  }
0x14: {  	s17 =	sadd.s32 s11, s16;
	s15 =	sshrl.u32 s18, $0x3;
	s16 =	sshrl.u32 s19, $0x3  }
0x15: {  	s23 =	sshrl.u32 s20, $0x3;
	s18 =	sadd.s32 s11, s0;
	[dreg:$0x7] =	wrdreg s17  }
0x16: {  	s21 =	sadd.s32 s11, s15;
	s22 =	sadd.s32 s11, s16;
	[dreg:$0xb] =	wrdreg s18  }
0x17: {  	s24 =	sadd.s32 s11, s23;
	s16 =	sshrl.u32 s26, $0x3;
	[dreg:$0x8] =	wrdreg s21  }
0x18: {  	s15 =	sadd.s32 $0x4E200, s3;
	s17 =	sadd.s32 $0x5DC00, s3;
	[dreg:$0x9] =	wrdreg s22  }
0x19: {  	[dreg:$0xa] =	wrdreg s24;
	s19 =	sadd.s32 s11, s16;
	s20 =	sadd.s32 s14, s15  }
0x1a: {  	s16 =	sadd.s32 $0x55F00, s3;
	[dreg:$0xc] =	wrdreg s19;
	s18 =	sshrl.u32 s20, $0x3  }
0x1b: {  	s22 =	sadd.s32 s14, s16;
	s19 =	sadd.s32 s14, s17;
	s21 =	sadd.s32 s11, s18  }
0x1c: {  	s20 =	sshrl.u32 s22, $0x3;
	s19 =	sshrl.u32 s19, $0x3;
	s18 =	sadd.s32 $0x65900, s3  }
0x1d: {  	[dreg:$0xd] =	wrdreg s21;
	s23 =	sadd.s32 s11, s20;
	s24 =	sadd.s32 s11, s19  }
0x1e: {  	s25 =	sadd.s32 s14, s18;
	s20 =	sadd.s32 $0x6D600, s3;
	[dreg:$0xe] =	wrdreg s23  }
0x1f: {  	s21 =	sadd.s32 $0x75300, s3;
	[dreg:$0xf] =	wrdreg s24;
	s19 =	sshrl.u32 s25, $0x3  }
0x20: {  	s0 =	sadd.s32 s14, s20;
	s22 =	sadd.s32 s14, s21;
	s23 =	sadd.s32 $0x7D000, s3  }
0x21: {  	s26 =	sadd.s32 s11, s19;
	s19 =	sshrl.u32 s0, $0x3;
	s22 =	sshrl.u32 s22, $0x3  }
0x22: {  	s25 =	sadd.s32 s14, s23;
	[dreg:$0x10] =	wrdreg s26;
	s19 =	sadd.s32 s11, s19  }
0x23: {  	s24 =	sadd.s32 s11, s22;
	s22 =	sadd.s32 $0x84D00, s3;
	[dreg:$0x11] =	wrdreg s19  }
0x24: {  	[dreg:$0x12] =	wrdreg s24;
	s19 =	sshrl.u32 s25, $0x3;
	s24 =	sadd.s32 $0x8CA00, s3  }
0x25: {  	s0 =	sadd.s32 s14, s22;
	s26 =	sadd.s32 s11, s19;
	s25 =	sadd.s32 s14, s24  }
0x26: {  	s19 =	sshrl.u32 s0, $0x3;
	[dreg:$0x13] =	wrdreg s26;
	s25 =	sshrl.u32 s25, $0x3  }
0x27: {  	s26 =	sadd.s32 s11, s19;
	s19 =	sadd.s32 s11, s25;
	s25 =	sadd.s32 s14, s28  }
0x28: {  	[dreg:$0x15] =	wrdreg s19;
	s19 =	sshrl.u32 s25, $0x3;
	s25 =	sadd.s32 $0x9C400, s3  }
0x29: {  	s30 =	sadd.s32 $0xABE00, s3;
	s31 =	sadd.s32 $0xB3B00, s3;
	s0 =	sadd.s32 s14, s25  }
0x2a: {  	[dreg:$0x14] =	wrdreg s26;
	s26 =	sadd.s32 s11, s19;
	s19 =	sshrl.u32 s0, $0x3  }
0x2b: {  	[dreg:$0x16] =	wrdreg s26;
	s26 =	sadd.s32 s14, s29;
	s19 =	sadd.s32 s11, s19  }
0x2c: {  	s0 =	sadd.s32 s14, s30;
	s26 =	sshrl.u32 s26, $0x3;
	[dreg:$0x17] =	wrdreg s19  }
0x2d: {  	s26 =	sadd.s32 s11, s26;
	s19 =	sshrl.u32 s0, $0x3;
	s0 =	sadd.s32 $0xBB800, s3  }
0x2e: {  	[dreg:$0x18] =	wrdreg s26;
	s19 =	sadd.s32 s11, s19;
	s26 =	sadd.s32 s14, s31  }
0x2f: {  	s14 =	sadd.s32 s14, s0;
	[dreg:$0x19] =	wrdreg s19;
	s19 =	sshrl.u32 s26, $0x3  }
0x30: {  	s14 =	sshrl.u32 s14, $0x3;
	s26 =	rddreg [dreg:$0x1];
	s19 =	sadd.s32 s11, s19  }
0x31: {  	s11 =	sadd.s32 s11, s14;
	[dreg:$0x1a] =	wrdreg s19  }
0x32: {  	s3 =	sadd.s32 s3, s26;
	[dreg:$0x1b] =	wrdreg s11  }
0x33: {  	s4 =	sadd.s32 s4, s26;
	_ =	strace $0x80000047;
	[dreg:$0x1c] =	wrdreg s3  }
0x34: {  	s5 =	sadd.s32 s5, s26;
	[dreg:$0x1d] =	wrdreg s4  }
0x35: {  	s6 =	sadd.s32 s6, s26;
	[dreg:$0x1e] =	wrdreg s5  }
0x36: {  	s7 =	sadd.s32 s7, s26;
	[dreg:$0x1f] =	wrdreg s6  }
0x37: {  	s8 =	sadd.s32 s8, s26;
	[smem:$0x7F4] =	sst s7  }
0x38: {  	s11 =	sadd.s32 s10, s26;
	[smem:$0x7F5] =	sst s8  }
0x39: {  	s9 =	sadd.s32 s9, s26;
	s12 =	sadd.s32 s12, s26;
	[smem:$0x7F6] =	sst s11  }
0x3a: {  	s14 =	sadd.s32 s13, s26;
	s15 =	sadd.s32 s15, s26;
	[smem:$0x7F7] =	sst s12  }
0x3b: {  	s16 =	sadd.s32 s16, s26;
	s13 =	sadd.s32 s21, s26;
	[smem:$0x7F8] =	sst s14  }
0x3c: {  	s21 =	sadd.s32 s31, s26;
	s31 =	simm.s32 $0x100;
	[smem:$0x7F9] =	sst s15  }
0x3d: {  	s19 =	sadd.s32 s17, s26;
	s17 =	sadd.s32 s28, s26;
	[smem:$0x7FA] =	sst s16  }
0x3e: {  	s28 =	simm.s32 $0x400;
	[smem:$0x7FB] =	sst s19;
	s11 =	sadd.s32 s18, s26  }
0x3f: {  	s12 =	sadd.s32 s20, s26;
	s14 =	sadd.s32 s23, s26;
	s15 =	sadd.s32 s22, s26  }
0x40: {  	s16 =	sadd.s32 s24, s26;
	s18 =	sadd.s32 s25, s26;
	s19 =	sadd.s32 s29, s26  }
0x41: {  	s20 =	sadd.s32 s30, s26;
	s22 =	sadd.s32 s0, s26;
	s24 =	smax.u32 s2, $0x1  }
0x42: {  	s29 =	simm.s32 $0x1;
	s23 =	simm.s32 $0x7D;
	s25 =	sld [smem:$0x7FD]  }
0x43: {  	s30 =	simm.s32 $0x80;
	s0 =	simm.s32 $0x200;
	s2 =	simm.s32 $0x280  }
0x44: {  	s3 =	simm.s32 $0x300;
	s4 =	simm.s32 $0x380;
	s5 =	simm.s32 $0x0  }
0x45: {  	v0 =	vimm.f32 $0.0e+00;
	v1 =	vimm.f32 $1.000000000e+00;
	[smem:$0x7FC] =	sst s24;
	s24 =	sadd.s32 $0x1800, s25;
	s25 =	simm.s32 $0x180  }
.LBB2_1:
0x46: {  	s6 =	simm.s32 $0x40;
	s7 =	simm.s32 $0x0  }
.LBB2_2:
0x47: {  	p0 =	sne.s32 s6, $0x1F00;
	[tilespmem:s7+$0x400] =	vst v0;
	s7 =	smov.u32 s6;
	s6 =	sadd.s32 $0x40, s6  }
.Ltmp0:
0x48: {  	(pc) =	sbr.rel @p0 .LBB2_2-.Ltmp0, $2  }
0x49: {  	_ =	sdelay $0x2  }
0x4a: {  	s7 =	sshra.s32 s7, $0x2  }
0x4b: {  	[tilespmem:s7+$0x400] =	vst v0;
	s6 =	rddreg [dreg:$0x1c]  }
0x4c: {  	[spmem:s6] =	stream.linear.scatter [tilespmem:s28], [sflag:$0x1], $0x7D0, $0x38;
	[tilespmem:$0xCF20] =	vst v63  }
0x4d: {  	_ =	swait.ge [sflag:s29], $0x7D0  }
0x4e: {  	[sflag:s29] =	ssyncset.done $0x0  }
0x4f: {  	s8 =	rddreg [dreg:$0x1d];
	[sflag:s29] =	ssyncadd.s32 $0xFFFFF830  }
0x50: {  	[spmem:s8] =	stream.linear.scatter [tilespmem:s28], [sflag:$0x1], $0x7D0, $0x38;
	[tilespmem:$0xCF20] =	vst v63  }
0x51: {  	_ =	swait.ge [sflag:s29], $0x7D0  }
0x52: {  	[sflag:s29] =	ssyncset.done $0x0  }
0x53: {  	s10 =	rddreg [dreg:$0x1e];
	[sflag:s29] =	ssyncadd.s32 $0xFFFFF830  }
0x54: {  	[spmem:s10] =	stream.linear.scatter [tilespmem:s28], [sflag:$0x1], $0x7D0, $0x38;
	[tilespmem:$0xCF20] =	vst v63  }
0x55: {  	_ =	swait.ge [sflag:s29], $0x7D0  }
0x56: {  	[sflag:s29] =	ssyncset.done $0x0  }
0x57: {  	s7 =	rddreg [dreg:$0x1f];
	[sflag:s29] =	ssyncadd.s32 $0xFFFFF830  }
0x58: {  	[spmem:s7] =	stream.linear.scatter [tilespmem:s28], [sflag:$0x1], $0x7D0, $0x38;
	[tilespmem:$0xCF20] =	vst v63  }
0x59: {  	_ =	swait.ge [sflag:s29], $0x7D0  }
0x5a: {  	s8 =	sld [smem:$0x7F4]  }
0x5b: {  	[sflag:s29] =	ssyncset.done $0x0  }
0x5c: {  	[sflag:s29] =	ssyncadd.s32 $0xFFFFF830  }
0x5d: {  	[spmem:s8] =	stream.linear.scatter [tilespmem:s28], [sflag:$0x1], $0x7D0, $0x38;
	[tilespmem:$0xCF20] =	vst v63  }
0x5e: {  	_ =	swait.ge [sflag:s29], $0x7D0  }
0x5f: {  	s10 =	sld [smem:$0x7F5]  }
0x60: {  	[sflag:s29] =	ssyncset.done $0x0  }
0x61: {  	[sflag:s29] =	ssyncadd.s32 $0xFFFFF830  }
0x62: {  	[spmem:s10] =	stream.linear.scatter [tilespmem:s28], [sflag:$0x1], $0x7D0, $0x38;
	[tilespmem:$0xCF20] =	vst v63  }
0x63: {  	_ =	swait.ge [sflag:s29], $0x7D0  }
0x64: {  	[sflag:s29] =	ssyncset.done $0x0  }
0x65: {  	[sflag:s29] =	ssyncadd.s32 $0xFFFFF830  }
0x66: {  	[spmem:s9] =	stream.linear.scatter [tilespmem:s28], [sflag:$0x1], $0x7D0, $0x38;
	[tilespmem:$0xCF20] =	vst v63  }
0x67: {  	_ =	swait.ge [sflag:s29], $0x7D0  }
0x68: {  	s7 =	sld [smem:$0x7F6]  }
0x69: {  	[sflag:s29] =	ssyncset.done $0x0  }
0x6a: {  	[sflag:s29] =	ssyncadd.s32 $0xFFFFF830  }
0x6b: {  	[spmem:s7] =	stream.linear.scatter [tilespmem:s28], [sflag:$0x1], $0x7D0, $0x38;
	[tilespmem:$0xCF20] =	vst v63  }
0x6c: {  	_ =	swait.ge [sflag:s29], $0x7D0  }
0x6d: {  	s8 =	sld [smem:$0x7F7]  }
0x6e: {  	[sflag:s29] =	ssyncset.done $0x0  }
0x6f: {  	[sflag:s29] =	ssyncadd.s32 $0xFFFFF830  }
0x70: {  	[spmem:s8] =	stream.linear.scatter [tilespmem:s28], [sflag:$0x1], $0x7D0, $0x38;
	[tilespmem:$0xCF20] =	vst v63  }
0x71: {  	_ =	swait.ge [sflag:s29], $0x7D0  }
0x72: {  	s10 =	smov.u32 s9;
	s9 =	sld [smem:$0x7F8]  }
0x73: {  	[sflag:s29] =	ssyncset.done $0x0  }
0x74: {  	[sflag:s29] =	ssyncadd.s32 $0xFFFFF830  }
0x75: {  	[spmem:s9] =	stream.linear.scatter [tilespmem:s28], [sflag:$0x1], $0x7D0, $0x38;
	[tilespmem:$0xCF20] =	vst v63  }
0x76: {  	_ =	swait.ge [sflag:s29], $0x7D0  }
0x77: {  	s7 =	sld [smem:$0x7F9]  }
0x78: {  	[sflag:s29] =	ssyncset.done $0x0  }
0x79: {  	[sflag:s29] =	ssyncadd.s32 $0xFFFFF830  }
0x7a: {  	[spmem:s7] =	stream.linear.scatter [tilespmem:s28], [sflag:$0x1], $0x7D0, $0x38;
	[tilespmem:$0xCF20] =	vst v63  }
0x7b: {  	_ =	swait.ge [sflag:s29], $0x7D0  }
0x7c: {  	s8 =	sld [smem:$0x7FA]  }
0x7d: {  	[sflag:s29] =	ssyncset.done $0x0  }
0x7e: {  	[sflag:s29] =	ssyncadd.s32 $0xFFFFF830  }
0x7f: {  	[spmem:s8] =	stream.linear.scatter [tilespmem:s28], [sflag:$0x1], $0x7D0, $0x38;
	[tilespmem:$0xCF20] =	vst v63  }
0x80: {  	_ =	swait.ge [sflag:s29], $0x7D0  }
0x81: {  	s9 =	sld [smem:$0x7FB]  }
0x82: {  	[sflag:s29] =	ssyncset.done $0x0  }
0x83: {  	[sflag:s29] =	ssyncadd.s32 $0xFFFFF830  }
0x84: {  	[spmem:s9] =	stream.linear.scatter [tilespmem:s28], [sflag:$0x1], $0x7D0, $0x38;
	[tilespmem:$0xCF20] =	vst v63  }
0x85: {  	_ =	swait.ge [sflag:s29], $0x7D0  }
0x86: {  	[sflag:s29] =	ssyncset.done $0x0  }
0x87: {  	[sflag:s29] =	ssyncadd.s32 $0xFFFFF830  }
0x88: {  	[spmem:s11] =	stream.linear.scatter [tilespmem:s28], [sflag:$0x1], $0x7D0, $0x38;
	[tilespmem:$0xCF20] =	vst v63  }
0x89: {  	_ =	swait.ge [sflag:s29], $0x7D0  }
0x8a: {  	[sflag:s29] =	ssyncset.done $0x0  }
0x8b: {  	[sflag:s29] =	ssyncadd.s32 $0xFFFFF830  }
0x8c: {  	[spmem:s12] =	stream.linear.scatter [tilespmem:s28], [sflag:$0x1], $0x7D0, $0x38;
	[tilespmem:$0xCF20] =	vst v63  }
0x8d: {  	_ =	swait.ge [sflag:s29], $0x7D0  }
0x8e: {  	[sflag:s29] =	ssyncset.done $0x0  }
0x8f: {  	[sflag:s29] =	ssyncadd.s32 $0xFFFFF830  }
0x90: {  	[spmem:s13] =	stream.linear.scatter [tilespmem:s28], [sflag:$0x1], $0x7D0, $0x38;
	[tilespmem:$0xCF20] =	vst v63  }
0x91: {  	_ =	swait.ge [sflag:s29], $0x7D0  }
0x92: {  	[sflag:s29] =	ssyncset.done $0x0  }
0x93: {  	[sflag:s29] =	ssyncadd.s32 $0xFFFFF830  }
0x94: {  	[spmem:s14] =	stream.linear.scatter [tilespmem:s28], [sflag:$0x1], $0x7D0, $0x38;
	[tilespmem:$0xCF20] =	vst v63  }
0x95: {  	_ =	swait.ge [sflag:s29], $0x7D0  }
0x96: {  	[sflag:s29] =	ssyncset.done $0x0  }
0x97: {  	[sflag:s29] =	ssyncadd.s32 $0xFFFFF830  }
0x98: {  	[spmem:s15] =	stream.linear.scatter [tilespmem:s28], [sflag:$0x1], $0x7D0, $0x38;
	[tilespmem:$0xCF20] =	vst v63  }
0x99: {  	_ =	swait.ge [sflag:s29], $0x7D0  }
0x9a: {  	[sflag:s29] =	ssyncset.done $0x0  }
0x9b: {  	[sflag:s29] =	ssyncadd.s32 $0xFFFFF830  }
0x9c: {  	[spmem:s16] =	stream.linear.scatter [tilespmem:s28], [sflag:$0x1], $0x7D0, $0x38;
	[tilespmem:$0xCF20] =	vst v63  }
0x9d: {  	_ =	swait.ge [sflag:s29], $0x7D0  }
0x9e: {  	[sflag:s29] =	ssyncset.done $0x0  }
0x9f: {  	[sflag:s29] =	ssyncadd.s32 $0xFFFFF830  }
0xa0: {  	[spmem:s17] =	stream.linear.scatter [tilespmem:s28], [sflag:$0x1], $0x7D0, $0x38;
	[tilespmem:$0xCF20] =	vst v63  }
0xa1: {  	_ =	swait.ge [sflag:s29], $0x7D0  }
0xa2: {  	[sflag:s29] =	ssyncset.done $0x0  }
0xa3: {  	[sflag:s29] =	ssyncadd.s32 $0xFFFFF830  }
0xa4: {  	[spmem:s18] =	stream.linear.scatter [tilespmem:s28], [sflag:$0x1], $0x7D0, $0x38;
	[tilespmem:$0xCF20] =	vst v63  }
0xa5: {  	_ =	swait.ge [sflag:s29], $0x7D0  }
0xa6: {  	[sflag:s29] =	ssyncset.done $0x0  }
0xa7: {  	[sflag:s29] =	ssyncadd.s32 $0xFFFFF830  }
0xa8: {  	[spmem:s19] =	stream.linear.scatter [tilespmem:s28], [sflag:$0x1], $0x7D0, $0x38;
	[tilespmem:$0xCF20] =	vst v63  }
0xa9: {  	_ =	swait.ge [sflag:s29], $0x7D0  }
0xaa: {  	[sflag:s29] =	ssyncset.done $0x0  }
0xab: {  	[sflag:s29] =	ssyncadd.s32 $0xFFFFF830  }
0xac: {  	[spmem:s20] =	stream.linear.scatter [tilespmem:s28], [sflag:$0x1], $0x7D0, $0x38;
	[tilespmem:$0xCF20] =	vst v63  }
0xad: {  	_ =	swait.ge [sflag:s29], $0x7D0  }
0xae: {  	[sflag:s29] =	ssyncset.done $0x0  }
0xaf: {  	[sflag:s29] =	ssyncadd.s32 $0xFFFFF830  }
0xb0: {  	[spmem:s21] =	stream.linear.scatter [tilespmem:s28], [sflag:$0x1], $0x7D0, $0x38;
	[tilespmem:$0xCF20] =	vst v63  }
0xb1: {  	_ =	swait.ge [sflag:s29], $0x7D0  }
0xb2: {  	[sflag:s29] =	ssyncset.done $0x0  }
0xb3: {  	[sflag:s29] =	ssyncadd.s32 $0xFFFFF830  }
0xb4: {  	[spmem:s22] =	stream.linear.scatter [tilespmem:s28], [sflag:$0x1], $0x7D0, $0x38;
	[tilespmem:$0xCF20] =	vst v63  }
0xb5: {  	_ =	swait.ge [sflag:s29], $0x7D0  }
0xb6: {  	[sflag:s29] =	ssyncset.done $0x0  }
0xb7: {  	s6 =	simm.s32 $0x40;
	s7 =	simm.s32 $0x0;
	[sflag:s29] =	ssyncadd.s32 $0xFFFFF830  }
.LBB2_4:
0xb8: {  	p0 =	sne.s32 s6, $0x1F00;
	[tilespmem:s7+$0x400] =	vst v1;
	s7 =	smov.u32 s6;
	s6 =	sadd.s32 $0x40, s6  }
.Ltmp1:
0xb9: {  	(pc) =	sbr.rel @p0 .LBB2_4-.Ltmp1, $2  }
0xba: {  	_ =	sdelay $0x2  }
0xbb: {  	s7 =	sshra.s32 s7, $0x2  }
0xbc: {  	[tilespmem:s7+$0x400] =	vst v1  }
0xbd: {  	s6 =	sadd.s32 $0x0, s24;
	[bflag:$0x0] =	sbarrier.arrive $0xFFFF  }
0xbe: {  	[tilespmem:s1], [sflag:$0x1] =	stream.linear.gather [hbm4b:s6+s1], $0x400, $0x38;
	[tilespmem:$0xCF20] =	vst v63  }
0xbf: {  	_ =	swait.ge [sflag:s29], $0x400  }
0xc0: {  	[sflag:s29] =	ssyncset.done $0x0  }
0xc1: {  	[sflag:s29] =	ssyncadd.s32 $0xFFFFFC00  }
0xc2: {  	[spmem:s26] =	stream.indirect.scatter.add.f32 [tilespmem:s28], [sflag:$0x1], $0x10, s1, s23, $0xb8;
	[tilespmem:$0xCF20] =	vst v63  }
0xc3: {  	_ =	swait.ge [sflag:s29], $0x7D0  }
0xc4: {  	[sflag:s29] =	ssyncset.done $0x0  }
0xc5: {  	[sflag:s29] =	ssyncadd.s32 $0xFFFFF830  }
0xc6: {  	[spmem:s26] =	stream.indirect.scatter.add.f32 [tilespmem:s28], [sflag:$0x1], $0x10, s30, s23, $0xb8;
	[tilespmem:$0xCF20] =	vst v63  }
0xc7: {  	_ =	swait.ge [sflag:s29], $0x7D0  }
0xc8: {  	[sflag:s29] =	ssyncset.done $0x0  }
0xc9: {  	[sflag:s29] =	ssyncadd.s32 $0xFFFFF830  }
0xca: {  	[spmem:s26] =	stream.indirect.scatter.add.f32 [tilespmem:s28], [sflag:$0x1], $0x10, s31, s23, $0xb8;
	[tilespmem:$0xCF20] =	vst v63  }
0xcb: {  	_ =	swait.ge [sflag:s29], $0x7D0  }
0xcc: {  	[sflag:s29] =	ssyncset.done $0x0  }
0xcd: {  	[sflag:s29] =	ssyncadd.s32 $0xFFFFF830  }
0xce: {  	[spmem:s26] =	stream.indirect.scatter.add.f32 [tilespmem:s28], [sflag:$0x1], $0x10, s25, s23, $0xb8;
	[tilespmem:$0xCF20] =	vst v63  }
0xcf: {  	_ =	swait.ge [sflag:s29], $0x7D0  }
0xd0: {  	[sflag:s29] =	ssyncset.done $0x0  }
0xd1: {  	[sflag:s29] =	ssyncadd.s32 $0xFFFFF830  }
0xd2: {  	[spmem:s26] =	stream.indirect.scatter.add.f32 [tilespmem:s28], [sflag:$0x1], $0x10, s0, s23, $0xb8;
	[tilespmem:$0xCF20] =	vst v63  }
0xd3: {  	_ =	swait.ge [sflag:s29], $0x7D0  }
0xd4: {  	[sflag:s29] =	ssyncset.done $0x0  }
0xd5: {  	[sflag:s29] =	ssyncadd.s32 $0xFFFFF830  }
0xd6: {  	[spmem:s26] =	stream.indirect.scatter.add.f32 [tilespmem:s28], [sflag:$0x1], $0x10, s2, s23, $0xb8;
	[tilespmem:$0xCF20] =	vst v63  }
0xd7: {  	_ =	swait.ge [sflag:s29], $0x7D0  }
0xd8: {  	[sflag:s29] =	ssyncset.done $0x0  }
0xd9: {  	[sflag:s29] =	ssyncadd.s32 $0xFFFFF830  }
0xda: {  	[spmem:s26] =	stream.indirect.scatter.add.f32 [tilespmem:s28], [sflag:$0x1], $0x10, s3, s23, $0xb8;
	[tilespmem:$0xCF20] =	vst v63  }
0xdb: {  	_ =	swait.ge [sflag:s29], $0x7D0  }
0xdc: {  	[sflag:s29] =	ssyncset.done $0x0  }
0xdd: {  	[sflag:s29] =	ssyncadd.s32 $0xFFFFF830  }
0xde: {  	[spmem:s26] =	stream.indirect.scatter.add.f32 [tilespmem:s28], [sflag:$0x1], $0x10, s4, s23, $0xb8;
	[tilespmem:$0xCF20] =	vst v63  }
0xdf: {  	_ =	swait.ge [sflag:s29], $0x7D0  }
0xe0: {  	s7 =	simm.s32 $0x100;
	s6 =	simm.s32 $0x80;
	[sflag:s29] =	ssyncset.done $0x0  }
.LBB2_6:
0xe1: {  	s9 =	sadd.s32 s6, s24  }
0xe2: {  	[sflag:s29] =	ssyncadd.s32 $0xFFFFF830;
	s6 =	smov.u32 s7;
	s8 =	sadd.s32 $0x80, s7  }
0xe3: {  	[tilespmem:s1], [sflag:$0x1] =	stream.linear.gather [hbm4b:s9+s1], $0x400, $0x38;
	[tilespmem:$0xCF20] =	vst v63  }
0xe4: {  	p0 =	sne.s32 s7, $0xC00;
	_ =	swait.ge [sflag:s29], $0x400  }
0xe5: {  	[sflag:s29] =	ssyncset.done $0x0  }
0xe6: {  	[sflag:s29] =	ssyncadd.s32 $0xFFFFFC00  }
0xe7: {  	[spmem:s26] =	stream.indirect.scatter.add.f32 [tilespmem:s28], [sflag:$0x1], $0x10, s1, s23, $0xb8;
	[tilespmem:$0xCF20] =	vst v63  }
0xe8: {  	_ =	swait.ge [sflag:s29], $0x7D0  }
0xe9: {  	[sflag:s29] =	ssyncset.done $0x0  }
0xea: {  	[sflag:s29] =	ssyncadd.s32 $0xFFFFF830  }
0xeb: {  	[spmem:s26] =	stream.indirect.scatter.add.f32 [tilespmem:s28], [sflag:$0x1], $0x10, s30, s23, $0xb8;
	[tilespmem:$0xCF20] =	vst v63  }
0xec: {  	_ =	swait.ge [sflag:s29], $0x7D0  }
0xed: {  	[sflag:s29] =	ssyncset.done $0x0  }
0xee: {  	[sflag:s29] =	ssyncadd.s32 $0xFFFFF830  }
0xef: {  	[spmem:s26] =	stream.indirect.scatter.add.f32 [tilespmem:s28], [sflag:$0x1], $0x10, s31, s23, $0xb8;
	[tilespmem:$0xCF20] =	vst v63  }
0xf0: {  	_ =	swait.ge [sflag:s29], $0x7D0  }
0xf1: {  	[sflag:s29] =	ssyncset.done $0x0  }
0xf2: {  	[sflag:s29] =	ssyncadd.s32 $0xFFFFF830  }
0xf3: {  	[spmem:s26] =	stream.indirect.scatter.add.f32 [tilespmem:s28], [sflag:$0x1], $0x10, s25, s23, $0xb8;
	[tilespmem:$0xCF20] =	vst v63  }
0xf4: {  	_ =	swait.ge [sflag:s29], $0x7D0  }
0xf5: {  	[sflag:s29] =	ssyncset.done $0x0  }
0xf6: {  	[sflag:s29] =	ssyncadd.s32 $0xFFFFF830  }
0xf7: {  	[spmem:s26] =	stream.indirect.scatter.add.f32 [tilespmem:s28], [sflag:$0x1], $0x10, s0, s23, $0xb8;
	[tilespmem:$0xCF20] =	vst v63  }
0xf8: {  	_ =	swait.ge [sflag:s29], $0x7D0  }
0xf9: {  	[sflag:s29] =	ssyncset.done $0x0  }
0xfa: {  	[sflag:s29] =	ssyncadd.s32 $0xFFFFF830  }
0xfb: {  	[spmem:s26] =	stream.indirect.scatter.add.f32 [tilespmem:s28], [sflag:$0x1], $0x10, s2, s23, $0xb8;
	[tilespmem:$0xCF20] =	vst v63  }
0xfc: {  	_ =	swait.ge [sflag:s29], $0x7D0  }
0xfd: {  	[sflag:s29] =	ssyncset.done $0x0  }
0xfe: {  	[sflag:s29] =	ssyncadd.s32 $0xFFFFF830  }
0xff: {  	[spmem:s26] =	stream.indirect.scatter.add.f32 [tilespmem:s28], [sflag:$0x1], $0x10, s3, s23, $0xb8;
	[tilespmem:$0xCF20] =	vst v63  }
0x100: {  	_ =	swait.ge [sflag:s29], $0x7D0  }
.Ltmp2:
0x101: {  	[sflag:s29] =	ssyncset.done $0x0;
	(pc) =	sbr.rel @p0 .LBB2_6-.Ltmp2, $4  }
0x102: {  	[sflag:s29] =	ssyncadd.s32 $0xFFFFF830  }
0x103: {  	[spmem:s26] =	stream.indirect.scatter.add.f32 [tilespmem:s28], [sflag:$0x1], $0x10, s4, s23, $0xb8;
	[tilespmem:$0xCF20] =	vst v63  }
0x104: {  	_ =	swait.ge [sflag:s29], $0x7D0  }
0x105: {  	s7 =	smov.u32 s8;
	[sflag:s29] =	ssyncset.done $0x0  }
0x106: {  	s6 =	sadd.s32 s6, s24;
	[sflag:s29] =	ssyncadd.s32 $0xFFFFF830  }
0x107: {  	[tilespmem:s1], [sflag:$0x1] =	stream.linear.gather [hbm4b:s6+s1], $0x400, $0x38;
	[tilespmem:$0xCF20] =	vst v63  }
0x108: {  	_ =	swait.ge [sflag:s29], $0x400  }
0x109: {  	[sflag:s29] =	ssyncset.done $0x0  }
0x10a: {  	[sflag:s29] =	ssyncadd.s32 $0xFFFFFC00  }
0x10b: {  	[spmem:s26] =	stream.indirect.scatter.add.f32 [tilespmem:s28], [sflag:$0x1], $0x10, s1, s23, $0xb8;
	[tilespmem:$0xCF20] =	vst v63  }
0x10c: {  	_ =	swait.ge [sflag:s29], $0x7D0  }
0x10d: {  	[sflag:s29] =	ssyncset.done $0x0  }
0x10e: {  	[sflag:s29] =	ssyncadd.s32 $0xFFFFF830  }
0x10f: {  	[spmem:s26] =	stream.indirect.scatter.add.f32 [tilespmem:s28], [sflag:$0x1], $0x10, s30, s23, $0xb8;
	[tilespmem:$0xCF20] =	vst v63  }
0x110: {  	_ =	swait.ge [sflag:s29], $0x7D0  }
0x111: {  	[sflag:s29] =	ssyncset.done $0x0  }
0x112: {  	[sflag:s29] =	ssyncadd.s32 $0xFFFFF830  }
0x113: {  	[spmem:s26] =	stream.indirect.scatter.add.f32 [tilespmem:s28], [sflag:$0x1], $0x10, s31, s23, $0xb8;
	[tilespmem:$0xCF20] =	vst v63  }
0x114: {  	_ =	swait.ge [sflag:s29], $0x7D0  }
0x115: {  	[sflag:s29] =	ssyncset.done $0x0  }
0x116: {  	[sflag:s29] =	ssyncadd.s32 $0xFFFFF830  }
0x117: {  	[spmem:s26] =	stream.indirect.scatter.add.f32 [tilespmem:s28], [sflag:$0x1], $0x10, s25, s23, $0xb8;
	[tilespmem:$0xCF20] =	vst v63  }
0x118: {  	_ =	swait.ge [sflag:s29], $0x7D0  }
0x119: {  	[sflag:s29] =	ssyncset.done $0x0  }
0x11a: {  	[sflag:s29] =	ssyncadd.s32 $0xFFFFF830  }
0x11b: {  	[spmem:s26] =	stream.indirect.scatter.add.f32 [tilespmem:s28], [sflag:$0x1], $0x10, s0, s23, $0xb8;
	[tilespmem:$0xCF20] =	vst v63  }
0x11c: {  	_ =	swait.ge [sflag:s29], $0x7D0  }
0x11d: {  	[sflag:s29] =	ssyncset.done $0x0  }
0x11e: {  	[sflag:s29] =	ssyncadd.s32 $0xFFFFF830  }
0x11f: {  	[spmem:s26] =	stream.indirect.scatter.add.f32 [tilespmem:s28], [sflag:$0x1], $0x10, s2, s23, $0xb8;
	[tilespmem:$0xCF20] =	vst v63  }
0x120: {  	_ =	swait.ge [sflag:s29], $0x7D0  }
0x121: {  	[sflag:s29] =	ssyncset.done $0x0  }
0x122: {  	[sflag:s29] =	ssyncadd.s32 $0xFFFFF830  }
0x123: {  	[spmem:s26] =	stream.indirect.scatter.add.f32 [tilespmem:s28], [sflag:$0x1], $0x10, s3, s23, $0xb8;
	[tilespmem:$0xCF20] =	vst v63  }
0x124: {  	_ =	swait.ge [sflag:s29], $0x7D0  }
0x125: {  	[sflag:s29] =	ssyncset.done $0x0  }
0x126: {  	[sflag:s29] =	ssyncadd.s32 $0xFFFFF830  }
0x127: {  	[spmem:s26] =	stream.indirect.scatter.add.f32 [tilespmem:s28], [sflag:$0x1], $0x10, s4, s23, $0xb8;
	[tilespmem:$0xCF20] =	vst v63  }
0x128: {  	_ =	swait.ge [sflag:s29], $0x7D0  }
0x129: {  	[sflag:s29] =	ssyncset.done $0x0  }
0x12a: {  	[sflag:s29] =	ssyncadd.s32 $0xFFFFF830  }
0x12b: {  	s7 =	stileid.u32;
	[bflag:$0x0] =	sbarrier.arrive $0xFFFF  }
0x12c: {  	s6 =	sshll.u32 s7, $0x6;
	s7 =	rddreg [dreg:$0x1c]  }
0x12d: {  	s6 =	sor.u32 $0x1C01, s6;
	s8 =	rddreg [dreg:$0x3];
	s7 =	sshrl.u32 s7, $0x3  }
0x12e: {  	[hbm:s8], [sflag:s6] =	dma.local [spmem:s7], $0xFA  }
0x12f: {  	_ =	swait.ge [sflag:s29], $0xFA  }
0x130: {  	[sflag:s29] =	ssyncset.done $0x0;
	s8 =	rddreg [dreg:$0x1d]  }
0x131: {  	s9 =	rddreg [dreg:$0x4];
	[sflag:s29] =	ssyncadd.s32 $0xFFFFFF06;
	s7 =	sshrl.u32 s8, $0x3  }
0x132: {  	[hbm:s9], [sflag:s6] =	dma.local [spmem:s7], $0xFA  }
0x133: {  	_ =	swait.ge [sflag:s29], $0xFA  }
0x134: {  	[sflag:s29] =	ssyncset.done $0x0;
	s8 =	rddreg [dreg:$0x1e]  }
0x135: {  	s9 =	rddreg [dreg:$0x5];
	[sflag:s29] =	ssyncadd.s32 $0xFFFFFF06;
	s7 =	sshrl.u32 s8, $0x3  }
0x136: {  	[hbm:s9], [sflag:s6] =	dma.local [spmem:s7], $0xFA  }
0x137: {  	_ =	swait.ge [sflag:s29], $0xFA  }
0x138: {  	[sflag:s29] =	ssyncset.done $0x0;
	s8 =	rddreg [dreg:$0x1f]  }
0x139: {  	s9 =	rddreg [dreg:$0x6];
	[sflag:s29] =	ssyncadd.s32 $0xFFFFFF06;
	s7 =	sshrl.u32 s8, $0x3  }
0x13a: {  	[hbm:s9], [sflag:s6] =	dma.local [spmem:s7], $0xFA  }
0x13b: {  	_ =	swait.ge [sflag:s29], $0xFA  }
0x13c: {  	s8 =	sld [smem:$0x7F4];
	_ =	sdelay $0x1  }
0x13d: {  	[sflag:s29] =	ssyncset.done $0x0  }
0x13e: {  	s9 =	rddreg [dreg:$0x7];
	[sflag:s29] =	ssyncadd.s32 $0xFFFFFF06;
	s7 =	sshrl.u32 s8, $0x3  }
0x13f: {  	[hbm:s9], [sflag:s6] =	dma.local [spmem:s7], $0xFA  }
0x140: {  	_ =	swait.ge [sflag:s29], $0xFA  }
0x141: {  	s8 =	sld [smem:$0x7F5];
	_ =	sdelay $0x1  }
0x142: {  	[sflag:s29] =	ssyncset.done $0x0  }
0x143: {  	s9 =	rddreg [dreg:$0x8];
	[sflag:s29] =	ssyncadd.s32 $0xFFFFFF06;
	s7 =	sshrl.u32 s8, $0x3  }
0x144: {  	[hbm:s9], [sflag:s6] =	dma.local [spmem:s7], $0xFA  }
0x145: {  	_ =	swait.ge [sflag:s29], $0xFA  }
0x146: {  	s8 =	sshrl.u32 s10, $0x3;
	[sflag:s29] =	ssyncset.done $0x0  }
0x147: {  	s9 =	smov.u32 s10;
	s10 =	rddreg [dreg:$0x9];
	[sflag:s29] =	ssyncadd.s32 $0xFFFFFF06  }
0x148: {  	[hbm:s10], [sflag:s6] =	dma.local [spmem:s8], $0xFA  }
0x149: {  	_ =	swait.ge [sflag:s29], $0xFA  }
0x14a: {  	s8 =	sld [smem:$0x7F6];
	_ =	sdelay $0x1  }
0x14b: {  	[sflag:s29] =	ssyncset.done $0x0  }
0x14c: {  	s10 =	rddreg [dreg:$0xa];
	[sflag:s29] =	ssyncadd.s32 $0xFFFFFF06;
	s7 =	sshrl.u32 s8, $0x3  }
0x14d: {  	[hbm:s10], [sflag:s6] =	dma.local [spmem:s7], $0xFA  }
0x14e: {  	_ =	swait.ge [sflag:s29], $0xFA  }
0x14f: {  	s8 =	sld [smem:$0x7F7];
	_ =	sdelay $0x1  }
0x150: {  	[sflag:s29] =	ssyncset.done $0x0  }
0x151: {  	s10 =	rddreg [dreg:$0xb];
	[sflag:s29] =	ssyncadd.s32 $0xFFFFFF06;
	s7 =	sshrl.u32 s8, $0x3  }
0x152: {  	[hbm:s10], [sflag:s6] =	dma.local [spmem:s7], $0xFA  }
0x153: {  	_ =	swait.ge [sflag:s29], $0xFA  }
0x154: {  	s8 =	sld [smem:$0x7F8];
	_ =	sdelay $0x1  }
0x155: {  	[sflag:s29] =	ssyncset.done $0x0  }
0x156: {  	s10 =	rddreg [dreg:$0xc];
	[sflag:s29] =	ssyncadd.s32 $0xFFFFFF06;
	s7 =	sshrl.u32 s8, $0x3  }
0x157: {  	[hbm:s10], [sflag:s6] =	dma.local [spmem:s7], $0xFA  }
0x158: {  	_ =	swait.ge [sflag:s29], $0xFA  }
0x159: {  	s8 =	sld [smem:$0x7F9];
	_ =	sdelay $0x1  }
0x15a: {  	[sflag:s29] =	ssyncset.done $0x0  }
0x15b: {  	s10 =	rddreg [dreg:$0xd];
	[sflag:s29] =	ssyncadd.s32 $0xFFFFFF06;
	s7 =	sshrl.u32 s8, $0x3  }
0x15c: {  	[hbm:s10], [sflag:s6] =	dma.local [spmem:s7], $0xFA  }
0x15d: {  	_ =	swait.ge [sflag:s29], $0xFA  }
0x15e: {  	s8 =	sld [smem:$0x7FA];
	_ =	sdelay $0x1  }
0x15f: {  	[sflag:s29] =	ssyncset.done $0x0  }
0x160: {  	s10 =	rddreg [dreg:$0xe];
	[sflag:s29] =	ssyncadd.s32 $0xFFFFFF06;
	s7 =	sshrl.u32 s8, $0x3  }
0x161: {  	[hbm:s10], [sflag:s6] =	dma.local [spmem:s7], $0xFA  }
0x162: {  	_ =	swait.ge [sflag:s29], $0xFA  }
0x163: {  	s8 =	sld [smem:$0x7FB];
	_ =	sdelay $0x1  }
0x164: {  	[sflag:s29] =	ssyncset.done $0x0  }
0x165: {  	s10 =	rddreg [dreg:$0xf];
	[sflag:s29] =	ssyncadd.s32 $0xFFFFFF06;
	s7 =	sshrl.u32 s8, $0x3  }
0x166: {  	[hbm:s10], [sflag:s6] =	dma.local [spmem:s7], $0xFA  }
0x167: {  	_ =	swait.ge [sflag:s29], $0xFA  }
0x168: {  	[sflag:s29] =	ssyncset.done $0x0  }
0x169: {  	s8 =	sshrl.u32 s11, $0x3;
	s10 =	rddreg [dreg:$0x10];
	[sflag:s29] =	ssyncadd.s32 $0xFFFFFF06  }
0x16a: {  	[hbm:s10], [sflag:s6] =	dma.local [spmem:s8], $0xFA  }
0x16b: {  	_ =	swait.ge [sflag:s29], $0xFA  }
0x16c: {  	[sflag:s29] =	ssyncset.done $0x0  }
0x16d: {  	s8 =	sshrl.u32 s12, $0x3;
	s10 =	rddreg [dreg:$0x11];
	[sflag:s29] =	ssyncadd.s32 $0xFFFFFF06  }
0x16e: {  	[hbm:s10], [sflag:s6] =	dma.local [spmem:s8], $0xFA  }
0x16f: {  	_ =	swait.ge [sflag:s29], $0xFA  }
0x170: {  	[sflag:s29] =	ssyncset.done $0x0  }
0x171: {  	s8 =	sshrl.u32 s13, $0x3;
	s10 =	rddreg [dreg:$0x12];
	[sflag:s29] =	ssyncadd.s32 $0xFFFFFF06  }
0x172: {  	[hbm:s10], [sflag:s6] =	dma.local [spmem:s8], $0xFA  }
0x173: {  	_ =	swait.ge [sflag:s29], $0xFA  }
0x174: {  	[sflag:s29] =	ssyncset.done $0x0  }
0x175: {  	s8 =	sshrl.u32 s14, $0x3;
	s10 =	rddreg [dreg:$0x13];
	[sflag:s29] =	ssyncadd.s32 $0xFFFFFF06  }
0x176: {  	[hbm:s10], [sflag:s6] =	dma.local [spmem:s8], $0xFA  }
0x177: {  	_ =	swait.ge [sflag:s29], $0xFA  }
0x178: {  	[sflag:s29] =	ssyncset.done $0x0  }
0x179: {  	s8 =	sshrl.u32 s15, $0x3;
	s10 =	rddreg [dreg:$0x14];
	[sflag:s29] =	ssyncadd.s32 $0xFFFFFF06  }
0x17a: {  	[hbm:s10], [sflag:s6] =	dma.local [spmem:s8], $0xFA  }
0x17b: {  	_ =	swait.ge [sflag:s29], $0xFA  }
0x17c: {  	[sflag:s29] =	ssyncset.done $0x0  }
0x17d: {  	s8 =	sshrl.u32 s16, $0x3;
	s10 =	rddreg [dreg:$0x15];
	[sflag:s29] =	ssyncadd.s32 $0xFFFFFF06  }
0x17e: {  	[hbm:s10], [sflag:s6] =	dma.local [spmem:s8], $0xFA  }
0x17f: {  	_ =	swait.ge [sflag:s29], $0xFA  }
0x180: {  	[sflag:s29] =	ssyncset.done $0x0  }
0x181: {  	s8 =	sshrl.u32 s17, $0x3;
	s10 =	rddreg [dreg:$0x16];
	[sflag:s29] =	ssyncadd.s32 $0xFFFFFF06  }
0x182: {  	[hbm:s10], [sflag:s6] =	dma.local [spmem:s8], $0xFA  }
0x183: {  	_ =	swait.ge [sflag:s29], $0xFA  }
0x184: {  	[sflag:s29] =	ssyncset.done $0x0  }
0x185: {  	s8 =	sshrl.u32 s18, $0x3;
	s10 =	rddreg [dreg:$0x17];
	[sflag:s29] =	ssyncadd.s32 $0xFFFFFF06  }
0x186: {  	[hbm:s10], [sflag:s6] =	dma.local [spmem:s8], $0xFA  }
0x187: {  	_ =	swait.ge [sflag:s29], $0xFA  }
0x188: {  	[sflag:s29] =	ssyncset.done $0x0  }
0x189: {  	s8 =	sshrl.u32 s19, $0x3;
	s10 =	rddreg [dreg:$0x18];
	[sflag:s29] =	ssyncadd.s32 $0xFFFFFF06  }
0x18a: {  	[hbm:s10], [sflag:s6] =	dma.local [spmem:s8], $0xFA  }
0x18b: {  	_ =	swait.ge [sflag:s29], $0xFA  }
0x18c: {  	[sflag:s29] =	ssyncset.done $0x0  }
0x18d: {  	s8 =	sshrl.u32 s20, $0x3;
	s10 =	rddreg [dreg:$0x19];
	[sflag:s29] =	ssyncadd.s32 $0xFFFFFF06  }
0x18e: {  	[hbm:s10], [sflag:s6] =	dma.local [spmem:s8], $0xFA  }
0x18f: {  	_ =	swait.ge [sflag:s29], $0xFA  }
0x190: {  	[sflag:s29] =	ssyncset.done $0x0  }
0x191: {  	s8 =	sshrl.u32 s21, $0x3;
	s10 =	rddreg [dreg:$0x1a];
	[sflag:s29] =	ssyncadd.s32 $0xFFFFFF06  }
0x192: {  	[hbm:s10], [sflag:s6] =	dma.local [spmem:s8], $0xFA  }
0x193: {  	_ =	swait.ge [sflag:s29], $0xFA  }
0x194: {  	[sflag:s29] =	ssyncset.done $0x0  }
0x195: {  	s8 =	sshrl.u32 s22, $0x3;
	s10 =	rddreg [dreg:$0x1b];
	[sflag:s29] =	ssyncadd.s32 $0xFFFFFF06  }
0x196: {  	[hbm:s10], [sflag:s6] =	dma.local [spmem:s8], $0xFA  }
0x197: {  	_ =	swait.ge [sflag:s29], $0xFA  }
0x198: {  	s10 =	sld [smem:$0x7FC];
	_ =	sdelay $0x1  }
0x199: {  	s5 =	sadd.s32 $0x1, s5  }
0x19a: {  	p0 =	sne.s32 s5, s10  }
.Ltmp3:
0x19b: {  	_ = 	snop;
	(pc) =	sbr.rel @p0 .LBB2_1-.Ltmp3, $3  }
0x19c: {  	_ =	sdelay $0x1  }
0x19d: {  	[sflag:s29] =	ssyncset.done $0x0  }
0x19e: {  	[sflag:s29] =	ssyncadd.s32 $0xFFFFFF06  }
0x19f: {  	_ =	sfence.sel $0x180000  }
0x1a0: {  	[bflag:$0x0] =	sbarrier.arrive $0xFFFF  }
0x1a1: {  	_ =	strace $0x90000047  }
0x1a2: {  	s0 =	stileid.u32;
	[bflag:$0x2] =	sbarrier.arrive $0xFFFF  }
0x1a3: {  	p0 =	sne.s32 s0, $0x0;
	s0 =	rddreg [dreg:$0x2]  }
0x1a4: {  	s0 =	sadd.s32 @!p0 $0x100000, s0  }
0x1a5: {  	[sflag:s0] =	ssyncadd.tile.s32 @!p0 $0x1;
	_ =	shalt  }
.Lfunc_end2:
_tile_overlayer_lowered:
.L_overlay_start_2:
0x1a6: {  	(tag) =	ssettag $0x2  }
0x1a7: {  	s0 =	rddreg [dreg:$0x0];
	s2 =	stileid.u32  }
0x1a8: {  	s1 =	rddreg [dreg:$0x1];
	p0 =	sne.s32 s2, $0x0  }
0x1a9: {  	s3 =	rddreg [dreg:$0x2];
	[bflag:$0x3] =	sbarrier.arrive $0xFFFF;
	s2 =	simm.s32 @!p0 $0x1C01  }
0x1aa: {  	[timem:s3], [sflag:s2] =	dma.local @!p0 [hbm:s0], s1  }
0x1ab: {  	s0 =	simm.s32 @!p0 $0x1  }
0x1ac: {  	_ =	swait.ge @!p0 [sflag:s0], s1  }
0x1ad: {  	s1 =	ssub.s32 @!p0 $0x0, s1;
	[sflag:s0] =	ssyncset.done @!p0 $0x0  }
0x1ae: {  	[sflag:s0] =	ssyncadd.s32 @!p0 s1  }
0x1af: {  	[bflag:$0x3] =	sbarrier.arrive $0xFFFF  }
0x1b0: {  	_ =	shalt  }

// kernel: kernel.9.cloned.1.call-start
scs
__scs_entry_jumppad:
0x0: {  	(pc) =	sbr.rel $0x88, $3  }
0x1: {  	(tag) =	ssettag $0x0;
	lr =	simm.s32 $0x1  }
0x2: {  	[smem:$0x3F98] =	sst lr;
	_ =	strace $0xD0000000  }
0x3: {  	_ = 	snop  }
0x4: {  	_ = 	snop  }
0x5: {  	_ = 	snop  }
0x6: {  	_ = 	snop  }
0x7: {  	_ = 	snop  }
__scs_overlays_trampoline_lowered:
0x8: {  	[smem:$0x3FA7] =	sst s0  }
0x9: {  	[smem:$0x3FA8] =	sst s1  }
0xa: {  	[smem:$0x3FA9] =	sst s2  }
0xb: {  	[smem:$0x3FAA] =	sst s3  }
0xc: {  	[smem:$0x3FAB] =	sst s4  }
0xd: {  	[smem:$0x3FAC] =	sst s5  }
0xe: {  	[smem:$0x3FAD] =	sst s6  }
0xf: {  	[smem:$0x3FAE] =	sst s7  }
0x10: {  	[smem:$0x3FAF] =	sst s8  }
0x11: {  	[smem:$0x3FB0] =	sst s9;
	s0 =	simm.s32 @!p0 $0x0  }
0x12: {  	s1 =	sld [smem:$0x3F96];
	s0 =	simm.s32 @p0 $0x1  }
0x13: {  	[smem:$0x3FB1] =	sst s0;
	s0 =	simm.s32 @!p1 $0x0  }
0x14: {  	s2 =	sld [smem:$0x3F95];
	s0 =	simm.s32 @p1 $0x1  }
0x15: {  	[smem:$0x3FB2] =	sst s0;
	s0 =	simm.s32 @!p2 $0x0  }
0x16: {  	s3 =	sld [smem:$0x3FDB];
	s0 =	simm.s32 @p2 $0x1  }
0x17: {  	s4 =	simm.s32 $0x1BF5;
	[smem:$0x3FB4] =	sst s0  }
0x18: {  	s0 =	sld [smem:$0x3F97];
	_ =	swait.ge [sflag:s4], $0x0  }
0x19: {  	s7 =	sld [smem:$0x3F98]  }
0x1a: {  	s8 =	sadd.s32 $0xFFFFE003, lr  }
0x1b: {  	s9 =	sadd.s32 $0xFFFFFEF7, lr;
	s5 =	simm.s32 $0xFFFFFFFF;
	p2 =	slt.u32 s8, $0xFFFFF086  }
0x1c: {  	p1 =	slt.u32 s9, $0xF7A;
	s5 =	simm.s32 @!p2 $0x0  }
0x1d: {  	s5 =	simm.s32 @p1 $0x1;
	p0 =	seq.s32 s7, s2  }
0x1e: {  	s7 =	smul.u32 @!p0 $0xF7A, s2;
	p2 =	seq.s32 @!p0 s5, $0x0  }
0x1f: {  	s9 =	smul.u32 $0xF7A, s1;
	s8 =	simm.s32 @!p0 $0x1BF5;
	p2 =	por !p2, p0  }
0x20: {  	[sflag:s8] =	ssyncset.s32 @!p0 $0xFFFFF086;
	s6 =	sadd.s32 @!p0 s3, s7;
	s7 =	simm.s32 @!p0 $0x108  }
0x21: {  	s3 =	sadd.s32 s3, s9;
	s6 =	sadd.s32 @!p0 $0x88, s6;
	s7 =	simm.s32 @p2 $0x1082  }
0x22: {  	[simem:s7], [sflag:s8] =	dma.local @!p0 [hbm:s6], $0xF7A  }
0x23: {  	s9 =	sor.u32 $0xD0000000, s2;
	s6 =	simm.s32 $0x108;
	_ =	swait.ge @!p0 [sflag:s8], $0x0  }
0x24: {  	s3 =	sadd.s32 $0x88, s3;
	s6 =	simm.s32 @!p1 $0x1082;
	[sflag:s4] =	ssyncset.s32 $0xFFFFF086  }
0x25: {  	[simem:s6], [sflag:s4] =	dma.local [hbm:s3], $0xF7A  }
0x26: {  	[smem:$0x3F98] =	sst s1;
	(tag) =	ssettag s2;
	_ =	strace s9  }
0x27: {  	s1 =	sld [smem:$0x3FA8]  }
0x28: {  	s2 =	sld [smem:$0x3FA9]  }
0x29: {  	s4 =	sld [smem:$0x3FAB]  }
0x2a: {  	p0 =	seq.s32 s5, $0x0;
	s5 =	sld [smem:$0x3FAC]  }
0x2b: {  	s6 =	sld [smem:$0x3FAD]  }
0x2c: {  	s7 =	sld [smem:$0x3FAE]  }
0x2d: {  	s3 =	simm.s32 $0x108;
	s8 =	sld [smem:$0x3FAF]  }
0x2e: {  	s3 =	simm.s32 @!p0 $0x1082;
	s9 =	sld [smem:$0x3FB0]  }
0x2f: {  	lr =	sadd.s32 s0, s3;
	s0 =	sld [smem:$0x3FA7]  }
0x30: {  	s3 =	sld [smem:$0x3FAA]  }
0x31: {  	[smem:$0x3FB3] =	sst s10  }
0x32: {  	s10 =	sld [smem:$0x3FB1];
	_ =	sdelay $0x3  }
0x33: {  	p0 =	seq.s32 s10, $0x1;
	s10 =	sld [smem:$0x3FB3];
	_ =	sdelay $0x3  }
0x34: {  	[smem:$0x3FB3] =	sst s10  }
0x35: {  	s10 =	sld [smem:$0x3FB2];
	_ =	sdelay $0x3  }
0x36: {  	p1 =	seq.s32 s10, $0x1;
	s10 =	sld [smem:$0x3FB3];
	_ =	sdelay $0x3  }
0x37: {  	[smem:$0x3FB3] =	sst s10  }
0x38: {  	s10 =	sld [smem:$0x3FB4]  }
0x39: {  	_ = 	snop;
	(pc) =	sbr.ind lr, $3  }
0x3a: {  	_ = 	snop  }
0x3b: {  	_ = 	snop  }
0x3c: {  	p2 =	seq.s32 s10, $0x1;
	s10 =	sld [smem:$0x3FB3]  }
0x3d: {  	_ =	shalt  }
0x3e: {  	_ =	shalt  }
0x3f: {  	_ =	shalt  }
0x40: {  	_ =	shalt  }
0x41: {  	_ =	shalt  }
0x42: {  	_ =	shalt  }
0x43: {  	_ =	shalt  }
0x44: {  	_ =	shalt  }
0x45: {  	_ =	shalt  }
0x46: {  	_ =	shalt  }
0x47: {  	_ =	shalt  }
0x48: {  	_ =	shalt  }
0x49: {  	_ =	shalt  }
0x4a: {  	_ =	shalt  }
0x4b: {  	_ =	shalt  }
0x4c: {  	_ =	shalt  }
0x4d: {  	_ =	shalt  }
0x4e: {  	_ =	shalt  }
0x4f: {  	_ =	shalt  }
0x50: {  	_ =	shalt  }
0x51: {  	_ =	shalt  }
0x52: {  	_ =	shalt  }
0x53: {  	_ =	shalt  }
0x54: {  	_ =	shalt  }
0x55: {  	_ =	shalt  }
0x56: {  	_ =	shalt  }
0x57: {  	_ =	shalt  }
0x58: {  	_ =	shalt  }
0x59: {  	_ =	shalt  }
0x5a: {  	_ =	shalt  }
0x5b: {  	_ =	shalt  }
0x5c: {  	_ =	shalt  }
0x5d: {  	_ =	shalt  }
0x5e: {  	_ =	shalt  }
0x5f: {  	_ =	shalt  }
0x60: {  	_ =	shalt  }
0x61: {  	_ =	shalt  }
0x62: {  	_ =	shalt  }
0x63: {  	_ =	shalt  }
0x64: {  	_ =	shalt  }
0x65: {  	_ =	shalt  }
0x66: {  	_ =	shalt  }
0x67: {  	_ =	shalt  }
0x68: {  	_ =	shalt  }
0x69: {  	_ =	shalt  }
0x6a: {  	_ =	shalt  }
0x6b: {  	_ =	shalt  }
0x6c: {  	_ =	shalt  }
0x6d: {  	_ =	shalt  }
0x6e: {  	_ =	shalt  }
0x6f: {  	_ =	shalt  }
0x70: {  	_ =	shalt  }
0x71: {  	_ =	shalt  }
0x72: {  	_ =	shalt  }
0x73: {  	_ =	shalt  }
0x74: {  	_ =	shalt  }
0x75: {  	_ =	shalt  }
0x76: {  	_ =	shalt  }
0x77: {  	_ =	shalt  }
0x78: {  	_ =	shalt  }
0x79: {  	_ =	shalt  }
0x7a: {  	_ =	shalt  }
0x7b: {  	_ =	shalt  }
0x7c: {  	_ =	shalt  }
0x7d: {  	_ =	shalt  }
0x7e: {  	_ =	shalt  }
0x7f: {  	_ =	shalt  }
0x80: {  	_ =	shalt  }
0x81: {  	_ =	shalt  }
0x82: {  	_ =	shalt  }
0x83: {  	_ =	shalt  }
0x84: {  	_ =	shalt  }
0x85: {  	_ =	shalt  }
0x86: {  	_ =	shalt  }
0x87: {  	_ =	shalt  }
.Lfunc_end0:
.L_simem_size_0:
called_computation.1_lowered:
.L_overlay_start_0:
0x88: {  	s2 =	sld [smem:$0x3FD9]  }
0x89: {  	s3 =	sld [smem:$0x3FFE];
	_ =	sdelay $0x1  }
0x8a: {  	s1 =	srdreg.scid  }
0x8b: {  	s0 =	sand.u32 $0x1, s1  }
0x8c: {  	s16 =	sshll.u32 s0, $0xA;
	s2 =	sadd.s32 s3, s2  }
0x8d: {  	s2 =	sadd.s32 s2, s16  }
0x8e: {  	[smem:$0x3FBF] =	sst s2  }
0x8f: {  	_ = 	snop  }
0x90: {  	(tm) =	ssettm $0x1  }
0x91: {  	s17 =	sld [smem:$0x3FFB];
	_ =	sdelay $0x3  }
0x92: {  	_ =	strace s17  }
0x93: {  	s2 =	sld [smem:$0x3FFC];
	_ =	sdelay $0x3  }
0x94: {  	_ =	strace s2  }
0x95: {  	s2 =	sld [smem:$0x3FFD];
	_ =	sdelay $0x3  }
0x96: {  	_ =	strace s2  }
0x97: {  	_ =	strace $0x8FFFFFFF  }
0x98: {  	s18 =	sld [smem:$0x3FDB];
	_ =	sdelay $0x1  }
0x99: {  	s19 =	simm.s32 $_scs_section_size  }
0x9a: {  	s4 =	simm.s32 $_size__tile_overlayer_lowered;
	s5 =	simm.s32 $_tile_overlayer_lowered  }
0x9b: {  	s22 =	simm.s32 $0x1BFF;
	s21 =	sshll.u32 s5, $0x1;
	s2 =	sadd.s32 s19, s18  }
0x9c: {  	s6 =	simm.s32 $0x0;
	s20 =	sshll.u32 s4, $0x1;
	s4 =	sadd.s32 s21, s2  }
0x9d: {  	[timem:s6], [sflag:s22] =	dma.local [hbm:s4], s20  }
0x9e: {  	_ =	swait.ge [sflag:s22], s20  }
0x9f: {  	s3 =	ssub.s32 $0x0, s20;
	[sflag:s22] =	ssyncset.done $0x0  }
0xa0: {  	[sflag:s22] =	ssyncadd.s32 s3;
	_ =	sdelay $0x1  }
0xa1: {  	s23 =	simm.s32 $0x1B8B  }
0xa2: {  	_ =	swait.ge [sflag:s23], $0x1  }
0xa3: {  	[sflag:s23] =	ssyncset.done $0x0  }
0xa4: {  	s25 =	simm.s32 $0x1B8E;
	s24 =	sld [smem:$0x3FFE];
	[sflag:s23] =	ssyncadd.s32 $0xFFFFFFFF  }
0xa5: {  	s26 =	simm.s32 $execute0_lowered;
	[smem:$0x3FD2] =	sst s25  }
0xa6: {  	s4 =	sshll.u32 s26, $0x1;
	_ =	strace $0x80000049;
	[dreg:$0x1] =	wrdreg $0xFFFFFFFF  }
0xa7: {  	s28 =	simm.s32 $_size_execute0_lowered;
	s2 =	sadd.s32 s2, s4;
	[dreg:$0x0] =	wrdreg $0x0  }
0xa8: {  	s4 =	sshll.u32 s28, $0x1;
	[dreg:$0x2] =	wrdreg s2  }
0xa9: {  	[dreg:$0x3] =	wrdreg s4  }
0xaa: {  	[dreg:$0x4] =	wrdreg $0xC0  }
0xab: {  	_ =	task [dreg:s6], $0x5FFFF  }
0xac: {  	[dreg:$0x1] =	wrdreg $0xFFFFFFFF  }
0xad: {  	[dreg:$0x0] =	wrdreg $0x60  }
0xae: {  	[dreg:$0x2] =	wrdreg s24  }
0xaf: {  	[dreg:$0x3] =	wrdreg $0x85000  }
0xb0: {  	[dreg:$0x4] =	wrdreg $0x9  }
0xb1: {  	_ =	task.clear_ibuf [dreg:s6], $0x5FFFF;
	_ =	strace $0x90000049  }
0xb2: {  	s29 =	simm.s32 $0x9;
	_ =	strace $0x8000004B  }
0xb3: {  	_ =	swait.ge [sflag:s29], $0x1  }
0xb4: {  	[sflag:s29] =	ssyncadd.s32 $0xFFFFFFFF  }
0xb5: {  	_ =	strace $0x9000004B  }
0xb6: {  	_ =	sfence  }
0xb7: {  	s30 =	sld [smem:$0x0];
	_ =	sdelay $0x2  }
0xb8: {  	s31 =	sshll.u32 s1, $0xD;
	s1 =	sshrl.u32 s1, $0x2  }
0xb9: {  	s3 =	sand.u32 $0x4000, s31;
	s1 =	sadd.s32 s1, s30  }
0xba: {  	s0 =	sor.u32 s3, s0;
	s1 =	sshll.u32 s1, $0x11  }
0xbb: {  	s0 =	sor.u32 s1, s0  }
0xbc: {  	s0 =	sadd.s32 $0x8F2B, s0  }
0xbd: {  	[sflag:s0] =	ssyncadd.remote.s32 $0x1  }
0xbe: {  	_ =	sfence.sel $0xFFFF  }
0xbf: {  	[dreg:$0x0] =	wrdreg $0xFFFFFFFF;
	(pc) =	sbr.abs _section_cstart, $3  }
0xc0: {  	[dreg:$0x1] =	wrdreg $0xFFFFFFFF  }
0xc1: {  	_ =	task.clear_ibuf [dreg:s6], $0x2FFFF;
	_ =	strace $0x9FFFFFFF  }
0xc2: {  	(tm) =	ssettm $0x7FFFFFFF  }
0xc3: {  	_ =	shalt  }
tec
execute0_lowered:
.L_overlay_start_1:
0x0: {  	(tag) =	ssettag $0x1  }
0x1: {  	s17 =	stileid.u32  }
0x2: {  	s1 =	rddreg [dreg:$0x0];
	s0 =	smul.u32 $0x1900, s17  }
0x3: {  	s2 =	rddreg [dreg:$0x1];
	s4 =	smul.u32 $0xFA00, s17;
	s5 =	sor.u32 $0x10, s17  }
0x4: {  	s3 =	simm.s32 $0x0;
	s9 =	sor.u32 $0x20, s17;
	s7 =	smul.u32 $0xFA00, s5  }
0x5: {  	s6 =	srdreg.scid;
	s10 =	sor.u32 $0x30, s17;
	s8 =	smul.u32 $0xFA00, s9  }
0x6: {  	s28 =	simm.s32 $0x7D;
	s6 =	sand.u32 $0x1, s6;
	s13 =	smul.u32 $0xFA00, s10  }
0x7: {  	s29 =	simm.s32 $0x800;
	s31 =	simm.s32 $0xFD0;
	s15 =	smul.u32 $0x30D40, s6  }
0x8: {  	s30 =	simm.s32 $0x680;
	[smem:$0x7FF] =	sst s3;
	s16 =	smul.u32 $0x186A00, s6  }
0x9: {  	s11 =	sadd.s32 $0x33800, s1;
	p0 =	sgt.u32 s17, $0x1;
	s5 =	smul.u32 $0x3E80, s5  }
0xa: {  	_ =	strace $0x8000004A;
	s12 =	ssub.s32 $0x2, s6;
	s9 =	smul.u32 $0x3E80, s9  }
0xb: {  	s10 =	smul.u32 $0x3E80, s10;
	s6 =	sshllo.u32 s6, $0x1;
	s0 =	sadd.s32 s0, s1  }
0xc: {  	s1 =	sadd.s32 $0x95400, s1;
	s14 =	sshrl.u32 s12, $0x1;
	s4 =	sshrl.u32 s4, $0x2  }
0xd: {  	s12 =	ssub.s32 s12, s14;
	s4 =	sadd.s32 s4, s2;
	s18 =	sshrl.u32 s7, $0x2  }
0xe: {  	s7 =	smul.u32 $0x3E80, s17;
	s8 =	sshrl.u32 s8, $0x2;
	s13 =	sshrl.u32 s13, $0x2  }
0xf: {  	s22 =	sadd.s32 s16, s5;
	s25 =	sadd.s32 s16, s9;
	s26 =	sadd.s32 s5, s2  }
0x10: {  	s14 =	simm.s32 $0x2F10;
	s17 =	simm.s32 $0x36E0;
	[dreg:$0x3] =	wrdreg s4  }
0x11: {  	s4 =	sadd.s32 s18, s2;
	s19 =	sadd.s32 s8, s2;
	s20 =	sadd.s32 s13, s2  }
0x12: {  	s8 =	sadd.s32 s11, s15;
	[dreg:$0xa] =	wrdreg s26;
	s15 =	smul.u32 $0xC3500, s6  }
0x13: {  	s13 =	sshrl.u32 s22, $0x3;
	s6 =	smul.u32 $0x186A0, s6;
	[dreg:$0x4] =	wrdreg s4  }
0x14: {  	s18 =	sadd.s32 s9, s2;
	s26 =	smax.u32 s12, $0x1;
	[dreg:$0x5] =	wrdreg s19  }
0x15: {  	s12 =	simm.s32 $0x2740;
	[dreg:$0x6] =	wrdreg s20;
	s21 =	sadd.s32 s7, s16  }
0x16: {  	s23 =	sadd.s32 s7, s2;
	s24 =	sadd.s32 s1, s13;
	[dreg:$0xc] =	wrdreg s18  }
0x17: {  	s16 =	sadd.s32 s16, s10;
	s20 =	sadd.s32 s10, s2;
	[dreg:$0x13] =	wrdreg s26  }
0x18: {  	s26 =	simm.s32 $0x400;
	s13 =	simm.s32 $0x100;
	[dreg:$0x8] =	wrdreg s23  }
0x19: {  	s18 =	simm.s32 $0x200;
	s4 =	sshrl.u32 s21, $0x3;
	[dreg:$0x9] =	wrdreg s24  }
0x1a: {  	s7 =	sadd.s32 s7, s15;
	[dreg:$0xe] =	wrdreg s20;
	s21 =	sadd.s32 s5, s15  }
0x1b: {  	s22 =	sadd.s32 s9, s15;
	s23 =	sadd.s32 s10, s15;
	s15 =	simm.s32 $0x180  }
0x1c: {  	s10 =	simm.s32 $0x1F70;
	s20 =	simm.s32 $0x1;
	s5 =	simm.s32 $0x480  }
0x1d: {  	s9 =	simm.s32 $0x0;
	s4 =	sadd.s32 s1, s4;
	s19 =	sshrl.u32 s7, $0x3  }
0x1e: {  	s24 =	sshrl.u32 s22, $0x3;
	[dreg:$0x7] =	wrdreg s4;
	s4 =	sshrl.u32 s25, $0x3  }
0x1f: {  	s22 =	simm.s32 $0x300;
	s7 =	simm.s32 $0x580;
	s4 =	sadd.s32 s1, s4  }
0x20: {  	s25 =	sshrl.u32 s23, $0x3;
	[dreg:$0xb] =	wrdreg s4;
	s4 =	sshrl.u32 s16, $0x3  }
0x21: {  	s23 =	sadd.s32 $0x1800, s0;
	s16 =	sadd.s32 s11, s6;
	s4 =	sadd.s32 s1, s4  }
0x22: {  	s11 =	simm.s32 $0x80;
	[dreg:$0xd] =	wrdreg s4;
	s4 =	sadd.s32 s1, s19  }
0x23: {  	s6 =	simm.s32 $0x500;
	[dreg:$0xf] =	wrdreg s4;
	s4 =	sshrl.u32 s21, $0x3  }
0x24: {  	s19 =	simm.s32 $0x3EB0;
	s21 =	simm.s32 $0x280;
	s4 =	sadd.s32 s1, s4  }
0x25: {  	[dreg:$0x10] =	wrdreg s4;
	s4 =	sadd.s32 s1, s24;
	s1 =	sadd.s32 s1, s25  }
0x26: {  	s25 =	simm.s32 $0x2;
	s24 =	simm.s32 $0x600;
	[dreg:$0x11] =	wrdreg s4  }
0x27: {  	v0 =	vimm.f32 $0.0e+00;
	[dreg:$0x12] =	wrdreg s1;
	s1 =	simm.s32 $0x17A0;
	s4 =	simm.s32 $0x380  }
.LBB2_1:
0x28: {  	[dreg:$0x14] =	wrdreg s9;
	s0 =	simm.s32 $0x40;
	s9 =	simm.s32 $0x0  }
.LBB2_2:
0x29: {  	p1 =	sne.s32 s0, $0xF9C0;
	[tilespmem:s9+$0x4680] =	vst v0;
	s9 =	smov.u32 s0;
	s0 =	sadd.s32 $0x40, s0  }
.Ltmp0:
0x2a: {  	(pc) =	sbr.rel @p1 .LBB2_2-.Ltmp0, $2  }
0x2b: {  	_ =	sdelay $0x2  }
0x2c: {  	s9 =	sshra.s32 s9, $0x2  }
0x2d: {  	[tilespmem:s9+$0x4680] =	vst v0;
	s0 =	rddreg [dreg:$0x3];
	s9 =	simm.s32 $0x4680  }
0x2e: {  	[spmem:s0] =	stream.linear.scatter [tilespmem:s9], [sflag:$0x2], $0x3E80, $0x38;
	[tilespmem:$0x14850] =	vst v63  }
0x2f: {  	_ =	swait.ge [sflag:s25], $0x3E80  }
0x30: {  	[sflag:s25] =	ssyncset.done $0x0  }
0x31: {  	s0 =	rddreg [dreg:$0x4];
	[sflag:s25] =	ssyncadd.s32 $0xFFFFC180  }
0x32: {  	[spmem:s0] =	stream.linear.scatter [tilespmem:s9], [sflag:$0x2], $0x3E80, $0x38;
	[tilespmem:$0x14850] =	vst v63  }
0x33: {  	_ =	swait.ge [sflag:s25], $0x3E80  }
0x34: {  	[sflag:s25] =	ssyncset.done $0x0  }
0x35: {  	s0 =	rddreg [dreg:$0x5];
	[sflag:s25] =	ssyncadd.s32 $0xFFFFC180  }
0x36: {  	[spmem:s0] =	stream.linear.scatter [tilespmem:s9], [sflag:$0x2], $0x3E80, $0x38;
	[tilespmem:$0x14850] =	vst v63  }
0x37: {  	_ =	swait.ge [sflag:s25], $0x3E80  }
0x38: {  	[sflag:s25] =	ssyncset.done $0x0  }
0x39: {  	s0 =	simm.s32 @!p0 $0x4680;
	s9 =	rddreg [dreg:$0x6];
	[sflag:s25] =	ssyncadd.s32 $0xFFFFC180  }
0x3a: {  	[spmem:s9] =	stream.linear.scatter @!p0 [tilespmem:s0], [sflag:$0x2], $0x3E80, $0x38;
	[tilespmem:$0x14850] =	vst v63  }
0x3b: {  	s0 =	simm.s32 @!p0 $0x2  }
0x3c: {  	_ =	swait.ge @!p0 [sflag:s0], $0x3E80  }
0x3d: {  	[sflag:s0] =	ssyncset.done @!p0 $0x0  }
0x3e: {  	[sflag:s0] =	ssyncadd.s32 @!p0 $0xFFFFC180  }
0x3f: {  	s9 =	sadd.s32 $0x0, s23;
	[bflag:$0x0] =	sbarrier.arrive $0xFFFF  }
0x40: {  	[tilespmem:s3], [sflag:$0x2] =	stream.linear.gather [hbm4b:s9+s3], $0x400, $0x38;
	[tilespmem:$0x14850] =	vst v63  }
0x41: {  	_ =	swait.ge [sflag:s25], $0x400  }
0x42: {  	[sflag:s25] =	ssyncset.done $0x0  }
0x43: {  	s0 =	sadd.s32 $0x19000, s9;
	[sflag:s25] =	ssyncadd.s32 $0xFFFFFC00  }
0x44: {  	[tilespmem:s26], [sflag:$0x2] =	stream.linear.gather [hbm4b:s0+s3], $0x400, $0x38;
	[tilespmem:$0x14850] =	vst v63  }
0x45: {  	_ =	swait.ge [sflag:s25], $0x400  }
0x46: {  	[sflag:s25] =	ssyncset.done $0x0  }
0x47: {  	[sflag:s25] =	ssyncadd.s32 $0xFFFFFC00  }
0x48: {  	[tilespmem:s29], [sflag:$0x1] =	stream.indirect.gather [hbm4b:s8+s28], $0x10, s3, s28, $0xb8;
	[tilespmem:$0x14850] =	vst v63  }
0x49: {  	_ = 	snop  }
0x4a: {  	[tilespmem:s31], [sflag:$0x1] =	stream.indirect.gather [hbm4b:s8+s28], $0x10, s11, s28, $0xb8;
	[tilespmem:$0x14850] =	vst v63  }
0x4b: {  	_ = 	snop  }
0x4c: {  	[tilespmem:s1], [sflag:$0x1] =	stream.indirect.gather [hbm4b:s8+s28], $0x10, s13, s28, $0xb8;
	[tilespmem:$0x14850] =	vst v63  }
0x4d: {  	_ = 	snop  }
0x4e: {  	[tilespmem:s10], [sflag:$0x1] =	stream.indirect.gather [hbm4b:s8+s28], $0x10, s15, s28, $0xb8;
	[tilespmem:$0x14850] =	vst v63  }
0x4f: {  	_ = 	snop  }
0x50: {  	[tilespmem:s12], [sflag:$0x1] =	stream.indirect.gather [hbm4b:s8+s28], $0x10, s18, s28, $0xb8;
	[tilespmem:$0x14850] =	vst v63  }
0x51: {  	_ = 	snop  }
0x52: {  	[tilespmem:s14], [sflag:$0x1] =	stream.indirect.gather [hbm4b:s8+s28], $0x10, s21, s28, $0xb8;
	[tilespmem:$0x14850] =	vst v63  }
0x53: {  	_ = 	snop  }
0x54: {  	[tilespmem:s17], [sflag:$0x1] =	stream.indirect.gather [hbm4b:s8+s28], $0x10, s22, s28, $0xb8;
	[tilespmem:$0x14850] =	vst v63  }
0x55: {  	_ = 	snop  }
0x56: {  	[tilespmem:s19], [sflag:$0x1] =	stream.indirect.gather [hbm4b:s8+s28], $0x10, s4, s28, $0xb8;
	[tilespmem:$0x14850] =	vst v63  }
0x57: {  	_ =	swait.ge [sflag:s20], $0x7D0  }
0x58: {  	[sflag:s20] =	ssyncset.done $0x0  }
0x59: {  	[sflag:s20] =	ssyncadd.s32 $0xFFFFF830  }
0x5a: {  	_ =	swait.ge [sflag:s20], $0x7D0  }
0x5b: {  	[sflag:s20] =	ssyncset.done $0x0  }
0x5c: {  	[sflag:s20] =	ssyncadd.s32 $0xFFFFF830  }
0x5d: {  	_ =	swait.ge [sflag:s20], $0x7D0  }
0x5e: {  	[sflag:s20] =	ssyncset.done $0x0  }
0x5f: {  	[sflag:s20] =	ssyncadd.s32 $0xFFFFF830  }
0x60: {  	_ =	swait.ge [sflag:s20], $0x7D0  }
0x61: {  	[sflag:s20] =	ssyncset.done $0x0  }
0x62: {  	[sflag:s20] =	ssyncadd.s32 $0xFFFFF830  }
0x63: {  	_ =	swait.ge [sflag:s20], $0x7D0  }
0x64: {  	[sflag:s20] =	ssyncset.done $0x0  }
0x65: {  	[sflag:s20] =	ssyncadd.s32 $0xFFFFF830  }
0x66: {  	_ =	swait.ge [sflag:s20], $0x7D0  }
0x67: {  	[sflag:s20] =	ssyncset.done $0x0  }
0x68: {  	[sflag:s20] =	ssyncadd.s32 $0xFFFFF830  }
0x69: {  	_ =	swait.ge [sflag:s20], $0x7D0  }
0x6a: {  	[sflag:s20] =	ssyncset.done $0x0  }
0x6b: {  	[sflag:s20] =	ssyncadd.s32 $0xFFFFF830  }
0x6c: {  	_ =	swait.ge [sflag:s20], $0x7D0  }
0x6d: {  	[sflag:s20] =	ssyncset.done $0x0  }
0x6e: {  	[sflag:s20] =	ssyncadd.s32 $0xFFFFF830  }
0x6f: {  	[spmem:s2] =	stream.indirect.scatter.add.f32 [tilespmem:s29], [sflag:$0x2], $0x10, s26, s28, $0xb8;
	[tilespmem:$0x14850] =	vst v63  }
0x70: {  	_ =	swait.ge [sflag:s25], $0x7D0  }
0x71: {  	[sflag:s25] =	ssyncset.done $0x0  }
0x72: {  	[sflag:s25] =	ssyncadd.s32 $0xFFFFF830  }
0x73: {  	[spmem:s2] =	stream.indirect.scatter.add.f32 [tilespmem:s31], [sflag:$0x2], $0x10, s5, s28, $0xb8;
	[tilespmem:$0x14850] =	vst v63  }
0x74: {  	_ =	swait.ge [sflag:s25], $0x7D0  }
0x75: {  	[sflag:s25] =	ssyncset.done $0x0  }
0x76: {  	[sflag:s25] =	ssyncadd.s32 $0xFFFFF830  }
0x77: {  	[spmem:s2] =	stream.indirect.scatter.add.f32 [tilespmem:s1], [sflag:$0x2], $0x10, s6, s28, $0xb8;
	[tilespmem:$0x14850] =	vst v63  }
0x78: {  	_ =	swait.ge [sflag:s25], $0x7D0  }
0x79: {  	[sflag:s25] =	ssyncset.done $0x0  }
0x7a: {  	[sflag:s25] =	ssyncadd.s32 $0xFFFFF830  }
0x7b: {  	[spmem:s2] =	stream.indirect.scatter.add.f32 [tilespmem:s10], [sflag:$0x2], $0x10, s7, s28, $0xb8;
	[tilespmem:$0x14850] =	vst v63  }
0x7c: {  	_ =	swait.ge [sflag:s25], $0x7D0  }
0x7d: {  	[sflag:s25] =	ssyncset.done $0x0  }
0x7e: {  	s0 =	simm.s32 $0x100;
	s13 =	simm.s32 $0x280;
	[sflag:s25] =	ssyncadd.s32 $0xFFFFF830  }
0x7f: {  	[spmem:s2] =	stream.indirect.scatter.add.f32 [tilespmem:s12], [sflag:$0x2], $0x10, s24, s28, $0xb8;
	[tilespmem:$0x14850] =	vst v63  }
0x80: {  	s15 =	simm.s32 $0x300;
	s18 =	simm.s32 $0x380;
	_ =	swait.ge [sflag:s25], $0x7D0  }
0x81: {  	s21 =	simm.s32 $0x480;
	s22 =	simm.s32 $0x500;
	[sflag:s25] =	ssyncset.done $0x0  }
0x82: {  	s4 =	simm.s32 $0x580;
	s26 =	simm.s32 $0x780;
	[sflag:s25] =	ssyncadd.s32 $0xFFFFF830  }
0x83: {  	[spmem:s2] =	stream.indirect.scatter.add.f32 [tilespmem:s14], [sflag:$0x2], $0x10, s30, s28, $0xb8;
	[tilespmem:$0x14850] =	vst v63  }
0x84: {  	s29 =	simm.s32 $0x180;
	s31 =	simm.s32 $0x800;
	_ =	swait.ge [sflag:s25], $0x7D0  }
0x85: {  	s5 =	simm.s32 $0x600;
	s1 =	simm.s32 $0xFD0;
	[sflag:s25] =	ssyncset.done $0x0  }
0x86: {  	s6 =	simm.s32 $0x680;
	s24 =	simm.s32 $0x700;
	[sflag:s25] =	ssyncadd.s32 $0xFFFFF830  }
0x87: {  	[spmem:s2] =	stream.indirect.scatter.add.f32 [tilespmem:s17], [sflag:$0x2], $0x10, s24, s28, $0xb8;
	[tilespmem:$0x14850] =	vst v63  }
0x88: {  	s7 =	simm.s32 $0x3EB0;
	s10 =	simm.s32 $0x17A0;
	_ =	swait.ge [sflag:s25], $0x7D0  }
0x89: {  	s12 =	simm.s32 $0x1F70;
	s14 =	simm.s32 $0x2740;
	[sflag:s25] =	ssyncset.done $0x0  }
0x8a: {  	s30 =	simm.s32 $0x80;
	s17 =	simm.s32 $0x2F10;
	[sflag:s25] =	ssyncadd.s32 $0xFFFFF830  }
0x8b: {  	[spmem:s2] =	stream.indirect.scatter.add.f32 [tilespmem:s19], [sflag:$0x2], $0x10, s26, s28, $0xb8;
	[tilespmem:$0x14850] =	vst v63  }
0x8c: {  	s24 =	simm.s32 $0x400;
	s19 =	simm.s32 $0x36E0;
	_ =	swait.ge [sflag:s25], $0x7D0  }
0x8d: {  	s26 =	smov.u32 s23;
	s23 =	simm.s32 $0x200;
	[sflag:s25] =	ssyncset.done $0x0  }
.LBB2_4:
0x8e: {  	s11 =	sadd.s32 s30, s26  }
0x8f: {  	[sflag:s25] =	ssyncadd.s32 $0xFFFFF830;
	s30 =	smov.u32 s0;
	s9 =	sadd.s32 $0x80, s0  }
0x90: {  	[tilespmem:s3], [sflag:$0x2] =	stream.linear.gather [hbm4b:s11+s3], $0x400, $0x38;
	[tilespmem:$0x14850] =	vst v63  }
0x91: {  	p1 =	sne.s32 s0, $0x1880;
	_ =	swait.ge [sflag:s25], $0x400  }
0x92: {  	[sflag:s25] =	ssyncset.done $0x0  }
0x93: {  	s0 =	sadd.s32 $0x19000, s11;
	s11 =	simm.s32 $0x80;
	[sflag:s25] =	ssyncadd.s32 $0xFFFFFC00  }
0x94: {  	[tilespmem:s24], [sflag:$0x2] =	stream.linear.gather [hbm4b:s0+s3], $0x400, $0x38;
	[tilespmem:$0x14850] =	vst v63  }
0x95: {  	_ =	swait.ge [sflag:s25], $0x400  }
0x96: {  	[sflag:s25] =	ssyncset.done $0x0  }
0x97: {  	[sflag:s25] =	ssyncadd.s32 $0xFFFFFC00  }
0x98: {  	[tilespmem:s31], [sflag:$0x1] =	stream.indirect.gather [hbm4b:s8+s28], $0x10, s3, s28, $0xb8;
	[tilespmem:$0x14850] =	vst v63  }
0x99: {  	_ = 	snop  }
0x9a: {  	[tilespmem:s1], [sflag:$0x1] =	stream.indirect.gather [hbm4b:s8+s28], $0x10, s11, s28, $0xb8;
	[tilespmem:$0x14850] =	vst v63  }
0x9b: {  	s0 =	simm.s32 $0x100  }
0x9c: {  	[tilespmem:s10], [sflag:$0x1] =	stream.indirect.gather [hbm4b:s8+s28], $0x10, s0, s28, $0xb8;
	[tilespmem:$0x14850] =	vst v63  }
0x9d: {  	_ = 	snop  }
0x9e: {  	[tilespmem:s12], [sflag:$0x1] =	stream.indirect.gather [hbm4b:s8+s28], $0x10, s29, s28, $0xb8;
	[tilespmem:$0x14850] =	vst v63  }
0x9f: {  	_ = 	snop  }
0xa0: {  	[tilespmem:s14], [sflag:$0x1] =	stream.indirect.gather [hbm4b:s8+s28], $0x10, s23, s28, $0xb8;
	[tilespmem:$0x14850] =	vst v63  }
0xa1: {  	_ = 	snop  }
0xa2: {  	[tilespmem:s17], [sflag:$0x1] =	stream.indirect.gather [hbm4b:s8+s28], $0x10, s13, s28, $0xb8;
	[tilespmem:$0x14850] =	vst v63  }
0xa3: {  	_ = 	snop  }
0xa4: {  	[tilespmem:s19], [sflag:$0x1] =	stream.indirect.gather [hbm4b:s8+s28], $0x10, s15, s28, $0xb8;
	[tilespmem:$0x14850] =	vst v63  }
0xa5: {  	_ = 	snop  }
0xa6: {  	[tilespmem:s7], [sflag:$0x1] =	stream.indirect.gather [hbm4b:s8+s28], $0x10, s18, s28, $0xb8;
	[tilespmem:$0x14850] =	vst v63  }
0xa7: {  	_ =	swait.ge [sflag:s20], $0x7D0  }
0xa8: {  	[sflag:s20] =	ssyncset.done $0x0  }
0xa9: {  	[sflag:s20] =	ssyncadd.s32 $0xFFFFF830  }
0xaa: {  	_ =	swait.ge [sflag:s20], $0x7D0  }
0xab: {  	[sflag:s20] =	ssyncset.done $0x0  }
0xac: {  	[sflag:s20] =	ssyncadd.s32 $0xFFFFF830  }
0xad: {  	_ =	swait.ge [sflag:s20], $0x7D0  }
0xae: {  	[sflag:s20] =	ssyncset.done $0x0  }
0xaf: {  	[sflag:s20] =	ssyncadd.s32 $0xFFFFF830  }
0xb0: {  	_ =	swait.ge [sflag:s20], $0x7D0  }
0xb1: {  	[sflag:s20] =	ssyncset.done $0x0  }
0xb2: {  	[sflag:s20] =	ssyncadd.s32 $0xFFFFF830  }
0xb3: {  	_ =	swait.ge [sflag:s20], $0x7D0  }
0xb4: {  	[sflag:s20] =	ssyncset.done $0x0  }
0xb5: {  	[sflag:s20] =	ssyncadd.s32 $0xFFFFF830  }
0xb6: {  	_ =	swait.ge [sflag:s20], $0x7D0  }
0xb7: {  	[sflag:s20] =	ssyncset.done $0x0  }
0xb8: {  	[sflag:s20] =	ssyncadd.s32 $0xFFFFF830  }
0xb9: {  	_ =	swait.ge [sflag:s20], $0x7D0  }
0xba: {  	[sflag:s20] =	ssyncset.done $0x0  }
0xbb: {  	[sflag:s20] =	ssyncadd.s32 $0xFFFFF830  }
0xbc: {  	_ =	swait.ge [sflag:s20], $0x7D0  }
0xbd: {  	[sflag:s20] =	ssyncset.done $0x0  }
0xbe: {  	[sflag:s20] =	ssyncadd.s32 $0xFFFFF830  }
0xbf: {  	[spmem:s2] =	stream.indirect.scatter.add.f32 [tilespmem:s31], [sflag:$0x2], $0x10, s24, s28, $0xb8;
	[tilespmem:$0x14850] =	vst v63  }
0xc0: {  	_ =	swait.ge [sflag:s25], $0x7D0  }
0xc1: {  	[sflag:s25] =	ssyncset.done $0x0  }
0xc2: {  	[sflag:s25] =	ssyncadd.s32 $0xFFFFF830  }
0xc3: {  	[spmem:s2] =	stream.indirect.scatter.add.f32 [tilespmem:s1], [sflag:$0x2], $0x10, s21, s28, $0xb8;
	[tilespmem:$0x14850] =	vst v63  }
0xc4: {  	_ =	swait.ge [sflag:s25], $0x7D0  }
0xc5: {  	[sflag:s25] =	ssyncset.done $0x0  }
0xc6: {  	[sflag:s25] =	ssyncadd.s32 $0xFFFFF830  }
0xc7: {  	[spmem:s2] =	stream.indirect.scatter.add.f32 [tilespmem:s10], [sflag:$0x2], $0x10, s22, s28, $0xb8;
	[tilespmem:$0x14850] =	vst v63  }
0xc8: {  	_ =	swait.ge [sflag:s25], $0x7D0  }
0xc9: {  	[sflag:s25] =	ssyncset.done $0x0  }
0xca: {  	[sflag:s25] =	ssyncadd.s32 $0xFFFFF830  }
0xcb: {  	[spmem:s2] =	stream.indirect.scatter.add.f32 [tilespmem:s12], [sflag:$0x2], $0x10, s4, s28, $0xb8;
	[tilespmem:$0x14850] =	vst v63  }
0xcc: {  	_ =	swait.ge [sflag:s25], $0x7D0  }
0xcd: {  	[sflag:s25] =	ssyncset.done $0x0  }
0xce: {  	[sflag:s25] =	ssyncadd.s32 $0xFFFFF830  }
0xcf: {  	[spmem:s2] =	stream.indirect.scatter.add.f32 [tilespmem:s14], [sflag:$0x2], $0x10, s5, s28, $0xb8;
	[tilespmem:$0x14850] =	vst v63  }
0xd0: {  	_ =	swait.ge [sflag:s25], $0x7D0  }
0xd1: {  	[sflag:s25] =	ssyncset.done $0x0  }
0xd2: {  	[sflag:s25] =	ssyncadd.s32 $0xFFFFF830  }
0xd3: {  	[spmem:s2] =	stream.indirect.scatter.add.f32 [tilespmem:s17], [sflag:$0x2], $0x10, s6, s28, $0xb8;
	[tilespmem:$0x14850] =	vst v63  }
0xd4: {  	_ =	swait.ge [sflag:s25], $0x7D0  }
0xd5: {  	[sflag:s25] =	ssyncset.done $0x0  }
0xd6: {  	s0 =	simm.s32 $0x700;
	[sflag:s25] =	ssyncadd.s32 $0xFFFFF830  }
0xd7: {  	[spmem:s2] =	stream.indirect.scatter.add.f32 [tilespmem:s19], [sflag:$0x2], $0x10, s0, s28, $0xb8;
	[tilespmem:$0x14850] =	vst v63  }
0xd8: {  	_ =	swait.ge [sflag:s25], $0x7D0  }
.Ltmp1:
0xd9: {  	[sflag:s25] =	ssyncset.done $0x0;
	(pc) =	sbr.rel @p1 .LBB2_4-.Ltmp1, $4  }
0xda: {  	s0 =	simm.s32 $0x780;
	[sflag:s25] =	ssyncadd.s32 $0xFFFFF830  }
0xdb: {  	[spmem:s2] =	stream.indirect.scatter.add.f32 [tilespmem:s7], [sflag:$0x2], $0x10, s0, s28, $0xb8;
	[tilespmem:$0x14850] =	vst v63  }
0xdc: {  	_ =	swait.ge [sflag:s25], $0x7D0  }
0xdd: {  	s0 =	smov.u32 s9;
	[sflag:s25] =	ssyncset.done $0x0  }
0xde: {  	s0 =	sadd.s32 s30, s26;
	[sflag:s25] =	ssyncadd.s32 $0xFFFFF830  }
0xdf: {  	[tilespmem:s3], [sflag:$0x2] =	stream.linear.gather [hbm4b:s0+s3], $0x400, $0x38;
	[tilespmem:$0x14850] =	vst v63  }
0xe0: {  	_ =	swait.ge [sflag:s25], $0x400  }
0xe1: {  	[sflag:s25] =	ssyncset.done $0x0  }
0xe2: {  	s0 =	sadd.s32 $0x19000, s0;
	[sflag:s25] =	ssyncadd.s32 $0xFFFFFC00  }
0xe3: {  	[tilespmem:s24], [sflag:$0x2] =	stream.linear.gather [hbm4b:s0+s3], $0x400, $0x38;
	[tilespmem:$0x14850] =	vst v63  }
0xe4: {  	_ =	swait.ge [sflag:s25], $0x400  }
0xe5: {  	[sflag:s25] =	ssyncset.done $0x0  }
0xe6: {  	[sflag:s25] =	ssyncadd.s32 $0xFFFFFC00  }
0xe7: {  	[tilespmem:s31], [sflag:$0x1] =	stream.indirect.gather [hbm4b:s8+s28], $0x10, s3, s28, $0xb8;
	[tilespmem:$0x14850] =	vst v63  }
0xe8: {  	_ = 	snop  }
0xe9: {  	[tilespmem:s1], [sflag:$0x1] =	stream.indirect.gather [hbm4b:s8+s28], $0x10, s11, s28, $0xb8;
	[tilespmem:$0x14850] =	vst v63  }
0xea: {  	s9 =	simm.s32 $0x100  }
0xeb: {  	[tilespmem:s10], [sflag:$0x1] =	stream.indirect.gather [hbm4b:s8+s28], $0x10, s9, s28, $0xb8;
	[tilespmem:$0x14850] =	vst v63  }
0xec: {  	s23 =	simm.s32 $0x180  }
0xed: {  	[tilespmem:s12], [sflag:$0x1] =	stream.indirect.gather [hbm4b:s8+s28], $0x10, s23, s28, $0xb8;
	[tilespmem:$0x14850] =	vst v63  }
0xee: {  	s13 =	simm.s32 $0x200  }
0xef: {  	[tilespmem:s14], [sflag:$0x1] =	stream.indirect.gather [hbm4b:s8+s28], $0x10, s13, s28, $0xb8;
	[tilespmem:$0x14850] =	vst v63  }
0xf0: {  	s15 =	simm.s32 $0x280  }
0xf1: {  	[tilespmem:s17], [sflag:$0x1] =	stream.indirect.gather [hbm4b:s8+s28], $0x10, s15, s28, $0xb8;
	[tilespmem:$0x14850] =	vst v63  }
0xf2: {  	s18 =	simm.s32 $0x300  }
0xf3: {  	[tilespmem:s19], [sflag:$0x1] =	stream.indirect.gather [hbm4b:s8+s28], $0x10, s18, s28, $0xb8;
	[tilespmem:$0x14850] =	vst v63  }
0xf4: {  	s21 =	simm.s32 $0x380  }
0xf5: {  	[tilespmem:s7], [sflag:$0x1] =	stream.indirect.gather [hbm4b:s8+s28], $0x10, s21, s28, $0xb8;
	[tilespmem:$0x14850] =	vst v63  }
0xf6: {  	_ =	swait.ge [sflag:s20], $0x7D0  }
0xf7: {  	[sflag:s20] =	ssyncset.done $0x0  }
0xf8: {  	[sflag:s20] =	ssyncadd.s32 $0xFFFFF830  }
0xf9: {  	_ =	swait.ge [sflag:s20], $0x7D0  }
0xfa: {  	[sflag:s20] =	ssyncset.done $0x0  }
0xfb: {  	[sflag:s20] =	ssyncadd.s32 $0xFFFFF830  }
0xfc: {  	_ =	swait.ge [sflag:s20], $0x7D0  }
0xfd: {  	[sflag:s20] =	ssyncset.done $0x0  }
0xfe: {  	[sflag:s20] =	ssyncadd.s32 $0xFFFFF830  }
0xff: {  	_ =	swait.ge [sflag:s20], $0x7D0  }
0x100: {  	[sflag:s20] =	ssyncset.done $0x0  }
0x101: {  	[sflag:s20] =	ssyncadd.s32 $0xFFFFF830  }
0x102: {  	_ =	swait.ge [sflag:s20], $0x7D0  }
0x103: {  	[sflag:s20] =	ssyncset.done $0x0  }
0x104: {  	[sflag:s20] =	ssyncadd.s32 $0xFFFFF830  }
0x105: {  	_ =	swait.ge [sflag:s20], $0x7D0  }
0x106: {  	[sflag:s20] =	ssyncset.done $0x0  }
0x107: {  	[sflag:s20] =	ssyncadd.s32 $0xFFFFF830  }
0x108: {  	_ =	swait.ge [sflag:s20], $0x7D0  }
0x109: {  	[sflag:s20] =	ssyncset.done $0x0  }
0x10a: {  	[sflag:s20] =	ssyncadd.s32 $0xFFFFF830  }
0x10b: {  	_ =	swait.ge [sflag:s20], $0x7D0  }
0x10c: {  	[sflag:s20] =	ssyncset.done $0x0  }
0x10d: {  	[sflag:s20] =	ssyncadd.s32 $0xFFFFF830  }
0x10e: {  	[spmem:s2] =	stream.indirect.scatter.add.f32 [tilespmem:s31], [sflag:$0x2], $0x10, s24, s28, $0xb8;
	[tilespmem:$0x14850] =	vst v63  }
0x10f: {  	_ =	swait.ge [sflag:s25], $0x7D0  }
0x110: {  	[sflag:s25] =	ssyncset.done $0x0  }
0x111: {  	s22 =	simm.s32 $0x480;
	[sflag:s25] =	ssyncadd.s32 $0xFFFFF830  }
0x112: {  	[spmem:s2] =	stream.indirect.scatter.add.f32 [tilespmem:s1], [sflag:$0x2], $0x10, s22, s28, $0xb8;
	[tilespmem:$0x14850] =	vst v63  }
0x113: {  	_ =	swait.ge [sflag:s25], $0x7D0  }
0x114: {  	[sflag:s25] =	ssyncset.done $0x0  }
0x115: {  	s4 =	simm.s32 $0x500;
	[sflag:s25] =	ssyncadd.s32 $0xFFFFF830  }
0x116: {  	[spmem:s2] =	stream.indirect.scatter.add.f32 [tilespmem:s10], [sflag:$0x2], $0x10, s4, s28, $0xb8;
	[tilespmem:$0x14850] =	vst v63  }
0x117: {  	_ =	swait.ge [sflag:s25], $0x7D0  }
0x118: {  	[sflag:s25] =	ssyncset.done $0x0  }
0x119: {  	s5 =	simm.s32 $0x580;
	[sflag:s25] =	ssyncadd.s32 $0xFFFFF830  }
0x11a: {  	[spmem:s2] =	stream.indirect.scatter.add.f32 [tilespmem:s12], [sflag:$0x2], $0x10, s5, s28, $0xb8;
	[tilespmem:$0x14850] =	vst v63  }
0x11b: {  	_ =	swait.ge [sflag:s25], $0x7D0  }
0x11c: {  	[sflag:s25] =	ssyncset.done $0x0  }
0x11d: {  	s6 =	simm.s32 $0x600;
	[sflag:s25] =	ssyncadd.s32 $0xFFFFF830  }
0x11e: {  	[spmem:s2] =	stream.indirect.scatter.add.f32 [tilespmem:s14], [sflag:$0x2], $0x10, s6, s28, $0xb8;
	[tilespmem:$0x14850] =	vst v63  }
0x11f: {  	_ =	swait.ge [sflag:s25], $0x7D0  }
0x120: {  	[sflag:s25] =	ssyncset.done $0x0  }
0x121: {  	s29 =	simm.s32 $0x680;
	[sflag:s25] =	ssyncadd.s32 $0xFFFFF830  }
0x122: {  	[spmem:s2] =	stream.indirect.scatter.add.f32 [tilespmem:s17], [sflag:$0x2], $0x10, s29, s28, $0xb8;
	[tilespmem:$0x14850] =	vst v63  }
0x123: {  	_ =	swait.ge [sflag:s25], $0x7D0  }
0x124: {  	[sflag:s25] =	ssyncset.done $0x0  }
0x125: {  	s30 =	simm.s32 $0x700;
	[sflag:s25] =	ssyncadd.s32 $0xFFFFF830  }
0x126: {  	[spmem:s2] =	stream.indirect.scatter.add.f32 [tilespmem:s19], [sflag:$0x2], $0x10, s30, s28, $0xb8;
	[tilespmem:$0x14850] =	vst v63  }
0x127: {  	_ =	swait.ge [sflag:s25], $0x7D0  }
0x128: {  	[sflag:s25] =	ssyncset.done $0x0  }
0x129: {  	s11 =	simm.s32 $0x780;
	[sflag:s25] =	ssyncadd.s32 $0xFFFFF830  }
0x12a: {  	[spmem:s2] =	stream.indirect.scatter.add.f32 [tilespmem:s7], [sflag:$0x2], $0x10, s11, s28, $0xb8;
	[tilespmem:$0x14850] =	vst v63  }
0x12b: {  	_ =	swait.ge [sflag:s25], $0x7D0  }
0x12c: {  	[sflag:s25] =	ssyncset.done $0x0  }
0x12d: {  	[sflag:s25] =	ssyncadd.s32 $0xFFFFF830  }
0x12e: {  	s9 =	stileid.u32;
	[bflag:$0x0] =	sbarrier.arrive $0xFFFF  }
0x12f: {  	s0 =	sshll.u32 s9, $0x6;
	s11 =	rddreg [dreg:$0x8]  }
0x130: {  	s9 =	sor.u32 $0x1C02, s0;
	s0 =	rddreg [dreg:$0x7];
	s11 =	sshrl.u32 s11, $0x3  }
0x131: {  	[dreg:$0x16] =	wrdreg s11  }
0x132: {  	[hbm:s0], [sflag:s9] =	dma.local [spmem:s11], $0x7D0  }
0x133: {  	_ =	swait.ge [sflag:s25], $0x7D0  }
0x134: {  	s11 =	rddreg [dreg:$0xa]  }
0x135: {  	[sflag:s25] =	ssyncset.done $0x0;
	s0 =	rddreg [dreg:$0x9];
	s11 =	sshrl.u32 s11, $0x3  }
0x136: {  	[sflag:s25] =	ssyncadd.s32 $0xFFFFF830;
	[dreg:$0x17] =	wrdreg s11  }
0x137: {  	[hbm:s0], [sflag:s9] =	dma.local [spmem:s11], $0x7D0  }
0x138: {  	_ =	swait.ge [sflag:s25], $0x7D0  }
0x139: {  	s11 =	rddreg [dreg:$0xc]  }
0x13a: {  	[sflag:s25] =	ssyncset.done $0x0;
	s0 =	rddreg [dreg:$0xb];
	s11 =	sshrl.u32 s11, $0x3  }
0x13b: {  	[sflag:s25] =	ssyncadd.s32 $0xFFFFF830;
	[dreg:$0x18] =	wrdreg s11  }
0x13c: {  	[hbm:s0], [sflag:s9] =	dma.local [spmem:s11], $0x7D0  }
0x13d: {  	_ =	swait.ge [sflag:s25], $0x7D0;
	[dreg:$0x15] =	wrdreg s9  }
0x13e: {  	s0 =	rddreg [dreg:$0xe]  }
0x13f: {  	[sflag:s25] =	ssyncset.done $0x0;
	s11 =	sshrl.u32 @!p0 s0, $0x3;
	s0 =	rddreg [dreg:$0xd]  }
0x140: {  	[sflag:s25] =	ssyncadd.s32 $0xFFFFF830;
	[dreg:$0x19] =	wrdreg s11  }
0x141: {  	[hbm:s0], [sflag:s9] =	dma.local @!p0 [spmem:s11], $0x7D0  }
0x142: {  	s0 =	simm.s32 @!p0 $0x2  }
0x143: {  	_ =	swait.ge @!p0 [sflag:s0], $0x7D0  }
0x144: {  	[sflag:s0] =	ssyncset.done @!p0 $0x0  }
0x145: {  	[sflag:s0] =	ssyncadd.s32 @!p0 $0xFFFFF830  }
0x146: {  	[bflag:$0x0] =	sbarrier.arrive $0xFFFF  }
0x147: {  	s11 =	simm.s32 $0x4680;
	s9 =	rddreg [dreg:$0x3]  }
0x148: {  	[spmem:s9] =	stream.linear.scatter [tilespmem:s11], [sflag:$0x2], $0x3E80, $0x38;
	[tilespmem:$0x14850] =	vst v63  }
0x149: {  	_ =	swait.ge [sflag:s25], $0x3E80  }
0x14a: {  	[sflag:s25] =	ssyncset.done $0x0  }
0x14b: {  	s9 =	rddreg [dreg:$0x4];
	[sflag:s25] =	ssyncadd.s32 $0xFFFFC180  }
0x14c: {  	[spmem:s9] =	stream.linear.scatter [tilespmem:s11], [sflag:$0x2], $0x3E80, $0x38;
	[tilespmem:$0x14850] =	vst v63  }
0x14d: {  	_ =	swait.ge [sflag:s25], $0x3E80  }
0x14e: {  	[sflag:s25] =	ssyncset.done $0x0  }
0x14f: {  	s9 =	rddreg [dreg:$0x5];
	[sflag:s25] =	ssyncadd.s32 $0xFFFFC180  }
0x150: {  	[spmem:s9] =	stream.linear.scatter [tilespmem:s11], [sflag:$0x2], $0x3E80, $0x38;
	[tilespmem:$0x14850] =	vst v63  }
0x151: {  	_ =	swait.ge [sflag:s25], $0x3E80  }
0x152: {  	[sflag:s25] =	ssyncset.done $0x0  }
0x153: {  	s9 =	simm.s32 @!p0 $0x4680;
	s11 =	rddreg [dreg:$0x6];
	[sflag:s25] =	ssyncadd.s32 $0xFFFFC180  }
0x154: {  	[spmem:s11] =	stream.linear.scatter @!p0 [tilespmem:s9], [sflag:$0x2], $0x3E80, $0x38;
	[tilespmem:$0x14850] =	vst v63  }
0x155: {  	_ =	swait.ge @!p0 [sflag:s0], $0x3E80  }
0x156: {  	[sflag:s0] =	ssyncset.done @!p0 $0x0  }
0x157: {  	[sflag:s0] =	ssyncadd.s32 @!p0 $0xFFFFC180  }
0x158: {  	s11 =	sadd.s32 $0x0, s26;
	[bflag:$0x0] =	sbarrier.arrive $0xFFFF  }
0x159: {  	[tilespmem:s3], [sflag:$0x2] =	stream.linear.gather [hbm4b:s11+s3], $0x400, $0x38;
	[tilespmem:$0x14850] =	vst v63  }
0x15a: {  	_ =	swait.ge [sflag:s25], $0x400  }
0x15b: {  	[sflag:s25] =	ssyncset.done $0x0  }
0x15c: {  	s0 =	sadd.s32 $0x19000, s11;
	[sflag:s25] =	ssyncadd.s32 $0xFFFFFC00  }
0x15d: {  	[tilespmem:s24], [sflag:$0x2] =	stream.linear.gather [hbm4b:s0+s3], $0x400, $0x38;
	[tilespmem:$0x14850] =	vst v63  }
0x15e: {  	_ =	swait.ge [sflag:s25], $0x400  }
0x15f: {  	[sflag:s25] =	ssyncset.done $0x0  }
0x160: {  	[sflag:s25] =	ssyncadd.s32 $0xFFFFFC00  }
0x161: {  	[tilespmem:s31], [sflag:$0x1] =	stream.indirect.gather [hbm4b:s16+s28], $0x10, s3, s28, $0xb8;
	[tilespmem:$0x14850] =	vst v63  }
0x162: {  	s9 =	simm.s32 $0x80  }
0x163: {  	[tilespmem:s1], [sflag:$0x1] =	stream.indirect.gather [hbm4b:s16+s28], $0x10, s9, s28, $0xb8;
	[tilespmem:$0x14850] =	vst v63  }
0x164: {  	s11 =	simm.s32 $0x100  }
0x165: {  	[tilespmem:s10], [sflag:$0x1] =	stream.indirect.gather [hbm4b:s16+s28], $0x10, s11, s28, $0xb8;
	[tilespmem:$0x14850] =	vst v63  }
0x166: {  	_ = 	snop  }
0x167: {  	[tilespmem:s12], [sflag:$0x1] =	stream.indirect.gather [hbm4b:s16+s28], $0x10, s23, s28, $0xb8;
	[tilespmem:$0x14850] =	vst v63  }
0x168: {  	_ = 	snop  }
0x169: {  	[tilespmem:s14], [sflag:$0x1] =	stream.indirect.gather [hbm4b:s16+s28], $0x10, s13, s28, $0xb8;
	[tilespmem:$0x14850] =	vst v63  }
0x16a: {  	_ = 	snop  }
0x16b: {  	[tilespmem:s17], [sflag:$0x1] =	stream.indirect.gather [hbm4b:s16+s28], $0x10, s15, s28, $0xb8;
	[tilespmem:$0x14850] =	vst v63  }
0x16c: {  	_ = 	snop  }
0x16d: {  	[tilespmem:s19], [sflag:$0x1] =	stream.indirect.gather [hbm4b:s16+s28], $0x10, s18, s28, $0xb8;
	[tilespmem:$0x14850] =	vst v63  }
0x16e: {  	_ = 	snop  }
0x16f: {  	[tilespmem:s7], [sflag:$0x1] =	stream.indirect.gather [hbm4b:s16+s28], $0x10, s21, s28, $0xb8;
	[tilespmem:$0x14850] =	vst v63  }
0x170: {  	_ =	swait.ge [sflag:s20], $0x7D0  }
0x171: {  	[sflag:s20] =	ssyncset.done $0x0  }
0x172: {  	[sflag:s20] =	ssyncadd.s32 $0xFFFFF830  }
0x173: {  	_ =	swait.ge [sflag:s20], $0x7D0  }
0x174: {  	[sflag:s20] =	ssyncset.done $0x0  }
0x175: {  	[sflag:s20] =	ssyncadd.s32 $0xFFFFF830  }
0x176: {  	_ =	swait.ge [sflag:s20], $0x7D0  }
0x177: {  	[sflag:s20] =	ssyncset.done $0x0  }
0x178: {  	[sflag:s20] =	ssyncadd.s32 $0xFFFFF830  }
0x179: {  	_ =	swait.ge [sflag:s20], $0x7D0  }
0x17a: {  	[sflag:s20] =	ssyncset.done $0x0  }
0x17b: {  	[sflag:s20] =	ssyncadd.s32 $0xFFFFF830  }
0x17c: {  	_ =	swait.ge [sflag:s20], $0x7D0  }
0x17d: {  	[sflag:s20] =	ssyncset.done $0x0  }
0x17e: {  	[sflag:s20] =	ssyncadd.s32 $0xFFFFF830  }
0x17f: {  	_ =	swait.ge [sflag:s20], $0x7D0  }
0x180: {  	[sflag:s20] =	ssyncset.done $0x0  }
0x181: {  	[sflag:s20] =	ssyncadd.s32 $0xFFFFF830  }
0x182: {  	_ =	swait.ge [sflag:s20], $0x7D0  }
0x183: {  	[sflag:s20] =	ssyncset.done $0x0  }
0x184: {  	[sflag:s20] =	ssyncadd.s32 $0xFFFFF830  }
0x185: {  	_ =	swait.ge [sflag:s20], $0x7D0  }
0x186: {  	[sflag:s20] =	ssyncset.done $0x0  }
0x187: {  	[sflag:s20] =	ssyncadd.s32 $0xFFFFF830  }
0x188: {  	[spmem:s2] =	stream.indirect.scatter.add.f32 [tilespmem:s31], [sflag:$0x2], $0x10, s24, s28, $0xb8;
	[tilespmem:$0x14850] =	vst v63  }
0x189: {  	_ =	swait.ge [sflag:s25], $0x7D0  }
0x18a: {  	[sflag:s25] =	ssyncset.done $0x0  }
0x18b: {  	[sflag:s25] =	ssyncadd.s32 $0xFFFFF830  }
0x18c: {  	[spmem:s2] =	stream.indirect.scatter.add.f32 [tilespmem:s1], [sflag:$0x2], $0x10, s22, s28, $0xb8;
	[tilespmem:$0x14850] =	vst v63  }
0x18d: {  	_ =	swait.ge [sflag:s25], $0x7D0  }
0x18e: {  	[sflag:s25] =	ssyncset.done $0x0  }
0x18f: {  	[sflag:s25] =	ssyncadd.s32 $0xFFFFF830  }
0x190: {  	[spmem:s2] =	stream.indirect.scatter.add.f32 [tilespmem:s10], [sflag:$0x2], $0x10, s4, s28, $0xb8;
	[tilespmem:$0x14850] =	vst v63  }
0x191: {  	_ =	swait.ge [sflag:s25], $0x7D0  }
0x192: {  	[sflag:s25] =	ssyncset.done $0x0  }
0x193: {  	[sflag:s25] =	ssyncadd.s32 $0xFFFFF830  }
0x194: {  	[spmem:s2] =	stream.indirect.scatter.add.f32 [tilespmem:s12], [sflag:$0x2], $0x10, s5, s28, $0xb8;
	[tilespmem:$0x14850] =	vst v63  }
0x195: {  	_ =	swait.ge [sflag:s25], $0x7D0  }
0x196: {  	[sflag:s25] =	ssyncset.done $0x0  }
0x197: {  	[sflag:s25] =	ssyncadd.s32 $0xFFFFF830  }
0x198: {  	[spmem:s2] =	stream.indirect.scatter.add.f32 [tilespmem:s14], [sflag:$0x2], $0x10, s6, s28, $0xb8;
	[tilespmem:$0x14850] =	vst v63  }
0x199: {  	s9 =	simm.s32 $0x100;
	s23 =	simm.s32 $0x780;
	_ =	swait.ge [sflag:s25], $0x7D0  }
0x19a: {  	s13 =	simm.s32 $0x280;
	s15 =	simm.s32 $0x300;
	[sflag:s25] =	ssyncset.done $0x0  }
0x19b: {  	s18 =	simm.s32 $0x380;
	s21 =	simm.s32 $0x480;
	[sflag:s25] =	ssyncadd.s32 $0xFFFFF830  }
0x19c: {  	[spmem:s2] =	stream.indirect.scatter.add.f32 [tilespmem:s17], [sflag:$0x2], $0x10, s29, s28, $0xb8;
	[tilespmem:$0x14850] =	vst v63  }
0x19d: {  	s24 =	simm.s32 $0x700;
	s31 =	simm.s32 $0xFD0;
	_ =	swait.ge [sflag:s25], $0x7D0  }
0x19e: {  	s22 =	simm.s32 $0x500;
	s1 =	simm.s32 $0x17A0;
	[sflag:s25] =	ssyncset.done $0x0  }
0x19f: {  	s4 =	simm.s32 $0x580;
	s10 =	simm.s32 $0x1F70;
	[sflag:s25] =	ssyncadd.s32 $0xFFFFF830  }
0x1a0: {  	[spmem:s2] =	stream.indirect.scatter.add.f32 [tilespmem:s19], [sflag:$0x2], $0x10, s30, s28, $0xb8;
	[tilespmem:$0x14850] =	vst v63  }
0x1a1: {  	s5 =	simm.s32 $0x600;
	s12 =	simm.s32 $0x2740;
	_ =	swait.ge [sflag:s25], $0x7D0  }
0x1a2: {  	s6 =	simm.s32 $0x680;
	s14 =	simm.s32 $0x2F10;
	[sflag:s25] =	ssyncset.done $0x0  }
0x1a3: {  	s29 =	simm.s32 $0x800;
	s17 =	simm.s32 $0x36E0;
	[sflag:s25] =	ssyncadd.s32 $0xFFFFF830  }
0x1a4: {  	[spmem:s2] =	stream.indirect.scatter.add.f32 [tilespmem:s7], [sflag:$0x2], $0x10, s23, s28, $0xb8;
	[tilespmem:$0x14850] =	vst v63  }
0x1a5: {  	s30 =	simm.s32 $0x80;
	s19 =	simm.s32 $0x3EB0;
	_ =	swait.ge [sflag:s25], $0x7D0  }
0x1a6: {  	s23 =	smov.u32 s26;
	s26 =	simm.s32 $0x400;
	[sflag:s25] =	ssyncset.done $0x0  }
.LBB2_6:
0x1a7: {  	s11 =	sadd.s32 s30, s23  }
0x1a8: {  	[sflag:s25] =	ssyncadd.s32 $0xFFFFF830;
	s30 =	smov.u32 s9;
	s0 =	sadd.s32 $0x80, s9  }
0x1a9: {  	[tilespmem:s3], [sflag:$0x2] =	stream.linear.gather [hbm4b:s11+s3], $0x400, $0x38;
	[tilespmem:$0x14850] =	vst v63  }
0x1aa: {  	p1 =	sne.s32 s9, $0x1880;
	_ =	swait.ge [sflag:s25], $0x400  }
0x1ab: {  	[sflag:s25] =	ssyncset.done $0x0  }
0x1ac: {  	s9 =	sadd.s32 $0x19000, s11;
	s11 =	simm.s32 $0x80;
	[sflag:s25] =	ssyncadd.s32 $0xFFFFFC00  }
0x1ad: {  	[tilespmem:s26], [sflag:$0x2] =	stream.linear.gather [hbm4b:s9+s3], $0x400, $0x38;
	[tilespmem:$0x14850] =	vst v63  }
0x1ae: {  	_ =	swait.ge [sflag:s25], $0x400  }
0x1af: {  	[sflag:s25] =	ssyncset.done $0x0  }
0x1b0: {  	[sflag:s25] =	ssyncadd.s32 $0xFFFFFC00  }
0x1b1: {  	[tilespmem:s29], [sflag:$0x1] =	stream.indirect.gather [hbm4b:s16+s28], $0x10, s3, s28, $0xb8;
	[tilespmem:$0x14850] =	vst v63  }
0x1b2: {  	_ = 	snop  }
0x1b3: {  	[tilespmem:s31], [sflag:$0x1] =	stream.indirect.gather [hbm4b:s16+s28], $0x10, s11, s28, $0xb8;
	[tilespmem:$0x14850] =	vst v63  }
0x1b4: {  	s7 =	simm.s32 $0x100  }
0x1b5: {  	[tilespmem:s1], [sflag:$0x1] =	stream.indirect.gather [hbm4b:s16+s28], $0x10, s7, s28, $0xb8;
	[tilespmem:$0x14850] =	vst v63  }
0x1b6: {  	s9 =	simm.s32 $0x180  }
0x1b7: {  	[tilespmem:s10], [sflag:$0x1] =	stream.indirect.gather [hbm4b:s16+s28], $0x10, s9, s28, $0xb8;
	[tilespmem:$0x14850] =	vst v63  }
0x1b8: {  	s9 =	simm.s32 $0x200  }
0x1b9: {  	[tilespmem:s12], [sflag:$0x1] =	stream.indirect.gather [hbm4b:s16+s28], $0x10, s9, s28, $0xb8;
	[tilespmem:$0x14850] =	vst v63  }
0x1ba: {  	_ = 	snop  }
0x1bb: {  	[tilespmem:s14], [sflag:$0x1] =	stream.indirect.gather [hbm4b:s16+s28], $0x10, s13, s28, $0xb8;
	[tilespmem:$0x14850] =	vst v63  }
0x1bc: {  	_ = 	snop  }
0x1bd: {  	[tilespmem:s17], [sflag:$0x1] =	stream.indirect.gather [hbm4b:s16+s28], $0x10, s15, s28, $0xb8;
	[tilespmem:$0x14850] =	vst v63  }
0x1be: {  	_ = 	snop  }
0x1bf: {  	[tilespmem:s19], [sflag:$0x1] =	stream.indirect.gather [hbm4b:s16+s28], $0x10, s18, s28, $0xb8;
	[tilespmem:$0x14850] =	vst v63  }
0x1c0: {  	_ =	swait.ge [sflag:s20], $0x7D0  }
0x1c1: {  	[sflag:s20] =	ssyncset.done $0x0  }
0x1c2: {  	[sflag:s20] =	ssyncadd.s32 $0xFFFFF830  }
0x1c3: {  	_ =	swait.ge [sflag:s20], $0x7D0  }
0x1c4: {  	[sflag:s20] =	ssyncset.done $0x0  }
0x1c5: {  	[sflag:s20] =	ssyncadd.s32 $0xFFFFF830  }
0x1c6: {  	_ =	swait.ge [sflag:s20], $0x7D0  }
0x1c7: {  	[sflag:s20] =	ssyncset.done $0x0  }
0x1c8: {  	[sflag:s20] =	ssyncadd.s32 $0xFFFFF830  }
0x1c9: {  	_ =	swait.ge [sflag:s20], $0x7D0  }
0x1ca: {  	[sflag:s20] =	ssyncset.done $0x0  }
0x1cb: {  	[sflag:s20] =	ssyncadd.s32 $0xFFFFF830  }
0x1cc: {  	_ =	swait.ge [sflag:s20], $0x7D0  }
0x1cd: {  	[sflag:s20] =	ssyncset.done $0x0  }
0x1ce: {  	[sflag:s20] =	ssyncadd.s32 $0xFFFFF830  }
0x1cf: {  	_ =	swait.ge [sflag:s20], $0x7D0  }
0x1d0: {  	[sflag:s20] =	ssyncset.done $0x0  }
0x1d1: {  	[sflag:s20] =	ssyncadd.s32 $0xFFFFF830  }
0x1d2: {  	_ =	swait.ge [sflag:s20], $0x7D0  }
0x1d3: {  	[sflag:s20] =	ssyncset.done $0x0  }
0x1d4: {  	[sflag:s20] =	ssyncadd.s32 $0xFFFFF830  }
0x1d5: {  	_ =	swait.ge [sflag:s20], $0x7D0  }
0x1d6: {  	[sflag:s20] =	ssyncset.done $0x0  }
0x1d7: {  	[sflag:s20] =	ssyncadd.s32 $0xFFFFF830  }
0x1d8: {  	[spmem:s2] =	stream.indirect.scatter.add.f32 [tilespmem:s29], [sflag:$0x2], $0x10, s26, s28, $0xb8;
	[tilespmem:$0x14850] =	vst v63  }
0x1d9: {  	_ =	swait.ge [sflag:s25], $0x7D0  }
0x1da: {  	[sflag:s25] =	ssyncset.done $0x0  }
0x1db: {  	[sflag:s25] =	ssyncadd.s32 $0xFFFFF830  }
0x1dc: {  	[spmem:s2] =	stream.indirect.scatter.add.f32 [tilespmem:s31], [sflag:$0x2], $0x10, s21, s28, $0xb8;
	[tilespmem:$0x14850] =	vst v63  }
0x1dd: {  	_ =	swait.ge [sflag:s25], $0x7D0  }
0x1de: {  	[sflag:s25] =	ssyncset.done $0x0  }
0x1df: {  	[sflag:s25] =	ssyncadd.s32 $0xFFFFF830  }
0x1e0: {  	[spmem:s2] =	stream.indirect.scatter.add.f32 [tilespmem:s1], [sflag:$0x2], $0x10, s22, s28, $0xb8;
	[tilespmem:$0x14850] =	vst v63  }
0x1e1: {  	_ =	swait.ge [sflag:s25], $0x7D0  }
0x1e2: {  	[sflag:s25] =	ssyncset.done $0x0  }
0x1e3: {  	[sflag:s25] =	ssyncadd.s32 $0xFFFFF830  }
0x1e4: {  	[spmem:s2] =	stream.indirect.scatter.add.f32 [tilespmem:s10], [sflag:$0x2], $0x10, s4, s28, $0xb8;
	[tilespmem:$0x14850] =	vst v63  }
0x1e5: {  	_ =	swait.ge [sflag:s25], $0x7D0  }
0x1e6: {  	[sflag:s25] =	ssyncset.done $0x0  }
0x1e7: {  	[sflag:s25] =	ssyncadd.s32 $0xFFFFF830  }
0x1e8: {  	[spmem:s2] =	stream.indirect.scatter.add.f32 [tilespmem:s12], [sflag:$0x2], $0x10, s5, s28, $0xb8;
	[tilespmem:$0x14850] =	vst v63  }
0x1e9: {  	_ =	swait.ge [sflag:s25], $0x7D0  }
0x1ea: {  	[sflag:s25] =	ssyncset.done $0x0  }
0x1eb: {  	[sflag:s25] =	ssyncadd.s32 $0xFFFFF830  }
0x1ec: {  	[spmem:s2] =	stream.indirect.scatter.add.f32 [tilespmem:s14], [sflag:$0x2], $0x10, s6, s28, $0xb8;
	[tilespmem:$0x14850] =	vst v63  }
0x1ed: {  	_ =	swait.ge [sflag:s25], $0x7D0  }
0x1ee: {  	[sflag:s25] =	ssyncset.done $0x0  }
0x1ef: {  	[sflag:s25] =	ssyncadd.s32 $0xFFFFF830  }
0x1f0: {  	[spmem:s2] =	stream.indirect.scatter.add.f32 [tilespmem:s17], [sflag:$0x2], $0x10, s24, s28, $0xb8;
	[tilespmem:$0x14850] =	vst v63  }
0x1f1: {  	_ =	swait.ge [sflag:s25], $0x7D0  }
.Ltmp2:
0x1f2: {  	[sflag:s25] =	ssyncset.done $0x0;
	(pc) =	sbr.rel @p1 .LBB2_6-.Ltmp2, $4  }
0x1f3: {  	s7 =	simm.s32 $0x780;
	[sflag:s25] =	ssyncadd.s32 $0xFFFFF830  }
0x1f4: {  	[spmem:s2] =	stream.indirect.scatter.add.f32 [tilespmem:s19], [sflag:$0x2], $0x10, s7, s28, $0xb8;
	[tilespmem:$0x14850] =	vst v63  }
0x1f5: {  	_ =	swait.ge [sflag:s25], $0x7D0  }
0x1f6: {  	s9 =	smov.u32 s0;
	[sflag:s25] =	ssyncset.done $0x0  }
0x1f7: {  	s0 =	sadd.s32 s30, s23;
	[sflag:s25] =	ssyncadd.s32 $0xFFFFF830  }
0x1f8: {  	[tilespmem:s3], [sflag:$0x2] =	stream.linear.gather [hbm4b:s0+s3], $0x400, $0x38;
	[tilespmem:$0x14850] =	vst v63  }
0x1f9: {  	_ =	swait.ge [sflag:s25], $0x400  }
0x1fa: {  	[sflag:s25] =	ssyncset.done $0x0  }
0x1fb: {  	s0 =	sadd.s32 $0x19000, s0;
	[sflag:s25] =	ssyncadd.s32 $0xFFFFFC00  }
0x1fc: {  	[tilespmem:s26], [sflag:$0x2] =	stream.linear.gather [hbm4b:s0+s3], $0x400, $0x38;
	[tilespmem:$0x14850] =	vst v63  }
0x1fd: {  	_ =	swait.ge [sflag:s25], $0x400  }
0x1fe: {  	[sflag:s25] =	ssyncset.done $0x0  }
0x1ff: {  	[sflag:s25] =	ssyncadd.s32 $0xFFFFFC00  }
0x200: {  	[tilespmem:s29], [sflag:$0x1] =	stream.indirect.gather [hbm4b:s16+s28], $0x10, s3, s28, $0xb8;
	[tilespmem:$0x14850] =	vst v63  }
0x201: {  	_ = 	snop  }
0x202: {  	[tilespmem:s31], [sflag:$0x1] =	stream.indirect.gather [hbm4b:s16+s28], $0x10, s11, s28, $0xb8;
	[tilespmem:$0x14850] =	vst v63  }
0x203: {  	s9 =	simm.s32 $0x100  }
0x204: {  	[tilespmem:s1], [sflag:$0x1] =	stream.indirect.gather [hbm4b:s16+s28], $0x10, s9, s28, $0xb8;
	[tilespmem:$0x14850] =	vst v63  }
0x205: {  	s7 =	simm.s32 $0x180  }
0x206: {  	[tilespmem:s10], [sflag:$0x1] =	stream.indirect.gather [hbm4b:s16+s28], $0x10, s7, s28, $0xb8;
	[tilespmem:$0x14850] =	vst v63  }
0x207: {  	s9 =	simm.s32 $0x200  }
0x208: {  	[tilespmem:s12], [sflag:$0x1] =	stream.indirect.gather [hbm4b:s16+s28], $0x10, s9, s28, $0xb8;
	[tilespmem:$0x14850] =	vst v63  }
0x209: {  	_ = 	snop  }
0x20a: {  	[tilespmem:s14], [sflag:$0x1] =	stream.indirect.gather [hbm4b:s16+s28], $0x10, s13, s28, $0xb8;
	[tilespmem:$0x14850] =	vst v63  }
0x20b: {  	_ = 	snop  }
0x20c: {  	[tilespmem:s17], [sflag:$0x1] =	stream.indirect.gather [hbm4b:s16+s28], $0x10, s15, s28, $0xb8;
	[tilespmem:$0x14850] =	vst v63  }
0x20d: {  	_ = 	snop  }
0x20e: {  	[tilespmem:s19], [sflag:$0x1] =	stream.indirect.gather [hbm4b:s16+s28], $0x10, s18, s28, $0xb8;
	[tilespmem:$0x14850] =	vst v63  }
0x20f: {  	_ =	swait.ge [sflag:s20], $0x7D0  }
0x210: {  	[sflag:s20] =	ssyncset.done $0x0  }
0x211: {  	[sflag:s20] =	ssyncadd.s32 $0xFFFFF830  }
0x212: {  	_ =	swait.ge [sflag:s20], $0x7D0  }
0x213: {  	[sflag:s20] =	ssyncset.done $0x0  }
0x214: {  	[sflag:s20] =	ssyncadd.s32 $0xFFFFF830  }
0x215: {  	_ =	swait.ge [sflag:s20], $0x7D0  }
0x216: {  	[sflag:s20] =	ssyncset.done $0x0  }
0x217: {  	[sflag:s20] =	ssyncadd.s32 $0xFFFFF830  }
0x218: {  	_ =	swait.ge [sflag:s20], $0x7D0  }
0x219: {  	[sflag:s20] =	ssyncset.done $0x0  }
0x21a: {  	[sflag:s20] =	ssyncadd.s32 $0xFFFFF830  }
0x21b: {  	_ =	swait.ge [sflag:s20], $0x7D0  }
0x21c: {  	[sflag:s20] =	ssyncset.done $0x0  }
0x21d: {  	[sflag:s20] =	ssyncadd.s32 $0xFFFFF830  }
0x21e: {  	_ =	swait.ge [sflag:s20], $0x7D0  }
0x21f: {  	[sflag:s20] =	ssyncset.done $0x0  }
0x220: {  	[sflag:s20] =	ssyncadd.s32 $0xFFFFF830  }
0x221: {  	_ =	swait.ge [sflag:s20], $0x7D0  }
0x222: {  	[sflag:s20] =	ssyncset.done $0x0  }
0x223: {  	[sflag:s20] =	ssyncadd.s32 $0xFFFFF830  }
0x224: {  	_ =	swait.ge [sflag:s20], $0x7D0  }
0x225: {  	[sflag:s20] =	ssyncset.done $0x0  }
0x226: {  	[sflag:s20] =	ssyncadd.s32 $0xFFFFF830  }
0x227: {  	[spmem:s2] =	stream.indirect.scatter.add.f32 [tilespmem:s29], [sflag:$0x2], $0x10, s26, s28, $0xb8;
	[tilespmem:$0x14850] =	vst v63  }
0x228: {  	_ =	swait.ge [sflag:s25], $0x7D0  }
0x229: {  	[sflag:s25] =	ssyncset.done $0x0  }
0x22a: {  	[sflag:s25] =	ssyncadd.s32 $0xFFFFF830  }
0x22b: {  	[spmem:s2] =	stream.indirect.scatter.add.f32 [tilespmem:s31], [sflag:$0x2], $0x10, s21, s28, $0xb8;
	[tilespmem:$0x14850] =	vst v63  }
0x22c: {  	_ =	swait.ge [sflag:s25], $0x7D0  }
0x22d: {  	[sflag:s25] =	ssyncset.done $0x0  }
0x22e: {  	[sflag:s25] =	ssyncadd.s32 $0xFFFFF830  }
0x22f: {  	[spmem:s2] =	stream.indirect.scatter.add.f32 [tilespmem:s1], [sflag:$0x2], $0x10, s22, s28, $0xb8;
	[tilespmem:$0x14850] =	vst v63  }
0x230: {  	_ =	swait.ge [sflag:s25], $0x7D0  }
0x231: {  	[sflag:s25] =	ssyncset.done $0x0  }
0x232: {  	[sflag:s25] =	ssyncadd.s32 $0xFFFFF830  }
0x233: {  	[spmem:s2] =	stream.indirect.scatter.add.f32 [tilespmem:s10], [sflag:$0x2], $0x10, s4, s28, $0xb8;
	[tilespmem:$0x14850] =	vst v63  }
0x234: {  	_ =	swait.ge [sflag:s25], $0x7D0  }
0x235: {  	[sflag:s25] =	ssyncset.done $0x0  }
0x236: {  	[sflag:s25] =	ssyncadd.s32 $0xFFFFF830  }
0x237: {  	[spmem:s2] =	stream.indirect.scatter.add.f32 [tilespmem:s12], [sflag:$0x2], $0x10, s5, s28, $0xb8;
	[tilespmem:$0x14850] =	vst v63  }
0x238: {  	_ =	swait.ge [sflag:s25], $0x7D0  }
0x239: {  	[sflag:s25] =	ssyncset.done $0x0  }
0x23a: {  	[sflag:s25] =	ssyncadd.s32 $0xFFFFF830  }
0x23b: {  	[spmem:s2] =	stream.indirect.scatter.add.f32 [tilespmem:s14], [sflag:$0x2], $0x10, s6, s28, $0xb8;
	[tilespmem:$0x14850] =	vst v63  }
0x23c: {  	_ =	swait.ge [sflag:s25], $0x7D0  }
0x23d: {  	[sflag:s25] =	ssyncset.done $0x0  }
0x23e: {  	[sflag:s25] =	ssyncadd.s32 $0xFFFFF830  }
0x23f: {  	[spmem:s2] =	stream.indirect.scatter.add.f32 [tilespmem:s17], [sflag:$0x2], $0x10, s24, s28, $0xb8;
	[tilespmem:$0x14850] =	vst v63  }
0x240: {  	_ =	swait.ge [sflag:s25], $0x7D0  }
0x241: {  	[sflag:s25] =	ssyncset.done $0x0  }
0x242: {  	s7 =	simm.s32 $0x780;
	[sflag:s25] =	ssyncadd.s32 $0xFFFFF830  }
0x243: {  	[spmem:s2] =	stream.indirect.scatter.add.f32 [tilespmem:s19], [sflag:$0x2], $0x10, s7, s28, $0xb8;
	[tilespmem:$0x14850] =	vst v63  }
0x244: {  	_ =	swait.ge [sflag:s25], $0x7D0  }
0x245: {  	[sflag:s25] =	ssyncset.done $0x0  }
0x246: {  	[sflag:s25] =	ssyncadd.s32 $0xFFFFF830  }
0x247: {  	[bflag:$0x0] =	sbarrier.arrive $0xFFFF  }
0x248: {  	s9 =	rddreg [dreg:$0xf]  }
0x249: {  	s4 =	rddreg [dreg:$0x15]  }
0x24a: {  	s13 =	rddreg [dreg:$0x16]  }
0x24b: {  	[hbm:s9], [sflag:s4] =	dma.local [spmem:s13], $0x7D0  }
0x24c: {  	_ =	swait.ge [sflag:s25], $0x7D0  }
0x24d: {  	[sflag:s25] =	ssyncset.done $0x0;
	s15 =	rddreg [dreg:$0x10]  }
0x24e: {  	s18 =	rddreg [dreg:$0x17];
	[sflag:s25] =	ssyncadd.s32 $0xFFFFF830  }
0x24f: {  	[hbm:s15], [sflag:s4] =	dma.local [spmem:s18], $0x7D0  }
0x250: {  	_ =	swait.ge [sflag:s25], $0x7D0  }
0x251: {  	[sflag:s25] =	ssyncset.done $0x0;
	s21 =	rddreg [dreg:$0x11]  }
0x252: {  	s22 =	rddreg [dreg:$0x18];
	[sflag:s25] =	ssyncadd.s32 $0xFFFFF830  }
0x253: {  	[hbm:s21], [sflag:s4] =	dma.local [spmem:s22], $0x7D0  }
0x254: {  	_ =	swait.ge [sflag:s25], $0x7D0  }
0x255: {  	[sflag:s25] =	ssyncset.done $0x0;
	s0 =	rddreg [dreg:$0x12]  }
0x256: {  	s5 =	rddreg [dreg:$0x19];
	[sflag:s25] =	ssyncadd.s32 $0xFFFFF830  }
0x257: {  	[hbm:s0], [sflag:s4] =	dma.local @!p0 [spmem:s5], $0x7D0  }
0x258: {  	s0 =	simm.s32 @!p0 $0x2  }
0x259: {  	_ =	swait.ge @!p0 [sflag:s0], $0x7D0  }
0x25a: {  	s9 =	rddreg [dreg:$0x14]  }
0x25b: {  	s24 =	rddreg [dreg:$0x13];
	s9 =	sadd.s32 $0x1, s9  }
0x25c: {  	p1 =	sne.s32 s9, s24  }
.Ltmp3:
0x25d: {  	s30 =	simm.s32 $0x680;
	s6 =	simm.s32 $0x500;
	(pc) =	sbr.rel @p1 .LBB2_1-.Ltmp3, $4  }
0x25e: {  	s7 =	simm.s32 $0x580;
	s13 =	simm.s32 $0x100;
	[sflag:s0] =	ssyncset.done @!p0 $0x0  }
0x25f: {  	s15 =	simm.s32 $0x180;
	s18 =	simm.s32 $0x200;
	[sflag:s0] =	ssyncadd.s32 @!p0 $0xFFFFF830  }
0x260: {  	s21 =	simm.s32 $0x280;
	s22 =	simm.s32 $0x300;
	[bflag:$0x0] =	sbarrier.arrive $0xFFFF  }
0x261: {  	s4 =	simm.s32 $0x380;
	s5 =	simm.s32 $0x480;
	s24 =	simm.s32 $0x600  }
0x262: {  	_ =	sfence.sel $0x180000  }
0x263: {  	[bflag:$0x0] =	sbarrier.arrive $0xFFFF  }
0x264: {  	_ =	strace $0x9000004A  }
0x265: {  	s0 =	stileid.u32;
	[bflag:$0x2] =	sbarrier.arrive $0xFFFF  }
0x266: {  	p0 =	sne.s32 s0, $0x0;
	s0 =	rddreg [dreg:$0x2]  }
0x267: {  	s0 =	sadd.s32 @!p0 $0x100000, s0  }
0x268: {  	[sflag:s0] =	ssyncadd.tile.s32 @!p0 $0x1;
	_ =	shalt  }
.Lfunc_end2:
_tile_overlayer_lowered:
.L_overlay_start_2:
0x269: {  	(tag) =	ssettag $0x2  }
0x26a: {  	s0 =	rddreg [dreg:$0x0];
	s2 =	stileid.u32  }
0x26b: {  	s1 =	rddreg [dreg:$0x1];
	p0 =	sne.s32 s2, $0x0  }
0x26c: {  	s3 =	rddreg [dreg:$0x2];
	[bflag:$0x3] =	sbarrier.arrive $0xFFFF;
	s2 =	simm.s32 @!p0 $0x1C02  }
0x26d: {  	[timem:s3], [sflag:s2] =	dma.local @!p0 [hbm:s0], s1  }
0x26e: {  	s0 =	simm.s32 @!p0 $0x2  }
0x26f: {  	_ =	swait.ge @!p0 [sflag:s0], s1  }
0x270: {  	s1 =	ssub.s32 @!p0 $0x0, s1;
	[sflag:s0] =	ssyncset.done @!p0 $0x0  }
0x271: {  	[sflag:s0] =	ssyncadd.s32 @!p0 s1  }
0x272: {  	[bflag:$0x3] =	sbarrier.arrive $0xFFFF  }
0x273: {  	_ =	shalt  }

</sc_bundles>
